<compile_context>
chip_gen: v7x
topology: tpu7x:2x2x1
jax: 0.10.2.dev20260603
libtpu: 0.0.44.dev20260713+nightly
codegen_flags: <defaults>
</compile_context>

<pallas_src>
import functools

import jax
import jax.numpy as jnp
from jax import lax
from jax.experimental import pallas as pl
from jax.experimental.pallas import tpu as pltpu
from jax.experimental.pallas import tpu_sc as plsc

D_MODEL = 768
BATCH = 4
SEQ = 4096
NTOK = BATCH * SEQ
NUM_CORES = 2
NUM_SUBCORES = 16
NW = NUM_CORES * NUM_SUBCORES
POS_PER_W = SEQ // NW
PCHUNK = 8
NCHUNK = POS_PER_W // PCHUNK
CROWS = PCHUNK * BATCH
NBUF = 4
AHEAD = 3
LANES = 16
VECS_PER_ROW = D_MODEL // LANES


@functools.partial(
    pl.kernel,
    out_type=jax.ShapeDtypeStruct((NTOK, D_MODEL), jnp.float32),
    mesh=plsc.VectorSubcoreMesh(core_axis_name="c", subcore_axis_name="s"),
    scratch_types=(
        [pltpu.VMEM((NCHUNK * CROWS,), jnp.int32)]
        + [pltpu.VMEM((CROWS, D_MODEL), jnp.float32)] * NBUF
        + [pltpu.VMEM((PCHUNK, D_MODEL), jnp.float32)] * NBUF
        + [pltpu.SemaphoreType.DMA] * (3 * NBUF)
    ),
)
def _embed_sc(x_hbm, table_hbm, pe_hbm, out_hbm, idx_flat, *bufs):
    rows = bufs[0:NBUF]
    pes = bufs[NBUF:2 * NBUF]
    sg = bufs[2 * NBUF:3 * NBUF]
    sp = bufs[3 * NBUF:4 * NBUF]
    so = bufs[4 * NBUF:5 * NBUF]

    wid = lax.axis_index("s") * NUM_CORES + lax.axis_index("c")
    p_base = wid * POS_PER_W

    pltpu.sync_copy(x_hbm.at[wid], idx_flat)

    def issue(c, buf):
        g = pltpu.async_copy(
            table_hbm.at[idx_flat.at[pl.ds(c * CROWS, CROWS)]],
            rows[buf], sg[buf])
        p = pltpu.async_copy(
            pe_hbm.at[pl.ds(p_base + c * PCHUNK, PCHUNK)], pes[buf], sp[buf])
        return g, p

    inflight = [None] * NBUF
    outflight = [None] * NBUF
    for k in range(AHEAD):
        inflight[k] = issue(k, k)

    for c in range(NCHUNK):
        buf = c % NBUF
        a = c + AHEAD
        if a < NCHUNK:
            ab = a % NBUF
            if outflight[ab] is not None:
                for d in outflight[ab]:
                    d.wait()
                outflight[ab] = None
            inflight[ab] = issue(a, ab)
        g, p = inflight[buf]
        g.wait()
        p.wait()

        def add_row(i, carry):
            @plsc.parallel_loop(0, VECS_PER_ROW, unroll=2)
            def add_vec(j):
                sl = pl.ds(j * LANES, LANES)
                v = pes[buf][i, sl]
                for b in range(BATCH):
                    plsc.addupdate(rows[buf].at[b * PCHUNK + i, sl], v)

            return carry

        lax.fori_loop(0, PCHUNK, add_row, 0)
        outflight[buf] = [
            pltpu.async_copy(
                rows[buf].at[pl.ds(b * PCHUNK, PCHUNK)],
                out_hbm.at[pl.ds(b * SEQ + p_base + c * PCHUNK, PCHUNK)],
                so[buf])
            for b in range(BATCH)
        ]

    for bufl in outflight:
        if bufl is not None:
            for d in bufl:
                d.wait()


def kernel(x, table, pe):
    xt = (x.astype(jnp.int32)
          .reshape(BATCH, NW, NCHUNK, PCHUNK)
          .transpose(1, 2, 0, 3)
          .reshape(NW, NCHUNK * CROWS))
    out = _embed_sc(xt, table, pe)
    return out.reshape(BATCH, SEQ, D_MODEL)

# --- scband reference (transcript-rebuilt; emitter-appended) ---
"""Pipeline reference for scband-transformer-embedding-1236950581412 (READ-ONLY COPY).

The authoritative reference and input builder live on the scoring server;
editing this copy changes nothing except your own understanding.
"""

import jax, jax.numpy as jnp
import numpy as np

VOCAB = 100000
D_MODEL = 768
MAX_LEN = 4096
BATCH = 4
SEQ = 4096

def _sinusoidal_pe(max_len, d_model):
    pos = np.arange(max_len, dtype=np.float32)[:, None]
    i = np.arange(d_model, dtype=np.float32)[None, :]
    angle_rates = 1.0 / np.power(10000.0, (2.0 * np.floor(i / 2.0)) / d_model)
    angles = pos * angle_rates
    pe = np.where((np.arange(d_model)[None, :] % 2) == 0, np.sin(angles), np.cos(angles))
    return jnp.asarray(pe, dtype=jnp.float32)

def setup_inputs(seed: int = 0) -> dict:
    key = jax.random.key(seed)
    k1, k2 = jax.random.split(key)
    x = jax.random.randint(k1, (BATCH, SEQ), 0, VOCAB)
    table = jax.random.normal(k2, (VOCAB, D_MODEL), dtype=jnp.float32) * 0.02
    pe = _sinusoidal_pe(MAX_LEN, D_MODEL)
    return {"x": x, "table": table, "pe": pe}

def reference(x, table, pe):
    # TokenEmbedding: gather rows of the embedding table
    tok_emb = jnp.take(table, x, axis=0)  # [B, S, D]
    # PositionalEncoding: slice precomputed sinusoidal buffer to seq_len
    seq_len = x.shape[1]
    pos_emb = pe[:seq_len]  # [S, D]
    # Dropout is identity in eval/reference mode
    out = tok_emb + pos_emb[None, :, :]
    return out

if __name__ == "__main__":
    import jax
    _d = setup_inputs()
    print(jax.jit(kernel)(*tuple(_d.values())))

</pallas_src>

<mosaic_0001>
#map = affine_map<(d0, d1) -> (0, 0)>
module attributes {stable_mosaic.version = 14 : i64} {
  func.func @_embed_sc(%arg0: i32, %arg1: i32, %arg2: memref<32x512xi32, #tpu.memory_space<hbm>>, %arg3: memref<100000x768xf32, #tpu.memory_space<hbm>>, %arg4: memref<4096x768xf32, #tpu.memory_space<hbm>>, %arg5: memref<16384x768xf32, #tpu.memory_space<hbm>>, %arg6: memref<512xi32, #tpu.memory_space<vmem>>, %arg7: memref<32x768xf32, #tpu.memory_space<vmem>>, %arg8: memref<32x768xf32, #tpu.memory_space<vmem>>, %arg9: memref<32x768xf32, #tpu.memory_space<vmem>>, %arg10: memref<32x768xf32, #tpu.memory_space<vmem>>, %arg11: memref<8x768xf32, #tpu.memory_space<vmem>>, %arg12: memref<8x768xf32, #tpu.memory_space<vmem>>, %arg13: memref<8x768xf32, #tpu.memory_space<vmem>>, %arg14: memref<8x768xf32, #tpu.memory_space<vmem>>, %arg15: memref<!tpu.dma_semaphore, #tpu.memory_space<semaphore_mem>>, %arg16: memref<!tpu.dma_semaphore, #tpu.memory_space<semaphore_mem>>, %arg17: memref<!tpu.dma_semaphore, #tpu.memory_space<semaphore_mem>>, %arg18: memref<!tpu.dma_semaphore, #tpu.memory_space<semaphore_mem>>, %arg19: memref<!tpu.dma_semaphore, #tpu.memory_space<semaphore_mem>>, %arg20: memref<!tpu.dma_semaphore, #tpu.memory_space<semaphore_mem>>, %arg21: memref<!tpu.dma_semaphore, #tpu.memory_space<semaphore_mem>>, %arg22: memref<!tpu.dma_semaphore, #tpu.memory_space<semaphore_mem>>, %arg23: memref<!tpu.dma_semaphore, #tpu.memory_space<semaphore_mem>>, %arg24: memref<!tpu.dma_semaphore, #tpu.memory_space<semaphore_mem>>, %arg25: memref<!tpu.dma_semaphore, #tpu.memory_space<semaphore_mem>>, %arg26: memref<!tpu.dma_semaphore, #tpu.memory_space<semaphore_mem>>) attributes {dimension_semantics = [#tpu.dimension_semantics<core_parallel>, #tpu.dimension_semantics<subcore_parallel>], iteration_bounds = array<i64: 2, 16>, scalar_prefetch = 0 : i64, scratch_operands = 21 : i64, tpu.core_type = #tpu.core_type<sc_vector_subcore>, window_params = [{transform_indices = #map}, {transform_indices = #map}, {transform_indices = #map}, {transform_indices = #map}]} {
    %mul3A = arith.constant 2 : i32
    %mul3A_0 = arith.muli %arg1, %mul3A : i32
    %add3A = arith.addi %mul3A_0, %arg0 : i32
    %mul3A_1 = arith.constant 128 : i32
    %mul3A_2 = arith.muli %add3A, %mul3A_1 : i32
    "tpu.region"() ({
      %run_scoped3A = tpu.sem_alloc : memref<!tpu.dma_semaphore, #tpu.memory_space<semaphore_mem>>
      %dma_start3A_1952 = arith.constant 0 : i32
      %dma_start3A_1953 = tpu.memref_slice %arg2[%add3A, %dma_start3A_1952] : memref<32x512xi32, #tpu.memory_space<hbm>> -> memref<1x512xi32, #tpu.memory_space<hbm>>
      %dma_start3A_1954 = tpu.memref_squeeze %dma_start3A_1953 : memref<1x512xi32, #tpu.memory_space<hbm>> -> memref<512xi32, #tpu.memory_space<hbm>>
      %dma_start3A_1955 = arith.constant 0 : i32
      %dma_start3A_1956 = tpu.memref_slice %arg2[%add3A, %dma_start3A_1955] : memref<32x512xi32, #tpu.memory_space<hbm>> -> memref<1x512xi32, #tpu.memory_space<hbm>>
      %dma_start3A_1957 = tpu.memref_squeeze %dma_start3A_1956 : memref<1x512xi32, #tpu.memory_space<hbm>> -> memref<512xi32, #tpu.memory_space<hbm>>
      tpu.enqueue_dma source(%dma_start3A_1957 : memref<512xi32, #tpu.memory_space<hbm>>) target(%arg6 : memref<512xi32, #tpu.memory_space<vmem>>) target_semaphore(%run_scoped3A : memref<!tpu.dma_semaphore, #tpu.memory_space<semaphore_mem>>)
      %dma_wait3A_1958 = arith.constant 0 : i32
      %dma_wait3A_1959 = tpu.memref_slice %arg2[%add3A, %dma_wait3A_1958] : memref<32x512xi32, #tpu.memory_space<hbm>> -> memref<1x512xi32, #tpu.memory_space<hbm>>
      %dma_wait3A_1960 = tpu.memref_squeeze %dma_wait3A_1959 : memref<1x512xi32, #tpu.memory_space<hbm>> -> memref<512xi32, #tpu.memory_space<hbm>>
      %dma_wait3A_1961 = arith.constant 0 : i32
      %dma_wait3A_1962 = tpu.memref_slice %arg2[%add3A, %dma_wait3A_1961] : memref<32x512xi32, #tpu.memory_space<hbm>> -> memref<1x512xi32, #tpu.memory_space<hbm>>
      %dma_wait3A_1963 = tpu.memref_squeeze %dma_wait3A_1962 : memref<1x512xi32, #tpu.memory_space<hbm>> -> memref<512xi32, #tpu.memory_space<hbm>>
      tpu.wait_dma2 semaphore(%run_scoped3A : memref<!tpu.dma_semaphore, #tpu.memory_space<semaphore_mem>>) src(%dma_wait3A_1963 : memref<512xi32, #tpu.memory_space<hbm>>) dst(%arg6 : memref<512xi32, #tpu.memory_space<vmem>>)
      tpu.yield
    }) : () -> ()
    %dma_start3A = arith.constant 0 : i32
    %dma_start3A_3 = tpu.memref_slice %arg6[%dma_start3A] : memref<512xi32, #tpu.memory_space<vmem>> -> memref<32xi32, #tpu.memory_space<vmem>>
    %dma_start3A_4 = arith.constant 0 : i32
    %dma_start3A_5 = arith.constant 0 : i32
    %dma_start3A_6 = tpu.memref_slice %arg3[%dma_start3A_4, %dma_start3A_5] : memref<100000x768xf32, #tpu.memory_space<hbm>> -> memref<100000x768xf32, #tpu.memory_space<hbm>>
    tpu.enqueue_indirect_dma source(%dma_start3A_6 : memref<100000x768xf32, #tpu.memory_space<hbm>>) target(%arg7 : memref<32x768xf32, #tpu.memory_space<vmem>>) offsets(%dma_start3A_3 : memref<32xi32, #tpu.memory_space<vmem>>) semaphore(%arg15 : memref<!tpu.dma_semaphore, #tpu.memory_space<semaphore_mem>>)
    %add3A_7 = arith.constant 0 : i32
    %add3A_8 = arith.addi %mul3A_2, %add3A_7 : i32
    %dma_start3A_9 = arith.constant 0 : i32
    %dma_start3A_10 = tpu.memref_slice %arg4[%add3A_8, %dma_start3A_9] : memref<4096x768xf32, #tpu.memory_space<hbm>> -> memref<8x768xf32, #tpu.memory_space<hbm>>
    %dma_start3A_11 = arith.constant 0 : i32
    %dma_start3A_12 = tpu.memref_slice %arg4[%add3A_8, %dma_start3A_11] : memref<4096x768xf32, #tpu.memory_space<hbm>> -> memref<8x768xf32, #tpu.memory_space<hbm>>
    tpu.enqueue_dma source(%dma_start3A_12 : memref<8x768xf32, #tpu.memory_space<hbm>>) target(%arg11 : memref<8x768xf32, #tpu.memory_space<vmem>>) target_semaphore(%arg19 : memref<!tpu.dma_semaphore, #tpu.memory_space<semaphore_mem>>)
    %dma_start3A_13 = arith.constant 32 : i32
    %dma_start3A_14 = tpu.memref_slice %arg6[%dma_start3A_13] : memref<512xi32, #tpu.memory_space<vmem>> -> memref<32xi32, #tpu.memory_space<vmem>>
    %dma_start3A_15 = arith.constant 0 : i32
    %dma_start3A_16 = arith.constant 0 : i32
    %dma_start3A_17 = tpu.memref_slice %arg3[%dma_start3A_15, %dma_start3A_16] : memref<100000x768xf32, #tpu.memory_space<hbm>> -> memref<100000x768xf32, #tpu.memory_space<hbm>>
    tpu.enqueue_indirect_dma source(%dma_start3A_17 : memref<100000x768xf32, #tpu.memory_space<hbm>>) target(%arg8 : memref<32x768xf32, #tpu.memory_space<vmem>>) offsets(%dma_start3A_14 : memref<32xi32, #tpu.memory_space<vmem>>) semaphore(%arg16 : memref<!tpu.dma_semaphore, #tpu.memory_space<semaphore_mem>>)
    %add3A_18 = arith.constant 8 : i32
    %add3A_19 = arith.addi %mul3A_2, %add3A_18 : i32
    %dma_start3A_20 = arith.constant 0 : i32
    %dma_start3A_21 = tpu.memref_slice %arg4[%add3A_19, %dma_start3A_20] : memref<4096x768xf32, #tpu.memory_space<hbm>> -> memref<8x768xf32, #tpu.memory_space<hbm>>
    %dma_start3A_22 = arith.constant 0 : i32
    %dma_start3A_23 = tpu.memref_slice %arg4[%add3A_19, %dma_start3A_22] : memref<4096x768xf32, #tpu.memory_space<hbm>> -> memref<8x768xf32, #tpu.memory_space<hbm>>
    tpu.enqueue_dma source(%dma_start3A_23 : memref<8x768xf32, #tpu.memory_space<hbm>>) target(%arg12 : memref<8x768xf32, #tpu.memory_space<vmem>>) target_semaphore(%arg20 : memref<!tpu.dma_semaphore, #tpu.memory_space<semaphore_mem>>)
    %dma_start3A_24 = arith.constant 64 : i32
    %dma_start3A_25 = tpu.memref_slice %arg6[%dma_start3A_24] : memref<512xi32, #tpu.memory_space<vmem>> -> memref<32xi32, #tpu.memory_space<vmem>>
    %dma_start3A_26 = arith.constant 0 : i32
    %dma_start3A_27 = arith.constant 0 : i32
    %dma_start3A_28 = tpu.memref_slice %arg3[%dma_start3A_26, %dma_start3A_27] : memref<100000x768xf32, #tpu.memory_space<hbm>> -> memref<100000x768xf32, #tpu.memory_space<hbm>>
    tpu.enqueue_indirect_dma source(%dma_start3A_28 : memref<100000x768xf32, #tpu.memory_space<hbm>>) target(%arg9 : memref<32x768xf32, #tpu.memory_space<vmem>>) offsets(%dma_start3A_25 : memref<32xi32, #tpu.memory_space<vmem>>) semaphore(%arg17 : memref<!tpu.dma_semaphore, #tpu.memory_space<semaphore_mem>>)
    %add3A_29 = arith.constant 16 : i32
    %add3A_30 = arith.addi %mul3A_2, %add3A_29 : i32
    %dma_start3A_31 = arith.constant 0 : i32
    %dma_start3A_32 = tpu.memref_slice %arg4[%add3A_30, %dma_start3A_31] : memref<4096x768xf32, #tpu.memory_space<hbm>> -> memref<8x768xf32, #tpu.memory_space<hbm>>
    %dma_start3A_33 = arith.constant 0 : i32
    %dma_start3A_34 = tpu.memref_slice %arg4[%add3A_30, %dma_start3A_33] : memref<4096x768xf32, #tpu.memory_space<hbm>> -> memref<8x768xf32, #tpu.memory_space<hbm>>
    tpu.enqueue_dma source(%dma_start3A_34 : memref<8x768xf32, #tpu.memory_space<hbm>>) target(%arg13 : memref<8x768xf32, #tpu.memory_space<vmem>>) target_semaphore(%arg21 : memref<!tpu.dma_semaphore, #tpu.memory_space<semaphore_mem>>)
    %dma_start3A_35 = arith.constant 96 : i32
    %dma_start3A_36 = tpu.memref_slice %arg6[%dma_start3A_35] : memref<512xi32, #tpu.memory_space<vmem>> -> memref<32xi32, #tpu.memory_space<vmem>>
    %dma_start3A_37 = arith.constant 0 : i32
    %dma_start3A_38 = arith.constant 0 : i32
    %dma_start3A_39 = tpu.memref_slice %arg3[%dma_start3A_37, %dma_start3A_38] : memref<100000x768xf32, #tpu.memory_space<hbm>> -> memref<100000x768xf32, #tpu.memory_space<hbm>>
    tpu.enqueue_indirect_dma source(%dma_start3A_39 : memref<100000x768xf32, #tpu.memory_space<hbm>>) target(%arg10 : memref<32x768xf32, #tpu.memory_space<vmem>>) offsets(%dma_start3A_36 : memref<32xi32, #tpu.memory_space<vmem>>) semaphore(%arg18 : memref<!tpu.dma_semaphore, #tpu.memory_space<semaphore_mem>>)
    %add3A_40 = arith.constant 24 : i32
    %add3A_41 = arith.addi %mul3A_2, %add3A_40 : i32
    %dma_start3A_42 = arith.constant 0 : i32
    %dma_start3A_43 = tpu.memref_slice %arg4[%add3A_41, %dma_start3A_42] : memref<4096x768xf32, #tpu.memory_space<hbm>> -> memref<8x768xf32, #tpu.memory_space<hbm>>
    %dma_start3A_44 = arith.constant 0 : i32
    %dma_start3A_45 = tpu.memref_slice %arg4[%add3A_41, %dma_start3A_44] : memref<4096x768xf32, #tpu.memory_space<hbm>> -> memref<8x768xf32, #tpu.memory_space<hbm>>
    tpu.enqueue_dma source(%dma_start3A_45 : memref<8x768xf32, #tpu.memory_space<hbm>>) target(%arg14 : memref<8x768xf32, #tpu.memory_space<vmem>>) target_semaphore(%arg22 : memref<!tpu.dma_semaphore, #tpu.memory_space<semaphore_mem>>)
    %dma_wait3A = arith.constant 0 : i32
    %dma_wait3A_46 = tpu.memref_slice %arg6[%dma_wait3A] : memref<512xi32, #tpu.memory_space<vmem>> -> memref<32xi32, #tpu.memory_space<vmem>>
    %dma_wait3A_47 = arith.constant 0 : i32
    %dma_wait3A_48 = arith.constant 0 : i32
    %dma_wait3A_49 = tpu.memref_slice %arg3[%dma_wait3A_47, %dma_wait3A_48] : memref<100000x768xf32, #tpu.memory_space<hbm>> -> memref<100000x768xf32, #tpu.memory_space<hbm>>
    tpu.wait_indirect_dma semaphore(%arg15 : memref<!tpu.dma_semaphore, #tpu.memory_space<semaphore_mem>>) src(%dma_wait3A_49 : memref<100000x768xf32, #tpu.memory_space<hbm>>) dst(%arg7 : memref<32x768xf32, #tpu.memory_space<vmem>>)
    %dma_wait3A_50 = arith.constant 0 : i32
    %dma_wait3A_51 = tpu.memref_slice %arg4[%add3A_8, %dma_wait3A_50] : memref<4096x768xf32, #tpu.memory_space<hbm>> -> memref<8x768xf32, #tpu.memory_space<hbm>>
    %dma_wait3A_52 = arith.constant 0 : i32
    %dma_wait3A_53 = tpu.memref_slice %arg4[%add3A_8, %dma_wait3A_52] : memref<4096x768xf32, #tpu.memory_space<hbm>> -> memref<8x768xf32, #tpu.memory_space<hbm>>
    tpu.wait_dma2 semaphore(%arg19 : memref<!tpu.dma_semaphore, #tpu.memory_space<semaphore_mem>>) src(%dma_wait3A_53 : memref<8x768xf32, #tpu.memory_space<hbm>>) dst(%arg11 : memref<8x768xf32, #tpu.memory_space<vmem>>)
    %scan3A = arith.constant 0 : i32
    %scan3A_54 = arith.constant 0 : i32
    %scan3A_55 = arith.constant 8 : i32
    %scan3A_56 = arith.addi %scan3A_54, %scan3A_55 : i32
    %scan3A_57 = arith.constant 1 : i32
    scf.for %scan3A_1952 = %scan3A_54 to %scan3A_56 step %scan3A_57  : i32 {
      %parallel_loop3A = arith.constant 0 : i32
      %parallel_loop3A_1953 = arith.constant 48 : i32
      %parallel_loop3A_1954 = arith.constant 1 : i32
      scf.for %parallel_loop3A_1955 = %parallel_loop3A to %parallel_loop3A_1953 step %parallel_loop3A_1954  : i32 {
        %parallel_loop3A_1956 = arith.constant 16 : i32
        %parallel_loop3A_1957 = arith.muli %parallel_loop3A_1955, %parallel_loop3A_1956 : i32
        %parallel_loop3A_1958 = arith.index_cast %scan3A_1952 : i32 to index
        %parallel_loop3A_1959 = arith.index_cast %parallel_loop3A_1957 : i32 to index
        %parallel_loop3A_1960 = tpu.vector_load %arg11[%parallel_loop3A_1958, %parallel_loop3A_1959] {strides = array<i32>} : memref<8x768xf32, #tpu.memory_space<vmem>>, vector<1x16xf32>,
        %parallel_loop3A_1961 = vector.shape_cast %parallel_loop3A_1960 : vector<1x16xf32> to vector<16xf32>
        %parallel_loop3A_1962 = arith.constant 0 : i32
        %parallel_loop3A_1963 = arith.addi %parallel_loop3A_1962, %scan3A_1952 : i32
        %parallel_loop3A_1964 = arith.index_cast %parallel_loop3A_1963 : i32 to index
        %parallel_loop3A_1965 = arith.index_cast %parallel_loop3A_1957 : i32 to index
        %parallel_loop3A_1966 = tpu.vector_load %arg7[%parallel_loop3A_1964, %parallel_loop3A_1965] {strides = array<i32>} : memref<32x768xf32, #tpu.memory_space<vmem>>, vector<1x16xf32>,
        %parallel_loop3A_1967 = vector.shape_cast %parallel_loop3A_1966 : vector<1x16xf32> to vector<16xf32>
        %parallel_loop3A_1968 = vector.shape_cast %parallel_loop3A_1961 : vector<16xf32> to vector<1x16xf32>
        tpu.vector_store %arg7[%parallel_loop3A_1964, %parallel_loop3A_1965], %parallel_loop3A_1968 {add = true, strides = array<i32>} : memref<32x768xf32, #tpu.memory_space<vmem>>, vector<1x16xf32>,
        %parallel_loop3A_1969 = arith.constant 8 : i32
        %parallel_loop3A_1970 = arith.addi %parallel_loop3A_1969, %scan3A_1952 : i32
        %parallel_loop3A_1971 = arith.index_cast %parallel_loop3A_1970 : i32 to index
        %parallel_loop3A_1972 = arith.index_cast %parallel_loop3A_1957 : i32 to index
        %parallel_loop3A_1973 = tpu.vector_load %arg7[%parallel_loop3A_1971, %parallel_loop3A_1972] {strides = array<i32>} : memref<32x768xf32, #tpu.memory_space<vmem>>, vector<1x16xf32>,
        %parallel_loop3A_1974 = vector.shape_cast %parallel_loop3A_1973 : vector<1x16xf32> to vector<16xf32>
        %parallel_loop3A_1975 = vector.shape_cast %parallel_loop3A_1961 : vector<16xf32> to vector<1x16xf32>
        tpu.vector_store %arg7[%parallel_loop3A_1971, %parallel_loop3A_1972], %parallel_loop3A_1975 {add = true, strides = array<i32>} : memref<32x768xf32, #tpu.memory_space<vmem>>, vector<1x16xf32>,
        %parallel_loop3A_1976 = arith.constant 16 : i32
        %parallel_loop3A_1977 = arith.addi %parallel_loop3A_1976, %scan3A_1952 : i32
        %parallel_loop3A_1978 = arith.index_cast %parallel_loop3A_1977 : i32 to index
        %parallel_loop3A_1979 = arith.index_cast %parallel_loop3A_1957 : i32 to index
        %parallel_loop3A_1980 = tpu.vector_load %arg7[%parallel_loop3A_1978, %parallel_loop3A_1979] {strides = array<i32>} : memref<32x768xf32, #tpu.memory_space<vmem>>, vector<1x16xf32>,
        %parallel_loop3A_1981 = vector.shape_cast %parallel_loop3A_1980 : vector<1x16xf32> to vector<16xf32>
        %parallel_loop3A_1982 = vector.shape_cast %parallel_loop3A_1961 : vector<16xf32> to vector<1x16xf32>
        tpu.vector_store %arg7[%parallel_loop3A_1978, %parallel_loop3A_1979], %parallel_loop3A_1982 {add = true, strides = array<i32>} : memref<32x768xf32, #tpu.memory_space<vmem>>, vector<1x16xf32>,
        %parallel_loop3A_1983 = arith.constant 24 : i32
        %parallel_loop3A_1984 = arith.addi %parallel_loop3A_1983, %scan3A_1952 : i32
        %parallel_loop3A_1985 = arith.index_cast %parallel_loop3A_1984 : i32 to index
        %parallel_loop3A_1986 = arith.index_cast %parallel_loop3A_1957 : i32 to index
        %parallel_loop3A_1987 = tpu.vector_load %arg7[%parallel_loop3A_1985, %parallel_loop3A_1986] {strides = array<i32>} : memref<32x768xf32, #tpu.memory_space<vmem>>, vector<1x16xf32>,
        %parallel_loop3A_1988 = vector.shape_cast %parallel_loop3A_1987 : vector<1x16xf32> to vector<16xf32>
        %parallel_loop3A_1989 = vector.shape_cast %parallel_loop3A_1961 : vector<16xf32> to vector<1x16xf32>
        tpu.vector_store %arg7[%parallel_loop3A_1985, %parallel_loop3A_1986], %parallel_loop3A_1989 {add = true, strides = array<i32>} : memref<32x768xf32, #tpu.memory_space<vmem>>, vector<1x16xf32>,
      } {sc.loop_unroll_factor = 2 : i64, sc.parallel_access}
    }
    %scan3A_58 = arith.constant 8 : i32
    %add3A_59 = arith.constant 0 : i32
    %add3A_60 = arith.addi %add3A_59, %mul3A_2 : i32
    %add3A_61 = arith.constant 0 : i32
    %add3A_62 = arith.addi %add3A_60, %add3A_61 : i32
    %dma_start3A_63 = arith.constant 0 : i32
    %dma_start3A_64 = arith.constant 0 : i32
    %dma_start3A_65 = tpu.memref_slice %arg7[%dma_start3A_63, %dma_start3A_64] : memref<32x768xf32, #tpu.memory_space<vmem>> -> memref<8x768xf32, #tpu.memory_space<vmem>>
    %dma_start3A_66 = arith.constant 0 : i32
    %dma_start3A_67 = tpu.memref_slice %arg5[%add3A_62, %dma_start3A_66] : memref<16384x768xf32, #tpu.memory_space<hbm>> -> memref<8x768xf32, #tpu.memory_space<hbm>>
    %dma_start3A_68 = arith.constant 0 : i32
    %dma_start3A_69 = tpu.memref_slice %arg5[%add3A_62, %dma_start3A_68] : memref<16384x768xf32, #tpu.memory_space<hbm>> -> memref<8x768xf32, #tpu.memory_space<hbm>>
    %dma_start3A_70 = arith.constant 0 : i32
    %dma_start3A_71 = arith.constant 0 : i32
    %dma_start3A_72 = tpu.memref_slice %arg7[%dma_start3A_70, %dma_start3A_71] : memref<32x768xf32, #tpu.memory_space<vmem>> -> memref<8x768xf32, #tpu.memory_space<vmem>>
    tpu.enqueue_dma source(%dma_start3A_72 : memref<8x768xf32, #tpu.memory_space<vmem>>) target(%dma_start3A_69 : memref<8x768xf32, #tpu.memory_space<hbm>>) target_semaphore(%arg23 : memref<!tpu.dma_semaphore, #tpu.memory_space<semaphore_mem>>)
    %add3A_73 = arith.constant 4096 : i32
    %add3A_74 = arith.addi %add3A_73, %mul3A_2 : i32
    %add3A_75 = arith.constant 0 : i32
    %add3A_76 = arith.addi %add3A_74, %add3A_75 : i32
    %dma_start3A_77 = arith.constant 8 : i32
    %dma_start3A_78 = arith.constant 0 : i32
    %dma_start3A_79 = tpu.memref_slice %arg7[%dma_start3A_77, %dma_start3A_78] : memref<32x768xf32, #tpu.memory_space<vmem>> -> memref<8x768xf32, #tpu.memory_space<vmem>>
    %dma_start3A_80 = arith.constant 0 : i32
    %dma_start3A_81 = tpu.memref_slice %arg5[%add3A_76, %dma_start3A_80] : memref<16384x768xf32, #tpu.memory_space<hbm>> -> memref<8x768xf32, #tpu.memory_space<hbm>>
    %dma_start3A_82 = arith.constant 0 : i32
    %dma_start3A_83 = tpu.memref_slice %arg5[%add3A_76, %dma_start3A_82] : memref<16384x768xf32, #tpu.memory_space<hbm>> -> memref<8x768xf32, #tpu.memory_space<hbm>>
    %dma_start3A_84 = arith.constant 8 : i32
    %dma_start3A_85 = arith.constant 0 : i32
    %dma_start3A_86 = tpu.memref_slice %arg7[%dma_start3A_84, %dma_start3A_85] : memref<32x768xf32, #tpu.memory_space<vmem>> -> memref<8x768xf32, #tpu.memory_space<vmem>>
    tpu.enqueue_dma source(%dma_start3A_86 : memref<8x768xf32, #tpu.memory_space<vmem>>) target(%dma_start3A_83 : memref<8x768xf32, #tpu.memory_space<hbm>>) target_semaphore(%arg23 : memref<!tpu.dma_semaphore, #tpu.memory_space<semaphore_mem>>)
    %add3A_87 = arith.constant 8192 : i32
    %add3A_88 = arith.addi %add3A_87, %mul3A_2 : i32
    %add3A_89 = arith.constant 0 : i32
    %add3A_90 = arith.addi %add3A_88, %add3A_89 : i32
    %dma_start3A_91 = arith.constant 16 : i32
    %dma_start3A_92 = arith.constant 0 : i32
    %dma_start3A_93 = tpu.memref_slice %arg7[%dma_start3A_91, %dma_start3A_92] : memref<32x768xf32, #tpu.memory_space<vmem>> -> memref<8x768xf32, #tpu.memory_space<vmem>>
    %dma_start3A_94 = arith.constant 0 : i32
    %dma_start3A_95 = tpu.memref_slice %arg5[%add3A_90, %dma_start3A_94] : memref<16384x768xf32, #tpu.memory_space<hbm>> -> memref<8x768xf32, #tpu.memory_space<hbm>>
    %dma_start3A_96 = arith.constant 0 : i32
    %dma_start3A_97 = tpu.memref_slice %arg5[%add3A_90, %dma_start3A_96] : memref<16384x768xf32, #tpu.memory_space<hbm>> -> memref<8x768xf32, #tpu.memory_space<hbm>>
    %dma_start3A_98 = arith.constant 16 : i32
    %dma_start3A_99 = arith.constant 0 : i32
    %dma_start3A_100 = tpu.memref_slice %arg7[%dma_start3A_98, %dma_start3A_99] : memref<32x768xf32, #tpu.memory_space<vmem>> -> memref<8x768xf32, #tpu.memory_space<vmem>>
    tpu.enqueue_dma source(%dma_start3A_100 : memref<8x768xf32, #tpu.memory_space<vmem>>) target(%dma_start3A_97 : memref<8x768xf32, #tpu.memory_space<hbm>>) target_semaphore(%arg23 : memref<!tpu.dma_semaphore, #tpu.memory_space<semaphore_mem>>)
    %add3A_101 = arith.constant 12288 : i32
    %add3A_102 = arith.addi %add3A_101, %mul3A_2 : i32
    %add3A_103 = arith.constant 0 : i32
    %add3A_104 = arith.addi %add3A_102, %add3A_103 : i32
    %dma_start3A_105 = arith.constant 24 : i32
    %dma_start3A_106 = arith.constant 0 : i32
    %dma_start3A_107 = tpu.memref_slice %arg7[%dma_start3A_105, %dma_start3A_106] : memref<32x768xf32, #tpu.memory_space<vmem>> -> memref<8x768xf32, #tpu.memory_space<vmem>>
    %dma_start3A_108 = arith.constant 0 : i32
    %dma_start3A_109 = tpu.memref_slice %arg5[%add3A_104, %dma_start3A_108] : memref<16384x768xf32, #tpu.memory_space<hbm>> -> memref<8x768xf32, #tpu.memory_space<hbm>>
    %dma_start3A_110 = arith.constant 0 : i32
    %dma_start3A_111 = tpu.memref_slice %arg5[%add3A_104, %dma_start3A_110] : memref<16384x768xf32, #tpu.memory_space<hbm>> -> memref<8x768xf32, #tpu.memory_space<hbm>>
    %dma_start3A_112 = arith.constant 24 : i32
    %dma_start3A_113 = arith.constant 0 : i32
    %dma_start3A_114 = tpu.memref_slice %arg7[%dma_start3A_112, %dma_start3A_113] : memref<32x768xf32, #tpu.memory_space<vmem>> -> memref<8x768xf32, #tpu.memory_space<vmem>>
    tpu.enqueue_dma source(%dma_start3A_114 : memref<8x768xf32, #tpu.memory_space<vmem>>) target(%dma_start3A_111 : memref<8x768xf32, #tpu.memory_space<hbm>>) target_semaphore(%arg23 : memref<!tpu.dma_semaphore, #tpu.memory_space<semaphore_mem>>)
    %dma_wait3A_115 = arith.constant 0 : i32
    %dma_wait3A_116 = arith.constant 0 : i32
    %dma_wait3A_117 = tpu.memref_slice %arg7[%dma_wait3A_115, %dma_wait3A_116] : memref<32x768xf32, #tpu.memory_space<vmem>> -> memref<8x768xf32, #tpu.memory_space<vmem>>
    %dma_wait3A_118 = arith.constant 0 : i32
    %dma_wait3A_119 = tpu.memref_slice %arg5[%add3A_62, %dma_wait3A_118] : memref<16384x768xf32, #tpu.memory_space<hbm>> -> memref<8x768xf32, #tpu.memory_space<hbm>>
    %dma_wait3A_120 = arith.constant 0 : i32
    %dma_wait3A_121 = tpu.memref_slice %arg5[%add3A_62, %dma_wait3A_120] : memref<16384x768xf32, #tpu.memory_space<hbm>> -> memref<8x768xf32, #tpu.memory_space<hbm>>
    %dma_wait3A_122 = arith.constant 0 : i32
    %dma_wait3A_123 = arith.constant 0 : i32
    %dma_wait3A_124 = tpu.memref_slice %arg7[%dma_wait3A_122, %dma_wait3A_123] : memref<32x768xf32, #tpu.memory_space<vmem>> -> memref<8x768xf32, #tpu.memory_space<vmem>>
    tpu.wait_dma2 semaphore(%arg23 : memref<!tpu.dma_semaphore, #tpu.memory_space<semaphore_mem>>) src(%dma_wait3A_124 : memref<8x768xf32, #tpu.memory_space<vmem>>) dst(%dma_wait3A_121 : memref<8x768xf32, #tpu.memory_space<hbm>>)
    %dma_wait3A_125 = arith.constant 8 : i32
    %dma_wait3A_126 = arith.constant 0 : i32
    %dma_wait3A_127 = tpu.memref_slice %arg7[%dma_wait3A_125, %dma_wait3A_126] : memref<32x768xf32, #tpu.memory_space<vmem>> -> memref<8x768xf32, #tpu.memory_space<vmem>>
    %dma_wait3A_128 = arith.constant 0 : i32
    %dma_wait3A_129 = tpu.memref_slice %arg5[%add3A_76, %dma_wait3A_128] : memref<16384x768xf32, #tpu.memory_space<hbm>> -> memref<8x768xf32, #tpu.memory_space<hbm>>
    %dma_wait3A_130 = arith.constant 0 : i32
    %dma_wait3A_131 = tpu.memref_slice %arg5[%add3A_76, %dma_wait3A_130] : memref<16384x768xf32, #tpu.memory_space<hbm>> -> memref<8x768xf32, #tpu.memory_space<hbm>>
    %dma_wait3A_132 = arith.constant 8 : i32
    %dma_wait3A_133 = arith.constant 0 : i32
    %dma_wait3A_134 = tpu.memref_slice %arg7[%dma_wait3A_132, %dma_wait3A_133] : memref<32x768xf32, #tpu.memory_space<vmem>> -> memref<8x768xf32, #tpu.memory_space<vmem>>
    tpu.wait_dma2 semaphore(%arg23 : memref<!tpu.dma_semaphore, #tpu.memory_space<semaphore_mem>>) src(%dma_wait3A_134 : memref<8x768xf32, #tpu.memory_space<vmem>>) dst(%dma_wait3A_131 : memref<8x768xf32, #tpu.memory_space<hbm>>)
    %dma_wait3A_135 = arith.constant 16 : i32
    %dma_wait3A_136 = arith.constant 0 : i32
    %dma_wait3A_137 = tpu.memref_slice %arg7[%dma_wait3A_135, %dma_wait3A_136] : memref<32x768xf32, #tpu.memory_space<vmem>> -> memref<8x768xf32, #tpu.memory_space<vmem>>
    %dma_wait3A_138 = arith.constant 0 : i32
    %dma_wait3A_139 = tpu.memref_slice %arg5[%add3A_90, %dma_wait3A_138] : memref<16384x768xf32, #tpu.memory_space<hbm>> -> memref<8x768xf32, #tpu.memory_space<hbm>>
    %dma_wait3A_140 = arith.constant 0 : i32
    %dma_wait3A_141 = tpu.memref_slice %arg5[%add3A_90, %dma_wait3A_140] : memref<16384x768xf32, #tpu.memory_space<hbm>> -> memref<8x768xf32, #tpu.memory_space<hbm>>
    %dma_wait3A_142 = arith.constant 16 : i32
    %dma_wait3A_143 = arith.constant 0 : i32
    %dma_wait3A_144 = tpu.memref_slice %arg7[%dma_wait3A_142, %dma_wait3A_143] : memref<32x768xf32, #tpu.memory_space<vmem>> -> memref<8x768xf32, #tpu.memory_space<vmem>>
    tpu.wait_dma2 semaphore(%arg23 : memref<!tpu.dma_semaphore, #tpu.memory_space<semaphore_mem>>) src(%dma_wait3A_144 : memref<8x768xf32, #tpu.memory_space<vmem>>) dst(%dma_wait3A_141 : memref<8x768xf32, #tpu.memory_space<hbm>>)
    %dma_wait3A_145 = arith.constant 24 : i32
    %dma_wait3A_146 = arith.constant 0 : i32
    %dma_wait3A_147 = tpu.memref_slice %arg7[%dma_wait3A_145, %dma_wait3A_146] : memref<32x768xf32, #tpu.memory_space<vmem>> -> memref<8x768xf32, #tpu.memory_space<vmem>>
    %dma_wait3A_148 = arith.constant 0 : i32
    %dma_wait3A_149 = tpu.memref_slice %arg5[%add3A_104, %dma_wait3A_148] : memref<16384x768xf32, #tpu.memory_space<hbm>> -> memref<8x768xf32, #tpu.memory_space<hbm>>
    %dma_wait3A_150 = arith.constant 0 : i32
    %dma_wait3A_151 = tpu.memref_slice %arg5[%add3A_104, %dma_wait3A_150] : memref<16384x768xf32, #tpu.memory_space<hbm>> -> memref<8x768xf32, #tpu.memory_space<hbm>>
    %dma_wait3A_152 = arith.constant 24 : i32
    %dma_wait3A_153 = arith.constant 0 : i32
    %dma_wait3A_154 = tpu.memref_slice %arg7[%dma_wait3A_152, %dma_wait3A_153] : memref<32x768xf32, #tpu.memory_space<vmem>> -> memref<8x768xf32, #tpu.memory_space<vmem>>
    tpu.wait_dma2 semaphore(%arg23 : memref<!tpu.dma_semaphore, #tpu.memory_space<semaphore_mem>>) src(%dma_wait3A_154 : memref<8x768xf32, #tpu.memory_space<vmem>>) dst(%dma_wait3A_151 : memref<8x768xf32, #tpu.memory_space<hbm>>)
    %dma_start3A_155 = arith.constant 128 : i32
    %dma_start3A_156 = tpu.memref_slice %arg6[%dma_start3A_155] : memref<512xi32, #tpu.memory_space<vmem>> -> memref<32xi32, #tpu.memory_space<vmem>>
    %dma_start3A_157 = arith.constant 0 : i32
    %dma_start3A_158 = arith.constant 0 : i32
    %dma_start3A_159 = tpu.memref_slice %arg3[%dma_start3A_157, %dma_start3A_158] : memref<100000x768xf32, #tpu.memory_space<hbm>> -> memref<100000x768xf32, #tpu.memory_space<hbm>>
    tpu.enqueue_indirect_dma source(%dma_start3A_159 : memref<100000x768xf32, #tpu.memory_space<hbm>>) target(%arg7 : memref<32x768xf32, #tpu.memory_space<vmem>>) offsets(%dma_start3A_156 : memref<32xi32, #tpu.memory_space<vmem>>) semaphore(%arg15 : memref<!tpu.dma_semaphore, #tpu.memory_space<semaphore_mem>>)
    %add3A_160 = arith.constant 32 : i32
    %add3A_161 = arith.addi %mul3A_2, %add3A_160 : i32
    %dma_start3A_162 = arith.constant 0 : i32
    %dma_start3A_163 = tpu.memref_slice %arg4[%add3A_161, %dma_start3A_162] : memref<4096x768xf32, #tpu.memory_space<hbm>> -> memref<8x768xf32, #tpu.memory_space<hbm>>
    %dma_start3A_164 = arith.constant 0 : i32
    %dma_start3A_165 = tpu.memref_slice %arg4[%add3A_161, %dma_start3A_164] : memref<4096x768xf32, #tpu.memory_space<hbm>> -> memref<8x768xf32, #tpu.memory_space<hbm>>
    tpu.enqueue_dma source(%dma_start3A_165 : memref<8x768xf32, #tpu.memory_space<hbm>>) target(%arg11 : memref<8x768xf32, #tpu.memory_space<vmem>>) target_semaphore(%arg19 : memref<!tpu.dma_semaphore, #tpu.memory_space<semaphore_mem>>)
    %dma_wait3A_166 = arith.constant 32 : i32
    %dma_wait3A_167 = tpu.memref_slice %arg6[%dma_wait3A_166] : memref<512xi32, #tpu.memory_space<vmem>> -> memref<32xi32, #tpu.memory_space<vmem>>
    %dma_wait3A_168 = arith.constant 0 : i32
    %dma_wait3A_169 = arith.constant 0 : i32
    %dma_wait3A_170 = tpu.memref_slice %arg3[%dma_wait3A_168, %dma_wait3A_169] : memref<100000x768xf32, #tpu.memory_space<hbm>> -> memref<100000x768xf32, #tpu.memory_space<hbm>>
    tpu.wait_indirect_dma semaphore(%arg16 : memref<!tpu.dma_semaphore, #tpu.memory_space<semaphore_mem>>) src(%dma_wait3A_170 : memref<100000x768xf32, #tpu.memory_space<hbm>>) dst(%arg8 : memref<32x768xf32, #tpu.memory_space<vmem>>)
    %dma_wait3A_171 = arith.constant 0 : i32
    %dma_wait3A_172 = tpu.memref_slice %arg4[%add3A_19, %dma_wait3A_171] : memref<4096x768xf32, #tpu.memory_space<hbm>> -> memref<8x768xf32, #tpu.memory_space<hbm>>
    %dma_wait3A_173 = arith.constant 0 : i32
    %dma_wait3A_174 = tpu.memref_slice %arg4[%add3A_19, %dma_wait3A_173] : memref<4096x768xf32, #tpu.memory_space<hbm>> -> memref<8x768xf32, #tpu.memory_space<hbm>>
    tpu.wait_dma2 semaphore(%arg20 : memref<!tpu.dma_semaphore, #tpu.memory_space<semaphore_mem>>) src(%dma_wait3A_174 : memref<8x768xf32, #tpu.memory_space<hbm>>) dst(%arg12 : memref<8x768xf32, #tpu.memory_space<vmem>>)
    %scan3A_175 = arith.constant 0 : i32
    %scan3A_176 = arith.constant 0 : i32
    %scan3A_177 = arith.constant 8 : i32
    %scan3A_178 = arith.addi %scan3A_176, %scan3A_177 : i32
    %scan3A_179 = arith.constant 1 : i32
    scf.for %scan3A_1952 = %scan3A_176 to %scan3A_178 step %scan3A_179  : i32 {
      %parallel_loop3A = arith.constant 0 : i32
      %parallel_loop3A_1953 = arith.constant 48 : i32
      %parallel_loop3A_1954 = arith.constant 1 : i32
      scf.for %parallel_loop3A_1955 = %parallel_loop3A to %parallel_loop3A_1953 step %parallel_loop3A_1954  : i32 {
        %parallel_loop3A_1956 = arith.constant 16 : i32
        %parallel_loop3A_1957 = arith.muli %parallel_loop3A_1955, %parallel_loop3A_1956 : i32
        %parallel_loop3A_1958 = arith.index_cast %scan3A_1952 : i32 to index
        %parallel_loop3A_1959 = arith.index_cast %parallel_loop3A_1957 : i32 to index
        %parallel_loop3A_1960 = tpu.vector_load %arg12[%parallel_loop3A_1958, %parallel_loop3A_1959] {strides = array<i32>} : memref<8x768xf32, #tpu.memory_space<vmem>>, vector<1x16xf32>,
        %parallel_loop3A_1961 = vector.shape_cast %parallel_loop3A_1960 : vector<1x16xf32> to vector<16xf32>
        %parallel_loop3A_1962 = arith.constant 0 : i32
        %parallel_loop3A_1963 = arith.addi %parallel_loop3A_1962, %scan3A_1952 : i32
        %parallel_loop3A_1964 = arith.index_cast %parallel_loop3A_1963 : i32 to index
        %parallel_loop3A_1965 = arith.index_cast %parallel_loop3A_1957 : i32 to index
        %parallel_loop3A_1966 = tpu.vector_load %arg8[%parallel_loop3A_1964, %parallel_loop3A_1965] {strides = array<i32>} : memref<32x768xf32, #tpu.memory_space<vmem>>, vector<1x16xf32>,
        %parallel_loop3A_1967 = vector.shape_cast %parallel_loop3A_1966 : vector<1x16xf32> to vector<16xf32>
        %parallel_loop3A_1968 = vector.shape_cast %parallel_loop3A_1961 : vector<16xf32> to vector<1x16xf32>
        tpu.vector_store %arg8[%parallel_loop3A_1964, %parallel_loop3A_1965], %parallel_loop3A_1968 {add = true, strides = array<i32>} : memref<32x768xf32, #tpu.memory_space<vmem>>, vector<1x16xf32>,
        %parallel_loop3A_1969 = arith.constant 8 : i32
        %parallel_loop3A_1970 = arith.addi %parallel_loop3A_1969, %scan3A_1952 : i32
        %parallel_loop3A_1971 = arith.index_cast %parallel_loop3A_1970 : i32 to index
        %parallel_loop3A_1972 = arith.index_cast %parallel_loop3A_1957 : i32 to index
        %parallel_loop3A_1973 = tpu.vector_load %arg8[%parallel_loop3A_1971, %parallel_loop3A_1972] {strides = array<i32>} : memref<32x768xf32, #tpu.memory_space<vmem>>, vector<1x16xf32>,
        %parallel_loop3A_1974 = vector.shape_cast %parallel_loop3A_1973 : vector<1x16xf32> to vector<16xf32>
        %parallel_loop3A_1975 = vector.shape_cast %parallel_loop3A_1961 : vector<16xf32> to vector<1x16xf32>
        tpu.vector_store %arg8[%parallel_loop3A_1971, %parallel_loop3A_1972], %parallel_loop3A_1975 {add = true, strides = array<i32>} : memref<32x768xf32, #tpu.memory_space<vmem>>, vector<1x16xf32>,
        %parallel_loop3A_1976 = arith.constant 16 : i32
        %parallel_loop3A_1977 = arith.addi %parallel_loop3A_1976, %scan3A_1952 : i32
        %parallel_loop3A_1978 = arith.index_cast %parallel_loop3A_1977 : i32 to index
        %parallel_loop3A_1979 = arith.index_cast %parallel_loop3A_1957 : i32 to index
        %parallel_loop3A_1980 = tpu.vector_load %arg8[%parallel_loop3A_1978, %parallel_loop3A_1979] {strides = array<i32>} : memref<32x768xf32, #tpu.memory_space<vmem>>, vector<1x16xf32>,
        %parallel_loop3A_1981 = vector.shape_cast %parallel_loop3A_1980 : vector<1x16xf32> to vector<16xf32>
        %parallel_loop3A_1982 = vector.shape_cast %parallel_loop3A_1961 : vector<16xf32> to vector<1x16xf32>
        tpu.vector_store %arg8[%parallel_loop3A_1978, %parallel_loop3A_1979], %parallel_loop3A_1982 {add = true, strides = array<i32>} : memref<32x768xf32, #tpu.memory_space<vmem>>, vector<1x16xf32>,
        %parallel_loop3A_1983 = arith.constant 24 : i32
        %parallel_loop3A_1984 = arith.addi %parallel_loop3A_1983, %scan3A_1952 : i32
        %parallel_loop3A_1985 = arith.index_cast %parallel_loop3A_1984 : i32 to index
        %parallel_loop3A_1986 = arith.index_cast %parallel_loop3A_1957 : i32 to index
        %parallel_loop3A_1987 = tpu.vector_load %arg8[%parallel_loop3A_1985, %parallel_loop3A_1986] {strides = array<i32>} : memref<32x768xf32, #tpu.memory_space<vmem>>, vector<1x16xf32>,
        %parallel_loop3A_1988 = vector.shape_cast %parallel_loop3A_1987 : vector<1x16xf32> to vector<16xf32>
        %parallel_loop3A_1989 = vector.shape_cast %parallel_loop3A_1961 : vector<16xf32> to vector<1x16xf32>
        tpu.vector_store %arg8[%parallel_loop3A_1985, %parallel_loop3A_1986], %parallel_loop3A_1989 {add = true, strides = array<i32>} : memref<32x768xf32, #tpu.memory_space<vmem>>, vector<1x16xf32>,
      } {sc.loop_unroll_factor = 2 : i64, sc.parallel_access}
    }
    %scan3A_180 = arith.constant 8 : i32
    %add3A_181 = arith.constant 0 : i32
    %add3A_182 = arith.addi %add3A_181, %mul3A_2 : i32
    %add3A_183 = arith.constant 8 : i32
    %add3A_184 = arith.addi %add3A_182, %add3A_183 : i32
    %dma_start3A_185 = arith.constant 0 : i32
    %dma_start3A_186 = arith.constant 0 : i32
    %dma_start3A_187 = tpu.memref_slice %arg8[%dma_start3A_185, %dma_start3A_186] : memref<32x768xf32, #tpu.memory_space<vmem>> -> memref<8x768xf32, #tpu.memory_space<vmem>>
    %dma_start3A_188 = arith.constant 0 : i32
    %dma_start3A_189 = tpu.memref_slice %arg5[%add3A_184, %dma_start3A_188] : memref<16384x768xf32, #tpu.memory_space<hbm>> -> memref<8x768xf32, #tpu.memory_space<hbm>>
    %dma_start3A_190 = arith.constant 0 : i32
    %dma_start3A_191 = tpu.memref_slice %arg5[%add3A_184, %dma_start3A_190] : memref<16384x768xf32, #tpu.memory_space<hbm>> -> memref<8x768xf32, #tpu.memory_space<hbm>>
    %dma_start3A_192 = arith.constant 0 : i32
    %dma_start3A_193 = arith.constant 0 : i32
    %dma_start3A_194 = tpu.memref_slice %arg8[%dma_start3A_192, %dma_start3A_193] : memref<32x768xf32, #tpu.memory_space<vmem>> -> memref<8x768xf32, #tpu.memory_space<vmem>>
    tpu.enqueue_dma source(%dma_start3A_194 : memref<8x768xf32, #tpu.memory_space<vmem>>) target(%dma_start3A_191 : memref<8x768xf32, #tpu.memory_space<hbm>>) target_semaphore(%arg24 : memref<!tpu.dma_semaphore, #tpu.memory_space<semaphore_mem>>)
    %add3A_195 = arith.constant 4096 : i32
    %add3A_196 = arith.addi %add3A_195, %mul3A_2 : i32
    %add3A_197 = arith.constant 8 : i32
    %add3A_198 = arith.addi %add3A_196, %add3A_197 : i32
    %dma_start3A_199 = arith.constant 8 : i32
    %dma_start3A_200 = arith.constant 0 : i32
    %dma_start3A_201 = tpu.memref_slice %arg8[%dma_start3A_199, %dma_start3A_200] : memref<32x768xf32, #tpu.memory_space<vmem>> -> memref<8x768xf32, #tpu.memory_space<vmem>>
    %dma_start3A_202 = arith.constant 0 : i32
    %dma_start3A_203 = tpu.memref_slice %arg5[%add3A_198, %dma_start3A_202] : memref<16384x768xf32, #tpu.memory_space<hbm>> -> memref<8x768xf32, #tpu.memory_space<hbm>>
    %dma_start3A_204 = arith.constant 0 : i32
    %dma_start3A_205 = tpu.memref_slice %arg5[%add3A_198, %dma_start3A_204] : memref<16384x768xf32, #tpu.memory_space<hbm>> -> memref<8x768xf32, #tpu.memory_space<hbm>>
    %dma_start3A_206 = arith.constant 8 : i32
    %dma_start3A_207 = arith.constant 0 : i32
    %dma_start3A_208 = tpu.memref_slice %arg8[%dma_start3A_206, %dma_start3A_207] : memref<32x768xf32, #tpu.memory_space<vmem>> -> memref<8x768xf32, #tpu.memory_space<vmem>>
    tpu.enqueue_dma source(%dma_start3A_208 : memref<8x768xf32, #tpu.memory_space<vmem>>) target(%dma_start3A_205 : memref<8x768xf32, #tpu.memory_space<hbm>>) target_semaphore(%arg24 : memref<!tpu.dma_semaphore, #tpu.memory_space<semaphore_mem>>)
    %add3A_209 = arith.constant 8192 : i32
    %add3A_210 = arith.addi %add3A_209, %mul3A_2 : i32
    %add3A_211 = arith.constant 8 : i32
    %add3A_212 = arith.addi %add3A_210, %add3A_211 : i32
    %dma_start3A_213 = arith.constant 16 : i32
    %dma_start3A_214 = arith.constant 0 : i32
    %dma_start3A_215 = tpu.memref_slice %arg8[%dma_start3A_213, %dma_start3A_214] : memref<32x768xf32, #tpu.memory_space<vmem>> -> memref<8x768xf32, #tpu.memory_space<vmem>>
    %dma_start3A_216 = arith.constant 0 : i32
    %dma_start3A_217 = tpu.memref_slice %arg5[%add3A_212, %dma_start3A_216] : memref<16384x768xf32, #tpu.memory_space<hbm>> -> memref<8x768xf32, #tpu.memory_space<hbm>>
    %dma_start3A_218 = arith.constant 0 : i32
    %dma_start3A_219 = tpu.memref_slice %arg5[%add3A_212, %dma_start3A_218] : memref<16384x768xf32, #tpu.memory_space<hbm>> -> memref<8x768xf32, #tpu.memory_space<hbm>>
    %dma_start3A_220 = arith.constant 16 : i32
    %dma_start3A_221 = arith.constant 0 : i32
    %dma_start3A_222 = tpu.memref_slice %arg8[%dma_start3A_220, %dma_start3A_221] : memref<32x768xf32, #tpu.memory_space<vmem>> -> memref<8x768xf32, #tpu.memory_space<vmem>>
    tpu.enqueue_dma source(%dma_start3A_222 : memref<8x768xf32, #tpu.memory_space<vmem>>) target(%dma_start3A_219 : memref<8x768xf32, #tpu.memory_space<hbm>>) target_semaphore(%arg24 : memref<!tpu.dma_semaphore, #tpu.memory_space<semaphore_mem>>)
    %add3A_223 = arith.constant 12288 : i32
    %add3A_224 = arith.addi %add3A_223, %mul3A_2 : i32
    %add3A_225 = arith.constant 8 : i32
    %add3A_226 = arith.addi %add3A_224, %add3A_225 : i32
    %dma_start3A_227 = arith.constant 24 : i32
    %dma_start3A_228 = arith.constant 0 : i32
    %dma_start3A_229 = tpu.memref_slice %arg8[%dma_start3A_227, %dma_start3A_228] : memref<32x768xf32, #tpu.memory_space<vmem>> -> memref<8x768xf32, #tpu.memory_space<vmem>>
    %dma_start3A_230 = arith.constant 0 : i32
    %dma_start3A_231 = tpu.memref_slice %arg5[%add3A_226, %dma_start3A_230] : memref<16384x768xf32, #tpu.memory_space<hbm>> -> memref<8x768xf32, #tpu.memory_space<hbm>>
    %dma_start3A_232 = arith.constant 0 : i32
    %dma_start3A_233 = tpu.memref_slice %arg5[%add3A_226, %dma_start3A_232] : memref<16384x768xf32, #tpu.memory_space<hbm>> -> memref<8x768xf32, #tpu.memory_space<hbm>>
    %dma_start3A_234 = arith.constant 24 : i32
    %dma_start3A_235 = arith.constant 0 : i32
    %dma_start3A_236 = tpu.memref_slice %arg8[%dma_start3A_234, %dma_start3A_235] : memref<32x768xf32, #tpu.memory_space<vmem>> -> memref<8x768xf32, #tpu.memory_space<vmem>>
    tpu.enqueue_dma source(%dma_start3A_236 : memref<8x768xf32, #tpu.memory_space<vmem>>) target(%dma_start3A_233 : memref<8x768xf32, #tpu.memory_space<hbm>>) target_semaphore(%arg24 : memref<!tpu.dma_semaphore, #tpu.memory_space<semaphore_mem>>)
    %dma_wait3A_237 = arith.constant 0 : i32
    %dma_wait3A_238 = arith.constant 0 : i32
    %dma_wait3A_239 = tpu.memref_slice %arg8[%dma_wait3A_237, %dma_wait3A_238] : memref<32x768xf32, #tpu.memory_space<vmem>> -> memref<8x768xf32, #tpu.memory_space<vmem>>
    %dma_wait3A_240 = arith.constant 0 : i32
    %dma_wait3A_241 = tpu.memref_slice %arg5[%add3A_184, %dma_wait3A_240] : memref<16384x768xf32, #tpu.memory_space<hbm>> -> memref<8x768xf32, #tpu.memory_space<hbm>>
    %dma_wait3A_242 = arith.constant 0 : i32
    %dma_wait3A_243 = tpu.memref_slice %arg5[%add3A_184, %dma_wait3A_242] : memref<16384x768xf32, #tpu.memory_space<hbm>> -> memref<8x768xf32, #tpu.memory_space<hbm>>
    %dma_wait3A_244 = arith.constant 0 : i32
    %dma_wait3A_245 = arith.constant 0 : i32
    %dma_wait3A_246 = tpu.memref_slice %arg8[%dma_wait3A_244, %dma_wait3A_245] : memref<32x768xf32, #tpu.memory_space<vmem>> -> memref<8x768xf32, #tpu.memory_space<vmem>>
    tpu.wait_dma2 semaphore(%arg24 : memref<!tpu.dma_semaphore, #tpu.memory_space<semaphore_mem>>) src(%dma_wait3A_246 : memref<8x768xf32, #tpu.memory_space<vmem>>) dst(%dma_wait3A_243 : memref<8x768xf32, #tpu.memory_space<hbm>>)
    %dma_wait3A_247 = arith.constant 8 : i32
    %dma_wait3A_248 = arith.constant 0 : i32
    %dma_wait3A_249 = tpu.memref_slice %arg8[%dma_wait3A_247, %dma_wait3A_248] : memref<32x768xf32, #tpu.memory_space<vmem>> -> memref<8x768xf32, #tpu.memory_space<vmem>>
    %dma_wait3A_250 = arith.constant 0 : i32
    %dma_wait3A_251 = tpu.memref_slice %arg5[%add3A_198, %dma_wait3A_250] : memref<16384x768xf32, #tpu.memory_space<hbm>> -> memref<8x768xf32, #tpu.memory_space<hbm>>
    %dma_wait3A_252 = arith.constant 0 : i32
    %dma_wait3A_253 = tpu.memref_slice %arg5[%add3A_198, %dma_wait3A_252] : memref<16384x768xf32, #tpu.memory_space<hbm>> -> memref<8x768xf32, #tpu.memory_space<hbm>>
    %dma_wait3A_254 = arith.constant 8 : i32
    %dma_wait3A_255 = arith.constant 0 : i32
    %dma_wait3A_256 = tpu.memref_slice %arg8[%dma_wait3A_254, %dma_wait3A_255] : memref<32x768xf32, #tpu.memory_space<vmem>> -> memref<8x768xf32, #tpu.memory_space<vmem>>
    tpu.wait_dma2 semaphore(%arg24 : memref<!tpu.dma_semaphore, #tpu.memory_space<semaphore_mem>>) src(%dma_wait3A_256 : memref<8x768xf32, #tpu.memory_space<vmem>>) dst(%dma_wait3A_253 : memref<8x768xf32, #tpu.memory_space<hbm>>)
    %dma_wait3A_257 = arith.constant 16 : i32
    %dma_wait3A_258 = arith.constant 0 : i32
    %dma_wait3A_259 = tpu.memref_slice %arg8[%dma_wait3A_257, %dma_wait3A_258] : memref<32x768xf32, #tpu.memory_space<vmem>> -> memref<8x768xf32, #tpu.memory_space<vmem>>
    %dma_wait3A_260 = arith.constant 0 : i32
    %dma_wait3A_261 = tpu.memref_slice %arg5[%add3A_212, %dma_wait3A_260] : memref<16384x768xf32, #tpu.memory_space<hbm>> -> memref<8x768xf32, #tpu.memory_space<hbm>>
    %dma_wait3A_262 = arith.constant 0 : i32
    %dma_wait3A_263 = tpu.memref_slice %arg5[%add3A_212, %dma_wait3A_262] : memref<16384x768xf32, #tpu.memory_space<hbm>> -> memref<8x768xf32, #tpu.memory_space<hbm>>
    %dma_wait3A_264 = arith.constant 16 : i32
    %dma_wait3A_265 = arith.constant 0 : i32
    %dma_wait3A_266 = tpu.memref_slice %arg8[%dma_wait3A_264, %dma_wait3A_265] : memref<32x768xf32, #tpu.memory_space<vmem>> -> memref<8x768xf32, #tpu.memory_space<vmem>>
    tpu.wait_dma2 semaphore(%arg24 : memref<!tpu.dma_semaphore, #tpu.memory_space<semaphore_mem>>) src(%dma_wait3A_266 : memref<8x768xf32, #tpu.memory_space<vmem>>) dst(%dma_wait3A_263 : memref<8x768xf32, #tpu.memory_space<hbm>>)
    %dma_wait3A_267 = arith.constant 24 : i32
    %dma_wait3A_268 = arith.constant 0 : i32
    %dma_wait3A_269 = tpu.memref_slice %arg8[%dma_wait3A_267, %dma_wait3A_268] : memref<32x768xf32, #tpu.memory_space<vmem>> -> memref<8x768xf32, #tpu.memory_space<vmem>>
    %dma_wait3A_270 = arith.constant 0 : i32
    %dma_wait3A_271 = tpu.memref_slice %arg5[%add3A_226, %dma_wait3A_270] : memref<16384x768xf32, #tpu.memory_space<hbm>> -> memref<8x768xf32, #tpu.memory_space<hbm>>
    %dma_wait3A_272 = arith.constant 0 : i32
    %dma_wait3A_273 = tpu.memref_slice %arg5[%add3A_226, %dma_wait3A_272] : memref<16384x768xf32, #tpu.memory_space<hbm>> -> memref<8x768xf32, #tpu.memory_space<hbm>>
    %dma_wait3A_274 = arith.constant 24 : i32
    %dma_wait3A_275 = arith.constant 0 : i32
    %dma_wait3A_276 = tpu.memref_slice %arg8[%dma_wait3A_274, %dma_wait3A_275] : memref<32x768xf32, #tpu.memory_space<vmem>> -> memref<8x768xf32, #tpu.memory_space<vmem>>
    tpu.wait_dma2 semaphore(%arg24 : memref<!tpu.dma_semaphore, #tpu.memory_space<semaphore_mem>>) src(%dma_wait3A_276 : memref<8x768xf32, #tpu.memory_space<vmem>>) dst(%dma_wait3A_273 : memref<8x768xf32, #tpu.memory_space<hbm>>)
    %dma_start3A_277 = arith.constant 160 : i32
    %dma_start3A_278 = tpu.memref_slice %arg6[%dma_start3A_277] : memref<512xi32, #tpu.memory_space<vmem>> -> memref<32xi32, #tpu.memory_space<vmem>>
    %dma_start3A_279 = arith.constant 0 : i32
    %dma_start3A_280 = arith.constant 0 : i32
    %dma_start3A_281 = tpu.memref_slice %arg3[%dma_start3A_279, %dma_start3A_280] : memref<100000x768xf32, #tpu.memory_space<hbm>> -> memref<100000x768xf32, #tpu.memory_space<hbm>>
    tpu.enqueue_indirect_dma source(%dma_start3A_281 : memref<100000x768xf32, #tpu.memory_space<hbm>>) target(%arg8 : memref<32x768xf32, #tpu.memory_space<vmem>>) offsets(%dma_start3A_278 : memref<32xi32, #tpu.memory_space<vmem>>) semaphore(%arg16 : memref<!tpu.dma_semaphore, #tpu.memory_space<semaphore_mem>>)
    %add3A_282 = arith.constant 40 : i32
    %add3A_283 = arith.addi %mul3A_2, %add3A_282 : i32
    %dma_start3A_284 = arith.constant 0 : i32
    %dma_start3A_285 = tpu.memref_slice %arg4[%add3A_283, %dma_start3A_284] : memref<4096x768xf32, #tpu.memory_space<hbm>> -> memref<8x768xf32, #tpu.memory_space<hbm>>
    %dma_start3A_286 = arith.constant 0 : i32
    %dma_start3A_287 = tpu.memref_slice %arg4[%add3A_283, %dma_start3A_286] : memref<4096x768xf32, #tpu.memory_space<hbm>> -> memref<8x768xf32, #tpu.memory_space<hbm>>
    tpu.enqueue_dma source(%dma_start3A_287 : memref<8x768xf32, #tpu.memory_space<hbm>>) target(%arg12 : memref<8x768xf32, #tpu.memory_space<vmem>>) target_semaphore(%arg20 : memref<!tpu.dma_semaphore, #tpu.memory_space<semaphore_mem>>)
    %dma_wait3A_288 = arith.constant 64 : i32
    %dma_wait3A_289 = tpu.memref_slice %arg6[%dma_wait3A_288] : memref<512xi32, #tpu.memory_space<vmem>> -> memref<32xi32, #tpu.memory_space<vmem>>
    %dma_wait3A_290 = arith.constant 0 : i32
    %dma_wait3A_291 = arith.constant 0 : i32
    %dma_wait3A_292 = tpu.memref_slice %arg3[%dma_wait3A_290, %dma_wait3A_291] : memref<100000x768xf32, #tpu.memory_space<hbm>> -> memref<100000x768xf32, #tpu.memory_space<hbm>>
    tpu.wait_indirect_dma semaphore(%arg17 : memref<!tpu.dma_semaphore, #tpu.memory_space<semaphore_mem>>) src(%dma_wait3A_292 : memref<100000x768xf32, #tpu.memory_space<hbm>>) dst(%arg9 : memref<32x768xf32, #tpu.memory_space<vmem>>)
    %dma_wait3A_293 = arith.constant 0 : i32
    %dma_wait3A_294 = tpu.memref_slice %arg4[%add3A_30, %dma_wait3A_293] : memref<4096x768xf32, #tpu.memory_space<hbm>> -> memref<8x768xf32, #tpu.memory_space<hbm>>
    %dma_wait3A_295 = arith.constant 0 : i32
    %dma_wait3A_296 = tpu.memref_slice %arg4[%add3A_30, %dma_wait3A_295] : memref<4096x768xf32, #tpu.memory_space<hbm>> -> memref<8x768xf32, #tpu.memory_space<hbm>>
    tpu.wait_dma2 semaphore(%arg21 : memref<!tpu.dma_semaphore, #tpu.memory_space<semaphore_mem>>) src(%dma_wait3A_296 : memref<8x768xf32, #tpu.memory_space<hbm>>) dst(%arg13 : memref<8x768xf32, #tpu.memory_space<vmem>>)
    %scan3A_297 = arith.constant 0 : i32
    %scan3A_298 = arith.constant 0 : i32
    %scan3A_299 = arith.constant 8 : i32
    %scan3A_300 = arith.addi %scan3A_298, %scan3A_299 : i32
    %scan3A_301 = arith.constant 1 : i32
    scf.for %scan3A_1952 = %scan3A_298 to %scan3A_300 step %scan3A_301  : i32 {
      %parallel_loop3A = arith.constant 0 : i32
      %parallel_loop3A_1953 = arith.constant 48 : i32
      %parallel_loop3A_1954 = arith.constant 1 : i32
      scf.for %parallel_loop3A_1955 = %parallel_loop3A to %parallel_loop3A_1953 step %parallel_loop3A_1954  : i32 {
        %parallel_loop3A_1956 = arith.constant 16 : i32
        %parallel_loop3A_1957 = arith.muli %parallel_loop3A_1955, %parallel_loop3A_1956 : i32
        %parallel_loop3A_1958 = arith.index_cast %scan3A_1952 : i32 to index
        %parallel_loop3A_1959 = arith.index_cast %parallel_loop3A_1957 : i32 to index
        %parallel_loop3A_1960 = tpu.vector_load %arg13[%parallel_loop3A_1958, %parallel_loop3A_1959] {strides = array<i32>} : memref<8x768xf32, #tpu.memory_space<vmem>>, vector<1x16xf32>,
        %parallel_loop3A_1961 = vector.shape_cast %parallel_loop3A_1960 : vector<1x16xf32> to vector<16xf32>
        %parallel_loop3A_1962 = arith.constant 0 : i32
        %parallel_loop3A_1963 = arith.addi %parallel_loop3A_1962, %scan3A_1952 : i32
        %parallel_loop3A_1964 = arith.index_cast %parallel_loop3A_1963 : i32 to index
        %parallel_loop3A_1965 = arith.index_cast %parallel_loop3A_1957 : i32 to index
        %parallel_loop3A_1966 = tpu.vector_load %arg9[%parallel_loop3A_1964, %parallel_loop3A_1965] {strides = array<i32>} : memref<32x768xf32, #tpu.memory_space<vmem>>, vector<1x16xf32>,
        %parallel_loop3A_1967 = vector.shape_cast %parallel_loop3A_1966 : vector<1x16xf32> to vector<16xf32>
        %parallel_loop3A_1968 = vector.shape_cast %parallel_loop3A_1961 : vector<16xf32> to vector<1x16xf32>
        tpu.vector_store %arg9[%parallel_loop3A_1964, %parallel_loop3A_1965], %parallel_loop3A_1968 {add = true, strides = array<i32>} : memref<32x768xf32, #tpu.memory_space<vmem>>, vector<1x16xf32>,
        %parallel_loop3A_1969 = arith.constant 8 : i32
        %parallel_loop3A_1970 = arith.addi %parallel_loop3A_1969, %scan3A_1952 : i32
        %parallel_loop3A_1971 = arith.index_cast %parallel_loop3A_1970 : i32 to index
        %parallel_loop3A_1972 = arith.index_cast %parallel_loop3A_1957 : i32 to index
        %parallel_loop3A_1973 = tpu.vector_load %arg9[%parallel_loop3A_1971, %parallel_loop3A_1972] {strides = array<i32>} : memref<32x768xf32, #tpu.memory_space<vmem>>, vector<1x16xf32>,
        %parallel_loop3A_1974 = vector.shape_cast %parallel_loop3A_1973 : vector<1x16xf32> to vector<16xf32>
        %parallel_loop3A_1975 = vector.shape_cast %parallel_loop3A_1961 : vector<16xf32> to vector<1x16xf32>
        tpu.vector_store %arg9[%parallel_loop3A_1971, %parallel_loop3A_1972], %parallel_loop3A_1975 {add = true, strides = array<i32>} : memref<32x768xf32, #tpu.memory_space<vmem>>, vector<1x16xf32>,
        %parallel_loop3A_1976 = arith.constant 16 : i32
        %parallel_loop3A_1977 = arith.addi %parallel_loop3A_1976, %scan3A_1952 : i32
        %parallel_loop3A_1978 = arith.index_cast %parallel_loop3A_1977 : i32 to index
        %parallel_loop3A_1979 = arith.index_cast %parallel_loop3A_1957 : i32 to index
        %parallel_loop3A_1980 = tpu.vector_load %arg9[%parallel_loop3A_1978, %parallel_loop3A_1979] {strides = array<i32>} : memref<32x768xf32, #tpu.memory_space<vmem>>, vector<1x16xf32>,
        %parallel_loop3A_1981 = vector.shape_cast %parallel_loop3A_1980 : vector<1x16xf32> to vector<16xf32>
        %parallel_loop3A_1982 = vector.shape_cast %parallel_loop3A_1961 : vector<16xf32> to vector<1x16xf32>
        tpu.vector_store %arg9[%parallel_loop3A_1978, %parallel_loop3A_1979], %parallel_loop3A_1982 {add = true, strides = array<i32>} : memref<32x768xf32, #tpu.memory_space<vmem>>, vector<1x16xf32>,
        %parallel_loop3A_1983 = arith.constant 24 : i32
        %parallel_loop3A_1984 = arith.addi %parallel_loop3A_1983, %scan3A_1952 : i32
        %parallel_loop3A_1985 = arith.index_cast %parallel_loop3A_1984 : i32 to index
        %parallel_loop3A_1986 = arith.index_cast %parallel_loop3A_1957 : i32 to index
        %parallel_loop3A_1987 = tpu.vector_load %arg9[%parallel_loop3A_1985, %parallel_loop3A_1986] {strides = array<i32>} : memref<32x768xf32, #tpu.memory_space<vmem>>, vector<1x16xf32>,
        %parallel_loop3A_1988 = vector.shape_cast %parallel_loop3A_1987 : vector<1x16xf32> to vector<16xf32>
        %parallel_loop3A_1989 = vector.shape_cast %parallel_loop3A_1961 : vector<16xf32> to vector<1x16xf32>
        tpu.vector_store %arg9[%parallel_loop3A_1985, %parallel_loop3A_1986], %parallel_loop3A_1989 {add = true, strides = array<i32>} : memref<32x768xf32, #tpu.memory_space<vmem>>, vector<1x16xf32>,
      } {sc.loop_unroll_factor = 2 : i64, sc.parallel_access}
    }
    %scan3A_302 = arith.constant 8 : i32
    %add3A_303 = arith.constant 0 : i32
    %add3A_304 = arith.addi %add3A_303, %mul3A_2 : i32
    %add3A_305 = arith.constant 16 : i32
    %add3A_306 = arith.addi %add3A_304, %add3A_305 : i32
    %dma_start3A_307 = arith.constant 0 : i32
    %dma_start3A_308 = arith.constant 0 : i32
    %dma_start3A_309 = tpu.memref_slice %arg9[%dma_start3A_307, %dma_start3A_308] : memref<32x768xf32, #tpu.memory_space<vmem>> -> memref<8x768xf32, #tpu.memory_space<vmem>>
    %dma_start3A_310 = arith.constant 0 : i32
    %dma_start3A_311 = tpu.memref_slice %arg5[%add3A_306, %dma_start3A_310] : memref<16384x768xf32, #tpu.memory_space<hbm>> -> memref<8x768xf32, #tpu.memory_space<hbm>>
    %dma_start3A_312 = arith.constant 0 : i32
    %dma_start3A_313 = tpu.memref_slice %arg5[%add3A_306, %dma_start3A_312] : memref<16384x768xf32, #tpu.memory_space<hbm>> -> memref<8x768xf32, #tpu.memory_space<hbm>>
    %dma_start3A_314 = arith.constant 0 : i32
    %dma_start3A_315 = arith.constant 0 : i32
    %dma_start3A_316 = tpu.memref_slice %arg9[%dma_start3A_314, %dma_start3A_315] : memref<32x768xf32, #tpu.memory_space<vmem>> -> memref<8x768xf32, #tpu.memory_space<vmem>>
    tpu.enqueue_dma source(%dma_start3A_316 : memref<8x768xf32, #tpu.memory_space<vmem>>) target(%dma_start3A_313 : memref<8x768xf32, #tpu.memory_space<hbm>>) target_semaphore(%arg25 : memref<!tpu.dma_semaphore, #tpu.memory_space<semaphore_mem>>)
    %add3A_317 = arith.constant 4096 : i32
    %add3A_318 = arith.addi %add3A_317, %mul3A_2 : i32
    %add3A_319 = arith.constant 16 : i32
    %add3A_320 = arith.addi %add3A_318, %add3A_319 : i32
    %dma_start3A_321 = arith.constant 8 : i32
    %dma_start3A_322 = arith.constant 0 : i32
    %dma_start3A_323 = tpu.memref_slice %arg9[%dma_start3A_321, %dma_start3A_322] : memref<32x768xf32, #tpu.memory_space<vmem>> -> memref<8x768xf32, #tpu.memory_space<vmem>>
    %dma_start3A_324 = arith.constant 0 : i32
    %dma_start3A_325 = tpu.memref_slice %arg5[%add3A_320, %dma_start3A_324] : memref<16384x768xf32, #tpu.memory_space<hbm>> -> memref<8x768xf32, #tpu.memory_space<hbm>>
    %dma_start3A_326 = arith.constant 0 : i32
    %dma_start3A_327 = tpu.memref_slice %arg5[%add3A_320, %dma_start3A_326] : memref<16384x768xf32, #tpu.memory_space<hbm>> -> memref<8x768xf32, #tpu.memory_space<hbm>>
    %dma_start3A_328 = arith.constant 8 : i32
    %dma_start3A_329 = arith.constant 0 : i32
    %dma_start3A_330 = tpu.memref_slice %arg9[%dma_start3A_328, %dma_start3A_329] : memref<32x768xf32, #tpu.memory_space<vmem>> -> memref<8x768xf32, #tpu.memory_space<vmem>>
    tpu.enqueue_dma source(%dma_start3A_330 : memref<8x768xf32, #tpu.memory_space<vmem>>) target(%dma_start3A_327 : memref<8x768xf32, #tpu.memory_space<hbm>>) target_semaphore(%arg25 : memref<!tpu.dma_semaphore, #tpu.memory_space<semaphore_mem>>)
    %add3A_331 = arith.constant 8192 : i32
    %add3A_332 = arith.addi %add3A_331, %mul3A_2 : i32
    %add3A_333 = arith.constant 16 : i32
    %add3A_334 = arith.addi %add3A_332, %add3A_333 : i32
    %dma_start3A_335 = arith.constant 16 : i32
    %dma_start3A_336 = arith.constant 0 : i32
    %dma_start3A_337 = tpu.memref_slice %arg9[%dma_start3A_335, %dma_start3A_336] : memref<32x768xf32, #tpu.memory_space<vmem>> -> memref<8x768xf32, #tpu.memory_space<vmem>>
    %dma_start3A_338 = arith.constant 0 : i32
    %dma_start3A_339 = tpu.memref_slice %arg5[%add3A_334, %dma_start3A_338] : memref<16384x768xf32, #tpu.memory_space<hbm>> -> memref<8x768xf32, #tpu.memory_space<hbm>>
    %dma_start3A_340 = arith.constant 0 : i32
    %dma_start3A_341 = tpu.memref_slice %arg5[%add3A_334, %dma_start3A_340] : memref<16384x768xf32, #tpu.memory_space<hbm>> -> memref<8x768xf32, #tpu.memory_space<hbm>>
    %dma_start3A_342 = arith.constant 16 : i32
    %dma_start3A_343 = arith.constant 0 : i32
    %dma_start3A_344 = tpu.memref_slice %arg9[%dma_start3A_342, %dma_start3A_343] : memref<32x768xf32, #tpu.memory_space<vmem>> -> memref<8x768xf32, #tpu.memory_space<vmem>>
    tpu.enqueue_dma source(%dma_start3A_344 : memref<8x768xf32, #tpu.memory_space<vmem>>) target(%dma_start3A_341 : memref<8x768xf32, #tpu.memory_space<hbm>>) target_semaphore(%arg25 : memref<!tpu.dma_semaphore, #tpu.memory_space<semaphore_mem>>)
    %add3A_345 = arith.constant 12288 : i32
    %add3A_346 = arith.addi %add3A_345, %mul3A_2 : i32
    %add3A_347 = arith.constant 16 : i32
    %add3A_348 = arith.addi %add3A_346, %add3A_347 : i32
    %dma_start3A_349 = arith.constant 24 : i32
    %dma_start3A_350 = arith.constant 0 : i32
    %dma_start3A_351 = tpu.memref_slice %arg9[%dma_start3A_349, %dma_start3A_350] : memref<32x768xf32, #tpu.memory_space<vmem>> -> memref<8x768xf32, #tpu.memory_space<vmem>>
    %dma_start3A_352 = arith.constant 0 : i32
    %dma_start3A_353 = tpu.memref_slice %arg5[%add3A_348, %dma_start3A_352] : memref<16384x768xf32, #tpu.memory_space<hbm>> -> memref<8x768xf32, #tpu.memory_space<hbm>>
    %dma_start3A_354 = arith.constant 0 : i32
    %dma_start3A_355 = tpu.memref_slice %arg5[%add3A_348, %dma_start3A_354] : memref<16384x768xf32, #tpu.memory_space<hbm>> -> memref<8x768xf32, #tpu.memory_space<hbm>>
    %dma_start3A_356 = arith.constant 24 : i32
    %dma_start3A_357 = arith.constant 0 : i32
    %dma_start3A_358 = tpu.memref_slice %arg9[%dma_start3A_356, %dma_start3A_357] : memref<32x768xf32, #tpu.memory_space<vmem>> -> memref<8x768xf32, #tpu.memory_space<vmem>>
    tpu.enqueue_dma source(%dma_start3A_358 : memref<8x768xf32, #tpu.memory_space<vmem>>) target(%dma_start3A_355 : memref<8x768xf32, #tpu.memory_space<hbm>>) target_semaphore(%arg25 : memref<!tpu.dma_semaphore, #tpu.memory_space<semaphore_mem>>)
    %dma_wait3A_359 = arith.constant 0 : i32
    %dma_wait3A_360 = arith.constant 0 : i32
    %dma_wait3A_361 = tpu.memref_slice %arg9[%dma_wait3A_359, %dma_wait3A_360] : memref<32x768xf32, #tpu.memory_space<vmem>> -> memref<8x768xf32, #tpu.memory_space<vmem>>
    %dma_wait3A_362 = arith.constant 0 : i32
    %dma_wait3A_363 = tpu.memref_slice %arg5[%add3A_306, %dma_wait3A_362] : memref<16384x768xf32, #tpu.memory_space<hbm>> -> memref<8x768xf32, #tpu.memory_space<hbm>>
    %dma_wait3A_364 = arith.constant 0 : i32
    %dma_wait3A_365 = tpu.memref_slice %arg5[%add3A_306, %dma_wait3A_364] : memref<16384x768xf32, #tpu.memory_space<hbm>> -> memref<8x768xf32, #tpu.memory_space<hbm>>
    %dma_wait3A_366 = arith.constant 0 : i32
    %dma_wait3A_367 = arith.constant 0 : i32
    %dma_wait3A_368 = tpu.memref_slice %arg9[%dma_wait3A_366, %dma_wait3A_367] : memref<32x768xf32, #tpu.memory_space<vmem>> -> memref<8x768xf32, #tpu.memory_space<vmem>>
    tpu.wait_dma2 semaphore(%arg25 : memref<!tpu.dma_semaphore, #tpu.memory_space<semaphore_mem>>) src(%dma_wait3A_368 : memref<8x768xf32, #tpu.memory_space<vmem>>) dst(%dma_wait3A_365 : memref<8x768xf32, #tpu.memory_space<hbm>>)
    %dma_wait3A_369 = arith.constant 8 : i32
    %dma_wait3A_370 = arith.constant 0 : i32
    %dma_wait3A_371 = tpu.memref_slice %arg9[%dma_wait3A_369, %dma_wait3A_370] : memref<32x768xf32, #tpu.memory_space<vmem>> -> memref<8x768xf32, #tpu.memory_space<vmem>>
    %dma_wait3A_372 = arith.constant 0 : i32
    %dma_wait3A_373 = tpu.memref_slice %arg5[%add3A_320, %dma_wait3A_372] : memref<16384x768xf32, #tpu.memory_space<hbm>> -> memref<8x768xf32, #tpu.memory_space<hbm>>
    %dma_wait3A_374 = arith.constant 0 : i32
    %dma_wait3A_375 = tpu.memref_slice %arg5[%add3A_320, %dma_wait3A_374] : memref<16384x768xf32, #tpu.memory_space<hbm>> -> memref<8x768xf32, #tpu.memory_space<hbm>>
    %dma_wait3A_376 = arith.constant 8 : i32
    %dma_wait3A_377 = arith.constant 0 : i32
    %dma_wait3A_378 = tpu.memref_slice %arg9[%dma_wait3A_376, %dma_wait3A_377] : memref<32x768xf32, #tpu.memory_space<vmem>> -> memref<8x768xf32, #tpu.memory_space<vmem>>
    tpu.wait_dma2 semaphore(%arg25 : memref<!tpu.dma_semaphore, #tpu.memory_space<semaphore_mem>>) src(%dma_wait3A_378 : memref<8x768xf32, #tpu.memory_space<vmem>>) dst(%dma_wait3A_375 : memref<8x768xf32, #tpu.memory_space<hbm>>)
    %dma_wait3A_379 = arith.constant 16 : i32
    %dma_wait3A_380 = arith.constant 0 : i32
    %dma_wait3A_381 = tpu.memref_slice %arg9[%dma_wait3A_379, %dma_wait3A_380] : memref<32x768xf32, #tpu.memory_space<vmem>> -> memref<8x768xf32, #tpu.memory_space<vmem>>
    %dma_wait3A_382 = arith.constant 0 : i32
    %dma_wait3A_383 = tpu.memref_slice %arg5[%add3A_334, %dma_wait3A_382] : memref<16384x768xf32, #tpu.memory_space<hbm>> -> memref<8x768xf32, #tpu.memory_space<hbm>>
    %dma_wait3A_384 = arith.constant 0 : i32
    %dma_wait3A_385 = tpu.memref_slice %arg5[%add3A_334, %dma_wait3A_384] : memref<16384x768xf32, #tpu.memory_space<hbm>> -> memref<8x768xf32, #tpu.memory_space<hbm>>
    %dma_wait3A_386 = arith.constant 16 : i32
    %dma_wait3A_387 = arith.constant 0 : i32
    %dma_wait3A_388 = tpu.memref_slice %arg9[%dma_wait3A_386, %dma_wait3A_387] : memref<32x768xf32, #tpu.memory_space<vmem>> -> memref<8x768xf32, #tpu.memory_space<vmem>>
    tpu.wait_dma2 semaphore(%arg25 : memref<!tpu.dma_semaphore, #tpu.memory_space<semaphore_mem>>) src(%dma_wait3A_388 : memref<8x768xf32, #tpu.memory_space<vmem>>) dst(%dma_wait3A_385 : memref<8x768xf32, #tpu.memory_space<hbm>>)
    %dma_wait3A_389 = arith.constant 24 : i32
    %dma_wait3A_390 = arith.constant 0 : i32
    %dma_wait3A_391 = tpu.memref_slice %arg9[%dma_wait3A_389, %dma_wait3A_390] : memref<32x768xf32, #tpu.memory_space<vmem>> -> memref<8x768xf32, #tpu.memory_space<vmem>>
    %dma_wait3A_392 = arith.constant 0 : i32
    %dma_wait3A_393 = tpu.memref_slice %arg5[%add3A_348, %dma_wait3A_392] : memref<16384x768xf32, #tpu.memory_space<hbm>> -> memref<8x768xf32, #tpu.memory_space<hbm>>
    %dma_wait3A_394 = arith.constant 0 : i32
    %dma_wait3A_395 = tpu.memref_slice %arg5[%add3A_348, %dma_wait3A_394] : memref<16384x768xf32, #tpu.memory_space<hbm>> -> memref<8x768xf32, #tpu.memory_space<hbm>>
    %dma_wait3A_396 = arith.constant 24 : i32
    %dma_wait3A_397 = arith.constant 0 : i32
    %dma_wait3A_398 = tpu.memref_slice %arg9[%dma_wait3A_396, %dma_wait3A_397] : memref<32x768xf32, #tpu.memory_space<vmem>> -> memref<8x768xf32, #tpu.memory_space<vmem>>
    tpu.wait_dma2 semaphore(%arg25 : memref<!tpu.dma_semaphore, #tpu.memory_space<semaphore_mem>>) src(%dma_wait3A_398 : memref<8x768xf32, #tpu.memory_space<vmem>>) dst(%dma_wait3A_395 : memref<8x768xf32, #tpu.memory_space<hbm>>)
    %dma_start3A_399 = arith.constant 192 : i32
    %dma_start3A_400 = tpu.memref_slice %arg6[%dma_start3A_399] : memref<512xi32, #tpu.memory_space<vmem>> -> memref<32xi32, #tpu.memory_space<vmem>>
    %dma_start3A_401 = arith.constant 0 : i32
    %dma_start3A_402 = arith.constant 0 : i32
    %dma_start3A_403 = tpu.memref_slice %arg3[%dma_start3A_401, %dma_start3A_402] : memref<100000x768xf32, #tpu.memory_space<hbm>> -> memref<100000x768xf32, #tpu.memory_space<hbm>>
    tpu.enqueue_indirect_dma source(%dma_start3A_403 : memref<100000x768xf32, #tpu.memory_space<hbm>>) target(%arg9 : memref<32x768xf32, #tpu.memory_space<vmem>>) offsets(%dma_start3A_400 : memref<32xi32, #tpu.memory_space<vmem>>) semaphore(%arg17 : memref<!tpu.dma_semaphore, #tpu.memory_space<semaphore_mem>>)
    %add3A_404 = arith.constant 48 : i32
    %add3A_405 = arith.addi %mul3A_2, %add3A_404 : i32
    %dma_start3A_406 = arith.constant 0 : i32
    %dma_start3A_407 = tpu.memref_slice %arg4[%add3A_405, %dma_start3A_406] : memref<4096x768xf32, #tpu.memory_space<hbm>> -> memref<8x768xf32, #tpu.memory_space<hbm>>
    %dma_start3A_408 = arith.constant 0 : i32
    %dma_start3A_409 = tpu.memref_slice %arg4[%add3A_405, %dma_start3A_408] : memref<4096x768xf32, #tpu.memory_space<hbm>> -> memref<8x768xf32, #tpu.memory_space<hbm>>
    tpu.enqueue_dma source(%dma_start3A_409 : memref<8x768xf32, #tpu.memory_space<hbm>>) target(%arg13 : memref<8x768xf32, #tpu.memory_space<vmem>>) target_semaphore(%arg21 : memref<!tpu.dma_semaphore, #tpu.memory_space<semaphore_mem>>)
    %dma_wait3A_410 = arith.constant 96 : i32
    %dma_wait3A_411 = tpu.memref_slice %arg6[%dma_wait3A_410] : memref<512xi32, #tpu.memory_space<vmem>> -> memref<32xi32, #tpu.memory_space<vmem>>
    %dma_wait3A_412 = arith.constant 0 : i32
    %dma_wait3A_413 = arith.constant 0 : i32
    %dma_wait3A_414 = tpu.memref_slice %arg3[%dma_wait3A_412, %dma_wait3A_413] : memref<100000x768xf32, #tpu.memory_space<hbm>> -> memref<100000x768xf32, #tpu.memory_space<hbm>>
    tpu.wait_indirect_dma semaphore(%arg18 : memref<!tpu.dma_semaphore, #tpu.memory_space<semaphore_mem>>) src(%dma_wait3A_414 : memref<100000x768xf32, #tpu.memory_space<hbm>>) dst(%arg10 : memref<32x768xf32, #tpu.memory_space<vmem>>)
    %dma_wait3A_415 = arith.constant 0 : i32
    %dma_wait3A_416 = tpu.memref_slice %arg4[%add3A_41, %dma_wait3A_415] : memref<4096x768xf32, #tpu.memory_space<hbm>> -> memref<8x768xf32, #tpu.memory_space<hbm>>
    %dma_wait3A_417 = arith.constant 0 : i32
    %dma_wait3A_418 = tpu.memref_slice %arg4[%add3A_41, %dma_wait3A_417] : memref<4096x768xf32, #tpu.memory_space<hbm>> -> memref<8x768xf32, #tpu.memory_space<hbm>>
    tpu.wait_dma2 semaphore(%arg22 : memref<!tpu.dma_semaphore, #tpu.memory_space<semaphore_mem>>) src(%dma_wait3A_418 : memref<8x768xf32, #tpu.memory_space<hbm>>) dst(%arg14 : memref<8x768xf32, #tpu.memory_space<vmem>>)
    %scan3A_419 = arith.constant 0 : i32
    %scan3A_420 = arith.constant 0 : i32
    %scan3A_421 = arith.constant 8 : i32
    %scan3A_422 = arith.addi %scan3A_420, %scan3A_421 : i32
    %scan3A_423 = arith.constant 1 : i32
    scf.for %scan3A_1952 = %scan3A_420 to %scan3A_422 step %scan3A_423  : i32 {
      %parallel_loop3A = arith.constant 0 : i32
      %parallel_loop3A_1953 = arith.constant 48 : i32
      %parallel_loop3A_1954 = arith.constant 1 : i32
      scf.for %parallel_loop3A_1955 = %parallel_loop3A to %parallel_loop3A_1953 step %parallel_loop3A_1954  : i32 {
        %parallel_loop3A_1956 = arith.constant 16 : i32
        %parallel_loop3A_1957 = arith.muli %parallel_loop3A_1955, %parallel_loop3A_1956 : i32
        %parallel_loop3A_1958 = arith.index_cast %scan3A_1952 : i32 to index
        %parallel_loop3A_1959 = arith.index_cast %parallel_loop3A_1957 : i32 to index
        %parallel_loop3A_1960 = tpu.vector_load %arg14[%parallel_loop3A_1958, %parallel_loop3A_1959] {strides = array<i32>} : memref<8x768xf32, #tpu.memory_space<vmem>>, vector<1x16xf32>,
        %parallel_loop3A_1961 = vector.shape_cast %parallel_loop3A_1960 : vector<1x16xf32> to vector<16xf32>
        %parallel_loop3A_1962 = arith.constant 0 : i32
        %parallel_loop3A_1963 = arith.addi %parallel_loop3A_1962, %scan3A_1952 : i32
        %parallel_loop3A_1964 = arith.index_cast %parallel_loop3A_1963 : i32 to index
        %parallel_loop3A_1965 = arith.index_cast %parallel_loop3A_1957 : i32 to index
        %parallel_loop3A_1966 = tpu.vector_load %arg10[%parallel_loop3A_1964, %parallel_loop3A_1965] {strides = array<i32>} : memref<32x768xf32, #tpu.memory_space<vmem>>, vector<1x16xf32>,
        %parallel_loop3A_1967 = vector.shape_cast %parallel_loop3A_1966 : vector<1x16xf32> to vector<16xf32>
        %parallel_loop3A_1968 = vector.shape_cast %parallel_loop3A_1961 : vector<16xf32> to vector<1x16xf32>
        tpu.vector_store %arg10[%parallel_loop3A_1964, %parallel_loop3A_1965], %parallel_loop3A_1968 {add = true, strides = array<i32>} : memref<32x768xf32, #tpu.memory_space<vmem>>, vector<1x16xf32>,
        %parallel_loop3A_1969 = arith.constant 8 : i32
        %parallel_loop3A_1970 = arith.addi %parallel_loop3A_1969, %scan3A_1952 : i32
        %parallel_loop3A_1971 = arith.index_cast %parallel_loop3A_1970 : i32 to index
        %parallel_loop3A_1972 = arith.index_cast %parallel_loop3A_1957 : i32 to index
        %parallel_loop3A_1973 = tpu.vector_load %arg10[%parallel_loop3A_1971, %parallel_loop3A_1972] {strides = array<i32>} : memref<32x768xf32, #tpu.memory_space<vmem>>, vector<1x16xf32>,
        %parallel_loop3A_1974 = vector.shape_cast %parallel_loop3A_1973 : vector<1x16xf32> to vector<16xf32>
        %parallel_loop3A_1975 = vector.shape_cast %parallel_loop3A_1961 : vector<16xf32> to vector<1x16xf32>
        tpu.vector_store %arg10[%parallel_loop3A_1971, %parallel_loop3A_1972], %parallel_loop3A_1975 {add = true, strides = array<i32>} : memref<32x768xf32, #tpu.memory_space<vmem>>, vector<1x16xf32>,
        %parallel_loop3A_1976 = arith.constant 16 : i32
        %parallel_loop3A_1977 = arith.addi %parallel_loop3A_1976, %scan3A_1952 : i32
        %parallel_loop3A_1978 = arith.index_cast %parallel_loop3A_1977 : i32 to index
        %parallel_loop3A_1979 = arith.index_cast %parallel_loop3A_1957 : i32 to index
        %parallel_loop3A_1980 = tpu.vector_load %arg10[%parallel_loop3A_1978, %parallel_loop3A_1979] {strides = array<i32>} : memref<32x768xf32, #tpu.memory_space<vmem>>, vector<1x16xf32>,
        %parallel_loop3A_1981 = vector.shape_cast %parallel_loop3A_1980 : vector<1x16xf32> to vector<16xf32>
        %parallel_loop3A_1982 = vector.shape_cast %parallel_loop3A_1961 : vector<16xf32> to vector<1x16xf32>
        tpu.vector_store %arg10[%parallel_loop3A_1978, %parallel_loop3A_1979], %parallel_loop3A_1982 {add = true, strides = array<i32>} : memref<32x768xf32, #tpu.memory_space<vmem>>, vector<1x16xf32>,
        %parallel_loop3A_1983 = arith.constant 24 : i32
        %parallel_loop3A_1984 = arith.addi %parallel_loop3A_1983, %scan3A_1952 : i32
        %parallel_loop3A_1985 = arith.index_cast %parallel_loop3A_1984 : i32 to index
        %parallel_loop3A_1986 = arith.index_cast %parallel_loop3A_1957 : i32 to index
        %parallel_loop3A_1987 = tpu.vector_load %arg10[%parallel_loop3A_1985, %parallel_loop3A_1986] {strides = array<i32>} : memref<32x768xf32, #tpu.memory_space<vmem>>, vector<1x16xf32>,
        %parallel_loop3A_1988 = vector.shape_cast %parallel_loop3A_1987 : vector<1x16xf32> to vector<16xf32>
        %parallel_loop3A_1989 = vector.shape_cast %parallel_loop3A_1961 : vector<16xf32> to vector<1x16xf32>
        tpu.vector_store %arg10[%parallel_loop3A_1985, %parallel_loop3A_1986], %parallel_loop3A_1989 {add = true, strides = array<i32>} : memref<32x768xf32, #tpu.memory_space<vmem>>, vector<1x16xf32>,
      } {sc.loop_unroll_factor = 2 : i64, sc.parallel_access}
    }
    %scan3A_424 = arith.constant 8 : i32
    %add3A_425 = arith.constant 0 : i32
    %add3A_426 = arith.addi %add3A_425, %mul3A_2 : i32
    %add3A_427 = arith.constant 24 : i32
    %add3A_428 = arith.addi %add3A_426, %add3A_427 : i32
    %dma_start3A_429 = arith.constant 0 : i32
    %dma_start3A_430 = arith.constant 0 : i32
    %dma_start3A_431 = tpu.memref_slice %arg10[%dma_start3A_429, %dma_start3A_430] : memref<32x768xf32, #tpu.memory_space<vmem>> -> memref<8x768xf32, #tpu.memory_space<vmem>>
    %dma_start3A_432 = arith.constant 0 : i32
    %dma_start3A_433 = tpu.memref_slice %arg5[%add3A_428, %dma_start3A_432] : memref<16384x768xf32, #tpu.memory_space<hbm>> -> memref<8x768xf32, #tpu.memory_space<hbm>>
    %dma_start3A_434 = arith.constant 0 : i32
    %dma_start3A_435 = tpu.memref_slice %arg5[%add3A_428, %dma_start3A_434] : memref<16384x768xf32, #tpu.memory_space<hbm>> -> memref<8x768xf32, #tpu.memory_space<hbm>>
    %dma_start3A_436 = arith.constant 0 : i32
    %dma_start3A_437 = arith.constant 0 : i32
    %dma_start3A_438 = tpu.memref_slice %arg10[%dma_start3A_436, %dma_start3A_437] : memref<32x768xf32, #tpu.memory_space<vmem>> -> memref<8x768xf32, #tpu.memory_space<vmem>>
    tpu.enqueue_dma source(%dma_start3A_438 : memref<8x768xf32, #tpu.memory_space<vmem>>) target(%dma_start3A_435 : memref<8x768xf32, #tpu.memory_space<hbm>>) target_semaphore(%arg26 : memref<!tpu.dma_semaphore, #tpu.memory_space<semaphore_mem>>)
    %add3A_439 = arith.constant 4096 : i32
    %add3A_440 = arith.addi %add3A_439, %mul3A_2 : i32
    %add3A_441 = arith.constant 24 : i32
    %add3A_442 = arith.addi %add3A_440, %add3A_441 : i32
    %dma_start3A_443 = arith.constant 8 : i32
    %dma_start3A_444 = arith.constant 0 : i32
    %dma_start3A_445 = tpu.memref_slice %arg10[%dma_start3A_443, %dma_start3A_444] : memref<32x768xf32, #tpu.memory_space<vmem>> -> memref<8x768xf32, #tpu.memory_space<vmem>>
    %dma_start3A_446 = arith.constant 0 : i32
    %dma_start3A_447 = tpu.memref_slice %arg5[%add3A_442, %dma_start3A_446] : memref<16384x768xf32, #tpu.memory_space<hbm>> -> memref<8x768xf32, #tpu.memory_space<hbm>>
    %dma_start3A_448 = arith.constant 0 : i32
    %dma_start3A_449 = tpu.memref_slice %arg5[%add3A_442, %dma_start3A_448] : memref<16384x768xf32, #tpu.memory_space<hbm>> -> memref<8x768xf32, #tpu.memory_space<hbm>>
    %dma_start3A_450 = arith.constant 8 : i32
    %dma_start3A_451 = arith.constant 0 : i32
    %dma_start3A_452 = tpu.memref_slice %arg10[%dma_start3A_450, %dma_start3A_451] : memref<32x768xf32, #tpu.memory_space<vmem>> -> memref<8x768xf32, #tpu.memory_space<vmem>>
    tpu.enqueue_dma source(%dma_start3A_452 : memref<8x768xf32, #tpu.memory_space<vmem>>) target(%dma_start3A_449 : memref<8x768xf32, #tpu.memory_space<hbm>>) target_semaphore(%arg26 : memref<!tpu.dma_semaphore, #tpu.memory_space<semaphore_mem>>)
    %add3A_453 = arith.constant 8192 : i32
    %add3A_454 = arith.addi %add3A_453, %mul3A_2 : i32
    %add3A_455 = arith.constant 24 : i32
    %add3A_456 = arith.addi %add3A_454, %add3A_455 : i32
    %dma_start3A_457 = arith.constant 16 : i32
    %dma_start3A_458 = arith.constant 0 : i32
    %dma_start3A_459 = tpu.memref_slice %arg10[%dma_start3A_457, %dma_start3A_458] : memref<32x768xf32, #tpu.memory_space<vmem>> -> memref<8x768xf32, #tpu.memory_space<vmem>>
    %dma_start3A_460 = arith.constant 0 : i32
    %dma_start3A_461 = tpu.memref_slice %arg5[%add3A_456, %dma_start3A_460] : memref<16384x768xf32, #tpu.memory_space<hbm>> -> memref<8x768xf32, #tpu.memory_space<hbm>>
    %dma_start3A_462 = arith.constant 0 : i32
    %dma_start3A_463 = tpu.memref_slice %arg5[%add3A_456, %dma_start3A_462] : memref<16384x768xf32, #tpu.memory_space<hbm>> -> memref<8x768xf32, #tpu.memory_space<hbm>>
    %dma_start3A_464 = arith.constant 16 : i32
    %dma_start3A_465 = arith.constant 0 : i32
    %dma_start3A_466 = tpu.memref_slice %arg10[%dma_start3A_464, %dma_start3A_465] : memref<32x768xf32, #tpu.memory_space<vmem>> -> memref<8x768xf32, #tpu.memory_space<vmem>>
    tpu.enqueue_dma source(%dma_start3A_466 : memref<8x768xf32, #tpu.memory_space<vmem>>) target(%dma_start3A_463 : memref<8x768xf32, #tpu.memory_space<hbm>>) target_semaphore(%arg26 : memref<!tpu.dma_semaphore, #tpu.memory_space<semaphore_mem>>)
    %add3A_467 = arith.constant 12288 : i32
    %add3A_468 = arith.addi %add3A_467, %mul3A_2 : i32
    %add3A_469 = arith.constant 24 : i32
    %add3A_470 = arith.addi %add3A_468, %add3A_469 : i32
    %dma_start3A_471 = arith.constant 24 : i32
    %dma_start3A_472 = arith.constant 0 : i32
    %dma_start3A_473 = tpu.memref_slice %arg10[%dma_start3A_471, %dma_start3A_472] : memref<32x768xf32, #tpu.memory_space<vmem>> -> memref<8x768xf32, #tpu.memory_space<vmem>>
    %dma_start3A_474 = arith.constant 0 : i32
    %dma_start3A_475 = tpu.memref_slice %arg5[%add3A_470, %dma_start3A_474] : memref<16384x768xf32, #tpu.memory_space<hbm>> -> memref<8x768xf32, #tpu.memory_space<hbm>>
    %dma_start3A_476 = arith.constant 0 : i32
    %dma_start3A_477 = tpu.memref_slice %arg5[%add3A_470, %dma_start3A_476] : memref<16384x768xf32, #tpu.memory_space<hbm>> -> memref<8x768xf32, #tpu.memory_space<hbm>>
    %dma_start3A_478 = arith.constant 24 : i32
    %dma_start3A_479 = arith.constant 0 : i32
    %dma_start3A_480 = tpu.memref_slice %arg10[%dma_start3A_478, %dma_start3A_479] : memref<32x768xf32, #tpu.memory_space<vmem>> -> memref<8x768xf32, #tpu.memory_space<vmem>>
    tpu.enqueue_dma source(%dma_start3A_480 : memref<8x768xf32, #tpu.memory_space<vmem>>) target(%dma_start3A_477 : memref<8x768xf32, #tpu.memory_space<hbm>>) target_semaphore(%arg26 : memref<!tpu.dma_semaphore, #tpu.memory_space<semaphore_mem>>)
    %dma_wait3A_481 = arith.constant 0 : i32
    %dma_wait3A_482 = arith.constant 0 : i32
    %dma_wait3A_483 = tpu.memref_slice %arg10[%dma_wait3A_481, %dma_wait3A_482] : memref<32x768xf32, #tpu.memory_space<vmem>> -> memref<8x768xf32, #tpu.memory_space<vmem>>
    %dma_wait3A_484 = arith.constant 0 : i32
    %dma_wait3A_485 = tpu.memref_slice %arg5[%add3A_428, %dma_wait3A_484] : memref<16384x768xf32, #tpu.memory_space<hbm>> -> memref<8x768xf32, #tpu.memory_space<hbm>>
    %dma_wait3A_486 = arith.constant 0 : i32
    %dma_wait3A_487 = tpu.memref_slice %arg5[%add3A_428, %dma_wait3A_486] : memref<16384x768xf32, #tpu.memory_space<hbm>> -> memref<8x768xf32, #tpu.memory_space<hbm>>
    %dma_wait3A_488 = arith.constant 0 : i32
    %dma_wait3A_489 = arith.constant 0 : i32
    %dma_wait3A_490 = tpu.memref_slice %arg10[%dma_wait3A_488, %dma_wait3A_489] : memref<32x768xf32, #tpu.memory_space<vmem>> -> memref<8x768xf32, #tpu.memory_space<vmem>>
    tpu.wait_dma2 semaphore(%arg26 : memref<!tpu.dma_semaphore, #tpu.memory_space<semaphore_mem>>) src(%dma_wait3A_490 : memref<8x768xf32, #tpu.memory_space<vmem>>) dst(%dma_wait3A_487 : memref<8x768xf32, #tpu.memory_space<hbm>>)
    %dma_wait3A_491 = arith.constant 8 : i32
    %dma_wait3A_492 = arith.constant 0 : i32
    %dma_wait3A_493 = tpu.memref_slice %arg10[%dma_wait3A_491, %dma_wait3A_492] : memref<32x768xf32, #tpu.memory_space<vmem>> -> memref<8x768xf32, #tpu.memory_space<vmem>>
    %dma_wait3A_494 = arith.constant 0 : i32
    %dma_wait3A_495 = tpu.memref_slice %arg5[%add3A_442, %dma_wait3A_494] : memref<16384x768xf32, #tpu.memory_space<hbm>> -> memref<8x768xf32, #tpu.memory_space<hbm>>
    %dma_wait3A_496 = arith.constant 0 : i32
    %dma_wait3A_497 = tpu.memref_slice %arg5[%add3A_442, %dma_wait3A_496] : memref<16384x768xf32, #tpu.memory_space<hbm>> -> memref<8x768xf32, #tpu.memory_space<hbm>>
    %dma_wait3A_498 = arith.constant 8 : i32
    %dma_wait3A_499 = arith.constant 0 : i32
    %dma_wait3A_500 = tpu.memref_slice %arg10[%dma_wait3A_498, %dma_wait3A_499] : memref<32x768xf32, #tpu.memory_space<vmem>> -> memref<8x768xf32, #tpu.memory_space<vmem>>
    tpu.wait_dma2 semaphore(%arg26 : memref<!tpu.dma_semaphore, #tpu.memory_space<semaphore_mem>>) src(%dma_wait3A_500 : memref<8x768xf32, #tpu.memory_space<vmem>>) dst(%dma_wait3A_497 : memref<8x768xf32, #tpu.memory_space<hbm>>)
    %dma_wait3A_501 = arith.constant 16 : i32
    %dma_wait3A_502 = arith.constant 0 : i32
    %dma_wait3A_503 = tpu.memref_slice %arg10[%dma_wait3A_501, %dma_wait3A_502] : memref<32x768xf32, #tpu.memory_space<vmem>> -> memref<8x768xf32, #tpu.memory_space<vmem>>
    %dma_wait3A_504 = arith.constant 0 : i32
    %dma_wait3A_505 = tpu.memref_slice %arg5[%add3A_456, %dma_wait3A_504] : memref<16384x768xf32, #tpu.memory_space<hbm>> -> memref<8x768xf32, #tpu.memory_space<hbm>>
    %dma_wait3A_506 = arith.constant 0 : i32
    %dma_wait3A_507 = tpu.memref_slice %arg5[%add3A_456, %dma_wait3A_506] : memref<16384x768xf32, #tpu.memory_space<hbm>> -> memref<8x768xf32, #tpu.memory_space<hbm>>
    %dma_wait3A_508 = arith.constant 16 : i32
    %dma_wait3A_509 = arith.constant 0 : i32
    %dma_wait3A_510 = tpu.memref_slice %arg10[%dma_wait3A_508, %dma_wait3A_509] : memref<32x768xf32, #tpu.memory_space<vmem>> -> memref<8x768xf32, #tpu.memory_space<vmem>>
    tpu.wait_dma2 semaphore(%arg26 : memref<!tpu.dma_semaphore, #tpu.memory_space<semaphore_mem>>) src(%dma_wait3A_510 : memref<8x768xf32, #tpu.memory_space<vmem>>) dst(%dma_wait3A_507 : memref<8x768xf32, #tpu.memory_space<hbm>>)
    %dma_wait3A_511 = arith.constant 24 : i32
    %dma_wait3A_512 = arith.constant 0 : i32
    %dma_wait3A_513 = tpu.memref_slice %arg10[%dma_wait3A_511, %dma_wait3A_512] : memref<32x768xf32, #tpu.memory_space<vmem>> -> memref<8x768xf32, #tpu.memory_space<vmem>>
    %dma_wait3A_514 = arith.constant 0 : i32
    %dma_wait3A_515 = tpu.memref_slice %arg5[%add3A_470, %dma_wait3A_514] : memref<16384x768xf32, #tpu.memory_space<hbm>> -> memref<8x768xf32, #tpu.memory_space<hbm>>
    %dma_wait3A_516 = arith.constant 0 : i32
    %dma_wait3A_517 = tpu.memref_slice %arg5[%add3A_470, %dma_wait3A_516] : memref<16384x768xf32, #tpu.memory_space<hbm>> -> memref<8x768xf32, #tpu.memory_space<hbm>>
    %dma_wait3A_518 = arith.constant 24 : i32
    %dma_wait3A_519 = arith.constant 0 : i32
    %dma_wait3A_520 = tpu.memref_slice %arg10[%dma_wait3A_518, %dma_wait3A_519] : memref<32x768xf32, #tpu.memory_space<vmem>> -> memref<8x768xf32, #tpu.memory_space<vmem>>
    tpu.wait_dma2 semaphore(%arg26 : memref<!tpu.dma_semaphore, #tpu.memory_space<semaphore_mem>>) src(%dma_wait3A_520 : memref<8x768xf32, #tpu.memory_space<vmem>>) dst(%dma_wait3A_517 : memref<8x768xf32, #tpu.memory_space<hbm>>)
    %dma_start3A_521 = arith.constant 224 : i32
    %dma_start3A_522 = tpu.memref_slice %arg6[%dma_start3A_521] : memref<512xi32, #tpu.memory_space<vmem>> -> memref<32xi32, #tpu.memory_space<vmem>>
    %dma_start3A_523 = arith.constant 0 : i32
    %dma_start3A_524 = arith.constant 0 : i32
    %dma_start3A_525 = tpu.memref_slice %arg3[%dma_start3A_523, %dma_start3A_524] : memref<100000x768xf32, #tpu.memory_space<hbm>> -> memref<100000x768xf32, #tpu.memory_space<hbm>>
    tpu.enqueue_indirect_dma source(%dma_start3A_525 : memref<100000x768xf32, #tpu.memory_space<hbm>>) target(%arg10 : memref<32x768xf32, #tpu.memory_space<vmem>>) offsets(%dma_start3A_522 : memref<32xi32, #tpu.memory_space<vmem>>) semaphore(%arg18 : memref<!tpu.dma_semaphore, #tpu.memory_space<semaphore_mem>>)
    %add3A_526 = arith.constant 56 : i32
    %add3A_527 = arith.addi %mul3A_2, %add3A_526 : i32
    %dma_start3A_528 = arith.constant 0 : i32
    %dma_start3A_529 = tpu.memref_slice %arg4[%add3A_527, %dma_start3A_528] : memref<4096x768xf32, #tpu.memory_space<hbm>> -> memref<8x768xf32, #tpu.memory_space<hbm>>
    %dma_start3A_530 = arith.constant 0 : i32
    %dma_start3A_531 = tpu.memref_slice %arg4[%add3A_527, %dma_start3A_530] : memref<4096x768xf32, #tpu.memory_space<hbm>> -> memref<8x768xf32, #tpu.memory_space<hbm>>
    tpu.enqueue_dma source(%dma_start3A_531 : memref<8x768xf32, #tpu.memory_space<hbm>>) target(%arg14 : memref<8x768xf32, #tpu.memory_space<vmem>>) target_semaphore(%arg22 : memref<!tpu.dma_semaphore, #tpu.memory_space<semaphore_mem>>)
    %dma_wait3A_532 = arith.constant 128 : i32
    %dma_wait3A_533 = tpu.memref_slice %arg6[%dma_wait3A_532] : memref<512xi32, #tpu.memory_space<vmem>> -> memref<32xi32, #tpu.memory_space<vmem>>
    %dma_wait3A_534 = arith.constant 0 : i32
    %dma_wait3A_535 = arith.constant 0 : i32
    %dma_wait3A_536 = tpu.memref_slice %arg3[%dma_wait3A_534, %dma_wait3A_535] : memref<100000x768xf32, #tpu.memory_space<hbm>> -> memref<100000x768xf32, #tpu.memory_space<hbm>>
    tpu.wait_indirect_dma semaphore(%arg15 : memref<!tpu.dma_semaphore, #tpu.memory_space<semaphore_mem>>) src(%dma_wait3A_536 : memref<100000x768xf32, #tpu.memory_space<hbm>>) dst(%arg7 : memref<32x768xf32, #tpu.memory_space<vmem>>)
    %dma_wait3A_537 = arith.constant 0 : i32
    %dma_wait3A_538 = tpu.memref_slice %arg4[%add3A_161, %dma_wait3A_537] : memref<4096x768xf32, #tpu.memory_space<hbm>> -> memref<8x768xf32, #tpu.memory_space<hbm>>
    %dma_wait3A_539 = arith.constant 0 : i32
    %dma_wait3A_540 = tpu.memref_slice %arg4[%add3A_161, %dma_wait3A_539] : memref<4096x768xf32, #tpu.memory_space<hbm>> -> memref<8x768xf32, #tpu.memory_space<hbm>>
    tpu.wait_dma2 semaphore(%arg19 : memref<!tpu.dma_semaphore, #tpu.memory_space<semaphore_mem>>) src(%dma_wait3A_540 : memref<8x768xf32, #tpu.memory_space<hbm>>) dst(%arg11 : memref<8x768xf32, #tpu.memory_space<vmem>>)
    %scan3A_541 = arith.constant 0 : i32
    %scan3A_542 = arith.constant 0 : i32
    %scan3A_543 = arith.constant 8 : i32
    %scan3A_544 = arith.addi %scan3A_542, %scan3A_543 : i32
    %scan3A_545 = arith.constant 1 : i32
    scf.for %scan3A_1952 = %scan3A_542 to %scan3A_544 step %scan3A_545  : i32 {
      %parallel_loop3A = arith.constant 0 : i32
      %parallel_loop3A_1953 = arith.constant 48 : i32
      %parallel_loop3A_1954 = arith.constant 1 : i32
      scf.for %parallel_loop3A_1955 = %parallel_loop3A to %parallel_loop3A_1953 step %parallel_loop3A_1954  : i32 {
        %parallel_loop3A_1956 = arith.constant 16 : i32
        %parallel_loop3A_1957 = arith.muli %parallel_loop3A_1955, %parallel_loop3A_1956 : i32
        %parallel_loop3A_1958 = arith.index_cast %scan3A_1952 : i32 to index
        %parallel_loop3A_1959 = arith.index_cast %parallel_loop3A_1957 : i32 to index
        %parallel_loop3A_1960 = tpu.vector_load %arg11[%parallel_loop3A_1958, %parallel_loop3A_1959] {strides = array<i32>} : memref<8x768xf32, #tpu.memory_space<vmem>>, vector<1x16xf32>,
        %parallel_loop3A_1961 = vector.shape_cast %parallel_loop3A_1960 : vector<1x16xf32> to vector<16xf32>
        %parallel_loop3A_1962 = arith.constant 0 : i32
        %parallel_loop3A_1963 = arith.addi %parallel_loop3A_1962, %scan3A_1952 : i32
        %parallel_loop3A_1964 = arith.index_cast %parallel_loop3A_1963 : i32 to index
        %parallel_loop3A_1965 = arith.index_cast %parallel_loop3A_1957 : i32 to index
        %parallel_loop3A_1966 = tpu.vector_load %arg7[%parallel_loop3A_1964, %parallel_loop3A_1965] {strides = array<i32>} : memref<32x768xf32, #tpu.memory_space<vmem>>, vector<1x16xf32>,
        %parallel_loop3A_1967 = vector.shape_cast %parallel_loop3A_1966 : vector<1x16xf32> to vector<16xf32>
        %parallel_loop3A_1968 = vector.shape_cast %parallel_loop3A_1961 : vector<16xf32> to vector<1x16xf32>
        tpu.vector_store %arg7[%parallel_loop3A_1964, %parallel_loop3A_1965], %parallel_loop3A_1968 {add = true, strides = array<i32>} : memref<32x768xf32, #tpu.memory_space<vmem>>, vector<1x16xf32>,
        %parallel_loop3A_1969 = arith.constant 8 : i32
        %parallel_loop3A_1970 = arith.addi %parallel_loop3A_1969, %scan3A_1952 : i32
        %parallel_loop3A_1971 = arith.index_cast %parallel_loop3A_1970 : i32 to index
        %parallel_loop3A_1972 = arith.index_cast %parallel_loop3A_1957 : i32 to index
        %parallel_loop3A_1973 = tpu.vector_load %arg7[%parallel_loop3A_1971, %parallel_loop3A_1972] {strides = array<i32>} : memref<32x768xf32, #tpu.memory_space<vmem>>, vector<1x16xf32>,
        %parallel_loop3A_1974 = vector.shape_cast %parallel_loop3A_1973 : vector<1x16xf32> to vector<16xf32>
        %parallel_loop3A_1975 = vector.shape_cast %parallel_loop3A_1961 : vector<16xf32> to vector<1x16xf32>
        tpu.vector_store %arg7[%parallel_loop3A_1971, %parallel_loop3A_1972], %parallel_loop3A_1975 {add = true, strides = array<i32>} : memref<32x768xf32, #tpu.memory_space<vmem>>, vector<1x16xf32>,
        %parallel_loop3A_1976 = arith.constant 16 : i32
        %parallel_loop3A_1977 = arith.addi %parallel_loop3A_1976, %scan3A_1952 : i32
        %parallel_loop3A_1978 = arith.index_cast %parallel_loop3A_1977 : i32 to index
        %parallel_loop3A_1979 = arith.index_cast %parallel_loop3A_1957 : i32 to index
        %parallel_loop3A_1980 = tpu.vector_load %arg7[%parallel_loop3A_1978, %parallel_loop3A_1979] {strides = array<i32>} : memref<32x768xf32, #tpu.memory_space<vmem>>, vector<1x16xf32>,
        %parallel_loop3A_1981 = vector.shape_cast %parallel_loop3A_1980 : vector<1x16xf32> to vector<16xf32>
        %parallel_loop3A_1982 = vector.shape_cast %parallel_loop3A_1961 : vector<16xf32> to vector<1x16xf32>
        tpu.vector_store %arg7[%parallel_loop3A_1978, %parallel_loop3A_1979], %parallel_loop3A_1982 {add = true, strides = array<i32>} : memref<32x768xf32, #tpu.memory_space<vmem>>, vector<1x16xf32>,
        %parallel_loop3A_1983 = arith.constant 24 : i32
        %parallel_loop3A_1984 = arith.addi %parallel_loop3A_1983, %scan3A_1952 : i32
        %parallel_loop3A_1985 = arith.index_cast %parallel_loop3A_1984 : i32 to index
        %parallel_loop3A_1986 = arith.index_cast %parallel_loop3A_1957 : i32 to index
        %parallel_loop3A_1987 = tpu.vector_load %arg7[%parallel_loop3A_1985, %parallel_loop3A_1986] {strides = array<i32>} : memref<32x768xf32, #tpu.memory_space<vmem>>, vector<1x16xf32>,
        %parallel_loop3A_1988 = vector.shape_cast %parallel_loop3A_1987 : vector<1x16xf32> to vector<16xf32>
        %parallel_loop3A_1989 = vector.shape_cast %parallel_loop3A_1961 : vector<16xf32> to vector<1x16xf32>
        tpu.vector_store %arg7[%parallel_loop3A_1985, %parallel_loop3A_1986], %parallel_loop3A_1989 {add = true, strides = array<i32>} : memref<32x768xf32, #tpu.memory_space<vmem>>, vector<1x16xf32>,
      } {sc.loop_unroll_factor = 2 : i64, sc.parallel_access}
    }
    %scan3A_546 = arith.constant 8 : i32
    %add3A_547 = arith.constant 0 : i32
    %add3A_548 = arith.addi %add3A_547, %mul3A_2 : i32
    %add3A_549 = arith.constant 32 : i32
    %add3A_550 = arith.addi %add3A_548, %add3A_549 : i32
    %dma_start3A_551 = arith.constant 0 : i32
    %dma_start3A_552 = arith.constant 0 : i32
    %dma_start3A_553 = tpu.memref_slice %arg7[%dma_start3A_551, %dma_start3A_552] : memref<32x768xf32, #tpu.memory_space<vmem>> -> memref<8x768xf32, #tpu.memory_space<vmem>>
    %dma_start3A_554 = arith.constant 0 : i32
    %dma_start3A_555 = tpu.memref_slice %arg5[%add3A_550, %dma_start3A_554] : memref<16384x768xf32, #tpu.memory_space<hbm>> -> memref<8x768xf32, #tpu.memory_space<hbm>>
    %dma_start3A_556 = arith.constant 0 : i32
    %dma_start3A_557 = tpu.memref_slice %arg5[%add3A_550, %dma_start3A_556] : memref<16384x768xf32, #tpu.memory_space<hbm>> -> memref<8x768xf32, #tpu.memory_space<hbm>>
    %dma_start3A_558 = arith.constant 0 : i32
    %dma_start3A_559 = arith.constant 0 : i32
    %dma_start3A_560 = tpu.memref_slice %arg7[%dma_start3A_558, %dma_start3A_559] : memref<32x768xf32, #tpu.memory_space<vmem>> -> memref<8x768xf32, #tpu.memory_space<vmem>>
    tpu.enqueue_dma source(%dma_start3A_560 : memref<8x768xf32, #tpu.memory_space<vmem>>) target(%dma_start3A_557 : memref<8x768xf32, #tpu.memory_space<hbm>>) target_semaphore(%arg23 : memref<!tpu.dma_semaphore, #tpu.memory_space<semaphore_mem>>)
    %add3A_561 = arith.constant 4096 : i32
    %add3A_562 = arith.addi %add3A_561, %mul3A_2 : i32
    %add3A_563 = arith.constant 32 : i32
    %add3A_564 = arith.addi %add3A_562, %add3A_563 : i32
    %dma_start3A_565 = arith.constant 8 : i32
    %dma_start3A_566 = arith.constant 0 : i32
    %dma_start3A_567 = tpu.memref_slice %arg7[%dma_start3A_565, %dma_start3A_566] : memref<32x768xf32, #tpu.memory_space<vmem>> -> memref<8x768xf32, #tpu.memory_space<vmem>>
    %dma_start3A_568 = arith.constant 0 : i32
    %dma_start3A_569 = tpu.memref_slice %arg5[%add3A_564, %dma_start3A_568] : memref<16384x768xf32, #tpu.memory_space<hbm>> -> memref<8x768xf32, #tpu.memory_space<hbm>>
    %dma_start3A_570 = arith.constant 0 : i32
    %dma_start3A_571 = tpu.memref_slice %arg5[%add3A_564, %dma_start3A_570] : memref<16384x768xf32, #tpu.memory_space<hbm>> -> memref<8x768xf32, #tpu.memory_space<hbm>>
    %dma_start3A_572 = arith.constant 8 : i32
    %dma_start3A_573 = arith.constant 0 : i32
    %dma_start3A_574 = tpu.memref_slice %arg7[%dma_start3A_572, %dma_start3A_573] : memref<32x768xf32, #tpu.memory_space<vmem>> -> memref<8x768xf32, #tpu.memory_space<vmem>>
    tpu.enqueue_dma source(%dma_start3A_574 : memref<8x768xf32, #tpu.memory_space<vmem>>) target(%dma_start3A_571 : memref<8x768xf32, #tpu.memory_space<hbm>>) target_semaphore(%arg23 : memref<!tpu.dma_semaphore, #tpu.memory_space<semaphore_mem>>)
    %add3A_575 = arith.constant 8192 : i32
    %add3A_576 = arith.addi %add3A_575, %mul3A_2 : i32
    %add3A_577 = arith.constant 32 : i32
    %add3A_578 = arith.addi %add3A_576, %add3A_577 : i32
    %dma_start3A_579 = arith.constant 16 : i32
    %dma_start3A_580 = arith.constant 0 : i32
    %dma_start3A_581 = tpu.memref_slice %arg7[%dma_start3A_579, %dma_start3A_580] : memref<32x768xf32, #tpu.memory_space<vmem>> -> memref<8x768xf32, #tpu.memory_space<vmem>>
    %dma_start3A_582 = arith.constant 0 : i32
    %dma_start3A_583 = tpu.memref_slice %arg5[%add3A_578, %dma_start3A_582] : memref<16384x768xf32, #tpu.memory_space<hbm>> -> memref<8x768xf32, #tpu.memory_space<hbm>>
    %dma_start3A_584 = arith.constant 0 : i32
    %dma_start3A_585 = tpu.memref_slice %arg5[%add3A_578, %dma_start3A_584] : memref<16384x768xf32, #tpu.memory_space<hbm>> -> memref<8x768xf32, #tpu.memory_space<hbm>>
    %dma_start3A_586 = arith.constant 16 : i32
    %dma_start3A_587 = arith.constant 0 : i32
    %dma_start3A_588 = tpu.memref_slice %arg7[%dma_start3A_586, %dma_start3A_587] : memref<32x768xf32, #tpu.memory_space<vmem>> -> memref<8x768xf32, #tpu.memory_space<vmem>>
    tpu.enqueue_dma source(%dma_start3A_588 : memref<8x768xf32, #tpu.memory_space<vmem>>) target(%dma_start3A_585 : memref<8x768xf32, #tpu.memory_space<hbm>>) target_semaphore(%arg23 : memref<!tpu.dma_semaphore, #tpu.memory_space<semaphore_mem>>)
    %add3A_589 = arith.constant 12288 : i32
    %add3A_590 = arith.addi %add3A_589, %mul3A_2 : i32
    %add3A_591 = arith.constant 32 : i32
    %add3A_592 = arith.addi %add3A_590, %add3A_591 : i32
    %dma_start3A_593 = arith.constant 24 : i32
    %dma_start3A_594 = arith.constant 0 : i32
    %dma_start3A_595 = tpu.memref_slice %arg7[%dma_start3A_593, %dma_start3A_594] : memref<32x768xf32, #tpu.memory_space<vmem>> -> memref<8x768xf32, #tpu.memory_space<vmem>>
    %dma_start3A_596 = arith.constant 0 : i32
    %dma_start3A_597 = tpu.memref_slice %arg5[%add3A_592, %dma_start3A_596] : memref<16384x768xf32, #tpu.memory_space<hbm>> -> memref<8x768xf32, #tpu.memory_space<hbm>>
    %dma_start3A_598 = arith.constant 0 : i32
    %dma_start3A_599 = tpu.memref_slice %arg5[%add3A_592, %dma_start3A_598] : memref<16384x768xf32, #tpu.memory_space<hbm>> -> memref<8x768xf32, #tpu.memory_space<hbm>>
    %dma_start3A_600 = arith.constant 24 : i32
    %dma_start3A_601 = arith.constant 0 : i32
    %dma_start3A_602 = tpu.memref_slice %arg7[%dma_start3A_600, %dma_start3A_601] : memref<32x768xf32, #tpu.memory_space<vmem>> -> memref<8x768xf32, #tpu.memory_space<vmem>>
    tpu.enqueue_dma source(%dma_start3A_602 : memref<8x768xf32, #tpu.memory_space<vmem>>) target(%dma_start3A_599 : memref<8x768xf32, #tpu.memory_space<hbm>>) target_semaphore(%arg23 : memref<!tpu.dma_semaphore, #tpu.memory_space<semaphore_mem>>)
    %dma_wait3A_603 = arith.constant 0 : i32
    %dma_wait3A_604 = arith.constant 0 : i32
    %dma_wait3A_605 = tpu.memref_slice %arg7[%dma_wait3A_603, %dma_wait3A_604] : memref<32x768xf32, #tpu.memory_space<vmem>> -> memref<8x768xf32, #tpu.memory_space<vmem>>
    %dma_wait3A_606 = arith.constant 0 : i32
    %dma_wait3A_607 = tpu.memref_slice %arg5[%add3A_550, %dma_wait3A_606] : memref<16384x768xf32, #tpu.memory_space<hbm>> -> memref<8x768xf32, #tpu.memory_space<hbm>>
    %dma_wait3A_608 = arith.constant 0 : i32
    %dma_wait3A_609 = tpu.memref_slice %arg5[%add3A_550, %dma_wait3A_608] : memref<16384x768xf32, #tpu.memory_space<hbm>> -> memref<8x768xf32, #tpu.memory_space<hbm>>
    %dma_wait3A_610 = arith.constant 0 : i32
    %dma_wait3A_611 = arith.constant 0 : i32
    %dma_wait3A_612 = tpu.memref_slice %arg7[%dma_wait3A_610, %dma_wait3A_611] : memref<32x768xf32, #tpu.memory_space<vmem>> -> memref<8x768xf32, #tpu.memory_space<vmem>>
    tpu.wait_dma2 semaphore(%arg23 : memref<!tpu.dma_semaphore, #tpu.memory_space<semaphore_mem>>) src(%dma_wait3A_612 : memref<8x768xf32, #tpu.memory_space<vmem>>) dst(%dma_wait3A_609 : memref<8x768xf32, #tpu.memory_space<hbm>>)
    %dma_wait3A_613 = arith.constant 8 : i32
    %dma_wait3A_614 = arith.constant 0 : i32
    %dma_wait3A_615 = tpu.memref_slice %arg7[%dma_wait3A_613, %dma_wait3A_614] : memref<32x768xf32, #tpu.memory_space<vmem>> -> memref<8x768xf32, #tpu.memory_space<vmem>>
    %dma_wait3A_616 = arith.constant 0 : i32
    %dma_wait3A_617 = tpu.memref_slice %arg5[%add3A_564, %dma_wait3A_616] : memref<16384x768xf32, #tpu.memory_space<hbm>> -> memref<8x768xf32, #tpu.memory_space<hbm>>
    %dma_wait3A_618 = arith.constant 0 : i32
    %dma_wait3A_619 = tpu.memref_slice %arg5[%add3A_564, %dma_wait3A_618] : memref<16384x768xf32, #tpu.memory_space<hbm>> -> memref<8x768xf32, #tpu.memory_space<hbm>>
    %dma_wait3A_620 = arith.constant 8 : i32
    %dma_wait3A_621 = arith.constant 0 : i32
    %dma_wait3A_622 = tpu.memref_slice %arg7[%dma_wait3A_620, %dma_wait3A_621] : memref<32x768xf32, #tpu.memory_space<vmem>> -> memref<8x768xf32, #tpu.memory_space<vmem>>
    tpu.wait_dma2 semaphore(%arg23 : memref<!tpu.dma_semaphore, #tpu.memory_space<semaphore_mem>>) src(%dma_wait3A_622 : memref<8x768xf32, #tpu.memory_space<vmem>>) dst(%dma_wait3A_619 : memref<8x768xf32, #tpu.memory_space<hbm>>)
    %dma_wait3A_623 = arith.constant 16 : i32
    %dma_wait3A_624 = arith.constant 0 : i32
    %dma_wait3A_625 = tpu.memref_slice %arg7[%dma_wait3A_623, %dma_wait3A_624] : memref<32x768xf32, #tpu.memory_space<vmem>> -> memref<8x768xf32, #tpu.memory_space<vmem>>
    %dma_wait3A_626 = arith.constant 0 : i32
    %dma_wait3A_627 = tpu.memref_slice %arg5[%add3A_578, %dma_wait3A_626] : memref<16384x768xf32, #tpu.memory_space<hbm>> -> memref<8x768xf32, #tpu.memory_space<hbm>>
    %dma_wait3A_628 = arith.constant 0 : i32
    %dma_wait3A_629 = tpu.memref_slice %arg5[%add3A_578, %dma_wait3A_628] : memref<16384x768xf32, #tpu.memory_space<hbm>> -> memref<8x768xf32, #tpu.memory_space<hbm>>
    %dma_wait3A_630 = arith.constant 16 : i32
    %dma_wait3A_631 = arith.constant 0 : i32
    %dma_wait3A_632 = tpu.memref_slice %arg7[%dma_wait3A_630, %dma_wait3A_631] : memref<32x768xf32, #tpu.memory_space<vmem>> -> memref<8x768xf32, #tpu.memory_space<vmem>>
    tpu.wait_dma2 semaphore(%arg23 : memref<!tpu.dma_semaphore, #tpu.memory_space<semaphore_mem>>) src(%dma_wait3A_632 : memref<8x768xf32, #tpu.memory_space<vmem>>) dst(%dma_wait3A_629 : memref<8x768xf32, #tpu.memory_space<hbm>>)
    %dma_wait3A_633 = arith.constant 24 : i32
    %dma_wait3A_634 = arith.constant 0 : i32
    %dma_wait3A_635 = tpu.memref_slice %arg7[%dma_wait3A_633, %dma_wait3A_634] : memref<32x768xf32, #tpu.memory_space<vmem>> -> memref<8x768xf32, #tpu.memory_space<vmem>>
    %dma_wait3A_636 = arith.constant 0 : i32
    %dma_wait3A_637 = tpu.memref_slice %arg5[%add3A_592, %dma_wait3A_636] : memref<16384x768xf32, #tpu.memory_space<hbm>> -> memref<8x768xf32, #tpu.memory_space<hbm>>
    %dma_wait3A_638 = arith.constant 0 : i32
    %dma_wait3A_639 = tpu.memref_slice %arg5[%add3A_592, %dma_wait3A_638] : memref<16384x768xf32, #tpu.memory_space<hbm>> -> memref<8x768xf32, #tpu.memory_space<hbm>>
    %dma_wait3A_640 = arith.constant 24 : i32
    %dma_wait3A_641 = arith.constant 0 : i32
    %dma_wait3A_642 = tpu.memref_slice %arg7[%dma_wait3A_640, %dma_wait3A_641] : memref<32x768xf32, #tpu.memory_space<vmem>> -> memref<8x768xf32, #tpu.memory_space<vmem>>
    tpu.wait_dma2 semaphore(%arg23 : memref<!tpu.dma_semaphore, #tpu.memory_space<semaphore_mem>>) src(%dma_wait3A_642 : memref<8x768xf32, #tpu.memory_space<vmem>>) dst(%dma_wait3A_639 : memref<8x768xf32, #tpu.memory_space<hbm>>)
    %dma_start3A_643 = arith.constant 256 : i32
    %dma_start3A_644 = tpu.memref_slice %arg6[%dma_start3A_643] : memref<512xi32, #tpu.memory_space<vmem>> -> memref<32xi32, #tpu.memory_space<vmem>>
    %dma_start3A_645 = arith.constant 0 : i32
    %dma_start3A_646 = arith.constant 0 : i32
    %dma_start3A_647 = tpu.memref_slice %arg3[%dma_start3A_645, %dma_start3A_646] : memref<100000x768xf32, #tpu.memory_space<hbm>> -> memref<100000x768xf32, #tpu.memory_space<hbm>>
    tpu.enqueue_indirect_dma source(%dma_start3A_647 : memref<100000x768xf32, #tpu.memory_space<hbm>>) target(%arg7 : memref<32x768xf32, #tpu.memory_space<vmem>>) offsets(%dma_start3A_644 : memref<32xi32, #tpu.memory_space<vmem>>) semaphore(%arg15 : memref<!tpu.dma_semaphore, #tpu.memory_space<semaphore_mem>>)
    %add3A_648 = arith.constant 64 : i32
    %add3A_649 = arith.addi %mul3A_2, %add3A_648 : i32
    %dma_start3A_650 = arith.constant 0 : i32
    %dma_start3A_651 = tpu.memref_slice %arg4[%add3A_649, %dma_start3A_650] : memref<4096x768xf32, #tpu.memory_space<hbm>> -> memref<8x768xf32, #tpu.memory_space<hbm>>
    %dma_start3A_652 = arith.constant 0 : i32
    %dma_start3A_653 = tpu.memref_slice %arg4[%add3A_649, %dma_start3A_652] : memref<4096x768xf32, #tpu.memory_space<hbm>> -> memref<8x768xf32, #tpu.memory_space<hbm>>
    tpu.enqueue_dma source(%dma_start3A_653 : memref<8x768xf32, #tpu.memory_space<hbm>>) target(%arg11 : memref<8x768xf32, #tpu.memory_space<vmem>>) target_semaphore(%arg19 : memref<!tpu.dma_semaphore, #tpu.memory_space<semaphore_mem>>)
    %dma_wait3A_654 = arith.constant 160 : i32
    %dma_wait3A_655 = tpu.memref_slice %arg6[%dma_wait3A_654] : memref<512xi32, #tpu.memory_space<vmem>> -> memref<32xi32, #tpu.memory_space<vmem>>
    %dma_wait3A_656 = arith.constant 0 : i32
    %dma_wait3A_657 = arith.constant 0 : i32
    %dma_wait3A_658 = tpu.memref_slice %arg3[%dma_wait3A_656, %dma_wait3A_657] : memref<100000x768xf32, #tpu.memory_space<hbm>> -> memref<100000x768xf32, #tpu.memory_space<hbm>>
    tpu.wait_indirect_dma semaphore(%arg16 : memref<!tpu.dma_semaphore, #tpu.memory_space<semaphore_mem>>) src(%dma_wait3A_658 : memref<100000x768xf32, #tpu.memory_space<hbm>>) dst(%arg8 : memref<32x768xf32, #tpu.memory_space<vmem>>)
    %dma_wait3A_659 = arith.constant 0 : i32
    %dma_wait3A_660 = tpu.memref_slice %arg4[%add3A_283, %dma_wait3A_659] : memref<4096x768xf32, #tpu.memory_space<hbm>> -> memref<8x768xf32, #tpu.memory_space<hbm>>
    %dma_wait3A_661 = arith.constant 0 : i32
    %dma_wait3A_662 = tpu.memref_slice %arg4[%add3A_283, %dma_wait3A_661] : memref<4096x768xf32, #tpu.memory_space<hbm>> -> memref<8x768xf32, #tpu.memory_space<hbm>>
    tpu.wait_dma2 semaphore(%arg20 : memref<!tpu.dma_semaphore, #tpu.memory_space<semaphore_mem>>) src(%dma_wait3A_662 : memref<8x768xf32, #tpu.memory_space<hbm>>) dst(%arg12 : memref<8x768xf32, #tpu.memory_space<vmem>>)
    %scan3A_663 = arith.constant 0 : i32
    %scan3A_664 = arith.constant 0 : i32
    %scan3A_665 = arith.constant 8 : i32
    %scan3A_666 = arith.addi %scan3A_664, %scan3A_665 : i32
    %scan3A_667 = arith.constant 1 : i32
    scf.for %scan3A_1952 = %scan3A_664 to %scan3A_666 step %scan3A_667  : i32 {
      %parallel_loop3A = arith.constant 0 : i32
      %parallel_loop3A_1953 = arith.constant 48 : i32
      %parallel_loop3A_1954 = arith.constant 1 : i32
      scf.for %parallel_loop3A_1955 = %parallel_loop3A to %parallel_loop3A_1953 step %parallel_loop3A_1954  : i32 {
        %parallel_loop3A_1956 = arith.constant 16 : i32
        %parallel_loop3A_1957 = arith.muli %parallel_loop3A_1955, %parallel_loop3A_1956 : i32
        %parallel_loop3A_1958 = arith.index_cast %scan3A_1952 : i32 to index
        %parallel_loop3A_1959 = arith.index_cast %parallel_loop3A_1957 : i32 to index
        %parallel_loop3A_1960 = tpu.vector_load %arg12[%parallel_loop3A_1958, %parallel_loop3A_1959] {strides = array<i32>} : memref<8x768xf32, #tpu.memory_space<vmem>>, vector<1x16xf32>,
        %parallel_loop3A_1961 = vector.shape_cast %parallel_loop3A_1960 : vector<1x16xf32> to vector<16xf32>
        %parallel_loop3A_1962 = arith.constant 0 : i32
        %parallel_loop3A_1963 = arith.addi %parallel_loop3A_1962, %scan3A_1952 : i32
        %parallel_loop3A_1964 = arith.index_cast %parallel_loop3A_1963 : i32 to index
        %parallel_loop3A_1965 = arith.index_cast %parallel_loop3A_1957 : i32 to index
        %parallel_loop3A_1966 = tpu.vector_load %arg8[%parallel_loop3A_1964, %parallel_loop3A_1965] {strides = array<i32>} : memref<32x768xf32, #tpu.memory_space<vmem>>, vector<1x16xf32>,
        %parallel_loop3A_1967 = vector.shape_cast %parallel_loop3A_1966 : vector<1x16xf32> to vector<16xf32>
        %parallel_loop3A_1968 = vector.shape_cast %parallel_loop3A_1961 : vector<16xf32> to vector<1x16xf32>
        tpu.vector_store %arg8[%parallel_loop3A_1964, %parallel_loop3A_1965], %parallel_loop3A_1968 {add = true, strides = array<i32>} : memref<32x768xf32, #tpu.memory_space<vmem>>, vector<1x16xf32>,
        %parallel_loop3A_1969 = arith.constant 8 : i32
        %parallel_loop3A_1970 = arith.addi %parallel_loop3A_1969, %scan3A_1952 : i32
        %parallel_loop3A_1971 = arith.index_cast %parallel_loop3A_1970 : i32 to index
        %parallel_loop3A_1972 = arith.index_cast %parallel_loop3A_1957 : i32 to index
        %parallel_loop3A_1973 = tpu.vector_load %arg8[%parallel_loop3A_1971, %parallel_loop3A_1972] {strides = array<i32>} : memref<32x768xf32, #tpu.memory_space<vmem>>, vector<1x16xf32>,
        %parallel_loop3A_1974 = vector.shape_cast %parallel_loop3A_1973 : vector<1x16xf32> to vector<16xf32>
        %parallel_loop3A_1975 = vector.shape_cast %parallel_loop3A_1961 : vector<16xf32> to vector<1x16xf32>
        tpu.vector_store %arg8[%parallel_loop3A_1971, %parallel_loop3A_1972], %parallel_loop3A_1975 {add = true, strides = array<i32>} : memref<32x768xf32, #tpu.memory_space<vmem>>, vector<1x16xf32>,
        %parallel_loop3A_1976 = arith.constant 16 : i32
        %parallel_loop3A_1977 = arith.addi %parallel_loop3A_1976, %scan3A_1952 : i32
        %parallel_loop3A_1978 = arith.index_cast %parallel_loop3A_1977 : i32 to index
        %parallel_loop3A_1979 = arith.index_cast %parallel_loop3A_1957 : i32 to index
        %parallel_loop3A_1980 = tpu.vector_load %arg8[%parallel_loop3A_1978, %parallel_loop3A_1979] {strides = array<i32>} : memref<32x768xf32, #tpu.memory_space<vmem>>, vector<1x16xf32>,
        %parallel_loop3A_1981 = vector.shape_cast %parallel_loop3A_1980 : vector<1x16xf32> to vector<16xf32>
        %parallel_loop3A_1982 = vector.shape_cast %parallel_loop3A_1961 : vector<16xf32> to vector<1x16xf32>
        tpu.vector_store %arg8[%parallel_loop3A_1978, %parallel_loop3A_1979], %parallel_loop3A_1982 {add = true, strides = array<i32>} : memref<32x768xf32, #tpu.memory_space<vmem>>, vector<1x16xf32>,
        %parallel_loop3A_1983 = arith.constant 24 : i32
        %parallel_loop3A_1984 = arith.addi %parallel_loop3A_1983, %scan3A_1952 : i32
        %parallel_loop3A_1985 = arith.index_cast %parallel_loop3A_1984 : i32 to index
        %parallel_loop3A_1986 = arith.index_cast %parallel_loop3A_1957 : i32 to index
        %parallel_loop3A_1987 = tpu.vector_load %arg8[%parallel_loop3A_1985, %parallel_loop3A_1986] {strides = array<i32>} : memref<32x768xf32, #tpu.memory_space<vmem>>, vector<1x16xf32>,
        %parallel_loop3A_1988 = vector.shape_cast %parallel_loop3A_1987 : vector<1x16xf32> to vector<16xf32>
        %parallel_loop3A_1989 = vector.shape_cast %parallel_loop3A_1961 : vector<16xf32> to vector<1x16xf32>
        tpu.vector_store %arg8[%parallel_loop3A_1985, %parallel_loop3A_1986], %parallel_loop3A_1989 {add = true, strides = array<i32>} : memref<32x768xf32, #tpu.memory_space<vmem>>, vector<1x16xf32>,
      } {sc.loop_unroll_factor = 2 : i64, sc.parallel_access}
    }
    %scan3A_668 = arith.constant 8 : i32
    %add3A_669 = arith.constant 0 : i32
    %add3A_670 = arith.addi %add3A_669, %mul3A_2 : i32
    %add3A_671 = arith.constant 40 : i32
    %add3A_672 = arith.addi %add3A_670, %add3A_671 : i32
    %dma_start3A_673 = arith.constant 0 : i32
    %dma_start3A_674 = arith.constant 0 : i32
    %dma_start3A_675 = tpu.memref_slice %arg8[%dma_start3A_673, %dma_start3A_674] : memref<32x768xf32, #tpu.memory_space<vmem>> -> memref<8x768xf32, #tpu.memory_space<vmem>>
    %dma_start3A_676 = arith.constant 0 : i32
    %dma_start3A_677 = tpu.memref_slice %arg5[%add3A_672, %dma_start3A_676] : memref<16384x768xf32, #tpu.memory_space<hbm>> -> memref<8x768xf32, #tpu.memory_space<hbm>>
    %dma_start3A_678 = arith.constant 0 : i32
    %dma_start3A_679 = tpu.memref_slice %arg5[%add3A_672, %dma_start3A_678] : memref<16384x768xf32, #tpu.memory_space<hbm>> -> memref<8x768xf32, #tpu.memory_space<hbm>>
    %dma_start3A_680 = arith.constant 0 : i32
    %dma_start3A_681 = arith.constant 0 : i32
    %dma_start3A_682 = tpu.memref_slice %arg8[%dma_start3A_680, %dma_start3A_681] : memref<32x768xf32, #tpu.memory_space<vmem>> -> memref<8x768xf32, #tpu.memory_space<vmem>>
    tpu.enqueue_dma source(%dma_start3A_682 : memref<8x768xf32, #tpu.memory_space<vmem>>) target(%dma_start3A_679 : memref<8x768xf32, #tpu.memory_space<hbm>>) target_semaphore(%arg24 : memref<!tpu.dma_semaphore, #tpu.memory_space<semaphore_mem>>)
    %add3A_683 = arith.constant 4096 : i32
    %add3A_684 = arith.addi %add3A_683, %mul3A_2 : i32
    %add3A_685 = arith.constant 40 : i32
    %add3A_686 = arith.addi %add3A_684, %add3A_685 : i32
    %dma_start3A_687 = arith.constant 8 : i32
    %dma_start3A_688 = arith.constant 0 : i32
    %dma_start3A_689 = tpu.memref_slice %arg8[%dma_start3A_687, %dma_start3A_688] : memref<32x768xf32, #tpu.memory_space<vmem>> -> memref<8x768xf32, #tpu.memory_space<vmem>>
    %dma_start3A_690 = arith.constant 0 : i32
    %dma_start3A_691 = tpu.memref_slice %arg5[%add3A_686, %dma_start3A_690] : memref<16384x768xf32, #tpu.memory_space<hbm>> -> memref<8x768xf32, #tpu.memory_space<hbm>>
    %dma_start3A_692 = arith.constant 0 : i32
    %dma_start3A_693 = tpu.memref_slice %arg5[%add3A_686, %dma_start3A_692] : memref<16384x768xf32, #tpu.memory_space<hbm>> -> memref<8x768xf32, #tpu.memory_space<hbm>>
    %dma_start3A_694 = arith.constant 8 : i32
    %dma_start3A_695 = arith.constant 0 : i32
    %dma_start3A_696 = tpu.memref_slice %arg8[%dma_start3A_694, %dma_start3A_695] : memref<32x768xf32, #tpu.memory_space<vmem>> -> memref<8x768xf32, #tpu.memory_space<vmem>>
    tpu.enqueue_dma source(%dma_start3A_696 : memref<8x768xf32, #tpu.memory_space<vmem>>) target(%dma_start3A_693 : memref<8x768xf32, #tpu.memory_space<hbm>>) target_semaphore(%arg24 : memref<!tpu.dma_semaphore, #tpu.memory_space<semaphore_mem>>)
    %add3A_697 = arith.constant 8192 : i32
    %add3A_698 = arith.addi %add3A_697, %mul3A_2 : i32
    %add3A_699 = arith.constant 40 : i32
    %add3A_700 = arith.addi %add3A_698, %add3A_699 : i32
    %dma_start3A_701 = arith.constant 16 : i32
    %dma_start3A_702 = arith.constant 0 : i32
    %dma_start3A_703 = tpu.memref_slice %arg8[%dma_start3A_701, %dma_start3A_702] : memref<32x768xf32, #tpu.memory_space<vmem>> -> memref<8x768xf32, #tpu.memory_space<vmem>>
    %dma_start3A_704 = arith.constant 0 : i32
    %dma_start3A_705 = tpu.memref_slice %arg5[%add3A_700, %dma_start3A_704] : memref<16384x768xf32, #tpu.memory_space<hbm>> -> memref<8x768xf32, #tpu.memory_space<hbm>>
    %dma_start3A_706 = arith.constant 0 : i32
    %dma_start3A_707 = tpu.memref_slice %arg5[%add3A_700, %dma_start3A_706] : memref<16384x768xf32, #tpu.memory_space<hbm>> -> memref<8x768xf32, #tpu.memory_space<hbm>>
    %dma_start3A_708 = arith.constant 16 : i32
    %dma_start3A_709 = arith.constant 0 : i32
    %dma_start3A_710 = tpu.memref_slice %arg8[%dma_start3A_708, %dma_start3A_709] : memref<32x768xf32, #tpu.memory_space<vmem>> -> memref<8x768xf32, #tpu.memory_space<vmem>>
    tpu.enqueue_dma source(%dma_start3A_710 : memref<8x768xf32, #tpu.memory_space<vmem>>) target(%dma_start3A_707 : memref<8x768xf32, #tpu.memory_space<hbm>>) target_semaphore(%arg24 : memref<!tpu.dma_semaphore, #tpu.memory_space<semaphore_mem>>)
    %add3A_711 = arith.constant 12288 : i32
    %add3A_712 = arith.addi %add3A_711, %mul3A_2 : i32
    %add3A_713 = arith.constant 40 : i32
    %add3A_714 = arith.addi %add3A_712, %add3A_713 : i32
    %dma_start3A_715 = arith.constant 24 : i32
    %dma_start3A_716 = arith.constant 0 : i32
    %dma_start3A_717 = tpu.memref_slice %arg8[%dma_start3A_715, %dma_start3A_716] : memref<32x768xf32, #tpu.memory_space<vmem>> -> memref<8x768xf32, #tpu.memory_space<vmem>>
    %dma_start3A_718 = arith.constant 0 : i32
    %dma_start3A_719 = tpu.memref_slice %arg5[%add3A_714, %dma_start3A_718] : memref<16384x768xf32, #tpu.memory_space<hbm>> -> memref<8x768xf32, #tpu.memory_space<hbm>>
    %dma_start3A_720 = arith.constant 0 : i32
    %dma_start3A_721 = tpu.memref_slice %arg5[%add3A_714, %dma_start3A_720] : memref<16384x768xf32, #tpu.memory_space<hbm>> -> memref<8x768xf32, #tpu.memory_space<hbm>>
    %dma_start3A_722 = arith.constant 24 : i32
    %dma_start3A_723 = arith.constant 0 : i32
    %dma_start3A_724 = tpu.memref_slice %arg8[%dma_start3A_722, %dma_start3A_723] : memref<32x768xf32, #tpu.memory_space<vmem>> -> memref<8x768xf32, #tpu.memory_space<vmem>>
    tpu.enqueue_dma source(%dma_start3A_724 : memref<8x768xf32, #tpu.memory_space<vmem>>) target(%dma_start3A_721 : memref<8x768xf32, #tpu.memory_space<hbm>>) target_semaphore(%arg24 : memref<!tpu.dma_semaphore, #tpu.memory_space<semaphore_mem>>)
    %dma_wait3A_725 = arith.constant 0 : i32
    %dma_wait3A_726 = arith.constant 0 : i32
    %dma_wait3A_727 = tpu.memref_slice %arg8[%dma_wait3A_725, %dma_wait3A_726] : memref<32x768xf32, #tpu.memory_space<vmem>> -> memref<8x768xf32, #tpu.memory_space<vmem>>
    %dma_wait3A_728 = arith.constant 0 : i32
    %dma_wait3A_729 = tpu.memref_slice %arg5[%add3A_672, %dma_wait3A_728] : memref<16384x768xf32, #tpu.memory_space<hbm>> -> memref<8x768xf32, #tpu.memory_space<hbm>>
    %dma_wait3A_730 = arith.constant 0 : i32
    %dma_wait3A_731 = tpu.memref_slice %arg5[%add3A_672, %dma_wait3A_730] : memref<16384x768xf32, #tpu.memory_space<hbm>> -> memref<8x768xf32, #tpu.memory_space<hbm>>
    %dma_wait3A_732 = arith.constant 0 : i32
    %dma_wait3A_733 = arith.constant 0 : i32
    %dma_wait3A_734 = tpu.memref_slice %arg8[%dma_wait3A_732, %dma_wait3A_733] : memref<32x768xf32, #tpu.memory_space<vmem>> -> memref<8x768xf32, #tpu.memory_space<vmem>>
    tpu.wait_dma2 semaphore(%arg24 : memref<!tpu.dma_semaphore, #tpu.memory_space<semaphore_mem>>) src(%dma_wait3A_734 : memref<8x768xf32, #tpu.memory_space<vmem>>) dst(%dma_wait3A_731 : memref<8x768xf32, #tpu.memory_space<hbm>>)
    %dma_wait3A_735 = arith.constant 8 : i32
    %dma_wait3A_736 = arith.constant 0 : i32
    %dma_wait3A_737 = tpu.memref_slice %arg8[%dma_wait3A_735, %dma_wait3A_736] : memref<32x768xf32, #tpu.memory_space<vmem>> -> memref<8x768xf32, #tpu.memory_space<vmem>>
    %dma_wait3A_738 = arith.constant 0 : i32
    %dma_wait3A_739 = tpu.memref_slice %arg5[%add3A_686, %dma_wait3A_738] : memref<16384x768xf32, #tpu.memory_space<hbm>> -> memref<8x768xf32, #tpu.memory_space<hbm>>
    %dma_wait3A_740 = arith.constant 0 : i32
    %dma_wait3A_741 = tpu.memref_slice %arg5[%add3A_686, %dma_wait3A_740] : memref<16384x768xf32, #tpu.memory_space<hbm>> -> memref<8x768xf32, #tpu.memory_space<hbm>>
    %dma_wait3A_742 = arith.constant 8 : i32
    %dma_wait3A_743 = arith.constant 0 : i32
    %dma_wait3A_744 = tpu.memref_slice %arg8[%dma_wait3A_742, %dma_wait3A_743] : memref<32x768xf32, #tpu.memory_space<vmem>> -> memref<8x768xf32, #tpu.memory_space<vmem>>
    tpu.wait_dma2 semaphore(%arg24 : memref<!tpu.dma_semaphore, #tpu.memory_space<semaphore_mem>>) src(%dma_wait3A_744 : memref<8x768xf32, #tpu.memory_space<vmem>>) dst(%dma_wait3A_741 : memref<8x768xf32, #tpu.memory_space<hbm>>)
    %dma_wait3A_745 = arith.constant 16 : i32
    %dma_wait3A_746 = arith.constant 0 : i32
    %dma_wait3A_747 = tpu.memref_slice %arg8[%dma_wait3A_745, %dma_wait3A_746] : memref<32x768xf32, #tpu.memory_space<vmem>> -> memref<8x768xf32, #tpu.memory_space<vmem>>
    %dma_wait3A_748 = arith.constant 0 : i32
    %dma_wait3A_749 = tpu.memref_slice %arg5[%add3A_700, %dma_wait3A_748] : memref<16384x768xf32, #tpu.memory_space<hbm>> -> memref<8x768xf32, #tpu.memory_space<hbm>>
    %dma_wait3A_750 = arith.constant 0 : i32
    %dma_wait3A_751 = tpu.memref_slice %arg5[%add3A_700, %dma_wait3A_750] : memref<16384x768xf32, #tpu.memory_space<hbm>> -> memref<8x768xf32, #tpu.memory_space<hbm>>
    %dma_wait3A_752 = arith.constant 16 : i32
    %dma_wait3A_753 = arith.constant 0 : i32
    %dma_wait3A_754 = tpu.memref_slice %arg8[%dma_wait3A_752, %dma_wait3A_753] : memref<32x768xf32, #tpu.memory_space<vmem>> -> memref<8x768xf32, #tpu.memory_space<vmem>>
    tpu.wait_dma2 semaphore(%arg24 : memref<!tpu.dma_semaphore, #tpu.memory_space<semaphore_mem>>) src(%dma_wait3A_754 : memref<8x768xf32, #tpu.memory_space<vmem>>) dst(%dma_wait3A_751 : memref<8x768xf32, #tpu.memory_space<hbm>>)
    %dma_wait3A_755 = arith.constant 24 : i32
    %dma_wait3A_756 = arith.constant 0 : i32
    %dma_wait3A_757 = tpu.memref_slice %arg8[%dma_wait3A_755, %dma_wait3A_756] : memref<32x768xf32, #tpu.memory_space<vmem>> -> memref<8x768xf32, #tpu.memory_space<vmem>>
    %dma_wait3A_758 = arith.constant 0 : i32
    %dma_wait3A_759 = tpu.memref_slice %arg5[%add3A_714, %dma_wait3A_758] : memref<16384x768xf32, #tpu.memory_space<hbm>> -> memref<8x768xf32, #tpu.memory_space<hbm>>
    %dma_wait3A_760 = arith.constant 0 : i32
    %dma_wait3A_761 = tpu.memref_slice %arg5[%add3A_714, %dma_wait3A_760] : memref<16384x768xf32, #tpu.memory_space<hbm>> -> memref<8x768xf32, #tpu.memory_space<hbm>>
    %dma_wait3A_762 = arith.constant 24 : i32
    %dma_wait3A_763 = arith.constant 0 : i32
    %dma_wait3A_764 = tpu.memref_slice %arg8[%dma_wait3A_762, %dma_wait3A_763] : memref<32x768xf32, #tpu.memory_space<vmem>> -> memref<8x768xf32, #tpu.memory_space<vmem>>
    tpu.wait_dma2 semaphore(%arg24 : memref<!tpu.dma_semaphore, #tpu.memory_space<semaphore_mem>>) src(%dma_wait3A_764 : memref<8x768xf32, #tpu.memory_space<vmem>>) dst(%dma_wait3A_761 : memref<8x768xf32, #tpu.memory_space<hbm>>)
    %dma_start3A_765 = arith.constant 288 : i32
    %dma_start3A_766 = tpu.memref_slice %arg6[%dma_start3A_765] : memref<512xi32, #tpu.memory_space<vmem>> -> memref<32xi32, #tpu.memory_space<vmem>>
    %dma_start3A_767 = arith.constant 0 : i32
    %dma_start3A_768 = arith.constant 0 : i32
    %dma_start3A_769 = tpu.memref_slice %arg3[%dma_start3A_767, %dma_start3A_768] : memref<100000x768xf32, #tpu.memory_space<hbm>> -> memref<100000x768xf32, #tpu.memory_space<hbm>>
    tpu.enqueue_indirect_dma source(%dma_start3A_769 : memref<100000x768xf32, #tpu.memory_space<hbm>>) target(%arg8 : memref<32x768xf32, #tpu.memory_space<vmem>>) offsets(%dma_start3A_766 : memref<32xi32, #tpu.memory_space<vmem>>) semaphore(%arg16 : memref<!tpu.dma_semaphore, #tpu.memory_space<semaphore_mem>>)
    %add3A_770 = arith.constant 72 : i32
    %add3A_771 = arith.addi %mul3A_2, %add3A_770 : i32
    %dma_start3A_772 = arith.constant 0 : i32
    %dma_start3A_773 = tpu.memref_slice %arg4[%add3A_771, %dma_start3A_772] : memref<4096x768xf32, #tpu.memory_space<hbm>> -> memref<8x768xf32, #tpu.memory_space<hbm>>
    %dma_start3A_774 = arith.constant 0 : i32
    %dma_start3A_775 = tpu.memref_slice %arg4[%add3A_771, %dma_start3A_774] : memref<4096x768xf32, #tpu.memory_space<hbm>> -> memref<8x768xf32, #tpu.memory_space<hbm>>
    tpu.enqueue_dma source(%dma_start3A_775 : memref<8x768xf32, #tpu.memory_space<hbm>>) target(%arg12 : memref<8x768xf32, #tpu.memory_space<vmem>>) target_semaphore(%arg20 : memref<!tpu.dma_semaphore, #tpu.memory_space<semaphore_mem>>)
    %dma_wait3A_776 = arith.constant 192 : i32
    %dma_wait3A_777 = tpu.memref_slice %arg6[%dma_wait3A_776] : memref<512xi32, #tpu.memory_space<vmem>> -> memref<32xi32, #tpu.memory_space<vmem>>
    %dma_wait3A_778 = arith.constant 0 : i32
    %dma_wait3A_779 = arith.constant 0 : i32
    %dma_wait3A_780 = tpu.memref_slice %arg3[%dma_wait3A_778, %dma_wait3A_779] : memref<100000x768xf32, #tpu.memory_space<hbm>> -> memref<100000x768xf32, #tpu.memory_space<hbm>>
    tpu.wait_indirect_dma semaphore(%arg17 : memref<!tpu.dma_semaphore, #tpu.memory_space<semaphore_mem>>) src(%dma_wait3A_780 : memref<100000x768xf32, #tpu.memory_space<hbm>>) dst(%arg9 : memref<32x768xf32, #tpu.memory_space<vmem>>)
    %dma_wait3A_781 = arith.constant 0 : i32
    %dma_wait3A_782 = tpu.memref_slice %arg4[%add3A_405, %dma_wait3A_781] : memref<4096x768xf32, #tpu.memory_space<hbm>> -> memref<8x768xf32, #tpu.memory_space<hbm>>
    %dma_wait3A_783 = arith.constant 0 : i32
    %dma_wait3A_784 = tpu.memref_slice %arg4[%add3A_405, %dma_wait3A_783] : memref<4096x768xf32, #tpu.memory_space<hbm>> -> memref<8x768xf32, #tpu.memory_space<hbm>>
    tpu.wait_dma2 semaphore(%arg21 : memref<!tpu.dma_semaphore, #tpu.memory_space<semaphore_mem>>) src(%dma_wait3A_784 : memref<8x768xf32, #tpu.memory_space<hbm>>) dst(%arg13 : memref<8x768xf32, #tpu.memory_space<vmem>>)
    %scan3A_785 = arith.constant 0 : i32
    %scan3A_786 = arith.constant 0 : i32
    %scan3A_787 = arith.constant 8 : i32
    %scan3A_788 = arith.addi %scan3A_786, %scan3A_787 : i32
    %scan3A_789 = arith.constant 1 : i32
    scf.for %scan3A_1952 = %scan3A_786 to %scan3A_788 step %scan3A_789  : i32 {
      %parallel_loop3A = arith.constant 0 : i32
      %parallel_loop3A_1953 = arith.constant 48 : i32
      %parallel_loop3A_1954 = arith.constant 1 : i32
      scf.for %parallel_loop3A_1955 = %parallel_loop3A to %parallel_loop3A_1953 step %parallel_loop3A_1954  : i32 {
        %parallel_loop3A_1956 = arith.constant 16 : i32
        %parallel_loop3A_1957 = arith.muli %parallel_loop3A_1955, %parallel_loop3A_1956 : i32
        %parallel_loop3A_1958 = arith.index_cast %scan3A_1952 : i32 to index
        %parallel_loop3A_1959 = arith.index_cast %parallel_loop3A_1957 : i32 to index
        %parallel_loop3A_1960 = tpu.vector_load %arg13[%parallel_loop3A_1958, %parallel_loop3A_1959] {strides = array<i32>} : memref<8x768xf32, #tpu.memory_space<vmem>>, vector<1x16xf32>,
        %parallel_loop3A_1961 = vector.shape_cast %parallel_loop3A_1960 : vector<1x16xf32> to vector<16xf32>
        %parallel_loop3A_1962 = arith.constant 0 : i32
        %parallel_loop3A_1963 = arith.addi %parallel_loop3A_1962, %scan3A_1952 : i32
        %parallel_loop3A_1964 = arith.index_cast %parallel_loop3A_1963 : i32 to index
        %parallel_loop3A_1965 = arith.index_cast %parallel_loop3A_1957 : i32 to index
        %parallel_loop3A_1966 = tpu.vector_load %arg9[%parallel_loop3A_1964, %parallel_loop3A_1965] {strides = array<i32>} : memref<32x768xf32, #tpu.memory_space<vmem>>, vector<1x16xf32>,
        %parallel_loop3A_1967 = vector.shape_cast %parallel_loop3A_1966 : vector<1x16xf32> to vector<16xf32>
        %parallel_loop3A_1968 = vector.shape_cast %parallel_loop3A_1961 : vector<16xf32> to vector<1x16xf32>
        tpu.vector_store %arg9[%parallel_loop3A_1964, %parallel_loop3A_1965], %parallel_loop3A_1968 {add = true, strides = array<i32>} : memref<32x768xf32, #tpu.memory_space<vmem>>, vector<1x16xf32>,
        %parallel_loop3A_1969 = arith.constant 8 : i32
        %parallel_loop3A_1970 = arith.addi %parallel_loop3A_1969, %scan3A_1952 : i32
        %parallel_loop3A_1971 = arith.index_cast %parallel_loop3A_1970 : i32 to index
        %parallel_loop3A_1972 = arith.index_cast %parallel_loop3A_1957 : i32 to index
        %parallel_loop3A_1973 = tpu.vector_load %arg9[%parallel_loop3A_1971, %parallel_loop3A_1972] {strides = array<i32>} : memref<32x768xf32, #tpu.memory_space<vmem>>, vector<1x16xf32>,
        %parallel_loop3A_1974 = vector.shape_cast %parallel_loop3A_1973 : vector<1x16xf32> to vector<16xf32>
        %parallel_loop3A_1975 = vector.shape_cast %parallel_loop3A_1961 : vector<16xf32> to vector<1x16xf32>
        tpu.vector_store %arg9[%parallel_loop3A_1971, %parallel_loop3A_1972], %parallel_loop3A_1975 {add = true, strides = array<i32>} : memref<32x768xf32, #tpu.memory_space<vmem>>, vector<1x16xf32>,
        %parallel_loop3A_1976 = arith.constant 16 : i32
        %parallel_loop3A_1977 = arith.addi %parallel_loop3A_1976, %scan3A_1952 : i32
        %parallel_loop3A_1978 = arith.index_cast %parallel_loop3A_1977 : i32 to index
        %parallel_loop3A_1979 = arith.index_cast %parallel_loop3A_1957 : i32 to index
        %parallel_loop3A_1980 = tpu.vector_load %arg9[%parallel_loop3A_1978, %parallel_loop3A_1979] {strides = array<i32>} : memref<32x768xf32, #tpu.memory_space<vmem>>, vector<1x16xf32>,
        %parallel_loop3A_1981 = vector.shape_cast %parallel_loop3A_1980 : vector<1x16xf32> to vector<16xf32>
        %parallel_loop3A_1982 = vector.shape_cast %parallel_loop3A_1961 : vector<16xf32> to vector<1x16xf32>
        tpu.vector_store %arg9[%parallel_loop3A_1978, %parallel_loop3A_1979], %parallel_loop3A_1982 {add = true, strides = array<i32>} : memref<32x768xf32, #tpu.memory_space<vmem>>, vector<1x16xf32>,
        %parallel_loop3A_1983 = arith.constant 24 : i32
        %parallel_loop3A_1984 = arith.addi %parallel_loop3A_1983, %scan3A_1952 : i32
        %parallel_loop3A_1985 = arith.index_cast %parallel_loop3A_1984 : i32 to index
        %parallel_loop3A_1986 = arith.index_cast %parallel_loop3A_1957 : i32 to index
        %parallel_loop3A_1987 = tpu.vector_load %arg9[%parallel_loop3A_1985, %parallel_loop3A_1986] {strides = array<i32>} : memref<32x768xf32, #tpu.memory_space<vmem>>, vector<1x16xf32>,
        %parallel_loop3A_1988 = vector.shape_cast %parallel_loop3A_1987 : vector<1x16xf32> to vector<16xf32>
        %parallel_loop3A_1989 = vector.shape_cast %parallel_loop3A_1961 : vector<16xf32> to vector<1x16xf32>
        tpu.vector_store %arg9[%parallel_loop3A_1985, %parallel_loop3A_1986], %parallel_loop3A_1989 {add = true, strides = array<i32>} : memref<32x768xf32, #tpu.memory_space<vmem>>, vector<1x16xf32>,
      } {sc.loop_unroll_factor = 2 : i64, sc.parallel_access}
    }
    %scan3A_790 = arith.constant 8 : i32
    %add3A_791 = arith.constant 0 : i32
    %add3A_792 = arith.addi %add3A_791, %mul3A_2 : i32
    %add3A_793 = arith.constant 48 : i32
    %add3A_794 = arith.addi %add3A_792, %add3A_793 : i32
    %dma_start3A_795 = arith.constant 0 : i32
    %dma_start3A_796 = arith.constant 0 : i32
    %dma_start3A_797 = tpu.memref_slice %arg9[%dma_start3A_795, %dma_start3A_796] : memref<32x768xf32, #tpu.memory_space<vmem>> -> memref<8x768xf32, #tpu.memory_space<vmem>>
    %dma_start3A_798 = arith.constant 0 : i32
    %dma_start3A_799 = tpu.memref_slice %arg5[%add3A_794, %dma_start3A_798] : memref<16384x768xf32, #tpu.memory_space<hbm>> -> memref<8x768xf32, #tpu.memory_space<hbm>>
    %dma_start3A_800 = arith.constant 0 : i32
    %dma_start3A_801 = tpu.memref_slice %arg5[%add3A_794, %dma_start3A_800] : memref<16384x768xf32, #tpu.memory_space<hbm>> -> memref<8x768xf32, #tpu.memory_space<hbm>>
    %dma_start3A_802 = arith.constant 0 : i32
    %dma_start3A_803 = arith.constant 0 : i32
    %dma_start3A_804 = tpu.memref_slice %arg9[%dma_start3A_802, %dma_start3A_803] : memref<32x768xf32, #tpu.memory_space<vmem>> -> memref<8x768xf32, #tpu.memory_space<vmem>>
    tpu.enqueue_dma source(%dma_start3A_804 : memref<8x768xf32, #tpu.memory_space<vmem>>) target(%dma_start3A_801 : memref<8x768xf32, #tpu.memory_space<hbm>>) target_semaphore(%arg25 : memref<!tpu.dma_semaphore, #tpu.memory_space<semaphore_mem>>)
    %add3A_805 = arith.constant 4096 : i32
    %add3A_806 = arith.addi %add3A_805, %mul3A_2 : i32
    %add3A_807 = arith.constant 48 : i32
    %add3A_808 = arith.addi %add3A_806, %add3A_807 : i32
    %dma_start3A_809 = arith.constant 8 : i32
    %dma_start3A_810 = arith.constant 0 : i32
    %dma_start3A_811 = tpu.memref_slice %arg9[%dma_start3A_809, %dma_start3A_810] : memref<32x768xf32, #tpu.memory_space<vmem>> -> memref<8x768xf32, #tpu.memory_space<vmem>>
    %dma_start3A_812 = arith.constant 0 : i32
    %dma_start3A_813 = tpu.memref_slice %arg5[%add3A_808, %dma_start3A_812] : memref<16384x768xf32, #tpu.memory_space<hbm>> -> memref<8x768xf32, #tpu.memory_space<hbm>>
    %dma_start3A_814 = arith.constant 0 : i32
    %dma_start3A_815 = tpu.memref_slice %arg5[%add3A_808, %dma_start3A_814] : memref<16384x768xf32, #tpu.memory_space<hbm>> -> memref<8x768xf32, #tpu.memory_space<hbm>>
    %dma_start3A_816 = arith.constant 8 : i32
    %dma_start3A_817 = arith.constant 0 : i32
    %dma_start3A_818 = tpu.memref_slice %arg9[%dma_start3A_816, %dma_start3A_817] : memref<32x768xf32, #tpu.memory_space<vmem>> -> memref<8x768xf32, #tpu.memory_space<vmem>>
    tpu.enqueue_dma source(%dma_start3A_818 : memref<8x768xf32, #tpu.memory_space<vmem>>) target(%dma_start3A_815 : memref<8x768xf32, #tpu.memory_space<hbm>>) target_semaphore(%arg25 : memref<!tpu.dma_semaphore, #tpu.memory_space<semaphore_mem>>)
    %add3A_819 = arith.constant 8192 : i32
    %add3A_820 = arith.addi %add3A_819, %mul3A_2 : i32
    %add3A_821 = arith.constant 48 : i32
    %add3A_822 = arith.addi %add3A_820, %add3A_821 : i32
    %dma_start3A_823 = arith.constant 16 : i32
    %dma_start3A_824 = arith.constant 0 : i32
    %dma_start3A_825 = tpu.memref_slice %arg9[%dma_start3A_823, %dma_start3A_824] : memref<32x768xf32, #tpu.memory_space<vmem>> -> memref<8x768xf32, #tpu.memory_space<vmem>>
    %dma_start3A_826 = arith.constant 0 : i32
    %dma_start3A_827 = tpu.memref_slice %arg5[%add3A_822, %dma_start3A_826] : memref<16384x768xf32, #tpu.memory_space<hbm>> -> memref<8x768xf32, #tpu.memory_space<hbm>>
    %dma_start3A_828 = arith.constant 0 : i32
    %dma_start3A_829 = tpu.memref_slice %arg5[%add3A_822, %dma_start3A_828] : memref<16384x768xf32, #tpu.memory_space<hbm>> -> memref<8x768xf32, #tpu.memory_space<hbm>>
    %dma_start3A_830 = arith.constant 16 : i32
    %dma_start3A_831 = arith.constant 0 : i32
    %dma_start3A_832 = tpu.memref_slice %arg9[%dma_start3A_830, %dma_start3A_831] : memref<32x768xf32, #tpu.memory_space<vmem>> -> memref<8x768xf32, #tpu.memory_space<vmem>>
    tpu.enqueue_dma source(%dma_start3A_832 : memref<8x768xf32, #tpu.memory_space<vmem>>) target(%dma_start3A_829 : memref<8x768xf32, #tpu.memory_space<hbm>>) target_semaphore(%arg25 : memref<!tpu.dma_semaphore, #tpu.memory_space<semaphore_mem>>)
    %add3A_833 = arith.constant 12288 : i32
    %add3A_834 = arith.addi %add3A_833, %mul3A_2 : i32
    %add3A_835 = arith.constant 48 : i32
    %add3A_836 = arith.addi %add3A_834, %add3A_835 : i32
    %dma_start3A_837 = arith.constant 24 : i32
    %dma_start3A_838 = arith.constant 0 : i32
    %dma_start3A_839 = tpu.memref_slice %arg9[%dma_start3A_837, %dma_start3A_838] : memref<32x768xf32, #tpu.memory_space<vmem>> -> memref<8x768xf32, #tpu.memory_space<vmem>>
    %dma_start3A_840 = arith.constant 0 : i32
    %dma_start3A_841 = tpu.memref_slice %arg5[%add3A_836, %dma_start3A_840] : memref<16384x768xf32, #tpu.memory_space<hbm>> -> memref<8x768xf32, #tpu.memory_space<hbm>>
    %dma_start3A_842 = arith.constant 0 : i32
    %dma_start3A_843 = tpu.memref_slice %arg5[%add3A_836, %dma_start3A_842] : memref<16384x768xf32, #tpu.memory_space<hbm>> -> memref<8x768xf32, #tpu.memory_space<hbm>>
    %dma_start3A_844 = arith.constant 24 : i32
    %dma_start3A_845 = arith.constant 0 : i32
    %dma_start3A_846 = tpu.memref_slice %arg9[%dma_start3A_844, %dma_start3A_845] : memref<32x768xf32, #tpu.memory_space<vmem>> -> memref<8x768xf32, #tpu.memory_space<vmem>>
    tpu.enqueue_dma source(%dma_start3A_846 : memref<8x768xf32, #tpu.memory_space<vmem>>) target(%dma_start3A_843 : memref<8x768xf32, #tpu.memory_space<hbm>>) target_semaphore(%arg25 : memref<!tpu.dma_semaphore, #tpu.memory_space<semaphore_mem>>)
    %dma_wait3A_847 = arith.constant 0 : i32
    %dma_wait3A_848 = arith.constant 0 : i32
    %dma_wait3A_849 = tpu.memref_slice %arg9[%dma_wait3A_847, %dma_wait3A_848] : memref<32x768xf32, #tpu.memory_space<vmem>> -> memref<8x768xf32, #tpu.memory_space<vmem>>
    %dma_wait3A_850 = arith.constant 0 : i32
    %dma_wait3A_851 = tpu.memref_slice %arg5[%add3A_794, %dma_wait3A_850] : memref<16384x768xf32, #tpu.memory_space<hbm>> -> memref<8x768xf32, #tpu.memory_space<hbm>>
    %dma_wait3A_852 = arith.constant 0 : i32
    %dma_wait3A_853 = tpu.memref_slice %arg5[%add3A_794, %dma_wait3A_852] : memref<16384x768xf32, #tpu.memory_space<hbm>> -> memref<8x768xf32, #tpu.memory_space<hbm>>
    %dma_wait3A_854 = arith.constant 0 : i32
    %dma_wait3A_855 = arith.constant 0 : i32
    %dma_wait3A_856 = tpu.memref_slice %arg9[%dma_wait3A_854, %dma_wait3A_855] : memref<32x768xf32, #tpu.memory_space<vmem>> -> memref<8x768xf32, #tpu.memory_space<vmem>>
    tpu.wait_dma2 semaphore(%arg25 : memref<!tpu.dma_semaphore, #tpu.memory_space<semaphore_mem>>) src(%dma_wait3A_856 : memref<8x768xf32, #tpu.memory_space<vmem>>) dst(%dma_wait3A_853 : memref<8x768xf32, #tpu.memory_space<hbm>>)
    %dma_wait3A_857 = arith.constant 8 : i32
    %dma_wait3A_858 = arith.constant 0 : i32
    %dma_wait3A_859 = tpu.memref_slice %arg9[%dma_wait3A_857, %dma_wait3A_858] : memref<32x768xf32, #tpu.memory_space<vmem>> -> memref<8x768xf32, #tpu.memory_space<vmem>>
    %dma_wait3A_860 = arith.constant 0 : i32
    %dma_wait3A_861 = tpu.memref_slice %arg5[%add3A_808, %dma_wait3A_860] : memref<16384x768xf32, #tpu.memory_space<hbm>> -> memref<8x768xf32, #tpu.memory_space<hbm>>
    %dma_wait3A_862 = arith.constant 0 : i32
    %dma_wait3A_863 = tpu.memref_slice %arg5[%add3A_808, %dma_wait3A_862] : memref<16384x768xf32, #tpu.memory_space<hbm>> -> memref<8x768xf32, #tpu.memory_space<hbm>>
    %dma_wait3A_864 = arith.constant 8 : i32
    %dma_wait3A_865 = arith.constant 0 : i32
    %dma_wait3A_866 = tpu.memref_slice %arg9[%dma_wait3A_864, %dma_wait3A_865] : memref<32x768xf32, #tpu.memory_space<vmem>> -> memref<8x768xf32, #tpu.memory_space<vmem>>
    tpu.wait_dma2 semaphore(%arg25 : memref<!tpu.dma_semaphore, #tpu.memory_space<semaphore_mem>>) src(%dma_wait3A_866 : memref<8x768xf32, #tpu.memory_space<vmem>>) dst(%dma_wait3A_863 : memref<8x768xf32, #tpu.memory_space<hbm>>)
    %dma_wait3A_867 = arith.constant 16 : i32
    %dma_wait3A_868 = arith.constant 0 : i32
    %dma_wait3A_869 = tpu.memref_slice %arg9[%dma_wait3A_867, %dma_wait3A_868] : memref<32x768xf32, #tpu.memory_space<vmem>> -> memref<8x768xf32, #tpu.memory_space<vmem>>
    %dma_wait3A_870 = arith.constant 0 : i32
    %dma_wait3A_871 = tpu.memref_slice %arg5[%add3A_822, %dma_wait3A_870] : memref<16384x768xf32, #tpu.memory_space<hbm>> -> memref<8x768xf32, #tpu.memory_space<hbm>>
    %dma_wait3A_872 = arith.constant 0 : i32
    %dma_wait3A_873 = tpu.memref_slice %arg5[%add3A_822, %dma_wait3A_872] : memref<16384x768xf32, #tpu.memory_space<hbm>> -> memref<8x768xf32, #tpu.memory_space<hbm>>
    %dma_wait3A_874 = arith.constant 16 : i32
    %dma_wait3A_875 = arith.constant 0 : i32
    %dma_wait3A_876 = tpu.memref_slice %arg9[%dma_wait3A_874, %dma_wait3A_875] : memref<32x768xf32, #tpu.memory_space<vmem>> -> memref<8x768xf32, #tpu.memory_space<vmem>>
    tpu.wait_dma2 semaphore(%arg25 : memref<!tpu.dma_semaphore, #tpu.memory_space<semaphore_mem>>) src(%dma_wait3A_876 : memref<8x768xf32, #tpu.memory_space<vmem>>) dst(%dma_wait3A_873 : memref<8x768xf32, #tpu.memory_space<hbm>>)
    %dma_wait3A_877 = arith.constant 24 : i32
    %dma_wait3A_878 = arith.constant 0 : i32
    %dma_wait3A_879 = tpu.memref_slice %arg9[%dma_wait3A_877, %dma_wait3A_878] : memref<32x768xf32, #tpu.memory_space<vmem>> -> memref<8x768xf32, #tpu.memory_space<vmem>>
    %dma_wait3A_880 = arith.constant 0 : i32
    %dma_wait3A_881 = tpu.memref_slice %arg5[%add3A_836, %dma_wait3A_880] : memref<16384x768xf32, #tpu.memory_space<hbm>> -> memref<8x768xf32, #tpu.memory_space<hbm>>
    %dma_wait3A_882 = arith.constant 0 : i32
    %dma_wait3A_883 = tpu.memref_slice %arg5[%add3A_836, %dma_wait3A_882] : memref<16384x768xf32, #tpu.memory_space<hbm>> -> memref<8x768xf32, #tpu.memory_space<hbm>>
    %dma_wait3A_884 = arith.constant 24 : i32
    %dma_wait3A_885 = arith.constant 0 : i32
    %dma_wait3A_886 = tpu.memref_slice %arg9[%dma_wait3A_884, %dma_wait3A_885] : memref<32x768xf32, #tpu.memory_space<vmem>> -> memref<8x768xf32, #tpu.memory_space<vmem>>
    tpu.wait_dma2 semaphore(%arg25 : memref<!tpu.dma_semaphore, #tpu.memory_space<semaphore_mem>>) src(%dma_wait3A_886 : memref<8x768xf32, #tpu.memory_space<vmem>>) dst(%dma_wait3A_883 : memref<8x768xf32, #tpu.memory_space<hbm>>)
    %dma_start3A_887 = arith.constant 320 : i32
    %dma_start3A_888 = tpu.memref_slice %arg6[%dma_start3A_887] : memref<512xi32, #tpu.memory_space<vmem>> -> memref<32xi32, #tpu.memory_space<vmem>>
    %dma_start3A_889 = arith.constant 0 : i32
    %dma_start3A_890 = arith.constant 0 : i32
    %dma_start3A_891 = tpu.memref_slice %arg3[%dma_start3A_889, %dma_start3A_890] : memref<100000x768xf32, #tpu.memory_space<hbm>> -> memref<100000x768xf32, #tpu.memory_space<hbm>>
    tpu.enqueue_indirect_dma source(%dma_start3A_891 : memref<100000x768xf32, #tpu.memory_space<hbm>>) target(%arg9 : memref<32x768xf32, #tpu.memory_space<vmem>>) offsets(%dma_start3A_888 : memref<32xi32, #tpu.memory_space<vmem>>) semaphore(%arg17 : memref<!tpu.dma_semaphore, #tpu.memory_space<semaphore_mem>>)
    %add3A_892 = arith.constant 80 : i32
    %add3A_893 = arith.addi %mul3A_2, %add3A_892 : i32
    %dma_start3A_894 = arith.constant 0 : i32
    %dma_start3A_895 = tpu.memref_slice %arg4[%add3A_893, %dma_start3A_894] : memref<4096x768xf32, #tpu.memory_space<hbm>> -> memref<8x768xf32, #tpu.memory_space<hbm>>
    %dma_start3A_896 = arith.constant 0 : i32
    %dma_start3A_897 = tpu.memref_slice %arg4[%add3A_893, %dma_start3A_896] : memref<4096x768xf32, #tpu.memory_space<hbm>> -> memref<8x768xf32, #tpu.memory_space<hbm>>
    tpu.enqueue_dma source(%dma_start3A_897 : memref<8x768xf32, #tpu.memory_space<hbm>>) target(%arg13 : memref<8x768xf32, #tpu.memory_space<vmem>>) target_semaphore(%arg21 : memref<!tpu.dma_semaphore, #tpu.memory_space<semaphore_mem>>)
    %dma_wait3A_898 = arith.constant 224 : i32
    %dma_wait3A_899 = tpu.memref_slice %arg6[%dma_wait3A_898] : memref<512xi32, #tpu.memory_space<vmem>> -> memref<32xi32, #tpu.memory_space<vmem>>
    %dma_wait3A_900 = arith.constant 0 : i32
    %dma_wait3A_901 = arith.constant 0 : i32
    %dma_wait3A_902 = tpu.memref_slice %arg3[%dma_wait3A_900, %dma_wait3A_901] : memref<100000x768xf32, #tpu.memory_space<hbm>> -> memref<100000x768xf32, #tpu.memory_space<hbm>>
    tpu.wait_indirect_dma semaphore(%arg18 : memref<!tpu.dma_semaphore, #tpu.memory_space<semaphore_mem>>) src(%dma_wait3A_902 : memref<100000x768xf32, #tpu.memory_space<hbm>>) dst(%arg10 : memref<32x768xf32, #tpu.memory_space<vmem>>)
    %dma_wait3A_903 = arith.constant 0 : i32
    %dma_wait3A_904 = tpu.memref_slice %arg4[%add3A_527, %dma_wait3A_903] : memref<4096x768xf32, #tpu.memory_space<hbm>> -> memref<8x768xf32, #tpu.memory_space<hbm>>
    %dma_wait3A_905 = arith.constant 0 : i32
    %dma_wait3A_906 = tpu.memref_slice %arg4[%add3A_527, %dma_wait3A_905] : memref<4096x768xf32, #tpu.memory_space<hbm>> -> memref<8x768xf32, #tpu.memory_space<hbm>>
    tpu.wait_dma2 semaphore(%arg22 : memref<!tpu.dma_semaphore, #tpu.memory_space<semaphore_mem>>) src(%dma_wait3A_906 : memref<8x768xf32, #tpu.memory_space<hbm>>) dst(%arg14 : memref<8x768xf32, #tpu.memory_space<vmem>>)
    %scan3A_907 = arith.constant 0 : i32
    %scan3A_908 = arith.constant 0 : i32
    %scan3A_909 = arith.constant 8 : i32
    %scan3A_910 = arith.addi %scan3A_908, %scan3A_909 : i32
    %scan3A_911 = arith.constant 1 : i32
    scf.for %scan3A_1952 = %scan3A_908 to %scan3A_910 step %scan3A_911  : i32 {
      %parallel_loop3A = arith.constant 0 : i32
      %parallel_loop3A_1953 = arith.constant 48 : i32
      %parallel_loop3A_1954 = arith.constant 1 : i32
      scf.for %parallel_loop3A_1955 = %parallel_loop3A to %parallel_loop3A_1953 step %parallel_loop3A_1954  : i32 {
        %parallel_loop3A_1956 = arith.constant 16 : i32
        %parallel_loop3A_1957 = arith.muli %parallel_loop3A_1955, %parallel_loop3A_1956 : i32
        %parallel_loop3A_1958 = arith.index_cast %scan3A_1952 : i32 to index
        %parallel_loop3A_1959 = arith.index_cast %parallel_loop3A_1957 : i32 to index
        %parallel_loop3A_1960 = tpu.vector_load %arg14[%parallel_loop3A_1958, %parallel_loop3A_1959] {strides = array<i32>} : memref<8x768xf32, #tpu.memory_space<vmem>>, vector<1x16xf32>,
        %parallel_loop3A_1961 = vector.shape_cast %parallel_loop3A_1960 : vector<1x16xf32> to vector<16xf32>
        %parallel_loop3A_1962 = arith.constant 0 : i32
        %parallel_loop3A_1963 = arith.addi %parallel_loop3A_1962, %scan3A_1952 : i32
        %parallel_loop3A_1964 = arith.index_cast %parallel_loop3A_1963 : i32 to index
        %parallel_loop3A_1965 = arith.index_cast %parallel_loop3A_1957 : i32 to index
        %parallel_loop3A_1966 = tpu.vector_load %arg10[%parallel_loop3A_1964, %parallel_loop3A_1965] {strides = array<i32>} : memref<32x768xf32, #tpu.memory_space<vmem>>, vector<1x16xf32>,
        %parallel_loop3A_1967 = vector.shape_cast %parallel_loop3A_1966 : vector<1x16xf32> to vector<16xf32>
        %parallel_loop3A_1968 = vector.shape_cast %parallel_loop3A_1961 : vector<16xf32> to vector<1x16xf32>
        tpu.vector_store %arg10[%parallel_loop3A_1964, %parallel_loop3A_1965], %parallel_loop3A_1968 {add = true, strides = array<i32>} : memref<32x768xf32, #tpu.memory_space<vmem>>, vector<1x16xf32>,
        %parallel_loop3A_1969 = arith.constant 8 : i32
        %parallel_loop3A_1970 = arith.addi %parallel_loop3A_1969, %scan3A_1952 : i32
        %parallel_loop3A_1971 = arith.index_cast %parallel_loop3A_1970 : i32 to index
        %parallel_loop3A_1972 = arith.index_cast %parallel_loop3A_1957 : i32 to index
        %parallel_loop3A_1973 = tpu.vector_load %arg10[%parallel_loop3A_1971, %parallel_loop3A_1972] {strides = array<i32>} : memref<32x768xf32, #tpu.memory_space<vmem>>, vector<1x16xf32>,
        %parallel_loop3A_1974 = vector.shape_cast %parallel_loop3A_1973 : vector<1x16xf32> to vector<16xf32>
        %parallel_loop3A_1975 = vector.shape_cast %parallel_loop3A_1961 : vector<16xf32> to vector<1x16xf32>
        tpu.vector_store %arg10[%parallel_loop3A_1971, %parallel_loop3A_1972], %parallel_loop3A_1975 {add = true, strides = array<i32>} : memref<32x768xf32, #tpu.memory_space<vmem>>, vector<1x16xf32>,
        %parallel_loop3A_1976 = arith.constant 16 : i32
        %parallel_loop3A_1977 = arith.addi %parallel_loop3A_1976, %scan3A_1952 : i32
        %parallel_loop3A_1978 = arith.index_cast %parallel_loop3A_1977 : i32 to index
        %parallel_loop3A_1979 = arith.index_cast %parallel_loop3A_1957 : i32 to index
        %parallel_loop3A_1980 = tpu.vector_load %arg10[%parallel_loop3A_1978, %parallel_loop3A_1979] {strides = array<i32>} : memref<32x768xf32, #tpu.memory_space<vmem>>, vector<1x16xf32>,
        %parallel_loop3A_1981 = vector.shape_cast %parallel_loop3A_1980 : vector<1x16xf32> to vector<16xf32>
        %parallel_loop3A_1982 = vector.shape_cast %parallel_loop3A_1961 : vector<16xf32> to vector<1x16xf32>
        tpu.vector_store %arg10[%parallel_loop3A_1978, %parallel_loop3A_1979], %parallel_loop3A_1982 {add = true, strides = array<i32>} : memref<32x768xf32, #tpu.memory_space<vmem>>, vector<1x16xf32>,
        %parallel_loop3A_1983 = arith.constant 24 : i32
        %parallel_loop3A_1984 = arith.addi %parallel_loop3A_1983, %scan3A_1952 : i32
        %parallel_loop3A_1985 = arith.index_cast %parallel_loop3A_1984 : i32 to index
        %parallel_loop3A_1986 = arith.index_cast %parallel_loop3A_1957 : i32 to index
        %parallel_loop3A_1987 = tpu.vector_load %arg10[%parallel_loop3A_1985, %parallel_loop3A_1986] {strides = array<i32>} : memref<32x768xf32, #tpu.memory_space<vmem>>, vector<1x16xf32>,
        %parallel_loop3A_1988 = vector.shape_cast %parallel_loop3A_1987 : vector<1x16xf32> to vector<16xf32>
        %parallel_loop3A_1989 = vector.shape_cast %parallel_loop3A_1961 : vector<16xf32> to vector<1x16xf32>
        tpu.vector_store %arg10[%parallel_loop3A_1985, %parallel_loop3A_1986], %parallel_loop3A_1989 {add = true, strides = array<i32>} : memref<32x768xf32, #tpu.memory_space<vmem>>, vector<1x16xf32>,
      } {sc.loop_unroll_factor = 2 : i64, sc.parallel_access}
    }
    %scan3A_912 = arith.constant 8 : i32
    %add3A_913 = arith.constant 0 : i32
    %add3A_914 = arith.addi %add3A_913, %mul3A_2 : i32
    %add3A_915 = arith.constant 56 : i32
    %add3A_916 = arith.addi %add3A_914, %add3A_915 : i32
    %dma_start3A_917 = arith.constant 0 : i32
    %dma_start3A_918 = arith.constant 0 : i32
    %dma_start3A_919 = tpu.memref_slice %arg10[%dma_start3A_917, %dma_start3A_918] : memref<32x768xf32, #tpu.memory_space<vmem>> -> memref<8x768xf32, #tpu.memory_space<vmem>>
    %dma_start3A_920 = arith.constant 0 : i32
    %dma_start3A_921 = tpu.memref_slice %arg5[%add3A_916, %dma_start3A_920] : memref<16384x768xf32, #tpu.memory_space<hbm>> -> memref<8x768xf32, #tpu.memory_space<hbm>>
    %dma_start3A_922 = arith.constant 0 : i32
    %dma_start3A_923 = tpu.memref_slice %arg5[%add3A_916, %dma_start3A_922] : memref<16384x768xf32, #tpu.memory_space<hbm>> -> memref<8x768xf32, #tpu.memory_space<hbm>>
    %dma_start3A_924 = arith.constant 0 : i32
    %dma_start3A_925 = arith.constant 0 : i32
    %dma_start3A_926 = tpu.memref_slice %arg10[%dma_start3A_924, %dma_start3A_925] : memref<32x768xf32, #tpu.memory_space<vmem>> -> memref<8x768xf32, #tpu.memory_space<vmem>>
    tpu.enqueue_dma source(%dma_start3A_926 : memref<8x768xf32, #tpu.memory_space<vmem>>) target(%dma_start3A_923 : memref<8x768xf32, #tpu.memory_space<hbm>>) target_semaphore(%arg26 : memref<!tpu.dma_semaphore, #tpu.memory_space<semaphore_mem>>)
    %add3A_927 = arith.constant 4096 : i32
    %add3A_928 = arith.addi %add3A_927, %mul3A_2 : i32
    %add3A_929 = arith.constant 56 : i32
    %add3A_930 = arith.addi %add3A_928, %add3A_929 : i32
    %dma_start3A_931 = arith.constant 8 : i32
    %dma_start3A_932 = arith.constant 0 : i32
    %dma_start3A_933 = tpu.memref_slice %arg10[%dma_start3A_931, %dma_start3A_932] : memref<32x768xf32, #tpu.memory_space<vmem>> -> memref<8x768xf32, #tpu.memory_space<vmem>>
    %dma_start3A_934 = arith.constant 0 : i32
    %dma_start3A_935 = tpu.memref_slice %arg5[%add3A_930, %dma_start3A_934] : memref<16384x768xf32, #tpu.memory_space<hbm>> -> memref<8x768xf32, #tpu.memory_space<hbm>>
    %dma_start3A_936 = arith.constant 0 : i32
    %dma_start3A_937 = tpu.memref_slice %arg5[%add3A_930, %dma_start3A_936] : memref<16384x768xf32, #tpu.memory_space<hbm>> -> memref<8x768xf32, #tpu.memory_space<hbm>>
    %dma_start3A_938 = arith.constant 8 : i32
    %dma_start3A_939 = arith.constant 0 : i32
    %dma_start3A_940 = tpu.memref_slice %arg10[%dma_start3A_938, %dma_start3A_939] : memref<32x768xf32, #tpu.memory_space<vmem>> -> memref<8x768xf32, #tpu.memory_space<vmem>>
    tpu.enqueue_dma source(%dma_start3A_940 : memref<8x768xf32, #tpu.memory_space<vmem>>) target(%dma_start3A_937 : memref<8x768xf32, #tpu.memory_space<hbm>>) target_semaphore(%arg26 : memref<!tpu.dma_semaphore, #tpu.memory_space<semaphore_mem>>)
    %add3A_941 = arith.constant 8192 : i32
    %add3A_942 = arith.addi %add3A_941, %mul3A_2 : i32
    %add3A_943 = arith.constant 56 : i32
    %add3A_944 = arith.addi %add3A_942, %add3A_943 : i32
    %dma_start3A_945 = arith.constant 16 : i32
    %dma_start3A_946 = arith.constant 0 : i32
    %dma_start3A_947 = tpu.memref_slice %arg10[%dma_start3A_945, %dma_start3A_946] : memref<32x768xf32, #tpu.memory_space<vmem>> -> memref<8x768xf32, #tpu.memory_space<vmem>>
    %dma_start3A_948 = arith.constant 0 : i32
    %dma_start3A_949 = tpu.memref_slice %arg5[%add3A_944, %dma_start3A_948] : memref<16384x768xf32, #tpu.memory_space<hbm>> -> memref<8x768xf32, #tpu.memory_space<hbm>>
    %dma_start3A_950 = arith.constant 0 : i32
    %dma_start3A_951 = tpu.memref_slice %arg5[%add3A_944, %dma_start3A_950] : memref<16384x768xf32, #tpu.memory_space<hbm>> -> memref<8x768xf32, #tpu.memory_space<hbm>>
    %dma_start3A_952 = arith.constant 16 : i32
    %dma_start3A_953 = arith.constant 0 : i32
    %dma_start3A_954 = tpu.memref_slice %arg10[%dma_start3A_952, %dma_start3A_953] : memref<32x768xf32, #tpu.memory_space<vmem>> -> memref<8x768xf32, #tpu.memory_space<vmem>>
    tpu.enqueue_dma source(%dma_start3A_954 : memref<8x768xf32, #tpu.memory_space<vmem>>) target(%dma_start3A_951 : memref<8x768xf32, #tpu.memory_space<hbm>>) target_semaphore(%arg26 : memref<!tpu.dma_semaphore, #tpu.memory_space<semaphore_mem>>)
    %add3A_955 = arith.constant 12288 : i32
    %add3A_956 = arith.addi %add3A_955, %mul3A_2 : i32
    %add3A_957 = arith.constant 56 : i32
    %add3A_958 = arith.addi %add3A_956, %add3A_957 : i32
    %dma_start3A_959 = arith.constant 24 : i32
    %dma_start3A_960 = arith.constant 0 : i32
    %dma_start3A_961 = tpu.memref_slice %arg10[%dma_start3A_959, %dma_start3A_960] : memref<32x768xf32, #tpu.memory_space<vmem>> -> memref<8x768xf32, #tpu.memory_space<vmem>>
    %dma_start3A_962 = arith.constant 0 : i32
    %dma_start3A_963 = tpu.memref_slice %arg5[%add3A_958, %dma_start3A_962] : memref<16384x768xf32, #tpu.memory_space<hbm>> -> memref<8x768xf32, #tpu.memory_space<hbm>>
    %dma_start3A_964 = arith.constant 0 : i32
    %dma_start3A_965 = tpu.memref_slice %arg5[%add3A_958, %dma_start3A_964] : memref<16384x768xf32, #tpu.memory_space<hbm>> -> memref<8x768xf32, #tpu.memory_space<hbm>>
    %dma_start3A_966 = arith.constant 24 : i32
    %dma_start3A_967 = arith.constant 0 : i32
    %dma_start3A_968 = tpu.memref_slice %arg10[%dma_start3A_966, %dma_start3A_967] : memref<32x768xf32, #tpu.memory_space<vmem>> -> memref<8x768xf32, #tpu.memory_space<vmem>>
    tpu.enqueue_dma source(%dma_start3A_968 : memref<8x768xf32, #tpu.memory_space<vmem>>) target(%dma_start3A_965 : memref<8x768xf32, #tpu.memory_space<hbm>>) target_semaphore(%arg26 : memref<!tpu.dma_semaphore, #tpu.memory_space<semaphore_mem>>)
    %dma_wait3A_969 = arith.constant 0 : i32
    %dma_wait3A_970 = arith.constant 0 : i32
    %dma_wait3A_971 = tpu.memref_slice %arg10[%dma_wait3A_969, %dma_wait3A_970] : memref<32x768xf32, #tpu.memory_space<vmem>> -> memref<8x768xf32, #tpu.memory_space<vmem>>
    %dma_wait3A_972 = arith.constant 0 : i32
    %dma_wait3A_973 = tpu.memref_slice %arg5[%add3A_916, %dma_wait3A_972] : memref<16384x768xf32, #tpu.memory_space<hbm>> -> memref<8x768xf32, #tpu.memory_space<hbm>>
    %dma_wait3A_974 = arith.constant 0 : i32
    %dma_wait3A_975 = tpu.memref_slice %arg5[%add3A_916, %dma_wait3A_974] : memref<16384x768xf32, #tpu.memory_space<hbm>> -> memref<8x768xf32, #tpu.memory_space<hbm>>
    %dma_wait3A_976 = arith.constant 0 : i32
    %dma_wait3A_977 = arith.constant 0 : i32
    %dma_wait3A_978 = tpu.memref_slice %arg10[%dma_wait3A_976, %dma_wait3A_977] : memref<32x768xf32, #tpu.memory_space<vmem>> -> memref<8x768xf32, #tpu.memory_space<vmem>>
    tpu.wait_dma2 semaphore(%arg26 : memref<!tpu.dma_semaphore, #tpu.memory_space<semaphore_mem>>) src(%dma_wait3A_978 : memref<8x768xf32, #tpu.memory_space<vmem>>) dst(%dma_wait3A_975 : memref<8x768xf32, #tpu.memory_space<hbm>>)
    %dma_wait3A_979 = arith.constant 8 : i32
    %dma_wait3A_980 = arith.constant 0 : i32
    %dma_wait3A_981 = tpu.memref_slice %arg10[%dma_wait3A_979, %dma_wait3A_980] : memref<32x768xf32, #tpu.memory_space<vmem>> -> memref<8x768xf32, #tpu.memory_space<vmem>>
    %dma_wait3A_982 = arith.constant 0 : i32
    %dma_wait3A_983 = tpu.memref_slice %arg5[%add3A_930, %dma_wait3A_982] : memref<16384x768xf32, #tpu.memory_space<hbm>> -> memref<8x768xf32, #tpu.memory_space<hbm>>
    %dma_wait3A_984 = arith.constant 0 : i32
    %dma_wait3A_985 = tpu.memref_slice %arg5[%add3A_930, %dma_wait3A_984] : memref<16384x768xf32, #tpu.memory_space<hbm>> -> memref<8x768xf32, #tpu.memory_space<hbm>>
    %dma_wait3A_986 = arith.constant 8 : i32
    %dma_wait3A_987 = arith.constant 0 : i32
    %dma_wait3A_988 = tpu.memref_slice %arg10[%dma_wait3A_986, %dma_wait3A_987] : memref<32x768xf32, #tpu.memory_space<vmem>> -> memref<8x768xf32, #tpu.memory_space<vmem>>
    tpu.wait_dma2 semaphore(%arg26 : memref<!tpu.dma_semaphore, #tpu.memory_space<semaphore_mem>>) src(%dma_wait3A_988 : memref<8x768xf32, #tpu.memory_space<vmem>>) dst(%dma_wait3A_985 : memref<8x768xf32, #tpu.memory_space<hbm>>)
    %dma_wait3A_989 = arith.constant 16 : i32
    %dma_wait3A_990 = arith.constant 0 : i32
    %dma_wait3A_991 = tpu.memref_slice %arg10[%dma_wait3A_989, %dma_wait3A_990] : memref<32x768xf32, #tpu.memory_space<vmem>> -> memref<8x768xf32, #tpu.memory_space<vmem>>
    %dma_wait3A_992 = arith.constant 0 : i32
    %dma_wait3A_993 = tpu.memref_slice %arg5[%add3A_944, %dma_wait3A_992] : memref<16384x768xf32, #tpu.memory_space<hbm>> -> memref<8x768xf32, #tpu.memory_space<hbm>>
    %dma_wait3A_994 = arith.constant 0 : i32
    %dma_wait3A_995 = tpu.memref_slice %arg5[%add3A_944, %dma_wait3A_994] : memref<16384x768xf32, #tpu.memory_space<hbm>> -> memref<8x768xf32, #tpu.memory_space<hbm>>
    %dma_wait3A_996 = arith.constant 16 : i32
    %dma_wait3A_997 = arith.constant 0 : i32
    %dma_wait3A_998 = tpu.memref_slice %arg10[%dma_wait3A_996, %dma_wait3A_997] : memref<32x768xf32, #tpu.memory_space<vmem>> -> memref<8x768xf32, #tpu.memory_space<vmem>>
    tpu.wait_dma2 semaphore(%arg26 : memref<!tpu.dma_semaphore, #tpu.memory_space<semaphore_mem>>) src(%dma_wait3A_998 : memref<8x768xf32, #tpu.memory_space<vmem>>) dst(%dma_wait3A_995 : memref<8x768xf32, #tpu.memory_space<hbm>>)
    %dma_wait3A_999 = arith.constant 24 : i32
    %dma_wait3A_1000 = arith.constant 0 : i32
    %dma_wait3A_1001 = tpu.memref_slice %arg10[%dma_wait3A_999, %dma_wait3A_1000] : memref<32x768xf32, #tpu.memory_space<vmem>> -> memref<8x768xf32, #tpu.memory_space<vmem>>
    %dma_wait3A_1002 = arith.constant 0 : i32
    %dma_wait3A_1003 = tpu.memref_slice %arg5[%add3A_958, %dma_wait3A_1002] : memref<16384x768xf32, #tpu.memory_space<hbm>> -> memref<8x768xf32, #tpu.memory_space<hbm>>
    %dma_wait3A_1004 = arith.constant 0 : i32
    %dma_wait3A_1005 = tpu.memref_slice %arg5[%add3A_958, %dma_wait3A_1004] : memref<16384x768xf32, #tpu.memory_space<hbm>> -> memref<8x768xf32, #tpu.memory_space<hbm>>
    %dma_wait3A_1006 = arith.constant 24 : i32
    %dma_wait3A_1007 = arith.constant 0 : i32
    %dma_wait3A_1008 = tpu.memref_slice %arg10[%dma_wait3A_1006, %dma_wait3A_1007] : memref<32x768xf32, #tpu.memory_space<vmem>> -> memref<8x768xf32, #tpu.memory_space<vmem>>
    tpu.wait_dma2 semaphore(%arg26 : memref<!tpu.dma_semaphore, #tpu.memory_space<semaphore_mem>>) src(%dma_wait3A_1008 : memref<8x768xf32, #tpu.memory_space<vmem>>) dst(%dma_wait3A_1005 : memref<8x768xf32, #tpu.memory_space<hbm>>)
    %dma_start3A_1009 = arith.constant 352 : i32
    %dma_start3A_1010 = tpu.memref_slice %arg6[%dma_start3A_1009] : memref<512xi32, #tpu.memory_space<vmem>> -> memref<32xi32, #tpu.memory_space<vmem>>
    %dma_start3A_1011 = arith.constant 0 : i32
    %dma_start3A_1012 = arith.constant 0 : i32
    %dma_start3A_1013 = tpu.memref_slice %arg3[%dma_start3A_1011, %dma_start3A_1012] : memref<100000x768xf32, #tpu.memory_space<hbm>> -> memref<100000x768xf32, #tpu.memory_space<hbm>>
    tpu.enqueue_indirect_dma source(%dma_start3A_1013 : memref<100000x768xf32, #tpu.memory_space<hbm>>) target(%arg10 : memref<32x768xf32, #tpu.memory_space<vmem>>) offsets(%dma_start3A_1010 : memref<32xi32, #tpu.memory_space<vmem>>) semaphore(%arg18 : memref<!tpu.dma_semaphore, #tpu.memory_space<semaphore_mem>>)
    %add3A_1014 = arith.constant 88 : i32
    %add3A_1015 = arith.addi %mul3A_2, %add3A_1014 : i32
    %dma_start3A_1016 = arith.constant 0 : i32
    %dma_start3A_1017 = tpu.memref_slice %arg4[%add3A_1015, %dma_start3A_1016] : memref<4096x768xf32, #tpu.memory_space<hbm>> -> memref<8x768xf32, #tpu.memory_space<hbm>>
    %dma_start3A_1018 = arith.constant 0 : i32
    %dma_start3A_1019 = tpu.memref_slice %arg4[%add3A_1015, %dma_start3A_1018] : memref<4096x768xf32, #tpu.memory_space<hbm>> -> memref<8x768xf32, #tpu.memory_space<hbm>>
    tpu.enqueue_dma source(%dma_start3A_1019 : memref<8x768xf32, #tpu.memory_space<hbm>>) target(%arg14 : memref<8x768xf32, #tpu.memory_space<vmem>>) target_semaphore(%arg22 : memref<!tpu.dma_semaphore, #tpu.memory_space<semaphore_mem>>)
    %dma_wait3A_1020 = arith.constant 256 : i32
    %dma_wait3A_1021 = tpu.memref_slice %arg6[%dma_wait3A_1020] : memref<512xi32, #tpu.memory_space<vmem>> -> memref<32xi32, #tpu.memory_space<vmem>>
    %dma_wait3A_1022 = arith.constant 0 : i32
    %dma_wait3A_1023 = arith.constant 0 : i32
    %dma_wait3A_1024 = tpu.memref_slice %arg3[%dma_wait3A_1022, %dma_wait3A_1023] : memref<100000x768xf32, #tpu.memory_space<hbm>> -> memref<100000x768xf32, #tpu.memory_space<hbm>>
    tpu.wait_indirect_dma semaphore(%arg15 : memref<!tpu.dma_semaphore, #tpu.memory_space<semaphore_mem>>) src(%dma_wait3A_1024 : memref<100000x768xf32, #tpu.memory_space<hbm>>) dst(%arg7 : memref<32x768xf32, #tpu.memory_space<vmem>>)
    %dma_wait3A_1025 = arith.constant 0 : i32
    %dma_wait3A_1026 = tpu.memref_slice %arg4[%add3A_649, %dma_wait3A_1025] : memref<4096x768xf32, #tpu.memory_space<hbm>> -> memref<8x768xf32, #tpu.memory_space<hbm>>
    %dma_wait3A_1027 = arith.constant 0 : i32
    %dma_wait3A_1028 = tpu.memref_slice %arg4[%add3A_649, %dma_wait3A_1027] : memref<4096x768xf32, #tpu.memory_space<hbm>> -> memref<8x768xf32, #tpu.memory_space<hbm>>
    tpu.wait_dma2 semaphore(%arg19 : memref<!tpu.dma_semaphore, #tpu.memory_space<semaphore_mem>>) src(%dma_wait3A_1028 : memref<8x768xf32, #tpu.memory_space<hbm>>) dst(%arg11 : memref<8x768xf32, #tpu.memory_space<vmem>>)
    %scan3A_1029 = arith.constant 0 : i32
    %scan3A_1030 = arith.constant 0 : i32
    %scan3A_1031 = arith.constant 8 : i32
    %scan3A_1032 = arith.addi %scan3A_1030, %scan3A_1031 : i32
    %scan3A_1033 = arith.constant 1 : i32
    scf.for %scan3A_1952 = %scan3A_1030 to %scan3A_1032 step %scan3A_1033  : i32 {
      %parallel_loop3A = arith.constant 0 : i32
      %parallel_loop3A_1953 = arith.constant 48 : i32
      %parallel_loop3A_1954 = arith.constant 1 : i32
      scf.for %parallel_loop3A_1955 = %parallel_loop3A to %parallel_loop3A_1953 step %parallel_loop3A_1954  : i32 {
        %parallel_loop3A_1956 = arith.constant 16 : i32
        %parallel_loop3A_1957 = arith.muli %parallel_loop3A_1955, %parallel_loop3A_1956 : i32
        %parallel_loop3A_1958 = arith.index_cast %scan3A_1952 : i32 to index
        %parallel_loop3A_1959 = arith.index_cast %parallel_loop3A_1957 : i32 to index
        %parallel_loop3A_1960 = tpu.vector_load %arg11[%parallel_loop3A_1958, %parallel_loop3A_1959] {strides = array<i32>} : memref<8x768xf32, #tpu.memory_space<vmem>>, vector<1x16xf32>,
        %parallel_loop3A_1961 = vector.shape_cast %parallel_loop3A_1960 : vector<1x16xf32> to vector<16xf32>
        %parallel_loop3A_1962 = arith.constant 0 : i32
        %parallel_loop3A_1963 = arith.addi %parallel_loop3A_1962, %scan3A_1952 : i32
        %parallel_loop3A_1964 = arith.index_cast %parallel_loop3A_1963 : i32 to index
        %parallel_loop3A_1965 = arith.index_cast %parallel_loop3A_1957 : i32 to index
        %parallel_loop3A_1966 = tpu.vector_load %arg7[%parallel_loop3A_1964, %parallel_loop3A_1965] {strides = array<i32>} : memref<32x768xf32, #tpu.memory_space<vmem>>, vector<1x16xf32>,
        %parallel_loop3A_1967 = vector.shape_cast %parallel_loop3A_1966 : vector<1x16xf32> to vector<16xf32>
        %parallel_loop3A_1968 = vector.shape_cast %parallel_loop3A_1961 : vector<16xf32> to vector<1x16xf32>
        tpu.vector_store %arg7[%parallel_loop3A_1964, %parallel_loop3A_1965], %parallel_loop3A_1968 {add = true, strides = array<i32>} : memref<32x768xf32, #tpu.memory_space<vmem>>, vector<1x16xf32>,
        %parallel_loop3A_1969 = arith.constant 8 : i32
        %parallel_loop3A_1970 = arith.addi %parallel_loop3A_1969, %scan3A_1952 : i32
        %parallel_loop3A_1971 = arith.index_cast %parallel_loop3A_1970 : i32 to index
        %parallel_loop3A_1972 = arith.index_cast %parallel_loop3A_1957 : i32 to index
        %parallel_loop3A_1973 = tpu.vector_load %arg7[%parallel_loop3A_1971, %parallel_loop3A_1972] {strides = array<i32>} : memref<32x768xf32, #tpu.memory_space<vmem>>, vector<1x16xf32>,
        %parallel_loop3A_1974 = vector.shape_cast %parallel_loop3A_1973 : vector<1x16xf32> to vector<16xf32>
        %parallel_loop3A_1975 = vector.shape_cast %parallel_loop3A_1961 : vector<16xf32> to vector<1x16xf32>
        tpu.vector_store %arg7[%parallel_loop3A_1971, %parallel_loop3A_1972], %parallel_loop3A_1975 {add = true, strides = array<i32>} : memref<32x768xf32, #tpu.memory_space<vmem>>, vector<1x16xf32>,
        %parallel_loop3A_1976 = arith.constant 16 : i32
        %parallel_loop3A_1977 = arith.addi %parallel_loop3A_1976, %scan3A_1952 : i32
        %parallel_loop3A_1978 = arith.index_cast %parallel_loop3A_1977 : i32 to index
        %parallel_loop3A_1979 = arith.index_cast %parallel_loop3A_1957 : i32 to index
        %parallel_loop3A_1980 = tpu.vector_load %arg7[%parallel_loop3A_1978, %parallel_loop3A_1979] {strides = array<i32>} : memref<32x768xf32, #tpu.memory_space<vmem>>, vector<1x16xf32>,
        %parallel_loop3A_1981 = vector.shape_cast %parallel_loop3A_1980 : vector<1x16xf32> to vector<16xf32>
        %parallel_loop3A_1982 = vector.shape_cast %parallel_loop3A_1961 : vector<16xf32> to vector<1x16xf32>
        tpu.vector_store %arg7[%parallel_loop3A_1978, %parallel_loop3A_1979], %parallel_loop3A_1982 {add = true, strides = array<i32>} : memref<32x768xf32, #tpu.memory_space<vmem>>, vector<1x16xf32>,
        %parallel_loop3A_1983 = arith.constant 24 : i32
        %parallel_loop3A_1984 = arith.addi %parallel_loop3A_1983, %scan3A_1952 : i32
        %parallel_loop3A_1985 = arith.index_cast %parallel_loop3A_1984 : i32 to index
        %parallel_loop3A_1986 = arith.index_cast %parallel_loop3A_1957 : i32 to index
        %parallel_loop3A_1987 = tpu.vector_load %arg7[%parallel_loop3A_1985, %parallel_loop3A_1986] {strides = array<i32>} : memref<32x768xf32, #tpu.memory_space<vmem>>, vector<1x16xf32>,
        %parallel_loop3A_1988 = vector.shape_cast %parallel_loop3A_1987 : vector<1x16xf32> to vector<16xf32>
        %parallel_loop3A_1989 = vector.shape_cast %parallel_loop3A_1961 : vector<16xf32> to vector<1x16xf32>
        tpu.vector_store %arg7[%parallel_loop3A_1985, %parallel_loop3A_1986], %parallel_loop3A_1989 {add = true, strides = array<i32>} : memref<32x768xf32, #tpu.memory_space<vmem>>, vector<1x16xf32>,
      } {sc.loop_unroll_factor = 2 : i64, sc.parallel_access}
    }
    %scan3A_1034 = arith.constant 8 : i32
    %add3A_1035 = arith.constant 0 : i32
    %add3A_1036 = arith.addi %add3A_1035, %mul3A_2 : i32
    %add3A_1037 = arith.constant 64 : i32
    %add3A_1038 = arith.addi %add3A_1036, %add3A_1037 : i32
    %dma_start3A_1039 = arith.constant 0 : i32
    %dma_start3A_1040 = arith.constant 0 : i32
    %dma_start3A_1041 = tpu.memref_slice %arg7[%dma_start3A_1039, %dma_start3A_1040] : memref<32x768xf32, #tpu.memory_space<vmem>> -> memref<8x768xf32, #tpu.memory_space<vmem>>
    %dma_start3A_1042 = arith.constant 0 : i32
    %dma_start3A_1043 = tpu.memref_slice %arg5[%add3A_1038, %dma_start3A_1042] : memref<16384x768xf32, #tpu.memory_space<hbm>> -> memref<8x768xf32, #tpu.memory_space<hbm>>
    %dma_start3A_1044 = arith.constant 0 : i32
    %dma_start3A_1045 = tpu.memref_slice %arg5[%add3A_1038, %dma_start3A_1044] : memref<16384x768xf32, #tpu.memory_space<hbm>> -> memref<8x768xf32, #tpu.memory_space<hbm>>
    %dma_start3A_1046 = arith.constant 0 : i32
    %dma_start3A_1047 = arith.constant 0 : i32
    %dma_start3A_1048 = tpu.memref_slice %arg7[%dma_start3A_1046, %dma_start3A_1047] : memref<32x768xf32, #tpu.memory_space<vmem>> -> memref<8x768xf32, #tpu.memory_space<vmem>>
    tpu.enqueue_dma source(%dma_start3A_1048 : memref<8x768xf32, #tpu.memory_space<vmem>>) target(%dma_start3A_1045 : memref<8x768xf32, #tpu.memory_space<hbm>>) target_semaphore(%arg23 : memref<!tpu.dma_semaphore, #tpu.memory_space<semaphore_mem>>)
    %add3A_1049 = arith.constant 4096 : i32
    %add3A_1050 = arith.addi %add3A_1049, %mul3A_2 : i32
    %add3A_1051 = arith.constant 64 : i32
    %add3A_1052 = arith.addi %add3A_1050, %add3A_1051 : i32
    %dma_start3A_1053 = arith.constant 8 : i32
    %dma_start3A_1054 = arith.constant 0 : i32
    %dma_start3A_1055 = tpu.memref_slice %arg7[%dma_start3A_1053, %dma_start3A_1054] : memref<32x768xf32, #tpu.memory_space<vmem>> -> memref<8x768xf32, #tpu.memory_space<vmem>>
    %dma_start3A_1056 = arith.constant 0 : i32
    %dma_start3A_1057 = tpu.memref_slice %arg5[%add3A_1052, %dma_start3A_1056] : memref<16384x768xf32, #tpu.memory_space<hbm>> -> memref<8x768xf32, #tpu.memory_space<hbm>>
    %dma_start3A_1058 = arith.constant 0 : i32
    %dma_start3A_1059 = tpu.memref_slice %arg5[%add3A_1052, %dma_start3A_1058] : memref<16384x768xf32, #tpu.memory_space<hbm>> -> memref<8x768xf32, #tpu.memory_space<hbm>>
    %dma_start3A_1060 = arith.constant 8 : i32
    %dma_start3A_1061 = arith.constant 0 : i32
    %dma_start3A_1062 = tpu.memref_slice %arg7[%dma_start3A_1060, %dma_start3A_1061] : memref<32x768xf32, #tpu.memory_space<vmem>> -> memref<8x768xf32, #tpu.memory_space<vmem>>
    tpu.enqueue_dma source(%dma_start3A_1062 : memref<8x768xf32, #tpu.memory_space<vmem>>) target(%dma_start3A_1059 : memref<8x768xf32, #tpu.memory_space<hbm>>) target_semaphore(%arg23 : memref<!tpu.dma_semaphore, #tpu.memory_space<semaphore_mem>>)
    %add3A_1063 = arith.constant 8192 : i32
    %add3A_1064 = arith.addi %add3A_1063, %mul3A_2 : i32
    %add3A_1065 = arith.constant 64 : i32
    %add3A_1066 = arith.addi %add3A_1064, %add3A_1065 : i32
    %dma_start3A_1067 = arith.constant 16 : i32
    %dma_start3A_1068 = arith.constant 0 : i32
    %dma_start3A_1069 = tpu.memref_slice %arg7[%dma_start3A_1067, %dma_start3A_1068] : memref<32x768xf32, #tpu.memory_space<vmem>> -> memref<8x768xf32, #tpu.memory_space<vmem>>
    %dma_start3A_1070 = arith.constant 0 : i32
    %dma_start3A_1071 = tpu.memref_slice %arg5[%add3A_1066, %dma_start3A_1070] : memref<16384x768xf32, #tpu.memory_space<hbm>> -> memref<8x768xf32, #tpu.memory_space<hbm>>
    %dma_start3A_1072 = arith.constant 0 : i32
    %dma_start3A_1073 = tpu.memref_slice %arg5[%add3A_1066, %dma_start3A_1072] : memref<16384x768xf32, #tpu.memory_space<hbm>> -> memref<8x768xf32, #tpu.memory_space<hbm>>
    %dma_start3A_1074 = arith.constant 16 : i32
    %dma_start3A_1075 = arith.constant 0 : i32
    %dma_start3A_1076 = tpu.memref_slice %arg7[%dma_start3A_1074, %dma_start3A_1075] : memref<32x768xf32, #tpu.memory_space<vmem>> -> memref<8x768xf32, #tpu.memory_space<vmem>>
    tpu.enqueue_dma source(%dma_start3A_1076 : memref<8x768xf32, #tpu.memory_space<vmem>>) target(%dma_start3A_1073 : memref<8x768xf32, #tpu.memory_space<hbm>>) target_semaphore(%arg23 : memref<!tpu.dma_semaphore, #tpu.memory_space<semaphore_mem>>)
    %add3A_1077 = arith.constant 12288 : i32
    %add3A_1078 = arith.addi %add3A_1077, %mul3A_2 : i32
    %add3A_1079 = arith.constant 64 : i32
    %add3A_1080 = arith.addi %add3A_1078, %add3A_1079 : i32
    %dma_start3A_1081 = arith.constant 24 : i32
    %dma_start3A_1082 = arith.constant 0 : i32
    %dma_start3A_1083 = tpu.memref_slice %arg7[%dma_start3A_1081, %dma_start3A_1082] : memref<32x768xf32, #tpu.memory_space<vmem>> -> memref<8x768xf32, #tpu.memory_space<vmem>>
    %dma_start3A_1084 = arith.constant 0 : i32
    %dma_start3A_1085 = tpu.memref_slice %arg5[%add3A_1080, %dma_start3A_1084] : memref<16384x768xf32, #tpu.memory_space<hbm>> -> memref<8x768xf32, #tpu.memory_space<hbm>>
    %dma_start3A_1086 = arith.constant 0 : i32
    %dma_start3A_1087 = tpu.memref_slice %arg5[%add3A_1080, %dma_start3A_1086] : memref<16384x768xf32, #tpu.memory_space<hbm>> -> memref<8x768xf32, #tpu.memory_space<hbm>>
    %dma_start3A_1088 = arith.constant 24 : i32
    %dma_start3A_1089 = arith.constant 0 : i32
    %dma_start3A_1090 = tpu.memref_slice %arg7[%dma_start3A_1088, %dma_start3A_1089] : memref<32x768xf32, #tpu.memory_space<vmem>> -> memref<8x768xf32, #tpu.memory_space<vmem>>
    tpu.enqueue_dma source(%dma_start3A_1090 : memref<8x768xf32, #tpu.memory_space<vmem>>) target(%dma_start3A_1087 : memref<8x768xf32, #tpu.memory_space<hbm>>) target_semaphore(%arg23 : memref<!tpu.dma_semaphore, #tpu.memory_space<semaphore_mem>>)
    %dma_wait3A_1091 = arith.constant 0 : i32
    %dma_wait3A_1092 = arith.constant 0 : i32
    %dma_wait3A_1093 = tpu.memref_slice %arg7[%dma_wait3A_1091, %dma_wait3A_1092] : memref<32x768xf32, #tpu.memory_space<vmem>> -> memref<8x768xf32, #tpu.memory_space<vmem>>
    %dma_wait3A_1094 = arith.constant 0 : i32
    %dma_wait3A_1095 = tpu.memref_slice %arg5[%add3A_1038, %dma_wait3A_1094] : memref<16384x768xf32, #tpu.memory_space<hbm>> -> memref<8x768xf32, #tpu.memory_space<hbm>>
    %dma_wait3A_1096 = arith.constant 0 : i32
    %dma_wait3A_1097 = tpu.memref_slice %arg5[%add3A_1038, %dma_wait3A_1096] : memref<16384x768xf32, #tpu.memory_space<hbm>> -> memref<8x768xf32, #tpu.memory_space<hbm>>
    %dma_wait3A_1098 = arith.constant 0 : i32
    %dma_wait3A_1099 = arith.constant 0 : i32
    %dma_wait3A_1100 = tpu.memref_slice %arg7[%dma_wait3A_1098, %dma_wait3A_1099] : memref<32x768xf32, #tpu.memory_space<vmem>> -> memref<8x768xf32, #tpu.memory_space<vmem>>
    tpu.wait_dma2 semaphore(%arg23 : memref<!tpu.dma_semaphore, #tpu.memory_space<semaphore_mem>>) src(%dma_wait3A_1100 : memref<8x768xf32, #tpu.memory_space<vmem>>) dst(%dma_wait3A_1097 : memref<8x768xf32, #tpu.memory_space<hbm>>)
    %dma_wait3A_1101 = arith.constant 8 : i32
    %dma_wait3A_1102 = arith.constant 0 : i32
    %dma_wait3A_1103 = tpu.memref_slice %arg7[%dma_wait3A_1101, %dma_wait3A_1102] : memref<32x768xf32, #tpu.memory_space<vmem>> -> memref<8x768xf32, #tpu.memory_space<vmem>>
    %dma_wait3A_1104 = arith.constant 0 : i32
    %dma_wait3A_1105 = tpu.memref_slice %arg5[%add3A_1052, %dma_wait3A_1104] : memref<16384x768xf32, #tpu.memory_space<hbm>> -> memref<8x768xf32, #tpu.memory_space<hbm>>
    %dma_wait3A_1106 = arith.constant 0 : i32
    %dma_wait3A_1107 = tpu.memref_slice %arg5[%add3A_1052, %dma_wait3A_1106] : memref<16384x768xf32, #tpu.memory_space<hbm>> -> memref<8x768xf32, #tpu.memory_space<hbm>>
    %dma_wait3A_1108 = arith.constant 8 : i32
    %dma_wait3A_1109 = arith.constant 0 : i32
    %dma_wait3A_1110 = tpu.memref_slice %arg7[%dma_wait3A_1108, %dma_wait3A_1109] : memref<32x768xf32, #tpu.memory_space<vmem>> -> memref<8x768xf32, #tpu.memory_space<vmem>>
    tpu.wait_dma2 semaphore(%arg23 : memref<!tpu.dma_semaphore, #tpu.memory_space<semaphore_mem>>) src(%dma_wait3A_1110 : memref<8x768xf32, #tpu.memory_space<vmem>>) dst(%dma_wait3A_1107 : memref<8x768xf32, #tpu.memory_space<hbm>>)
    %dma_wait3A_1111 = arith.constant 16 : i32
    %dma_wait3A_1112 = arith.constant 0 : i32
    %dma_wait3A_1113 = tpu.memref_slice %arg7[%dma_wait3A_1111, %dma_wait3A_1112] : memref<32x768xf32, #tpu.memory_space<vmem>> -> memref<8x768xf32, #tpu.memory_space<vmem>>
    %dma_wait3A_1114 = arith.constant 0 : i32
    %dma_wait3A_1115 = tpu.memref_slice %arg5[%add3A_1066, %dma_wait3A_1114] : memref<16384x768xf32, #tpu.memory_space<hbm>> -> memref<8x768xf32, #tpu.memory_space<hbm>>
    %dma_wait3A_1116 = arith.constant 0 : i32
    %dma_wait3A_1117 = tpu.memref_slice %arg5[%add3A_1066, %dma_wait3A_1116] : memref<16384x768xf32, #tpu.memory_space<hbm>> -> memref<8x768xf32, #tpu.memory_space<hbm>>
    %dma_wait3A_1118 = arith.constant 16 : i32
    %dma_wait3A_1119 = arith.constant 0 : i32
    %dma_wait3A_1120 = tpu.memref_slice %arg7[%dma_wait3A_1118, %dma_wait3A_1119] : memref<32x768xf32, #tpu.memory_space<vmem>> -> memref<8x768xf32, #tpu.memory_space<vmem>>
    tpu.wait_dma2 semaphore(%arg23 : memref<!tpu.dma_semaphore, #tpu.memory_space<semaphore_mem>>) src(%dma_wait3A_1120 : memref<8x768xf32, #tpu.memory_space<vmem>>) dst(%dma_wait3A_1117 : memref<8x768xf32, #tpu.memory_space<hbm>>)
    %dma_wait3A_1121 = arith.constant 24 : i32
    %dma_wait3A_1122 = arith.constant 0 : i32
    %dma_wait3A_1123 = tpu.memref_slice %arg7[%dma_wait3A_1121, %dma_wait3A_1122] : memref<32x768xf32, #tpu.memory_space<vmem>> -> memref<8x768xf32, #tpu.memory_space<vmem>>
    %dma_wait3A_1124 = arith.constant 0 : i32
    %dma_wait3A_1125 = tpu.memref_slice %arg5[%add3A_1080, %dma_wait3A_1124] : memref<16384x768xf32, #tpu.memory_space<hbm>> -> memref<8x768xf32, #tpu.memory_space<hbm>>
    %dma_wait3A_1126 = arith.constant 0 : i32
    %dma_wait3A_1127 = tpu.memref_slice %arg5[%add3A_1080, %dma_wait3A_1126] : memref<16384x768xf32, #tpu.memory_space<hbm>> -> memref<8x768xf32, #tpu.memory_space<hbm>>
    %dma_wait3A_1128 = arith.constant 24 : i32
    %dma_wait3A_1129 = arith.constant 0 : i32
    %dma_wait3A_1130 = tpu.memref_slice %arg7[%dma_wait3A_1128, %dma_wait3A_1129] : memref<32x768xf32, #tpu.memory_space<vmem>> -> memref<8x768xf32, #tpu.memory_space<vmem>>
    tpu.wait_dma2 semaphore(%arg23 : memref<!tpu.dma_semaphore, #tpu.memory_space<semaphore_mem>>) src(%dma_wait3A_1130 : memref<8x768xf32, #tpu.memory_space<vmem>>) dst(%dma_wait3A_1127 : memref<8x768xf32, #tpu.memory_space<hbm>>)
    %dma_start3A_1131 = arith.constant 384 : i32
    %dma_start3A_1132 = tpu.memref_slice %arg6[%dma_start3A_1131] : memref<512xi32, #tpu.memory_space<vmem>> -> memref<32xi32, #tpu.memory_space<vmem>>
    %dma_start3A_1133 = arith.constant 0 : i32
    %dma_start3A_1134 = arith.constant 0 : i32
    %dma_start3A_1135 = tpu.memref_slice %arg3[%dma_start3A_1133, %dma_start3A_1134] : memref<100000x768xf32, #tpu.memory_space<hbm>> -> memref<100000x768xf32, #tpu.memory_space<hbm>>
    tpu.enqueue_indirect_dma source(%dma_start3A_1135 : memref<100000x768xf32, #tpu.memory_space<hbm>>) target(%arg7 : memref<32x768xf32, #tpu.memory_space<vmem>>) offsets(%dma_start3A_1132 : memref<32xi32, #tpu.memory_space<vmem>>) semaphore(%arg15 : memref<!tpu.dma_semaphore, #tpu.memory_space<semaphore_mem>>)
    %add3A_1136 = arith.constant 96 : i32
    %add3A_1137 = arith.addi %mul3A_2, %add3A_1136 : i32
    %dma_start3A_1138 = arith.constant 0 : i32
    %dma_start3A_1139 = tpu.memref_slice %arg4[%add3A_1137, %dma_start3A_1138] : memref<4096x768xf32, #tpu.memory_space<hbm>> -> memref<8x768xf32, #tpu.memory_space<hbm>>
    %dma_start3A_1140 = arith.constant 0 : i32
    %dma_start3A_1141 = tpu.memref_slice %arg4[%add3A_1137, %dma_start3A_1140] : memref<4096x768xf32, #tpu.memory_space<hbm>> -> memref<8x768xf32, #tpu.memory_space<hbm>>
    tpu.enqueue_dma source(%dma_start3A_1141 : memref<8x768xf32, #tpu.memory_space<hbm>>) target(%arg11 : memref<8x768xf32, #tpu.memory_space<vmem>>) target_semaphore(%arg19 : memref<!tpu.dma_semaphore, #tpu.memory_space<semaphore_mem>>)
    %dma_wait3A_1142 = arith.constant 288 : i32
    %dma_wait3A_1143 = tpu.memref_slice %arg6[%dma_wait3A_1142] : memref<512xi32, #tpu.memory_space<vmem>> -> memref<32xi32, #tpu.memory_space<vmem>>
    %dma_wait3A_1144 = arith.constant 0 : i32
    %dma_wait3A_1145 = arith.constant 0 : i32
    %dma_wait3A_1146 = tpu.memref_slice %arg3[%dma_wait3A_1144, %dma_wait3A_1145] : memref<100000x768xf32, #tpu.memory_space<hbm>> -> memref<100000x768xf32, #tpu.memory_space<hbm>>
    tpu.wait_indirect_dma semaphore(%arg16 : memref<!tpu.dma_semaphore, #tpu.memory_space<semaphore_mem>>) src(%dma_wait3A_1146 : memref<100000x768xf32, #tpu.memory_space<hbm>>) dst(%arg8 : memref<32x768xf32, #tpu.memory_space<vmem>>)
    %dma_wait3A_1147 = arith.constant 0 : i32
    %dma_wait3A_1148 = tpu.memref_slice %arg4[%add3A_771, %dma_wait3A_1147] : memref<4096x768xf32, #tpu.memory_space<hbm>> -> memref<8x768xf32, #tpu.memory_space<hbm>>
    %dma_wait3A_1149 = arith.constant 0 : i32
    %dma_wait3A_1150 = tpu.memref_slice %arg4[%add3A_771, %dma_wait3A_1149] : memref<4096x768xf32, #tpu.memory_space<hbm>> -> memref<8x768xf32, #tpu.memory_space<hbm>>
    tpu.wait_dma2 semaphore(%arg20 : memref<!tpu.dma_semaphore, #tpu.memory_space<semaphore_mem>>) src(%dma_wait3A_1150 : memref<8x768xf32, #tpu.memory_space<hbm>>) dst(%arg12 : memref<8x768xf32, #tpu.memory_space<vmem>>)
    %scan3A_1151 = arith.constant 0 : i32
    %scan3A_1152 = arith.constant 0 : i32
    %scan3A_1153 = arith.constant 8 : i32
    %scan3A_1154 = arith.addi %scan3A_1152, %scan3A_1153 : i32
    %scan3A_1155 = arith.constant 1 : i32
    scf.for %scan3A_1952 = %scan3A_1152 to %scan3A_1154 step %scan3A_1155  : i32 {
      %parallel_loop3A = arith.constant 0 : i32
      %parallel_loop3A_1953 = arith.constant 48 : i32
      %parallel_loop3A_1954 = arith.constant 1 : i32
      scf.for %parallel_loop3A_1955 = %parallel_loop3A to %parallel_loop3A_1953 step %parallel_loop3A_1954  : i32 {
        %parallel_loop3A_1956 = arith.constant 16 : i32
        %parallel_loop3A_1957 = arith.muli %parallel_loop3A_1955, %parallel_loop3A_1956 : i32
        %parallel_loop3A_1958 = arith.index_cast %scan3A_1952 : i32 to index
        %parallel_loop3A_1959 = arith.index_cast %parallel_loop3A_1957 : i32 to index
        %parallel_loop3A_1960 = tpu.vector_load %arg12[%parallel_loop3A_1958, %parallel_loop3A_1959] {strides = array<i32>} : memref<8x768xf32, #tpu.memory_space<vmem>>, vector<1x16xf32>,
        %parallel_loop3A_1961 = vector.shape_cast %parallel_loop3A_1960 : vector<1x16xf32> to vector<16xf32>
        %parallel_loop3A_1962 = arith.constant 0 : i32
        %parallel_loop3A_1963 = arith.addi %parallel_loop3A_1962, %scan3A_1952 : i32
        %parallel_loop3A_1964 = arith.index_cast %parallel_loop3A_1963 : i32 to index
        %parallel_loop3A_1965 = arith.index_cast %parallel_loop3A_1957 : i32 to index
        %parallel_loop3A_1966 = tpu.vector_load %arg8[%parallel_loop3A_1964, %parallel_loop3A_1965] {strides = array<i32>} : memref<32x768xf32, #tpu.memory_space<vmem>>, vector<1x16xf32>,
        %parallel_loop3A_1967 = vector.shape_cast %parallel_loop3A_1966 : vector<1x16xf32> to vector<16xf32>
        %parallel_loop3A_1968 = vector.shape_cast %parallel_loop3A_1961 : vector<16xf32> to vector<1x16xf32>
        tpu.vector_store %arg8[%parallel_loop3A_1964, %parallel_loop3A_1965], %parallel_loop3A_1968 {add = true, strides = array<i32>} : memref<32x768xf32, #tpu.memory_space<vmem>>, vector<1x16xf32>,
        %parallel_loop3A_1969 = arith.constant 8 : i32
        %parallel_loop3A_1970 = arith.addi %parallel_loop3A_1969, %scan3A_1952 : i32
        %parallel_loop3A_1971 = arith.index_cast %parallel_loop3A_1970 : i32 to index
        %parallel_loop3A_1972 = arith.index_cast %parallel_loop3A_1957 : i32 to index
        %parallel_loop3A_1973 = tpu.vector_load %arg8[%parallel_loop3A_1971, %parallel_loop3A_1972] {strides = array<i32>} : memref<32x768xf32, #tpu.memory_space<vmem>>, vector<1x16xf32>,
        %parallel_loop3A_1974 = vector.shape_cast %parallel_loop3A_1973 : vector<1x16xf32> to vector<16xf32>
        %parallel_loop3A_1975 = vector.shape_cast %parallel_loop3A_1961 : vector<16xf32> to vector<1x16xf32>
        tpu.vector_store %arg8[%parallel_loop3A_1971, %parallel_loop3A_1972], %parallel_loop3A_1975 {add = true, strides = array<i32>} : memref<32x768xf32, #tpu.memory_space<vmem>>, vector<1x16xf32>,
        %parallel_loop3A_1976 = arith.constant 16 : i32
        %parallel_loop3A_1977 = arith.addi %parallel_loop3A_1976, %scan3A_1952 : i32
        %parallel_loop3A_1978 = arith.index_cast %parallel_loop3A_1977 : i32 to index
        %parallel_loop3A_1979 = arith.index_cast %parallel_loop3A_1957 : i32 to index
        %parallel_loop3A_1980 = tpu.vector_load %arg8[%parallel_loop3A_1978, %parallel_loop3A_1979] {strides = array<i32>} : memref<32x768xf32, #tpu.memory_space<vmem>>, vector<1x16xf32>,
        %parallel_loop3A_1981 = vector.shape_cast %parallel_loop3A_1980 : vector<1x16xf32> to vector<16xf32>
        %parallel_loop3A_1982 = vector.shape_cast %parallel_loop3A_1961 : vector<16xf32> to vector<1x16xf32>
        tpu.vector_store %arg8[%parallel_loop3A_1978, %parallel_loop3A_1979], %parallel_loop3A_1982 {add = true, strides = array<i32>} : memref<32x768xf32, #tpu.memory_space<vmem>>, vector<1x16xf32>,
        %parallel_loop3A_1983 = arith.constant 24 : i32
        %parallel_loop3A_1984 = arith.addi %parallel_loop3A_1983, %scan3A_1952 : i32
        %parallel_loop3A_1985 = arith.index_cast %parallel_loop3A_1984 : i32 to index
        %parallel_loop3A_1986 = arith.index_cast %parallel_loop3A_1957 : i32 to index
        %parallel_loop3A_1987 = tpu.vector_load %arg8[%parallel_loop3A_1985, %parallel_loop3A_1986] {strides = array<i32>} : memref<32x768xf32, #tpu.memory_space<vmem>>, vector<1x16xf32>,
        %parallel_loop3A_1988 = vector.shape_cast %parallel_loop3A_1987 : vector<1x16xf32> to vector<16xf32>
        %parallel_loop3A_1989 = vector.shape_cast %parallel_loop3A_1961 : vector<16xf32> to vector<1x16xf32>
        tpu.vector_store %arg8[%parallel_loop3A_1985, %parallel_loop3A_1986], %parallel_loop3A_1989 {add = true, strides = array<i32>} : memref<32x768xf32, #tpu.memory_space<vmem>>, vector<1x16xf32>,
      } {sc.loop_unroll_factor = 2 : i64, sc.parallel_access}
    }
    %scan3A_1156 = arith.constant 8 : i32
    %add3A_1157 = arith.constant 0 : i32
    %add3A_1158 = arith.addi %add3A_1157, %mul3A_2 : i32
    %add3A_1159 = arith.constant 72 : i32
    %add3A_1160 = arith.addi %add3A_1158, %add3A_1159 : i32
    %dma_start3A_1161 = arith.constant 0 : i32
    %dma_start3A_1162 = arith.constant 0 : i32
    %dma_start3A_1163 = tpu.memref_slice %arg8[%dma_start3A_1161, %dma_start3A_1162] : memref<32x768xf32, #tpu.memory_space<vmem>> -> memref<8x768xf32, #tpu.memory_space<vmem>>
    %dma_start3A_1164 = arith.constant 0 : i32
    %dma_start3A_1165 = tpu.memref_slice %arg5[%add3A_1160, %dma_start3A_1164] : memref<16384x768xf32, #tpu.memory_space<hbm>> -> memref<8x768xf32, #tpu.memory_space<hbm>>
    %dma_start3A_1166 = arith.constant 0 : i32
    %dma_start3A_1167 = tpu.memref_slice %arg5[%add3A_1160, %dma_start3A_1166] : memref<16384x768xf32, #tpu.memory_space<hbm>> -> memref<8x768xf32, #tpu.memory_space<hbm>>
    %dma_start3A_1168 = arith.constant 0 : i32
    %dma_start3A_1169 = arith.constant 0 : i32
    %dma_start3A_1170 = tpu.memref_slice %arg8[%dma_start3A_1168, %dma_start3A_1169] : memref<32x768xf32, #tpu.memory_space<vmem>> -> memref<8x768xf32, #tpu.memory_space<vmem>>
    tpu.enqueue_dma source(%dma_start3A_1170 : memref<8x768xf32, #tpu.memory_space<vmem>>) target(%dma_start3A_1167 : memref<8x768xf32, #tpu.memory_space<hbm>>) target_semaphore(%arg24 : memref<!tpu.dma_semaphore, #tpu.memory_space<semaphore_mem>>)
    %add3A_1171 = arith.constant 4096 : i32
    %add3A_1172 = arith.addi %add3A_1171, %mul3A_2 : i32
    %add3A_1173 = arith.constant 72 : i32
    %add3A_1174 = arith.addi %add3A_1172, %add3A_1173 : i32
    %dma_start3A_1175 = arith.constant 8 : i32
    %dma_start3A_1176 = arith.constant 0 : i32
    %dma_start3A_1177 = tpu.memref_slice %arg8[%dma_start3A_1175, %dma_start3A_1176] : memref<32x768xf32, #tpu.memory_space<vmem>> -> memref<8x768xf32, #tpu.memory_space<vmem>>
    %dma_start3A_1178 = arith.constant 0 : i32
    %dma_start3A_1179 = tpu.memref_slice %arg5[%add3A_1174, %dma_start3A_1178] : memref<16384x768xf32, #tpu.memory_space<hbm>> -> memref<8x768xf32, #tpu.memory_space<hbm>>
    %dma_start3A_1180 = arith.constant 0 : i32
    %dma_start3A_1181 = tpu.memref_slice %arg5[%add3A_1174, %dma_start3A_1180] : memref<16384x768xf32, #tpu.memory_space<hbm>> -> memref<8x768xf32, #tpu.memory_space<hbm>>
    %dma_start3A_1182 = arith.constant 8 : i32
    %dma_start3A_1183 = arith.constant 0 : i32
    %dma_start3A_1184 = tpu.memref_slice %arg8[%dma_start3A_1182, %dma_start3A_1183] : memref<32x768xf32, #tpu.memory_space<vmem>> -> memref<8x768xf32, #tpu.memory_space<vmem>>
    tpu.enqueue_dma source(%dma_start3A_1184 : memref<8x768xf32, #tpu.memory_space<vmem>>) target(%dma_start3A_1181 : memref<8x768xf32, #tpu.memory_space<hbm>>) target_semaphore(%arg24 : memref<!tpu.dma_semaphore, #tpu.memory_space<semaphore_mem>>)
    %add3A_1185 = arith.constant 8192 : i32
    %add3A_1186 = arith.addi %add3A_1185, %mul3A_2 : i32
    %add3A_1187 = arith.constant 72 : i32
    %add3A_1188 = arith.addi %add3A_1186, %add3A_1187 : i32
    %dma_start3A_1189 = arith.constant 16 : i32
    %dma_start3A_1190 = arith.constant 0 : i32
    %dma_start3A_1191 = tpu.memref_slice %arg8[%dma_start3A_1189, %dma_start3A_1190] : memref<32x768xf32, #tpu.memory_space<vmem>> -> memref<8x768xf32, #tpu.memory_space<vmem>>
    %dma_start3A_1192 = arith.constant 0 : i32
    %dma_start3A_1193 = tpu.memref_slice %arg5[%add3A_1188, %dma_start3A_1192] : memref<16384x768xf32, #tpu.memory_space<hbm>> -> memref<8x768xf32, #tpu.memory_space<hbm>>
    %dma_start3A_1194 = arith.constant 0 : i32
    %dma_start3A_1195 = tpu.memref_slice %arg5[%add3A_1188, %dma_start3A_1194] : memref<16384x768xf32, #tpu.memory_space<hbm>> -> memref<8x768xf32, #tpu.memory_space<hbm>>
    %dma_start3A_1196 = arith.constant 16 : i32
    %dma_start3A_1197 = arith.constant 0 : i32
    %dma_start3A_1198 = tpu.memref_slice %arg8[%dma_start3A_1196, %dma_start3A_1197] : memref<32x768xf32, #tpu.memory_space<vmem>> -> memref<8x768xf32, #tpu.memory_space<vmem>>
    tpu.enqueue_dma source(%dma_start3A_1198 : memref<8x768xf32, #tpu.memory_space<vmem>>) target(%dma_start3A_1195 : memref<8x768xf32, #tpu.memory_space<hbm>>) target_semaphore(%arg24 : memref<!tpu.dma_semaphore, #tpu.memory_space<semaphore_mem>>)
    %add3A_1199 = arith.constant 12288 : i32
    %add3A_1200 = arith.addi %add3A_1199, %mul3A_2 : i32
    %add3A_1201 = arith.constant 72 : i32
    %add3A_1202 = arith.addi %add3A_1200, %add3A_1201 : i32
    %dma_start3A_1203 = arith.constant 24 : i32
    %dma_start3A_1204 = arith.constant 0 : i32
    %dma_start3A_1205 = tpu.memref_slice %arg8[%dma_start3A_1203, %dma_start3A_1204] : memref<32x768xf32, #tpu.memory_space<vmem>> -> memref<8x768xf32, #tpu.memory_space<vmem>>
    %dma_start3A_1206 = arith.constant 0 : i32
    %dma_start3A_1207 = tpu.memref_slice %arg5[%add3A_1202, %dma_start3A_1206] : memref<16384x768xf32, #tpu.memory_space<hbm>> -> memref<8x768xf32, #tpu.memory_space<hbm>>
    %dma_start3A_1208 = arith.constant 0 : i32
    %dma_start3A_1209 = tpu.memref_slice %arg5[%add3A_1202, %dma_start3A_1208] : memref<16384x768xf32, #tpu.memory_space<hbm>> -> memref<8x768xf32, #tpu.memory_space<hbm>>
    %dma_start3A_1210 = arith.constant 24 : i32
    %dma_start3A_1211 = arith.constant 0 : i32
    %dma_start3A_1212 = tpu.memref_slice %arg8[%dma_start3A_1210, %dma_start3A_1211] : memref<32x768xf32, #tpu.memory_space<vmem>> -> memref<8x768xf32, #tpu.memory_space<vmem>>
    tpu.enqueue_dma source(%dma_start3A_1212 : memref<8x768xf32, #tpu.memory_space<vmem>>) target(%dma_start3A_1209 : memref<8x768xf32, #tpu.memory_space<hbm>>) target_semaphore(%arg24 : memref<!tpu.dma_semaphore, #tpu.memory_space<semaphore_mem>>)
    %dma_wait3A_1213 = arith.constant 0 : i32
    %dma_wait3A_1214 = arith.constant 0 : i32
    %dma_wait3A_1215 = tpu.memref_slice %arg8[%dma_wait3A_1213, %dma_wait3A_1214] : memref<32x768xf32, #tpu.memory_space<vmem>> -> memref<8x768xf32, #tpu.memory_space<vmem>>
    %dma_wait3A_1216 = arith.constant 0 : i32
    %dma_wait3A_1217 = tpu.memref_slice %arg5[%add3A_1160, %dma_wait3A_1216] : memref<16384x768xf32, #tpu.memory_space<hbm>> -> memref<8x768xf32, #tpu.memory_space<hbm>>
    %dma_wait3A_1218 = arith.constant 0 : i32
    %dma_wait3A_1219 = tpu.memref_slice %arg5[%add3A_1160, %dma_wait3A_1218] : memref<16384x768xf32, #tpu.memory_space<hbm>> -> memref<8x768xf32, #tpu.memory_space<hbm>>
    %dma_wait3A_1220 = arith.constant 0 : i32
    %dma_wait3A_1221 = arith.constant 0 : i32
    %dma_wait3A_1222 = tpu.memref_slice %arg8[%dma_wait3A_1220, %dma_wait3A_1221] : memref<32x768xf32, #tpu.memory_space<vmem>> -> memref<8x768xf32, #tpu.memory_space<vmem>>
    tpu.wait_dma2 semaphore(%arg24 : memref<!tpu.dma_semaphore, #tpu.memory_space<semaphore_mem>>) src(%dma_wait3A_1222 : memref<8x768xf32, #tpu.memory_space<vmem>>) dst(%dma_wait3A_1219 : memref<8x768xf32, #tpu.memory_space<hbm>>)
    %dma_wait3A_1223 = arith.constant 8 : i32
    %dma_wait3A_1224 = arith.constant 0 : i32
    %dma_wait3A_1225 = tpu.memref_slice %arg8[%dma_wait3A_1223, %dma_wait3A_1224] : memref<32x768xf32, #tpu.memory_space<vmem>> -> memref<8x768xf32, #tpu.memory_space<vmem>>
    %dma_wait3A_1226 = arith.constant 0 : i32
    %dma_wait3A_1227 = tpu.memref_slice %arg5[%add3A_1174, %dma_wait3A_1226] : memref<16384x768xf32, #tpu.memory_space<hbm>> -> memref<8x768xf32, #tpu.memory_space<hbm>>
    %dma_wait3A_1228 = arith.constant 0 : i32
    %dma_wait3A_1229 = tpu.memref_slice %arg5[%add3A_1174, %dma_wait3A_1228] : memref<16384x768xf32, #tpu.memory_space<hbm>> -> memref<8x768xf32, #tpu.memory_space<hbm>>
    %dma_wait3A_1230 = arith.constant 8 : i32
    %dma_wait3A_1231 = arith.constant 0 : i32
    %dma_wait3A_1232 = tpu.memref_slice %arg8[%dma_wait3A_1230, %dma_wait3A_1231] : memref<32x768xf32, #tpu.memory_space<vmem>> -> memref<8x768xf32, #tpu.memory_space<vmem>>
    tpu.wait_dma2 semaphore(%arg24 : memref<!tpu.dma_semaphore, #tpu.memory_space<semaphore_mem>>) src(%dma_wait3A_1232 : memref<8x768xf32, #tpu.memory_space<vmem>>) dst(%dma_wait3A_1229 : memref<8x768xf32, #tpu.memory_space<hbm>>)
    %dma_wait3A_1233 = arith.constant 16 : i32
    %dma_wait3A_1234 = arith.constant 0 : i32
    %dma_wait3A_1235 = tpu.memref_slice %arg8[%dma_wait3A_1233, %dma_wait3A_1234] : memref<32x768xf32, #tpu.memory_space<vmem>> -> memref<8x768xf32, #tpu.memory_space<vmem>>
    %dma_wait3A_1236 = arith.constant 0 : i32
    %dma_wait3A_1237 = tpu.memref_slice %arg5[%add3A_1188, %dma_wait3A_1236] : memref<16384x768xf32, #tpu.memory_space<hbm>> -> memref<8x768xf32, #tpu.memory_space<hbm>>
    %dma_wait3A_1238 = arith.constant 0 : i32
    %dma_wait3A_1239 = tpu.memref_slice %arg5[%add3A_1188, %dma_wait3A_1238] : memref<16384x768xf32, #tpu.memory_space<hbm>> -> memref<8x768xf32, #tpu.memory_space<hbm>>
    %dma_wait3A_1240 = arith.constant 16 : i32
    %dma_wait3A_1241 = arith.constant 0 : i32
    %dma_wait3A_1242 = tpu.memref_slice %arg8[%dma_wait3A_1240, %dma_wait3A_1241] : memref<32x768xf32, #tpu.memory_space<vmem>> -> memref<8x768xf32, #tpu.memory_space<vmem>>
    tpu.wait_dma2 semaphore(%arg24 : memref<!tpu.dma_semaphore, #tpu.memory_space<semaphore_mem>>) src(%dma_wait3A_1242 : memref<8x768xf32, #tpu.memory_space<vmem>>) dst(%dma_wait3A_1239 : memref<8x768xf32, #tpu.memory_space<hbm>>)
    %dma_wait3A_1243 = arith.constant 24 : i32
    %dma_wait3A_1244 = arith.constant 0 : i32
    %dma_wait3A_1245 = tpu.memref_slice %arg8[%dma_wait3A_1243, %dma_wait3A_1244] : memref<32x768xf32, #tpu.memory_space<vmem>> -> memref<8x768xf32, #tpu.memory_space<vmem>>
    %dma_wait3A_1246 = arith.constant 0 : i32
    %dma_wait3A_1247 = tpu.memref_slice %arg5[%add3A_1202, %dma_wait3A_1246] : memref<16384x768xf32, #tpu.memory_space<hbm>> -> memref<8x768xf32, #tpu.memory_space<hbm>>
    %dma_wait3A_1248 = arith.constant 0 : i32
    %dma_wait3A_1249 = tpu.memref_slice %arg5[%add3A_1202, %dma_wait3A_1248] : memref<16384x768xf32, #tpu.memory_space<hbm>> -> memref<8x768xf32, #tpu.memory_space<hbm>>
    %dma_wait3A_1250 = arith.constant 24 : i32
    %dma_wait3A_1251 = arith.constant 0 : i32
    %dma_wait3A_1252 = tpu.memref_slice %arg8[%dma_wait3A_1250, %dma_wait3A_1251] : memref<32x768xf32, #tpu.memory_space<vmem>> -> memref<8x768xf32, #tpu.memory_space<vmem>>
    tpu.wait_dma2 semaphore(%arg24 : memref<!tpu.dma_semaphore, #tpu.memory_space<semaphore_mem>>) src(%dma_wait3A_1252 : memref<8x768xf32, #tpu.memory_space<vmem>>) dst(%dma_wait3A_1249 : memref<8x768xf32, #tpu.memory_space<hbm>>)
    %dma_start3A_1253 = arith.constant 416 : i32
    %dma_start3A_1254 = tpu.memref_slice %arg6[%dma_start3A_1253] : memref<512xi32, #tpu.memory_space<vmem>> -> memref<32xi32, #tpu.memory_space<vmem>>
    %dma_start3A_1255 = arith.constant 0 : i32
    %dma_start3A_1256 = arith.constant 0 : i32
    %dma_start3A_1257 = tpu.memref_slice %arg3[%dma_start3A_1255, %dma_start3A_1256] : memref<100000x768xf32, #tpu.memory_space<hbm>> -> memref<100000x768xf32, #tpu.memory_space<hbm>>
    tpu.enqueue_indirect_dma source(%dma_start3A_1257 : memref<100000x768xf32, #tpu.memory_space<hbm>>) target(%arg8 : memref<32x768xf32, #tpu.memory_space<vmem>>) offsets(%dma_start3A_1254 : memref<32xi32, #tpu.memory_space<vmem>>) semaphore(%arg16 : memref<!tpu.dma_semaphore, #tpu.memory_space<semaphore_mem>>)
    %add3A_1258 = arith.constant 104 : i32
    %add3A_1259 = arith.addi %mul3A_2, %add3A_1258 : i32
    %dma_start3A_1260 = arith.constant 0 : i32
    %dma_start3A_1261 = tpu.memref_slice %arg4[%add3A_1259, %dma_start3A_1260] : memref<4096x768xf32, #tpu.memory_space<hbm>> -> memref<8x768xf32, #tpu.memory_space<hbm>>
    %dma_start3A_1262 = arith.constant 0 : i32
    %dma_start3A_1263 = tpu.memref_slice %arg4[%add3A_1259, %dma_start3A_1262] : memref<4096x768xf32, #tpu.memory_space<hbm>> -> memref<8x768xf32, #tpu.memory_space<hbm>>
    tpu.enqueue_dma source(%dma_start3A_1263 : memref<8x768xf32, #tpu.memory_space<hbm>>) target(%arg12 : memref<8x768xf32, #tpu.memory_space<vmem>>) target_semaphore(%arg20 : memref<!tpu.dma_semaphore, #tpu.memory_space<semaphore_mem>>)
    %dma_wait3A_1264 = arith.constant 320 : i32
    %dma_wait3A_1265 = tpu.memref_slice %arg6[%dma_wait3A_1264] : memref<512xi32, #tpu.memory_space<vmem>> -> memref<32xi32, #tpu.memory_space<vmem>>
    %dma_wait3A_1266 = arith.constant 0 : i32
    %dma_wait3A_1267 = arith.constant 0 : i32
    %dma_wait3A_1268 = tpu.memref_slice %arg3[%dma_wait3A_1266, %dma_wait3A_1267] : memref<100000x768xf32, #tpu.memory_space<hbm>> -> memref<100000x768xf32, #tpu.memory_space<hbm>>
    tpu.wait_indirect_dma semaphore(%arg17 : memref<!tpu.dma_semaphore, #tpu.memory_space<semaphore_mem>>) src(%dma_wait3A_1268 : memref<100000x768xf32, #tpu.memory_space<hbm>>) dst(%arg9 : memref<32x768xf32, #tpu.memory_space<vmem>>)
    %dma_wait3A_1269 = arith.constant 0 : i32
    %dma_wait3A_1270 = tpu.memref_slice %arg4[%add3A_893, %dma_wait3A_1269] : memref<4096x768xf32, #tpu.memory_space<hbm>> -> memref<8x768xf32, #tpu.memory_space<hbm>>
    %dma_wait3A_1271 = arith.constant 0 : i32
    %dma_wait3A_1272 = tpu.memref_slice %arg4[%add3A_893, %dma_wait3A_1271] : memref<4096x768xf32, #tpu.memory_space<hbm>> -> memref<8x768xf32, #tpu.memory_space<hbm>>
    tpu.wait_dma2 semaphore(%arg21 : memref<!tpu.dma_semaphore, #tpu.memory_space<semaphore_mem>>) src(%dma_wait3A_1272 : memref<8x768xf32, #tpu.memory_space<hbm>>) dst(%arg13 : memref<8x768xf32, #tpu.memory_space<vmem>>)
    %scan3A_1273 = arith.constant 0 : i32
    %scan3A_1274 = arith.constant 0 : i32
    %scan3A_1275 = arith.constant 8 : i32
    %scan3A_1276 = arith.addi %scan3A_1274, %scan3A_1275 : i32
    %scan3A_1277 = arith.constant 1 : i32
    scf.for %scan3A_1952 = %scan3A_1274 to %scan3A_1276 step %scan3A_1277  : i32 {
      %parallel_loop3A = arith.constant 0 : i32
      %parallel_loop3A_1953 = arith.constant 48 : i32
      %parallel_loop3A_1954 = arith.constant 1 : i32
      scf.for %parallel_loop3A_1955 = %parallel_loop3A to %parallel_loop3A_1953 step %parallel_loop3A_1954  : i32 {
        %parallel_loop3A_1956 = arith.constant 16 : i32
        %parallel_loop3A_1957 = arith.muli %parallel_loop3A_1955, %parallel_loop3A_1956 : i32
        %parallel_loop3A_1958 = arith.index_cast %scan3A_1952 : i32 to index
        %parallel_loop3A_1959 = arith.index_cast %parallel_loop3A_1957 : i32 to index
        %parallel_loop3A_1960 = tpu.vector_load %arg13[%parallel_loop3A_1958, %parallel_loop3A_1959] {strides = array<i32>} : memref<8x768xf32, #tpu.memory_space<vmem>>, vector<1x16xf32>,
        %parallel_loop3A_1961 = vector.shape_cast %parallel_loop3A_1960 : vector<1x16xf32> to vector<16xf32>
        %parallel_loop3A_1962 = arith.constant 0 : i32
        %parallel_loop3A_1963 = arith.addi %parallel_loop3A_1962, %scan3A_1952 : i32
        %parallel_loop3A_1964 = arith.index_cast %parallel_loop3A_1963 : i32 to index
        %parallel_loop3A_1965 = arith.index_cast %parallel_loop3A_1957 : i32 to index
        %parallel_loop3A_1966 = tpu.vector_load %arg9[%parallel_loop3A_1964, %parallel_loop3A_1965] {strides = array<i32>} : memref<32x768xf32, #tpu.memory_space<vmem>>, vector<1x16xf32>,
        %parallel_loop3A_1967 = vector.shape_cast %parallel_loop3A_1966 : vector<1x16xf32> to vector<16xf32>
        %parallel_loop3A_1968 = vector.shape_cast %parallel_loop3A_1961 : vector<16xf32> to vector<1x16xf32>
        tpu.vector_store %arg9[%parallel_loop3A_1964, %parallel_loop3A_1965], %parallel_loop3A_1968 {add = true, strides = array<i32>} : memref<32x768xf32, #tpu.memory_space<vmem>>, vector<1x16xf32>,
        %parallel_loop3A_1969 = arith.constant 8 : i32
        %parallel_loop3A_1970 = arith.addi %parallel_loop3A_1969, %scan3A_1952 : i32
        %parallel_loop3A_1971 = arith.index_cast %parallel_loop3A_1970 : i32 to index
        %parallel_loop3A_1972 = arith.index_cast %parallel_loop3A_1957 : i32 to index
        %parallel_loop3A_1973 = tpu.vector_load %arg9[%parallel_loop3A_1971, %parallel_loop3A_1972] {strides = array<i32>} : memref<32x768xf32, #tpu.memory_space<vmem>>, vector<1x16xf32>,
        %parallel_loop3A_1974 = vector.shape_cast %parallel_loop3A_1973 : vector<1x16xf32> to vector<16xf32>
        %parallel_loop3A_1975 = vector.shape_cast %parallel_loop3A_1961 : vector<16xf32> to vector<1x16xf32>
        tpu.vector_store %arg9[%parallel_loop3A_1971, %parallel_loop3A_1972], %parallel_loop3A_1975 {add = true, strides = array<i32>} : memref<32x768xf32, #tpu.memory_space<vmem>>, vector<1x16xf32>,
        %parallel_loop3A_1976 = arith.constant 16 : i32
        %parallel_loop3A_1977 = arith.addi %parallel_loop3A_1976, %scan3A_1952 : i32
        %parallel_loop3A_1978 = arith.index_cast %parallel_loop3A_1977 : i32 to index
        %parallel_loop3A_1979 = arith.index_cast %parallel_loop3A_1957 : i32 to index
        %parallel_loop3A_1980 = tpu.vector_load %arg9[%parallel_loop3A_1978, %parallel_loop3A_1979] {strides = array<i32>} : memref<32x768xf32, #tpu.memory_space<vmem>>, vector<1x16xf32>,
        %parallel_loop3A_1981 = vector.shape_cast %parallel_loop3A_1980 : vector<1x16xf32> to vector<16xf32>
        %parallel_loop3A_1982 = vector.shape_cast %parallel_loop3A_1961 : vector<16xf32> to vector<1x16xf32>
        tpu.vector_store %arg9[%parallel_loop3A_1978, %parallel_loop3A_1979], %parallel_loop3A_1982 {add = true, strides = array<i32>} : memref<32x768xf32, #tpu.memory_space<vmem>>, vector<1x16xf32>,
        %parallel_loop3A_1983 = arith.constant 24 : i32
        %parallel_loop3A_1984 = arith.addi %parallel_loop3A_1983, %scan3A_1952 : i32
        %parallel_loop3A_1985 = arith.index_cast %parallel_loop3A_1984 : i32 to index
        %parallel_loop3A_1986 = arith.index_cast %parallel_loop3A_1957 : i32 to index
        %parallel_loop3A_1987 = tpu.vector_load %arg9[%parallel_loop3A_1985, %parallel_loop3A_1986] {strides = array<i32>} : memref<32x768xf32, #tpu.memory_space<vmem>>, vector<1x16xf32>,
        %parallel_loop3A_1988 = vector.shape_cast %parallel_loop3A_1987 : vector<1x16xf32> to vector<16xf32>
        %parallel_loop3A_1989 = vector.shape_cast %parallel_loop3A_1961 : vector<16xf32> to vector<1x16xf32>
        tpu.vector_store %arg9[%parallel_loop3A_1985, %parallel_loop3A_1986], %parallel_loop3A_1989 {add = true, strides = array<i32>} : memref<32x768xf32, #tpu.memory_space<vmem>>, vector<1x16xf32>,
      } {sc.loop_unroll_factor = 2 : i64, sc.parallel_access}
    }
    %scan3A_1278 = arith.constant 8 : i32
    %add3A_1279 = arith.constant 0 : i32
    %add3A_1280 = arith.addi %add3A_1279, %mul3A_2 : i32
    %add3A_1281 = arith.constant 80 : i32
    %add3A_1282 = arith.addi %add3A_1280, %add3A_1281 : i32
    %dma_start3A_1283 = arith.constant 0 : i32
    %dma_start3A_1284 = arith.constant 0 : i32
    %dma_start3A_1285 = tpu.memref_slice %arg9[%dma_start3A_1283, %dma_start3A_1284] : memref<32x768xf32, #tpu.memory_space<vmem>> -> memref<8x768xf32, #tpu.memory_space<vmem>>
    %dma_start3A_1286 = arith.constant 0 : i32
    %dma_start3A_1287 = tpu.memref_slice %arg5[%add3A_1282, %dma_start3A_1286] : memref<16384x768xf32, #tpu.memory_space<hbm>> -> memref<8x768xf32, #tpu.memory_space<hbm>>
    %dma_start3A_1288 = arith.constant 0 : i32
    %dma_start3A_1289 = tpu.memref_slice %arg5[%add3A_1282, %dma_start3A_1288] : memref<16384x768xf32, #tpu.memory_space<hbm>> -> memref<8x768xf32, #tpu.memory_space<hbm>>
    %dma_start3A_1290 = arith.constant 0 : i32
    %dma_start3A_1291 = arith.constant 0 : i32
    %dma_start3A_1292 = tpu.memref_slice %arg9[%dma_start3A_1290, %dma_start3A_1291] : memref<32x768xf32, #tpu.memory_space<vmem>> -> memref<8x768xf32, #tpu.memory_space<vmem>>
    tpu.enqueue_dma source(%dma_start3A_1292 : memref<8x768xf32, #tpu.memory_space<vmem>>) target(%dma_start3A_1289 : memref<8x768xf32, #tpu.memory_space<hbm>>) target_semaphore(%arg25 : memref<!tpu.dma_semaphore, #tpu.memory_space<semaphore_mem>>)
    %add3A_1293 = arith.constant 4096 : i32
    %add3A_1294 = arith.addi %add3A_1293, %mul3A_2 : i32
    %add3A_1295 = arith.constant 80 : i32
    %add3A_1296 = arith.addi %add3A_1294, %add3A_1295 : i32
    %dma_start3A_1297 = arith.constant 8 : i32
    %dma_start3A_1298 = arith.constant 0 : i32
    %dma_start3A_1299 = tpu.memref_slice %arg9[%dma_start3A_1297, %dma_start3A_1298] : memref<32x768xf32, #tpu.memory_space<vmem>> -> memref<8x768xf32, #tpu.memory_space<vmem>>
    %dma_start3A_1300 = arith.constant 0 : i32
    %dma_start3A_1301 = tpu.memref_slice %arg5[%add3A_1296, %dma_start3A_1300] : memref<16384x768xf32, #tpu.memory_space<hbm>> -> memref<8x768xf32, #tpu.memory_space<hbm>>
    %dma_start3A_1302 = arith.constant 0 : i32
    %dma_start3A_1303 = tpu.memref_slice %arg5[%add3A_1296, %dma_start3A_1302] : memref<16384x768xf32, #tpu.memory_space<hbm>> -> memref<8x768xf32, #tpu.memory_space<hbm>>
    %dma_start3A_1304 = arith.constant 8 : i32
    %dma_start3A_1305 = arith.constant 0 : i32
    %dma_start3A_1306 = tpu.memref_slice %arg9[%dma_start3A_1304, %dma_start3A_1305] : memref<32x768xf32, #tpu.memory_space<vmem>> -> memref<8x768xf32, #tpu.memory_space<vmem>>
    tpu.enqueue_dma source(%dma_start3A_1306 : memref<8x768xf32, #tpu.memory_space<vmem>>) target(%dma_start3A_1303 : memref<8x768xf32, #tpu.memory_space<hbm>>) target_semaphore(%arg25 : memref<!tpu.dma_semaphore, #tpu.memory_space<semaphore_mem>>)
    %add3A_1307 = arith.constant 8192 : i32
    %add3A_1308 = arith.addi %add3A_1307, %mul3A_2 : i32
    %add3A_1309 = arith.constant 80 : i32
    %add3A_1310 = arith.addi %add3A_1308, %add3A_1309 : i32
    %dma_start3A_1311 = arith.constant 16 : i32
    %dma_start3A_1312 = arith.constant 0 : i32
    %dma_start3A_1313 = tpu.memref_slice %arg9[%dma_start3A_1311, %dma_start3A_1312] : memref<32x768xf32, #tpu.memory_space<vmem>> -> memref<8x768xf32, #tpu.memory_space<vmem>>
    %dma_start3A_1314 = arith.constant 0 : i32
    %dma_start3A_1315 = tpu.memref_slice %arg5[%add3A_1310, %dma_start3A_1314] : memref<16384x768xf32, #tpu.memory_space<hbm>> -> memref<8x768xf32, #tpu.memory_space<hbm>>
    %dma_start3A_1316 = arith.constant 0 : i32
    %dma_start3A_1317 = tpu.memref_slice %arg5[%add3A_1310, %dma_start3A_1316] : memref<16384x768xf32, #tpu.memory_space<hbm>> -> memref<8x768xf32, #tpu.memory_space<hbm>>
    %dma_start3A_1318 = arith.constant 16 : i32
    %dma_start3A_1319 = arith.constant 0 : i32
    %dma_start3A_1320 = tpu.memref_slice %arg9[%dma_start3A_1318, %dma_start3A_1319] : memref<32x768xf32, #tpu.memory_space<vmem>> -> memref<8x768xf32, #tpu.memory_space<vmem>>
    tpu.enqueue_dma source(%dma_start3A_1320 : memref<8x768xf32, #tpu.memory_space<vmem>>) target(%dma_start3A_1317 : memref<8x768xf32, #tpu.memory_space<hbm>>) target_semaphore(%arg25 : memref<!tpu.dma_semaphore, #tpu.memory_space<semaphore_mem>>)
    %add3A_1321 = arith.constant 12288 : i32
    %add3A_1322 = arith.addi %add3A_1321, %mul3A_2 : i32
    %add3A_1323 = arith.constant 80 : i32
    %add3A_1324 = arith.addi %add3A_1322, %add3A_1323 : i32
    %dma_start3A_1325 = arith.constant 24 : i32
    %dma_start3A_1326 = arith.constant 0 : i32
    %dma_start3A_1327 = tpu.memref_slice %arg9[%dma_start3A_1325, %dma_start3A_1326] : memref<32x768xf32, #tpu.memory_space<vmem>> -> memref<8x768xf32, #tpu.memory_space<vmem>>
    %dma_start3A_1328 = arith.constant 0 : i32
    %dma_start3A_1329 = tpu.memref_slice %arg5[%add3A_1324, %dma_start3A_1328] : memref<16384x768xf32, #tpu.memory_space<hbm>> -> memref<8x768xf32, #tpu.memory_space<hbm>>
    %dma_start3A_1330 = arith.constant 0 : i32
    %dma_start3A_1331 = tpu.memref_slice %arg5[%add3A_1324, %dma_start3A_1330] : memref<16384x768xf32, #tpu.memory_space<hbm>> -> memref<8x768xf32, #tpu.memory_space<hbm>>
    %dma_start3A_1332 = arith.constant 24 : i32
    %dma_start3A_1333 = arith.constant 0 : i32
    %dma_start3A_1334 = tpu.memref_slice %arg9[%dma_start3A_1332, %dma_start3A_1333] : memref<32x768xf32, #tpu.memory_space<vmem>> -> memref<8x768xf32, #tpu.memory_space<vmem>>
    tpu.enqueue_dma source(%dma_start3A_1334 : memref<8x768xf32, #tpu.memory_space<vmem>>) target(%dma_start3A_1331 : memref<8x768xf32, #tpu.memory_space<hbm>>) target_semaphore(%arg25 : memref<!tpu.dma_semaphore, #tpu.memory_space<semaphore_mem>>)
    %dma_wait3A_1335 = arith.constant 0 : i32
    %dma_wait3A_1336 = arith.constant 0 : i32
    %dma_wait3A_1337 = tpu.memref_slice %arg9[%dma_wait3A_1335, %dma_wait3A_1336] : memref<32x768xf32, #tpu.memory_space<vmem>> -> memref<8x768xf32, #tpu.memory_space<vmem>>
    %dma_wait3A_1338 = arith.constant 0 : i32
    %dma_wait3A_1339 = tpu.memref_slice %arg5[%add3A_1282, %dma_wait3A_1338] : memref<16384x768xf32, #tpu.memory_space<hbm>> -> memref<8x768xf32, #tpu.memory_space<hbm>>
    %dma_wait3A_1340 = arith.constant 0 : i32
    %dma_wait3A_1341 = tpu.memref_slice %arg5[%add3A_1282, %dma_wait3A_1340] : memref<16384x768xf32, #tpu.memory_space<hbm>> -> memref<8x768xf32, #tpu.memory_space<hbm>>
    %dma_wait3A_1342 = arith.constant 0 : i32
    %dma_wait3A_1343 = arith.constant 0 : i32
    %dma_wait3A_1344 = tpu.memref_slice %arg9[%dma_wait3A_1342, %dma_wait3A_1343] : memref<32x768xf32, #tpu.memory_space<vmem>> -> memref<8x768xf32, #tpu.memory_space<vmem>>
    tpu.wait_dma2 semaphore(%arg25 : memref<!tpu.dma_semaphore, #tpu.memory_space<semaphore_mem>>) src(%dma_wait3A_1344 : memref<8x768xf32, #tpu.memory_space<vmem>>) dst(%dma_wait3A_1341 : memref<8x768xf32, #tpu.memory_space<hbm>>)
    %dma_wait3A_1345 = arith.constant 8 : i32
    %dma_wait3A_1346 = arith.constant 0 : i32
    %dma_wait3A_1347 = tpu.memref_slice %arg9[%dma_wait3A_1345, %dma_wait3A_1346] : memref<32x768xf32, #tpu.memory_space<vmem>> -> memref<8x768xf32, #tpu.memory_space<vmem>>
    %dma_wait3A_1348 = arith.constant 0 : i32
    %dma_wait3A_1349 = tpu.memref_slice %arg5[%add3A_1296, %dma_wait3A_1348] : memref<16384x768xf32, #tpu.memory_space<hbm>> -> memref<8x768xf32, #tpu.memory_space<hbm>>
    %dma_wait3A_1350 = arith.constant 0 : i32
    %dma_wait3A_1351 = tpu.memref_slice %arg5[%add3A_1296, %dma_wait3A_1350] : memref<16384x768xf32, #tpu.memory_space<hbm>> -> memref<8x768xf32, #tpu.memory_space<hbm>>
    %dma_wait3A_1352 = arith.constant 8 : i32
    %dma_wait3A_1353 = arith.constant 0 : i32
    %dma_wait3A_1354 = tpu.memref_slice %arg9[%dma_wait3A_1352, %dma_wait3A_1353] : memref<32x768xf32, #tpu.memory_space<vmem>> -> memref<8x768xf32, #tpu.memory_space<vmem>>
    tpu.wait_dma2 semaphore(%arg25 : memref<!tpu.dma_semaphore, #tpu.memory_space<semaphore_mem>>) src(%dma_wait3A_1354 : memref<8x768xf32, #tpu.memory_space<vmem>>) dst(%dma_wait3A_1351 : memref<8x768xf32, #tpu.memory_space<hbm>>)
    %dma_wait3A_1355 = arith.constant 16 : i32
    %dma_wait3A_1356 = arith.constant 0 : i32
    %dma_wait3A_1357 = tpu.memref_slice %arg9[%dma_wait3A_1355, %dma_wait3A_1356] : memref<32x768xf32, #tpu.memory_space<vmem>> -> memref<8x768xf32, #tpu.memory_space<vmem>>
    %dma_wait3A_1358 = arith.constant 0 : i32
    %dma_wait3A_1359 = tpu.memref_slice %arg5[%add3A_1310, %dma_wait3A_1358] : memref<16384x768xf32, #tpu.memory_space<hbm>> -> memref<8x768xf32, #tpu.memory_space<hbm>>
    %dma_wait3A_1360 = arith.constant 0 : i32
    %dma_wait3A_1361 = tpu.memref_slice %arg5[%add3A_1310, %dma_wait3A_1360] : memref<16384x768xf32, #tpu.memory_space<hbm>> -> memref<8x768xf32, #tpu.memory_space<hbm>>
    %dma_wait3A_1362 = arith.constant 16 : i32
    %dma_wait3A_1363 = arith.constant 0 : i32
    %dma_wait3A_1364 = tpu.memref_slice %arg9[%dma_wait3A_1362, %dma_wait3A_1363] : memref<32x768xf32, #tpu.memory_space<vmem>> -> memref<8x768xf32, #tpu.memory_space<vmem>>
    tpu.wait_dma2 semaphore(%arg25 : memref<!tpu.dma_semaphore, #tpu.memory_space<semaphore_mem>>) src(%dma_wait3A_1364 : memref<8x768xf32, #tpu.memory_space<vmem>>) dst(%dma_wait3A_1361 : memref<8x768xf32, #tpu.memory_space<hbm>>)
    %dma_wait3A_1365 = arith.constant 24 : i32
    %dma_wait3A_1366 = arith.constant 0 : i32
    %dma_wait3A_1367 = tpu.memref_slice %arg9[%dma_wait3A_1365, %dma_wait3A_1366] : memref<32x768xf32, #tpu.memory_space<vmem>> -> memref<8x768xf32, #tpu.memory_space<vmem>>
    %dma_wait3A_1368 = arith.constant 0 : i32
    %dma_wait3A_1369 = tpu.memref_slice %arg5[%add3A_1324, %dma_wait3A_1368] : memref<16384x768xf32, #tpu.memory_space<hbm>> -> memref<8x768xf32, #tpu.memory_space<hbm>>
    %dma_wait3A_1370 = arith.constant 0 : i32
    %dma_wait3A_1371 = tpu.memref_slice %arg5[%add3A_1324, %dma_wait3A_1370] : memref<16384x768xf32, #tpu.memory_space<hbm>> -> memref<8x768xf32, #tpu.memory_space<hbm>>
    %dma_wait3A_1372 = arith.constant 24 : i32
    %dma_wait3A_1373 = arith.constant 0 : i32
    %dma_wait3A_1374 = tpu.memref_slice %arg9[%dma_wait3A_1372, %dma_wait3A_1373] : memref<32x768xf32, #tpu.memory_space<vmem>> -> memref<8x768xf32, #tpu.memory_space<vmem>>
    tpu.wait_dma2 semaphore(%arg25 : memref<!tpu.dma_semaphore, #tpu.memory_space<semaphore_mem>>) src(%dma_wait3A_1374 : memref<8x768xf32, #tpu.memory_space<vmem>>) dst(%dma_wait3A_1371 : memref<8x768xf32, #tpu.memory_space<hbm>>)
    %dma_start3A_1375 = arith.constant 448 : i32
    %dma_start3A_1376 = tpu.memref_slice %arg6[%dma_start3A_1375] : memref<512xi32, #tpu.memory_space<vmem>> -> memref<32xi32, #tpu.memory_space<vmem>>
    %dma_start3A_1377 = arith.constant 0 : i32
    %dma_start3A_1378 = arith.constant 0 : i32
    %dma_start3A_1379 = tpu.memref_slice %arg3[%dma_start3A_1377, %dma_start3A_1378] : memref<100000x768xf32, #tpu.memory_space<hbm>> -> memref<100000x768xf32, #tpu.memory_space<hbm>>
    tpu.enqueue_indirect_dma source(%dma_start3A_1379 : memref<100000x768xf32, #tpu.memory_space<hbm>>) target(%arg9 : memref<32x768xf32, #tpu.memory_space<vmem>>) offsets(%dma_start3A_1376 : memref<32xi32, #tpu.memory_space<vmem>>) semaphore(%arg17 : memref<!tpu.dma_semaphore, #tpu.memory_space<semaphore_mem>>)
    %add3A_1380 = arith.constant 112 : i32
    %add3A_1381 = arith.addi %mul3A_2, %add3A_1380 : i32
    %dma_start3A_1382 = arith.constant 0 : i32
    %dma_start3A_1383 = tpu.memref_slice %arg4[%add3A_1381, %dma_start3A_1382] : memref<4096x768xf32, #tpu.memory_space<hbm>> -> memref<8x768xf32, #tpu.memory_space<hbm>>
    %dma_start3A_1384 = arith.constant 0 : i32
    %dma_start3A_1385 = tpu.memref_slice %arg4[%add3A_1381, %dma_start3A_1384] : memref<4096x768xf32, #tpu.memory_space<hbm>> -> memref<8x768xf32, #tpu.memory_space<hbm>>
    tpu.enqueue_dma source(%dma_start3A_1385 : memref<8x768xf32, #tpu.memory_space<hbm>>) target(%arg13 : memref<8x768xf32, #tpu.memory_space<vmem>>) target_semaphore(%arg21 : memref<!tpu.dma_semaphore, #tpu.memory_space<semaphore_mem>>)
    %dma_wait3A_1386 = arith.constant 352 : i32
    %dma_wait3A_1387 = tpu.memref_slice %arg6[%dma_wait3A_1386] : memref<512xi32, #tpu.memory_space<vmem>> -> memref<32xi32, #tpu.memory_space<vmem>>
    %dma_wait3A_1388 = arith.constant 0 : i32
    %dma_wait3A_1389 = arith.constant 0 : i32
    %dma_wait3A_1390 = tpu.memref_slice %arg3[%dma_wait3A_1388, %dma_wait3A_1389] : memref<100000x768xf32, #tpu.memory_space<hbm>> -> memref<100000x768xf32, #tpu.memory_space<hbm>>
    tpu.wait_indirect_dma semaphore(%arg18 : memref<!tpu.dma_semaphore, #tpu.memory_space<semaphore_mem>>) src(%dma_wait3A_1390 : memref<100000x768xf32, #tpu.memory_space<hbm>>) dst(%arg10 : memref<32x768xf32, #tpu.memory_space<vmem>>)
    %dma_wait3A_1391 = arith.constant 0 : i32
    %dma_wait3A_1392 = tpu.memref_slice %arg4[%add3A_1015, %dma_wait3A_1391] : memref<4096x768xf32, #tpu.memory_space<hbm>> -> memref<8x768xf32, #tpu.memory_space<hbm>>
    %dma_wait3A_1393 = arith.constant 0 : i32
    %dma_wait3A_1394 = tpu.memref_slice %arg4[%add3A_1015, %dma_wait3A_1393] : memref<4096x768xf32, #tpu.memory_space<hbm>> -> memref<8x768xf32, #tpu.memory_space<hbm>>
    tpu.wait_dma2 semaphore(%arg22 : memref<!tpu.dma_semaphore, #tpu.memory_space<semaphore_mem>>) src(%dma_wait3A_1394 : memref<8x768xf32, #tpu.memory_space<hbm>>) dst(%arg14 : memref<8x768xf32, #tpu.memory_space<vmem>>)
    %scan3A_1395 = arith.constant 0 : i32
    %scan3A_1396 = arith.constant 0 : i32
    %scan3A_1397 = arith.constant 8 : i32
    %scan3A_1398 = arith.addi %scan3A_1396, %scan3A_1397 : i32
    %scan3A_1399 = arith.constant 1 : i32
    scf.for %scan3A_1952 = %scan3A_1396 to %scan3A_1398 step %scan3A_1399  : i32 {
      %parallel_loop3A = arith.constant 0 : i32
      %parallel_loop3A_1953 = arith.constant 48 : i32
      %parallel_loop3A_1954 = arith.constant 1 : i32
      scf.for %parallel_loop3A_1955 = %parallel_loop3A to %parallel_loop3A_1953 step %parallel_loop3A_1954  : i32 {
        %parallel_loop3A_1956 = arith.constant 16 : i32
        %parallel_loop3A_1957 = arith.muli %parallel_loop3A_1955, %parallel_loop3A_1956 : i32
        %parallel_loop3A_1958 = arith.index_cast %scan3A_1952 : i32 to index
        %parallel_loop3A_1959 = arith.index_cast %parallel_loop3A_1957 : i32 to index
        %parallel_loop3A_1960 = tpu.vector_load %arg14[%parallel_loop3A_1958, %parallel_loop3A_1959] {strides = array<i32>} : memref<8x768xf32, #tpu.memory_space<vmem>>, vector<1x16xf32>,
        %parallel_loop3A_1961 = vector.shape_cast %parallel_loop3A_1960 : vector<1x16xf32> to vector<16xf32>
        %parallel_loop3A_1962 = arith.constant 0 : i32
        %parallel_loop3A_1963 = arith.addi %parallel_loop3A_1962, %scan3A_1952 : i32
        %parallel_loop3A_1964 = arith.index_cast %parallel_loop3A_1963 : i32 to index
        %parallel_loop3A_1965 = arith.index_cast %parallel_loop3A_1957 : i32 to index
        %parallel_loop3A_1966 = tpu.vector_load %arg10[%parallel_loop3A_1964, %parallel_loop3A_1965] {strides = array<i32>} : memref<32x768xf32, #tpu.memory_space<vmem>>, vector<1x16xf32>,
        %parallel_loop3A_1967 = vector.shape_cast %parallel_loop3A_1966 : vector<1x16xf32> to vector<16xf32>
        %parallel_loop3A_1968 = vector.shape_cast %parallel_loop3A_1961 : vector<16xf32> to vector<1x16xf32>
        tpu.vector_store %arg10[%parallel_loop3A_1964, %parallel_loop3A_1965], %parallel_loop3A_1968 {add = true, strides = array<i32>} : memref<32x768xf32, #tpu.memory_space<vmem>>, vector<1x16xf32>,
        %parallel_loop3A_1969 = arith.constant 8 : i32
        %parallel_loop3A_1970 = arith.addi %parallel_loop3A_1969, %scan3A_1952 : i32
        %parallel_loop3A_1971 = arith.index_cast %parallel_loop3A_1970 : i32 to index
        %parallel_loop3A_1972 = arith.index_cast %parallel_loop3A_1957 : i32 to index
        %parallel_loop3A_1973 = tpu.vector_load %arg10[%parallel_loop3A_1971, %parallel_loop3A_1972] {strides = array<i32>} : memref<32x768xf32, #tpu.memory_space<vmem>>, vector<1x16xf32>,
        %parallel_loop3A_1974 = vector.shape_cast %parallel_loop3A_1973 : vector<1x16xf32> to vector<16xf32>
        %parallel_loop3A_1975 = vector.shape_cast %parallel_loop3A_1961 : vector<16xf32> to vector<1x16xf32>
        tpu.vector_store %arg10[%parallel_loop3A_1971, %parallel_loop3A_1972], %parallel_loop3A_1975 {add = true, strides = array<i32>} : memref<32x768xf32, #tpu.memory_space<vmem>>, vector<1x16xf32>,
        %parallel_loop3A_1976 = arith.constant 16 : i32
        %parallel_loop3A_1977 = arith.addi %parallel_loop3A_1976, %scan3A_1952 : i32
        %parallel_loop3A_1978 = arith.index_cast %parallel_loop3A_1977 : i32 to index
        %parallel_loop3A_1979 = arith.index_cast %parallel_loop3A_1957 : i32 to index
        %parallel_loop3A_1980 = tpu.vector_load %arg10[%parallel_loop3A_1978, %parallel_loop3A_1979] {strides = array<i32>} : memref<32x768xf32, #tpu.memory_space<vmem>>, vector<1x16xf32>,
        %parallel_loop3A_1981 = vector.shape_cast %parallel_loop3A_1980 : vector<1x16xf32> to vector<16xf32>
        %parallel_loop3A_1982 = vector.shape_cast %parallel_loop3A_1961 : vector<16xf32> to vector<1x16xf32>
        tpu.vector_store %arg10[%parallel_loop3A_1978, %parallel_loop3A_1979], %parallel_loop3A_1982 {add = true, strides = array<i32>} : memref<32x768xf32, #tpu.memory_space<vmem>>, vector<1x16xf32>,
        %parallel_loop3A_1983 = arith.constant 24 : i32
        %parallel_loop3A_1984 = arith.addi %parallel_loop3A_1983, %scan3A_1952 : i32
        %parallel_loop3A_1985 = arith.index_cast %parallel_loop3A_1984 : i32 to index
        %parallel_loop3A_1986 = arith.index_cast %parallel_loop3A_1957 : i32 to index
        %parallel_loop3A_1987 = tpu.vector_load %arg10[%parallel_loop3A_1985, %parallel_loop3A_1986] {strides = array<i32>} : memref<32x768xf32, #tpu.memory_space<vmem>>, vector<1x16xf32>,
        %parallel_loop3A_1988 = vector.shape_cast %parallel_loop3A_1987 : vector<1x16xf32> to vector<16xf32>
        %parallel_loop3A_1989 = vector.shape_cast %parallel_loop3A_1961 : vector<16xf32> to vector<1x16xf32>
        tpu.vector_store %arg10[%parallel_loop3A_1985, %parallel_loop3A_1986], %parallel_loop3A_1989 {add = true, strides = array<i32>} : memref<32x768xf32, #tpu.memory_space<vmem>>, vector<1x16xf32>,
      } {sc.loop_unroll_factor = 2 : i64, sc.parallel_access}
    }
    %scan3A_1400 = arith.constant 8 : i32
    %add3A_1401 = arith.constant 0 : i32
    %add3A_1402 = arith.addi %add3A_1401, %mul3A_2 : i32
    %add3A_1403 = arith.constant 88 : i32
    %add3A_1404 = arith.addi %add3A_1402, %add3A_1403 : i32
    %dma_start3A_1405 = arith.constant 0 : i32
    %dma_start3A_1406 = arith.constant 0 : i32
    %dma_start3A_1407 = tpu.memref_slice %arg10[%dma_start3A_1405, %dma_start3A_1406] : memref<32x768xf32, #tpu.memory_space<vmem>> -> memref<8x768xf32, #tpu.memory_space<vmem>>
    %dma_start3A_1408 = arith.constant 0 : i32
    %dma_start3A_1409 = tpu.memref_slice %arg5[%add3A_1404, %dma_start3A_1408] : memref<16384x768xf32, #tpu.memory_space<hbm>> -> memref<8x768xf32, #tpu.memory_space<hbm>>
    %dma_start3A_1410 = arith.constant 0 : i32
    %dma_start3A_1411 = tpu.memref_slice %arg5[%add3A_1404, %dma_start3A_1410] : memref<16384x768xf32, #tpu.memory_space<hbm>> -> memref<8x768xf32, #tpu.memory_space<hbm>>
    %dma_start3A_1412 = arith.constant 0 : i32
    %dma_start3A_1413 = arith.constant 0 : i32
    %dma_start3A_1414 = tpu.memref_slice %arg10[%dma_start3A_1412, %dma_start3A_1413] : memref<32x768xf32, #tpu.memory_space<vmem>> -> memref<8x768xf32, #tpu.memory_space<vmem>>
    tpu.enqueue_dma source(%dma_start3A_1414 : memref<8x768xf32, #tpu.memory_space<vmem>>) target(%dma_start3A_1411 : memref<8x768xf32, #tpu.memory_space<hbm>>) target_semaphore(%arg26 : memref<!tpu.dma_semaphore, #tpu.memory_space<semaphore_mem>>)
    %add3A_1415 = arith.constant 4096 : i32
    %add3A_1416 = arith.addi %add3A_1415, %mul3A_2 : i32
    %add3A_1417 = arith.constant 88 : i32
    %add3A_1418 = arith.addi %add3A_1416, %add3A_1417 : i32
    %dma_start3A_1419 = arith.constant 8 : i32
    %dma_start3A_1420 = arith.constant 0 : i32
    %dma_start3A_1421 = tpu.memref_slice %arg10[%dma_start3A_1419, %dma_start3A_1420] : memref<32x768xf32, #tpu.memory_space<vmem>> -> memref<8x768xf32, #tpu.memory_space<vmem>>
    %dma_start3A_1422 = arith.constant 0 : i32
    %dma_start3A_1423 = tpu.memref_slice %arg5[%add3A_1418, %dma_start3A_1422] : memref<16384x768xf32, #tpu.memory_space<hbm>> -> memref<8x768xf32, #tpu.memory_space<hbm>>
    %dma_start3A_1424 = arith.constant 0 : i32
    %dma_start3A_1425 = tpu.memref_slice %arg5[%add3A_1418, %dma_start3A_1424] : memref<16384x768xf32, #tpu.memory_space<hbm>> -> memref<8x768xf32, #tpu.memory_space<hbm>>
    %dma_start3A_1426 = arith.constant 8 : i32
    %dma_start3A_1427 = arith.constant 0 : i32
    %dma_start3A_1428 = tpu.memref_slice %arg10[%dma_start3A_1426, %dma_start3A_1427] : memref<32x768xf32, #tpu.memory_space<vmem>> -> memref<8x768xf32, #tpu.memory_space<vmem>>
    tpu.enqueue_dma source(%dma_start3A_1428 : memref<8x768xf32, #tpu.memory_space<vmem>>) target(%dma_start3A_1425 : memref<8x768xf32, #tpu.memory_space<hbm>>) target_semaphore(%arg26 : memref<!tpu.dma_semaphore, #tpu.memory_space<semaphore_mem>>)
    %add3A_1429 = arith.constant 8192 : i32
    %add3A_1430 = arith.addi %add3A_1429, %mul3A_2 : i32
    %add3A_1431 = arith.constant 88 : i32
    %add3A_1432 = arith.addi %add3A_1430, %add3A_1431 : i32
    %dma_start3A_1433 = arith.constant 16 : i32
    %dma_start3A_1434 = arith.constant 0 : i32
    %dma_start3A_1435 = tpu.memref_slice %arg10[%dma_start3A_1433, %dma_start3A_1434] : memref<32x768xf32, #tpu.memory_space<vmem>> -> memref<8x768xf32, #tpu.memory_space<vmem>>
    %dma_start3A_1436 = arith.constant 0 : i32
    %dma_start3A_1437 = tpu.memref_slice %arg5[%add3A_1432, %dma_start3A_1436] : memref<16384x768xf32, #tpu.memory_space<hbm>> -> memref<8x768xf32, #tpu.memory_space<hbm>>
    %dma_start3A_1438 = arith.constant 0 : i32
    %dma_start3A_1439 = tpu.memref_slice %arg5[%add3A_1432, %dma_start3A_1438] : memref<16384x768xf32, #tpu.memory_space<hbm>> -> memref<8x768xf32, #tpu.memory_space<hbm>>
    %dma_start3A_1440 = arith.constant 16 : i32
    %dma_start3A_1441 = arith.constant 0 : i32
    %dma_start3A_1442 = tpu.memref_slice %arg10[%dma_start3A_1440, %dma_start3A_1441] : memref<32x768xf32, #tpu.memory_space<vmem>> -> memref<8x768xf32, #tpu.memory_space<vmem>>
    tpu.enqueue_dma source(%dma_start3A_1442 : memref<8x768xf32, #tpu.memory_space<vmem>>) target(%dma_start3A_1439 : memref<8x768xf32, #tpu.memory_space<hbm>>) target_semaphore(%arg26 : memref<!tpu.dma_semaphore, #tpu.memory_space<semaphore_mem>>)
    %add3A_1443 = arith.constant 12288 : i32
    %add3A_1444 = arith.addi %add3A_1443, %mul3A_2 : i32
    %add3A_1445 = arith.constant 88 : i32
    %add3A_1446 = arith.addi %add3A_1444, %add3A_1445 : i32
    %dma_start3A_1447 = arith.constant 24 : i32
    %dma_start3A_1448 = arith.constant 0 : i32
    %dma_start3A_1449 = tpu.memref_slice %arg10[%dma_start3A_1447, %dma_start3A_1448] : memref<32x768xf32, #tpu.memory_space<vmem>> -> memref<8x768xf32, #tpu.memory_space<vmem>>
    %dma_start3A_1450 = arith.constant 0 : i32
    %dma_start3A_1451 = tpu.memref_slice %arg5[%add3A_1446, %dma_start3A_1450] : memref<16384x768xf32, #tpu.memory_space<hbm>> -> memref<8x768xf32, #tpu.memory_space<hbm>>
    %dma_start3A_1452 = arith.constant 0 : i32
    %dma_start3A_1453 = tpu.memref_slice %arg5[%add3A_1446, %dma_start3A_1452] : memref<16384x768xf32, #tpu.memory_space<hbm>> -> memref<8x768xf32, #tpu.memory_space<hbm>>
    %dma_start3A_1454 = arith.constant 24 : i32
    %dma_start3A_1455 = arith.constant 0 : i32
    %dma_start3A_1456 = tpu.memref_slice %arg10[%dma_start3A_1454, %dma_start3A_1455] : memref<32x768xf32, #tpu.memory_space<vmem>> -> memref<8x768xf32, #tpu.memory_space<vmem>>
    tpu.enqueue_dma source(%dma_start3A_1456 : memref<8x768xf32, #tpu.memory_space<vmem>>) target(%dma_start3A_1453 : memref<8x768xf32, #tpu.memory_space<hbm>>) target_semaphore(%arg26 : memref<!tpu.dma_semaphore, #tpu.memory_space<semaphore_mem>>)
    %dma_wait3A_1457 = arith.constant 0 : i32
    %dma_wait3A_1458 = arith.constant 0 : i32
    %dma_wait3A_1459 = tpu.memref_slice %arg10[%dma_wait3A_1457, %dma_wait3A_1458] : memref<32x768xf32, #tpu.memory_space<vmem>> -> memref<8x768xf32, #tpu.memory_space<vmem>>
    %dma_wait3A_1460 = arith.constant 0 : i32
    %dma_wait3A_1461 = tpu.memref_slice %arg5[%add3A_1404, %dma_wait3A_1460] : memref<16384x768xf32, #tpu.memory_space<hbm>> -> memref<8x768xf32, #tpu.memory_space<hbm>>
    %dma_wait3A_1462 = arith.constant 0 : i32
    %dma_wait3A_1463 = tpu.memref_slice %arg5[%add3A_1404, %dma_wait3A_1462] : memref<16384x768xf32, #tpu.memory_space<hbm>> -> memref<8x768xf32, #tpu.memory_space<hbm>>
    %dma_wait3A_1464 = arith.constant 0 : i32
    %dma_wait3A_1465 = arith.constant 0 : i32
    %dma_wait3A_1466 = tpu.memref_slice %arg10[%dma_wait3A_1464, %dma_wait3A_1465] : memref<32x768xf32, #tpu.memory_space<vmem>> -> memref<8x768xf32, #tpu.memory_space<vmem>>
    tpu.wait_dma2 semaphore(%arg26 : memref<!tpu.dma_semaphore, #tpu.memory_space<semaphore_mem>>) src(%dma_wait3A_1466 : memref<8x768xf32, #tpu.memory_space<vmem>>) dst(%dma_wait3A_1463 : memref<8x768xf32, #tpu.memory_space<hbm>>)
    %dma_wait3A_1467 = arith.constant 8 : i32
    %dma_wait3A_1468 = arith.constant 0 : i32
    %dma_wait3A_1469 = tpu.memref_slice %arg10[%dma_wait3A_1467, %dma_wait3A_1468] : memref<32x768xf32, #tpu.memory_space<vmem>> -> memref<8x768xf32, #tpu.memory_space<vmem>>
    %dma_wait3A_1470 = arith.constant 0 : i32
    %dma_wait3A_1471 = tpu.memref_slice %arg5[%add3A_1418, %dma_wait3A_1470] : memref<16384x768xf32, #tpu.memory_space<hbm>> -> memref<8x768xf32, #tpu.memory_space<hbm>>
    %dma_wait3A_1472 = arith.constant 0 : i32
    %dma_wait3A_1473 = tpu.memref_slice %arg5[%add3A_1418, %dma_wait3A_1472] : memref<16384x768xf32, #tpu.memory_space<hbm>> -> memref<8x768xf32, #tpu.memory_space<hbm>>
    %dma_wait3A_1474 = arith.constant 8 : i32
    %dma_wait3A_1475 = arith.constant 0 : i32
    %dma_wait3A_1476 = tpu.memref_slice %arg10[%dma_wait3A_1474, %dma_wait3A_1475] : memref<32x768xf32, #tpu.memory_space<vmem>> -> memref<8x768xf32, #tpu.memory_space<vmem>>
    tpu.wait_dma2 semaphore(%arg26 : memref<!tpu.dma_semaphore, #tpu.memory_space<semaphore_mem>>) src(%dma_wait3A_1476 : memref<8x768xf32, #tpu.memory_space<vmem>>) dst(%dma_wait3A_1473 : memref<8x768xf32, #tpu.memory_space<hbm>>)
    %dma_wait3A_1477 = arith.constant 16 : i32
    %dma_wait3A_1478 = arith.constant 0 : i32
    %dma_wait3A_1479 = tpu.memref_slice %arg10[%dma_wait3A_1477, %dma_wait3A_1478] : memref<32x768xf32, #tpu.memory_space<vmem>> -> memref<8x768xf32, #tpu.memory_space<vmem>>
    %dma_wait3A_1480 = arith.constant 0 : i32
    %dma_wait3A_1481 = tpu.memref_slice %arg5[%add3A_1432, %dma_wait3A_1480] : memref<16384x768xf32, #tpu.memory_space<hbm>> -> memref<8x768xf32, #tpu.memory_space<hbm>>
    %dma_wait3A_1482 = arith.constant 0 : i32
    %dma_wait3A_1483 = tpu.memref_slice %arg5[%add3A_1432, %dma_wait3A_1482] : memref<16384x768xf32, #tpu.memory_space<hbm>> -> memref<8x768xf32, #tpu.memory_space<hbm>>
    %dma_wait3A_1484 = arith.constant 16 : i32
    %dma_wait3A_1485 = arith.constant 0 : i32
    %dma_wait3A_1486 = tpu.memref_slice %arg10[%dma_wait3A_1484, %dma_wait3A_1485] : memref<32x768xf32, #tpu.memory_space<vmem>> -> memref<8x768xf32, #tpu.memory_space<vmem>>
    tpu.wait_dma2 semaphore(%arg26 : memref<!tpu.dma_semaphore, #tpu.memory_space<semaphore_mem>>) src(%dma_wait3A_1486 : memref<8x768xf32, #tpu.memory_space<vmem>>) dst(%dma_wait3A_1483 : memref<8x768xf32, #tpu.memory_space<hbm>>)
    %dma_wait3A_1487 = arith.constant 24 : i32
    %dma_wait3A_1488 = arith.constant 0 : i32
    %dma_wait3A_1489 = tpu.memref_slice %arg10[%dma_wait3A_1487, %dma_wait3A_1488] : memref<32x768xf32, #tpu.memory_space<vmem>> -> memref<8x768xf32, #tpu.memory_space<vmem>>
    %dma_wait3A_1490 = arith.constant 0 : i32
    %dma_wait3A_1491 = tpu.memref_slice %arg5[%add3A_1446, %dma_wait3A_1490] : memref<16384x768xf32, #tpu.memory_space<hbm>> -> memref<8x768xf32, #tpu.memory_space<hbm>>
    %dma_wait3A_1492 = arith.constant 0 : i32
    %dma_wait3A_1493 = tpu.memref_slice %arg5[%add3A_1446, %dma_wait3A_1492] : memref<16384x768xf32, #tpu.memory_space<hbm>> -> memref<8x768xf32, #tpu.memory_space<hbm>>
    %dma_wait3A_1494 = arith.constant 24 : i32
    %dma_wait3A_1495 = arith.constant 0 : i32
    %dma_wait3A_1496 = tpu.memref_slice %arg10[%dma_wait3A_1494, %dma_wait3A_1495] : memref<32x768xf32, #tpu.memory_space<vmem>> -> memref<8x768xf32, #tpu.memory_space<vmem>>
    tpu.wait_dma2 semaphore(%arg26 : memref<!tpu.dma_semaphore, #tpu.memory_space<semaphore_mem>>) src(%dma_wait3A_1496 : memref<8x768xf32, #tpu.memory_space<vmem>>) dst(%dma_wait3A_1493 : memref<8x768xf32, #tpu.memory_space<hbm>>)
    %dma_start3A_1497 = arith.constant 480 : i32
    %dma_start3A_1498 = tpu.memref_slice %arg6[%dma_start3A_1497] : memref<512xi32, #tpu.memory_space<vmem>> -> memref<32xi32, #tpu.memory_space<vmem>>
    %dma_start3A_1499 = arith.constant 0 : i32
    %dma_start3A_1500 = arith.constant 0 : i32
    %dma_start3A_1501 = tpu.memref_slice %arg3[%dma_start3A_1499, %dma_start3A_1500] : memref<100000x768xf32, #tpu.memory_space<hbm>> -> memref<100000x768xf32, #tpu.memory_space<hbm>>
    tpu.enqueue_indirect_dma source(%dma_start3A_1501 : memref<100000x768xf32, #tpu.memory_space<hbm>>) target(%arg10 : memref<32x768xf32, #tpu.memory_space<vmem>>) offsets(%dma_start3A_1498 : memref<32xi32, #tpu.memory_space<vmem>>) semaphore(%arg18 : memref<!tpu.dma_semaphore, #tpu.memory_space<semaphore_mem>>)
    %add3A_1502 = arith.constant 120 : i32
    %add3A_1503 = arith.addi %mul3A_2, %add3A_1502 : i32
    %dma_start3A_1504 = arith.constant 0 : i32
    %dma_start3A_1505 = tpu.memref_slice %arg4[%add3A_1503, %dma_start3A_1504] : memref<4096x768xf32, #tpu.memory_space<hbm>> -> memref<8x768xf32, #tpu.memory_space<hbm>>
    %dma_start3A_1506 = arith.constant 0 : i32
    %dma_start3A_1507 = tpu.memref_slice %arg4[%add3A_1503, %dma_start3A_1506] : memref<4096x768xf32, #tpu.memory_space<hbm>> -> memref<8x768xf32, #tpu.memory_space<hbm>>
    tpu.enqueue_dma source(%dma_start3A_1507 : memref<8x768xf32, #tpu.memory_space<hbm>>) target(%arg14 : memref<8x768xf32, #tpu.memory_space<vmem>>) target_semaphore(%arg22 : memref<!tpu.dma_semaphore, #tpu.memory_space<semaphore_mem>>)
    %dma_wait3A_1508 = arith.constant 384 : i32
    %dma_wait3A_1509 = tpu.memref_slice %arg6[%dma_wait3A_1508] : memref<512xi32, #tpu.memory_space<vmem>> -> memref<32xi32, #tpu.memory_space<vmem>>
    %dma_wait3A_1510 = arith.constant 0 : i32
    %dma_wait3A_1511 = arith.constant 0 : i32
    %dma_wait3A_1512 = tpu.memref_slice %arg3[%dma_wait3A_1510, %dma_wait3A_1511] : memref<100000x768xf32, #tpu.memory_space<hbm>> -> memref<100000x768xf32, #tpu.memory_space<hbm>>
    tpu.wait_indirect_dma semaphore(%arg15 : memref<!tpu.dma_semaphore, #tpu.memory_space<semaphore_mem>>) src(%dma_wait3A_1512 : memref<100000x768xf32, #tpu.memory_space<hbm>>) dst(%arg7 : memref<32x768xf32, #tpu.memory_space<vmem>>)
    %dma_wait3A_1513 = arith.constant 0 : i32
    %dma_wait3A_1514 = tpu.memref_slice %arg4[%add3A_1137, %dma_wait3A_1513] : memref<4096x768xf32, #tpu.memory_space<hbm>> -> memref<8x768xf32, #tpu.memory_space<hbm>>
    %dma_wait3A_1515 = arith.constant 0 : i32
    %dma_wait3A_1516 = tpu.memref_slice %arg4[%add3A_1137, %dma_wait3A_1515] : memref<4096x768xf32, #tpu.memory_space<hbm>> -> memref<8x768xf32, #tpu.memory_space<hbm>>
    tpu.wait_dma2 semaphore(%arg19 : memref<!tpu.dma_semaphore, #tpu.memory_space<semaphore_mem>>) src(%dma_wait3A_1516 : memref<8x768xf32, #tpu.memory_space<hbm>>) dst(%arg11 : memref<8x768xf32, #tpu.memory_space<vmem>>)
    %scan3A_1517 = arith.constant 0 : i32
    %scan3A_1518 = arith.constant 0 : i32
    %scan3A_1519 = arith.constant 8 : i32
    %scan3A_1520 = arith.addi %scan3A_1518, %scan3A_1519 : i32
    %scan3A_1521 = arith.constant 1 : i32
    scf.for %scan3A_1952 = %scan3A_1518 to %scan3A_1520 step %scan3A_1521  : i32 {
      %parallel_loop3A = arith.constant 0 : i32
      %parallel_loop3A_1953 = arith.constant 48 : i32
      %parallel_loop3A_1954 = arith.constant 1 : i32
      scf.for %parallel_loop3A_1955 = %parallel_loop3A to %parallel_loop3A_1953 step %parallel_loop3A_1954  : i32 {
        %parallel_loop3A_1956 = arith.constant 16 : i32
        %parallel_loop3A_1957 = arith.muli %parallel_loop3A_1955, %parallel_loop3A_1956 : i32
        %parallel_loop3A_1958 = arith.index_cast %scan3A_1952 : i32 to index
        %parallel_loop3A_1959 = arith.index_cast %parallel_loop3A_1957 : i32 to index
        %parallel_loop3A_1960 = tpu.vector_load %arg11[%parallel_loop3A_1958, %parallel_loop3A_1959] {strides = array<i32>} : memref<8x768xf32, #tpu.memory_space<vmem>>, vector<1x16xf32>,
        %parallel_loop3A_1961 = vector.shape_cast %parallel_loop3A_1960 : vector<1x16xf32> to vector<16xf32>
        %parallel_loop3A_1962 = arith.constant 0 : i32
        %parallel_loop3A_1963 = arith.addi %parallel_loop3A_1962, %scan3A_1952 : i32
        %parallel_loop3A_1964 = arith.index_cast %parallel_loop3A_1963 : i32 to index
        %parallel_loop3A_1965 = arith.index_cast %parallel_loop3A_1957 : i32 to index
        %parallel_loop3A_1966 = tpu.vector_load %arg7[%parallel_loop3A_1964, %parallel_loop3A_1965] {strides = array<i32>} : memref<32x768xf32, #tpu.memory_space<vmem>>, vector<1x16xf32>,
        %parallel_loop3A_1967 = vector.shape_cast %parallel_loop3A_1966 : vector<1x16xf32> to vector<16xf32>
        %parallel_loop3A_1968 = vector.shape_cast %parallel_loop3A_1961 : vector<16xf32> to vector<1x16xf32>
        tpu.vector_store %arg7[%parallel_loop3A_1964, %parallel_loop3A_1965], %parallel_loop3A_1968 {add = true, strides = array<i32>} : memref<32x768xf32, #tpu.memory_space<vmem>>, vector<1x16xf32>,
        %parallel_loop3A_1969 = arith.constant 8 : i32
        %parallel_loop3A_1970 = arith.addi %parallel_loop3A_1969, %scan3A_1952 : i32
        %parallel_loop3A_1971 = arith.index_cast %parallel_loop3A_1970 : i32 to index
        %parallel_loop3A_1972 = arith.index_cast %parallel_loop3A_1957 : i32 to index
        %parallel_loop3A_1973 = tpu.vector_load %arg7[%parallel_loop3A_1971, %parallel_loop3A_1972] {strides = array<i32>} : memref<32x768xf32, #tpu.memory_space<vmem>>, vector<1x16xf32>,
        %parallel_loop3A_1974 = vector.shape_cast %parallel_loop3A_1973 : vector<1x16xf32> to vector<16xf32>
        %parallel_loop3A_1975 = vector.shape_cast %parallel_loop3A_1961 : vector<16xf32> to vector<1x16xf32>
        tpu.vector_store %arg7[%parallel_loop3A_1971, %parallel_loop3A_1972], %parallel_loop3A_1975 {add = true, strides = array<i32>} : memref<32x768xf32, #tpu.memory_space<vmem>>, vector<1x16xf32>,
        %parallel_loop3A_1976 = arith.constant 16 : i32
        %parallel_loop3A_1977 = arith.addi %parallel_loop3A_1976, %scan3A_1952 : i32
        %parallel_loop3A_1978 = arith.index_cast %parallel_loop3A_1977 : i32 to index
        %parallel_loop3A_1979 = arith.index_cast %parallel_loop3A_1957 : i32 to index
        %parallel_loop3A_1980 = tpu.vector_load %arg7[%parallel_loop3A_1978, %parallel_loop3A_1979] {strides = array<i32>} : memref<32x768xf32, #tpu.memory_space<vmem>>, vector<1x16xf32>,
        %parallel_loop3A_1981 = vector.shape_cast %parallel_loop3A_1980 : vector<1x16xf32> to vector<16xf32>
        %parallel_loop3A_1982 = vector.shape_cast %parallel_loop3A_1961 : vector<16xf32> to vector<1x16xf32>
        tpu.vector_store %arg7[%parallel_loop3A_1978, %parallel_loop3A_1979], %parallel_loop3A_1982 {add = true, strides = array<i32>} : memref<32x768xf32, #tpu.memory_space<vmem>>, vector<1x16xf32>,
        %parallel_loop3A_1983 = arith.constant 24 : i32
        %parallel_loop3A_1984 = arith.addi %parallel_loop3A_1983, %scan3A_1952 : i32
        %parallel_loop3A_1985 = arith.index_cast %parallel_loop3A_1984 : i32 to index
        %parallel_loop3A_1986 = arith.index_cast %parallel_loop3A_1957 : i32 to index
        %parallel_loop3A_1987 = tpu.vector_load %arg7[%parallel_loop3A_1985, %parallel_loop3A_1986] {strides = array<i32>} : memref<32x768xf32, #tpu.memory_space<vmem>>, vector<1x16xf32>,
        %parallel_loop3A_1988 = vector.shape_cast %parallel_loop3A_1987 : vector<1x16xf32> to vector<16xf32>
        %parallel_loop3A_1989 = vector.shape_cast %parallel_loop3A_1961 : vector<16xf32> to vector<1x16xf32>
        tpu.vector_store %arg7[%parallel_loop3A_1985, %parallel_loop3A_1986], %parallel_loop3A_1989 {add = true, strides = array<i32>} : memref<32x768xf32, #tpu.memory_space<vmem>>, vector<1x16xf32>,
      } {sc.loop_unroll_factor = 2 : i64, sc.parallel_access}
    }
    %scan3A_1522 = arith.constant 8 : i32
    %add3A_1523 = arith.constant 0 : i32
    %add3A_1524 = arith.addi %add3A_1523, %mul3A_2 : i32
    %add3A_1525 = arith.constant 96 : i32
    %add3A_1526 = arith.addi %add3A_1524, %add3A_1525 : i32
    %dma_start3A_1527 = arith.constant 0 : i32
    %dma_start3A_1528 = arith.constant 0 : i32
    %dma_start3A_1529 = tpu.memref_slice %arg7[%dma_start3A_1527, %dma_start3A_1528] : memref<32x768xf32, #tpu.memory_space<vmem>> -> memref<8x768xf32, #tpu.memory_space<vmem>>
    %dma_start3A_1530 = arith.constant 0 : i32
    %dma_start3A_1531 = tpu.memref_slice %arg5[%add3A_1526, %dma_start3A_1530] : memref<16384x768xf32, #tpu.memory_space<hbm>> -> memref<8x768xf32, #tpu.memory_space<hbm>>
    %dma_start3A_1532 = arith.constant 0 : i32
    %dma_start3A_1533 = tpu.memref_slice %arg5[%add3A_1526, %dma_start3A_1532] : memref<16384x768xf32, #tpu.memory_space<hbm>> -> memref<8x768xf32, #tpu.memory_space<hbm>>
    %dma_start3A_1534 = arith.constant 0 : i32
    %dma_start3A_1535 = arith.constant 0 : i32
    %dma_start3A_1536 = tpu.memref_slice %arg7[%dma_start3A_1534, %dma_start3A_1535] : memref<32x768xf32, #tpu.memory_space<vmem>> -> memref<8x768xf32, #tpu.memory_space<vmem>>
    tpu.enqueue_dma source(%dma_start3A_1536 : memref<8x768xf32, #tpu.memory_space<vmem>>) target(%dma_start3A_1533 : memref<8x768xf32, #tpu.memory_space<hbm>>) target_semaphore(%arg23 : memref<!tpu.dma_semaphore, #tpu.memory_space<semaphore_mem>>)
    %add3A_1537 = arith.constant 4096 : i32
    %add3A_1538 = arith.addi %add3A_1537, %mul3A_2 : i32
    %add3A_1539 = arith.constant 96 : i32
    %add3A_1540 = arith.addi %add3A_1538, %add3A_1539 : i32
    %dma_start3A_1541 = arith.constant 8 : i32
    %dma_start3A_1542 = arith.constant 0 : i32
    %dma_start3A_1543 = tpu.memref_slice %arg7[%dma_start3A_1541, %dma_start3A_1542] : memref<32x768xf32, #tpu.memory_space<vmem>> -> memref<8x768xf32, #tpu.memory_space<vmem>>
    %dma_start3A_1544 = arith.constant 0 : i32
    %dma_start3A_1545 = tpu.memref_slice %arg5[%add3A_1540, %dma_start3A_1544] : memref<16384x768xf32, #tpu.memory_space<hbm>> -> memref<8x768xf32, #tpu.memory_space<hbm>>
    %dma_start3A_1546 = arith.constant 0 : i32
    %dma_start3A_1547 = tpu.memref_slice %arg5[%add3A_1540, %dma_start3A_1546] : memref<16384x768xf32, #tpu.memory_space<hbm>> -> memref<8x768xf32, #tpu.memory_space<hbm>>
    %dma_start3A_1548 = arith.constant 8 : i32
    %dma_start3A_1549 = arith.constant 0 : i32
    %dma_start3A_1550 = tpu.memref_slice %arg7[%dma_start3A_1548, %dma_start3A_1549] : memref<32x768xf32, #tpu.memory_space<vmem>> -> memref<8x768xf32, #tpu.memory_space<vmem>>
    tpu.enqueue_dma source(%dma_start3A_1550 : memref<8x768xf32, #tpu.memory_space<vmem>>) target(%dma_start3A_1547 : memref<8x768xf32, #tpu.memory_space<hbm>>) target_semaphore(%arg23 : memref<!tpu.dma_semaphore, #tpu.memory_space<semaphore_mem>>)
    %add3A_1551 = arith.constant 8192 : i32
    %add3A_1552 = arith.addi %add3A_1551, %mul3A_2 : i32
    %add3A_1553 = arith.constant 96 : i32
    %add3A_1554 = arith.addi %add3A_1552, %add3A_1553 : i32
    %dma_start3A_1555 = arith.constant 16 : i32
    %dma_start3A_1556 = arith.constant 0 : i32
    %dma_start3A_1557 = tpu.memref_slice %arg7[%dma_start3A_1555, %dma_start3A_1556] : memref<32x768xf32, #tpu.memory_space<vmem>> -> memref<8x768xf32, #tpu.memory_space<vmem>>
    %dma_start3A_1558 = arith.constant 0 : i32
    %dma_start3A_1559 = tpu.memref_slice %arg5[%add3A_1554, %dma_start3A_1558] : memref<16384x768xf32, #tpu.memory_space<hbm>> -> memref<8x768xf32, #tpu.memory_space<hbm>>
    %dma_start3A_1560 = arith.constant 0 : i32
    %dma_start3A_1561 = tpu.memref_slice %arg5[%add3A_1554, %dma_start3A_1560] : memref<16384x768xf32, #tpu.memory_space<hbm>> -> memref<8x768xf32, #tpu.memory_space<hbm>>
    %dma_start3A_1562 = arith.constant 16 : i32
    %dma_start3A_1563 = arith.constant 0 : i32
    %dma_start3A_1564 = tpu.memref_slice %arg7[%dma_start3A_1562, %dma_start3A_1563] : memref<32x768xf32, #tpu.memory_space<vmem>> -> memref<8x768xf32, #tpu.memory_space<vmem>>
    tpu.enqueue_dma source(%dma_start3A_1564 : memref<8x768xf32, #tpu.memory_space<vmem>>) target(%dma_start3A_1561 : memref<8x768xf32, #tpu.memory_space<hbm>>) target_semaphore(%arg23 : memref<!tpu.dma_semaphore, #tpu.memory_space<semaphore_mem>>)
    %add3A_1565 = arith.constant 12288 : i32
    %add3A_1566 = arith.addi %add3A_1565, %mul3A_2 : i32
    %add3A_1567 = arith.constant 96 : i32
    %add3A_1568 = arith.addi %add3A_1566, %add3A_1567 : i32
    %dma_start3A_1569 = arith.constant 24 : i32
    %dma_start3A_1570 = arith.constant 0 : i32
    %dma_start3A_1571 = tpu.memref_slice %arg7[%dma_start3A_1569, %dma_start3A_1570] : memref<32x768xf32, #tpu.memory_space<vmem>> -> memref<8x768xf32, #tpu.memory_space<vmem>>
    %dma_start3A_1572 = arith.constant 0 : i32
    %dma_start3A_1573 = tpu.memref_slice %arg5[%add3A_1568, %dma_start3A_1572] : memref<16384x768xf32, #tpu.memory_space<hbm>> -> memref<8x768xf32, #tpu.memory_space<hbm>>
    %dma_start3A_1574 = arith.constant 0 : i32
    %dma_start3A_1575 = tpu.memref_slice %arg5[%add3A_1568, %dma_start3A_1574] : memref<16384x768xf32, #tpu.memory_space<hbm>> -> memref<8x768xf32, #tpu.memory_space<hbm>>
    %dma_start3A_1576 = arith.constant 24 : i32
    %dma_start3A_1577 = arith.constant 0 : i32
    %dma_start3A_1578 = tpu.memref_slice %arg7[%dma_start3A_1576, %dma_start3A_1577] : memref<32x768xf32, #tpu.memory_space<vmem>> -> memref<8x768xf32, #tpu.memory_space<vmem>>
    tpu.enqueue_dma source(%dma_start3A_1578 : memref<8x768xf32, #tpu.memory_space<vmem>>) target(%dma_start3A_1575 : memref<8x768xf32, #tpu.memory_space<hbm>>) target_semaphore(%arg23 : memref<!tpu.dma_semaphore, #tpu.memory_space<semaphore_mem>>)
    %dma_wait3A_1579 = arith.constant 416 : i32
    %dma_wait3A_1580 = tpu.memref_slice %arg6[%dma_wait3A_1579] : memref<512xi32, #tpu.memory_space<vmem>> -> memref<32xi32, #tpu.memory_space<vmem>>
    %dma_wait3A_1581 = arith.constant 0 : i32
    %dma_wait3A_1582 = arith.constant 0 : i32
    %dma_wait3A_1583 = tpu.memref_slice %arg3[%dma_wait3A_1581, %dma_wait3A_1582] : memref<100000x768xf32, #tpu.memory_space<hbm>> -> memref<100000x768xf32, #tpu.memory_space<hbm>>
    tpu.wait_indirect_dma semaphore(%arg16 : memref<!tpu.dma_semaphore, #tpu.memory_space<semaphore_mem>>) src(%dma_wait3A_1583 : memref<100000x768xf32, #tpu.memory_space<hbm>>) dst(%arg8 : memref<32x768xf32, #tpu.memory_space<vmem>>)
    %dma_wait3A_1584 = arith.constant 0 : i32
    %dma_wait3A_1585 = tpu.memref_slice %arg4[%add3A_1259, %dma_wait3A_1584] : memref<4096x768xf32, #tpu.memory_space<hbm>> -> memref<8x768xf32, #tpu.memory_space<hbm>>
    %dma_wait3A_1586 = arith.constant 0 : i32
    %dma_wait3A_1587 = tpu.memref_slice %arg4[%add3A_1259, %dma_wait3A_1586] : memref<4096x768xf32, #tpu.memory_space<hbm>> -> memref<8x768xf32, #tpu.memory_space<hbm>>
    tpu.wait_dma2 semaphore(%arg20 : memref<!tpu.dma_semaphore, #tpu.memory_space<semaphore_mem>>) src(%dma_wait3A_1587 : memref<8x768xf32, #tpu.memory_space<hbm>>) dst(%arg12 : memref<8x768xf32, #tpu.memory_space<vmem>>)
    %scan3A_1588 = arith.constant 0 : i32
    %scan3A_1589 = arith.constant 0 : i32
    %scan3A_1590 = arith.constant 8 : i32
    %scan3A_1591 = arith.addi %scan3A_1589, %scan3A_1590 : i32
    %scan3A_1592 = arith.constant 1 : i32
    scf.for %scan3A_1952 = %scan3A_1589 to %scan3A_1591 step %scan3A_1592  : i32 {
      %parallel_loop3A = arith.constant 0 : i32
      %parallel_loop3A_1953 = arith.constant 48 : i32
      %parallel_loop3A_1954 = arith.constant 1 : i32
      scf.for %parallel_loop3A_1955 = %parallel_loop3A to %parallel_loop3A_1953 step %parallel_loop3A_1954  : i32 {
        %parallel_loop3A_1956 = arith.constant 16 : i32
        %parallel_loop3A_1957 = arith.muli %parallel_loop3A_1955, %parallel_loop3A_1956 : i32
        %parallel_loop3A_1958 = arith.index_cast %scan3A_1952 : i32 to index
        %parallel_loop3A_1959 = arith.index_cast %parallel_loop3A_1957 : i32 to index
        %parallel_loop3A_1960 = tpu.vector_load %arg12[%parallel_loop3A_1958, %parallel_loop3A_1959] {strides = array<i32>} : memref<8x768xf32, #tpu.memory_space<vmem>>, vector<1x16xf32>,
        %parallel_loop3A_1961 = vector.shape_cast %parallel_loop3A_1960 : vector<1x16xf32> to vector<16xf32>
        %parallel_loop3A_1962 = arith.constant 0 : i32
        %parallel_loop3A_1963 = arith.addi %parallel_loop3A_1962, %scan3A_1952 : i32
        %parallel_loop3A_1964 = arith.index_cast %parallel_loop3A_1963 : i32 to index
        %parallel_loop3A_1965 = arith.index_cast %parallel_loop3A_1957 : i32 to index
        %parallel_loop3A_1966 = tpu.vector_load %arg8[%parallel_loop3A_1964, %parallel_loop3A_1965] {strides = array<i32>} : memref<32x768xf32, #tpu.memory_space<vmem>>, vector<1x16xf32>,
        %parallel_loop3A_1967 = vector.shape_cast %parallel_loop3A_1966 : vector<1x16xf32> to vector<16xf32>
        %parallel_loop3A_1968 = vector.shape_cast %parallel_loop3A_1961 : vector<16xf32> to vector<1x16xf32>
        tpu.vector_store %arg8[%parallel_loop3A_1964, %parallel_loop3A_1965], %parallel_loop3A_1968 {add = true, strides = array<i32>} : memref<32x768xf32, #tpu.memory_space<vmem>>, vector<1x16xf32>,
        %parallel_loop3A_1969 = arith.constant 8 : i32
        %parallel_loop3A_1970 = arith.addi %parallel_loop3A_1969, %scan3A_1952 : i32
        %parallel_loop3A_1971 = arith.index_cast %parallel_loop3A_1970 : i32 to index
        %parallel_loop3A_1972 = arith.index_cast %parallel_loop3A_1957 : i32 to index
        %parallel_loop3A_1973 = tpu.vector_load %arg8[%parallel_loop3A_1971, %parallel_loop3A_1972] {strides = array<i32>} : memref<32x768xf32, #tpu.memory_space<vmem>>, vector<1x16xf32>,
        %parallel_loop3A_1974 = vector.shape_cast %parallel_loop3A_1973 : vector<1x16xf32> to vector<16xf32>
        %parallel_loop3A_1975 = vector.shape_cast %parallel_loop3A_1961 : vector<16xf32> to vector<1x16xf32>
        tpu.vector_store %arg8[%parallel_loop3A_1971, %parallel_loop3A_1972], %parallel_loop3A_1975 {add = true, strides = array<i32>} : memref<32x768xf32, #tpu.memory_space<vmem>>, vector<1x16xf32>,
        %parallel_loop3A_1976 = arith.constant 16 : i32
        %parallel_loop3A_1977 = arith.addi %parallel_loop3A_1976, %scan3A_1952 : i32
        %parallel_loop3A_1978 = arith.index_cast %parallel_loop3A_1977 : i32 to index
        %parallel_loop3A_1979 = arith.index_cast %parallel_loop3A_1957 : i32 to index
        %parallel_loop3A_1980 = tpu.vector_load %arg8[%parallel_loop3A_1978, %parallel_loop3A_1979] {strides = array<i32>} : memref<32x768xf32, #tpu.memory_space<vmem>>, vector<1x16xf32>,
        %parallel_loop3A_1981 = vector.shape_cast %parallel_loop3A_1980 : vector<1x16xf32> to vector<16xf32>
        %parallel_loop3A_1982 = vector.shape_cast %parallel_loop3A_1961 : vector<16xf32> to vector<1x16xf32>
        tpu.vector_store %arg8[%parallel_loop3A_1978, %parallel_loop3A_1979], %parallel_loop3A_1982 {add = true, strides = array<i32>} : memref<32x768xf32, #tpu.memory_space<vmem>>, vector<1x16xf32>,
        %parallel_loop3A_1983 = arith.constant 24 : i32
        %parallel_loop3A_1984 = arith.addi %parallel_loop3A_1983, %scan3A_1952 : i32
        %parallel_loop3A_1985 = arith.index_cast %parallel_loop3A_1984 : i32 to index
        %parallel_loop3A_1986 = arith.index_cast %parallel_loop3A_1957 : i32 to index
        %parallel_loop3A_1987 = tpu.vector_load %arg8[%parallel_loop3A_1985, %parallel_loop3A_1986] {strides = array<i32>} : memref<32x768xf32, #tpu.memory_space<vmem>>, vector<1x16xf32>,
        %parallel_loop3A_1988 = vector.shape_cast %parallel_loop3A_1987 : vector<1x16xf32> to vector<16xf32>
        %parallel_loop3A_1989 = vector.shape_cast %parallel_loop3A_1961 : vector<16xf32> to vector<1x16xf32>
        tpu.vector_store %arg8[%parallel_loop3A_1985, %parallel_loop3A_1986], %parallel_loop3A_1989 {add = true, strides = array<i32>} : memref<32x768xf32, #tpu.memory_space<vmem>>, vector<1x16xf32>,
      } {sc.loop_unroll_factor = 2 : i64, sc.parallel_access}
    }
    %scan3A_1593 = arith.constant 8 : i32
    %add3A_1594 = arith.constant 0 : i32
    %add3A_1595 = arith.addi %add3A_1594, %mul3A_2 : i32
    %add3A_1596 = arith.constant 104 : i32
    %add3A_1597 = arith.addi %add3A_1595, %add3A_1596 : i32
    %dma_start3A_1598 = arith.constant 0 : i32
    %dma_start3A_1599 = arith.constant 0 : i32
    %dma_start3A_1600 = tpu.memref_slice %arg8[%dma_start3A_1598, %dma_start3A_1599] : memref<32x768xf32, #tpu.memory_space<vmem>> -> memref<8x768xf32, #tpu.memory_space<vmem>>
    %dma_start3A_1601 = arith.constant 0 : i32
    %dma_start3A_1602 = tpu.memref_slice %arg5[%add3A_1597, %dma_start3A_1601] : memref<16384x768xf32, #tpu.memory_space<hbm>> -> memref<8x768xf32, #tpu.memory_space<hbm>>
    %dma_start3A_1603 = arith.constant 0 : i32
    %dma_start3A_1604 = tpu.memref_slice %arg5[%add3A_1597, %dma_start3A_1603] : memref<16384x768xf32, #tpu.memory_space<hbm>> -> memref<8x768xf32, #tpu.memory_space<hbm>>
    %dma_start3A_1605 = arith.constant 0 : i32
    %dma_start3A_1606 = arith.constant 0 : i32
    %dma_start3A_1607 = tpu.memref_slice %arg8[%dma_start3A_1605, %dma_start3A_1606] : memref<32x768xf32, #tpu.memory_space<vmem>> -> memref<8x768xf32, #tpu.memory_space<vmem>>
    tpu.enqueue_dma source(%dma_start3A_1607 : memref<8x768xf32, #tpu.memory_space<vmem>>) target(%dma_start3A_1604 : memref<8x768xf32, #tpu.memory_space<hbm>>) target_semaphore(%arg24 : memref<!tpu.dma_semaphore, #tpu.memory_space<semaphore_mem>>)
    %add3A_1608 = arith.constant 4096 : i32
    %add3A_1609 = arith.addi %add3A_1608, %mul3A_2 : i32
    %add3A_1610 = arith.constant 104 : i32
    %add3A_1611 = arith.addi %add3A_1609, %add3A_1610 : i32
    %dma_start3A_1612 = arith.constant 8 : i32
    %dma_start3A_1613 = arith.constant 0 : i32
    %dma_start3A_1614 = tpu.memref_slice %arg8[%dma_start3A_1612, %dma_start3A_1613] : memref<32x768xf32, #tpu.memory_space<vmem>> -> memref<8x768xf32, #tpu.memory_space<vmem>>
    %dma_start3A_1615 = arith.constant 0 : i32
    %dma_start3A_1616 = tpu.memref_slice %arg5[%add3A_1611, %dma_start3A_1615] : memref<16384x768xf32, #tpu.memory_space<hbm>> -> memref<8x768xf32, #tpu.memory_space<hbm>>
    %dma_start3A_1617 = arith.constant 0 : i32
    %dma_start3A_1618 = tpu.memref_slice %arg5[%add3A_1611, %dma_start3A_1617] : memref<16384x768xf32, #tpu.memory_space<hbm>> -> memref<8x768xf32, #tpu.memory_space<hbm>>
    %dma_start3A_1619 = arith.constant 8 : i32
    %dma_start3A_1620 = arith.constant 0 : i32
    %dma_start3A_1621 = tpu.memref_slice %arg8[%dma_start3A_1619, %dma_start3A_1620] : memref<32x768xf32, #tpu.memory_space<vmem>> -> memref<8x768xf32, #tpu.memory_space<vmem>>
    tpu.enqueue_dma source(%dma_start3A_1621 : memref<8x768xf32, #tpu.memory_space<vmem>>) target(%dma_start3A_1618 : memref<8x768xf32, #tpu.memory_space<hbm>>) target_semaphore(%arg24 : memref<!tpu.dma_semaphore, #tpu.memory_space<semaphore_mem>>)
    %add3A_1622 = arith.constant 8192 : i32
    %add3A_1623 = arith.addi %add3A_1622, %mul3A_2 : i32
    %add3A_1624 = arith.constant 104 : i32
    %add3A_1625 = arith.addi %add3A_1623, %add3A_1624 : i32
    %dma_start3A_1626 = arith.constant 16 : i32
    %dma_start3A_1627 = arith.constant 0 : i32
    %dma_start3A_1628 = tpu.memref_slice %arg8[%dma_start3A_1626, %dma_start3A_1627] : memref<32x768xf32, #tpu.memory_space<vmem>> -> memref<8x768xf32, #tpu.memory_space<vmem>>
    %dma_start3A_1629 = arith.constant 0 : i32
    %dma_start3A_1630 = tpu.memref_slice %arg5[%add3A_1625, %dma_start3A_1629] : memref<16384x768xf32, #tpu.memory_space<hbm>> -> memref<8x768xf32, #tpu.memory_space<hbm>>
    %dma_start3A_1631 = arith.constant 0 : i32
    %dma_start3A_1632 = tpu.memref_slice %arg5[%add3A_1625, %dma_start3A_1631] : memref<16384x768xf32, #tpu.memory_space<hbm>> -> memref<8x768xf32, #tpu.memory_space<hbm>>
    %dma_start3A_1633 = arith.constant 16 : i32
    %dma_start3A_1634 = arith.constant 0 : i32
    %dma_start3A_1635 = tpu.memref_slice %arg8[%dma_start3A_1633, %dma_start3A_1634] : memref<32x768xf32, #tpu.memory_space<vmem>> -> memref<8x768xf32, #tpu.memory_space<vmem>>
    tpu.enqueue_dma source(%dma_start3A_1635 : memref<8x768xf32, #tpu.memory_space<vmem>>) target(%dma_start3A_1632 : memref<8x768xf32, #tpu.memory_space<hbm>>) target_semaphore(%arg24 : memref<!tpu.dma_semaphore, #tpu.memory_space<semaphore_mem>>)
    %add3A_1636 = arith.constant 12288 : i32
    %add3A_1637 = arith.addi %add3A_1636, %mul3A_2 : i32
    %add3A_1638 = arith.constant 104 : i32
    %add3A_1639 = arith.addi %add3A_1637, %add3A_1638 : i32
    %dma_start3A_1640 = arith.constant 24 : i32
    %dma_start3A_1641 = arith.constant 0 : i32
    %dma_start3A_1642 = tpu.memref_slice %arg8[%dma_start3A_1640, %dma_start3A_1641] : memref<32x768xf32, #tpu.memory_space<vmem>> -> memref<8x768xf32, #tpu.memory_space<vmem>>
    %dma_start3A_1643 = arith.constant 0 : i32
    %dma_start3A_1644 = tpu.memref_slice %arg5[%add3A_1639, %dma_start3A_1643] : memref<16384x768xf32, #tpu.memory_space<hbm>> -> memref<8x768xf32, #tpu.memory_space<hbm>>
    %dma_start3A_1645 = arith.constant 0 : i32
    %dma_start3A_1646 = tpu.memref_slice %arg5[%add3A_1639, %dma_start3A_1645] : memref<16384x768xf32, #tpu.memory_space<hbm>> -> memref<8x768xf32, #tpu.memory_space<hbm>>
    %dma_start3A_1647 = arith.constant 24 : i32
    %dma_start3A_1648 = arith.constant 0 : i32
    %dma_start3A_1649 = tpu.memref_slice %arg8[%dma_start3A_1647, %dma_start3A_1648] : memref<32x768xf32, #tpu.memory_space<vmem>> -> memref<8x768xf32, #tpu.memory_space<vmem>>
    tpu.enqueue_dma source(%dma_start3A_1649 : memref<8x768xf32, #tpu.memory_space<vmem>>) target(%dma_start3A_1646 : memref<8x768xf32, #tpu.memory_space<hbm>>) target_semaphore(%arg24 : memref<!tpu.dma_semaphore, #tpu.memory_space<semaphore_mem>>)
    %dma_wait3A_1650 = arith.constant 448 : i32
    %dma_wait3A_1651 = tpu.memref_slice %arg6[%dma_wait3A_1650] : memref<512xi32, #tpu.memory_space<vmem>> -> memref<32xi32, #tpu.memory_space<vmem>>
    %dma_wait3A_1652 = arith.constant 0 : i32
    %dma_wait3A_1653 = arith.constant 0 : i32
    %dma_wait3A_1654 = tpu.memref_slice %arg3[%dma_wait3A_1652, %dma_wait3A_1653] : memref<100000x768xf32, #tpu.memory_space<hbm>> -> memref<100000x768xf32, #tpu.memory_space<hbm>>
    tpu.wait_indirect_dma semaphore(%arg17 : memref<!tpu.dma_semaphore, #tpu.memory_space<semaphore_mem>>) src(%dma_wait3A_1654 : memref<100000x768xf32, #tpu.memory_space<hbm>>) dst(%arg9 : memref<32x768xf32, #tpu.memory_space<vmem>>)
    %dma_wait3A_1655 = arith.constant 0 : i32
    %dma_wait3A_1656 = tpu.memref_slice %arg4[%add3A_1381, %dma_wait3A_1655] : memref<4096x768xf32, #tpu.memory_space<hbm>> -> memref<8x768xf32, #tpu.memory_space<hbm>>
    %dma_wait3A_1657 = arith.constant 0 : i32
    %dma_wait3A_1658 = tpu.memref_slice %arg4[%add3A_1381, %dma_wait3A_1657] : memref<4096x768xf32, #tpu.memory_space<hbm>> -> memref<8x768xf32, #tpu.memory_space<hbm>>
    tpu.wait_dma2 semaphore(%arg21 : memref<!tpu.dma_semaphore, #tpu.memory_space<semaphore_mem>>) src(%dma_wait3A_1658 : memref<8x768xf32, #tpu.memory_space<hbm>>) dst(%arg13 : memref<8x768xf32, #tpu.memory_space<vmem>>)
    %scan3A_1659 = arith.constant 0 : i32
    %scan3A_1660 = arith.constant 0 : i32
    %scan3A_1661 = arith.constant 8 : i32
    %scan3A_1662 = arith.addi %scan3A_1660, %scan3A_1661 : i32
    %scan3A_1663 = arith.constant 1 : i32
    scf.for %scan3A_1952 = %scan3A_1660 to %scan3A_1662 step %scan3A_1663  : i32 {
      %parallel_loop3A = arith.constant 0 : i32
      %parallel_loop3A_1953 = arith.constant 48 : i32
      %parallel_loop3A_1954 = arith.constant 1 : i32
      scf.for %parallel_loop3A_1955 = %parallel_loop3A to %parallel_loop3A_1953 step %parallel_loop3A_1954  : i32 {
        %parallel_loop3A_1956 = arith.constant 16 : i32
        %parallel_loop3A_1957 = arith.muli %parallel_loop3A_1955, %parallel_loop3A_1956 : i32
        %parallel_loop3A_1958 = arith.index_cast %scan3A_1952 : i32 to index
        %parallel_loop3A_1959 = arith.index_cast %parallel_loop3A_1957 : i32 to index
        %parallel_loop3A_1960 = tpu.vector_load %arg13[%parallel_loop3A_1958, %parallel_loop3A_1959] {strides = array<i32>} : memref<8x768xf32, #tpu.memory_space<vmem>>, vector<1x16xf32>,
        %parallel_loop3A_1961 = vector.shape_cast %parallel_loop3A_1960 : vector<1x16xf32> to vector<16xf32>
        %parallel_loop3A_1962 = arith.constant 0 : i32
        %parallel_loop3A_1963 = arith.addi %parallel_loop3A_1962, %scan3A_1952 : i32
        %parallel_loop3A_1964 = arith.index_cast %parallel_loop3A_1963 : i32 to index
        %parallel_loop3A_1965 = arith.index_cast %parallel_loop3A_1957 : i32 to index
        %parallel_loop3A_1966 = tpu.vector_load %arg9[%parallel_loop3A_1964, %parallel_loop3A_1965] {strides = array<i32>} : memref<32x768xf32, #tpu.memory_space<vmem>>, vector<1x16xf32>,
        %parallel_loop3A_1967 = vector.shape_cast %parallel_loop3A_1966 : vector<1x16xf32> to vector<16xf32>
        %parallel_loop3A_1968 = vector.shape_cast %parallel_loop3A_1961 : vector<16xf32> to vector<1x16xf32>
        tpu.vector_store %arg9[%parallel_loop3A_1964, %parallel_loop3A_1965], %parallel_loop3A_1968 {add = true, strides = array<i32>} : memref<32x768xf32, #tpu.memory_space<vmem>>, vector<1x16xf32>,
        %parallel_loop3A_1969 = arith.constant 8 : i32
        %parallel_loop3A_1970 = arith.addi %parallel_loop3A_1969, %scan3A_1952 : i32
        %parallel_loop3A_1971 = arith.index_cast %parallel_loop3A_1970 : i32 to index
        %parallel_loop3A_1972 = arith.index_cast %parallel_loop3A_1957 : i32 to index
        %parallel_loop3A_1973 = tpu.vector_load %arg9[%parallel_loop3A_1971, %parallel_loop3A_1972] {strides = array<i32>} : memref<32x768xf32, #tpu.memory_space<vmem>>, vector<1x16xf32>,
        %parallel_loop3A_1974 = vector.shape_cast %parallel_loop3A_1973 : vector<1x16xf32> to vector<16xf32>
        %parallel_loop3A_1975 = vector.shape_cast %parallel_loop3A_1961 : vector<16xf32> to vector<1x16xf32>
        tpu.vector_store %arg9[%parallel_loop3A_1971, %parallel_loop3A_1972], %parallel_loop3A_1975 {add = true, strides = array<i32>} : memref<32x768xf32, #tpu.memory_space<vmem>>, vector<1x16xf32>,
        %parallel_loop3A_1976 = arith.constant 16 : i32
        %parallel_loop3A_1977 = arith.addi %parallel_loop3A_1976, %scan3A_1952 : i32
        %parallel_loop3A_1978 = arith.index_cast %parallel_loop3A_1977 : i32 to index
        %parallel_loop3A_1979 = arith.index_cast %parallel_loop3A_1957 : i32 to index
        %parallel_loop3A_1980 = tpu.vector_load %arg9[%parallel_loop3A_1978, %parallel_loop3A_1979] {strides = array<i32>} : memref<32x768xf32, #tpu.memory_space<vmem>>, vector<1x16xf32>,
        %parallel_loop3A_1981 = vector.shape_cast %parallel_loop3A_1980 : vector<1x16xf32> to vector<16xf32>
        %parallel_loop3A_1982 = vector.shape_cast %parallel_loop3A_1961 : vector<16xf32> to vector<1x16xf32>
        tpu.vector_store %arg9[%parallel_loop3A_1978, %parallel_loop3A_1979], %parallel_loop3A_1982 {add = true, strides = array<i32>} : memref<32x768xf32, #tpu.memory_space<vmem>>, vector<1x16xf32>,
        %parallel_loop3A_1983 = arith.constant 24 : i32
        %parallel_loop3A_1984 = arith.addi %parallel_loop3A_1983, %scan3A_1952 : i32
        %parallel_loop3A_1985 = arith.index_cast %parallel_loop3A_1984 : i32 to index
        %parallel_loop3A_1986 = arith.index_cast %parallel_loop3A_1957 : i32 to index
        %parallel_loop3A_1987 = tpu.vector_load %arg9[%parallel_loop3A_1985, %parallel_loop3A_1986] {strides = array<i32>} : memref<32x768xf32, #tpu.memory_space<vmem>>, vector<1x16xf32>,
        %parallel_loop3A_1988 = vector.shape_cast %parallel_loop3A_1987 : vector<1x16xf32> to vector<16xf32>
        %parallel_loop3A_1989 = vector.shape_cast %parallel_loop3A_1961 : vector<16xf32> to vector<1x16xf32>
        tpu.vector_store %arg9[%parallel_loop3A_1985, %parallel_loop3A_1986], %parallel_loop3A_1989 {add = true, strides = array<i32>} : memref<32x768xf32, #tpu.memory_space<vmem>>, vector<1x16xf32>,
      } {sc.loop_unroll_factor = 2 : i64, sc.parallel_access}
    }
    %scan3A_1664 = arith.constant 8 : i32
    %add3A_1665 = arith.constant 0 : i32
    %add3A_1666 = arith.addi %add3A_1665, %mul3A_2 : i32
    %add3A_1667 = arith.constant 112 : i32
    %add3A_1668 = arith.addi %add3A_1666, %add3A_1667 : i32
    %dma_start3A_1669 = arith.constant 0 : i32
    %dma_start3A_1670 = arith.constant 0 : i32
    %dma_start3A_1671 = tpu.memref_slice %arg9[%dma_start3A_1669, %dma_start3A_1670] : memref<32x768xf32, #tpu.memory_space<vmem>> -> memref<8x768xf32, #tpu.memory_space<vmem>>
    %dma_start3A_1672 = arith.constant 0 : i32
    %dma_start3A_1673 = tpu.memref_slice %arg5[%add3A_1668, %dma_start3A_1672] : memref<16384x768xf32, #tpu.memory_space<hbm>> -> memref<8x768xf32, #tpu.memory_space<hbm>>
    %dma_start3A_1674 = arith.constant 0 : i32
    %dma_start3A_1675 = tpu.memref_slice %arg5[%add3A_1668, %dma_start3A_1674] : memref<16384x768xf32, #tpu.memory_space<hbm>> -> memref<8x768xf32, #tpu.memory_space<hbm>>
    %dma_start3A_1676 = arith.constant 0 : i32
    %dma_start3A_1677 = arith.constant 0 : i32
    %dma_start3A_1678 = tpu.memref_slice %arg9[%dma_start3A_1676, %dma_start3A_1677] : memref<32x768xf32, #tpu.memory_space<vmem>> -> memref<8x768xf32, #tpu.memory_space<vmem>>
    tpu.enqueue_dma source(%dma_start3A_1678 : memref<8x768xf32, #tpu.memory_space<vmem>>) target(%dma_start3A_1675 : memref<8x768xf32, #tpu.memory_space<hbm>>) target_semaphore(%arg25 : memref<!tpu.dma_semaphore, #tpu.memory_space<semaphore_mem>>)
    %add3A_1679 = arith.constant 4096 : i32
    %add3A_1680 = arith.addi %add3A_1679, %mul3A_2 : i32
    %add3A_1681 = arith.constant 112 : i32
    %add3A_1682 = arith.addi %add3A_1680, %add3A_1681 : i32
    %dma_start3A_1683 = arith.constant 8 : i32
    %dma_start3A_1684 = arith.constant 0 : i32
    %dma_start3A_1685 = tpu.memref_slice %arg9[%dma_start3A_1683, %dma_start3A_1684] : memref<32x768xf32, #tpu.memory_space<vmem>> -> memref<8x768xf32, #tpu.memory_space<vmem>>
    %dma_start3A_1686 = arith.constant 0 : i32
    %dma_start3A_1687 = tpu.memref_slice %arg5[%add3A_1682, %dma_start3A_1686] : memref<16384x768xf32, #tpu.memory_space<hbm>> -> memref<8x768xf32, #tpu.memory_space<hbm>>
    %dma_start3A_1688 = arith.constant 0 : i32
    %dma_start3A_1689 = tpu.memref_slice %arg5[%add3A_1682, %dma_start3A_1688] : memref<16384x768xf32, #tpu.memory_space<hbm>> -> memref<8x768xf32, #tpu.memory_space<hbm>>
    %dma_start3A_1690 = arith.constant 8 : i32
    %dma_start3A_1691 = arith.constant 0 : i32
    %dma_start3A_1692 = tpu.memref_slice %arg9[%dma_start3A_1690, %dma_start3A_1691] : memref<32x768xf32, #tpu.memory_space<vmem>> -> memref<8x768xf32, #tpu.memory_space<vmem>>
    tpu.enqueue_dma source(%dma_start3A_1692 : memref<8x768xf32, #tpu.memory_space<vmem>>) target(%dma_start3A_1689 : memref<8x768xf32, #tpu.memory_space<hbm>>) target_semaphore(%arg25 : memref<!tpu.dma_semaphore, #tpu.memory_space<semaphore_mem>>)
    %add3A_1693 = arith.constant 8192 : i32
    %add3A_1694 = arith.addi %add3A_1693, %mul3A_2 : i32
    %add3A_1695 = arith.constant 112 : i32
    %add3A_1696 = arith.addi %add3A_1694, %add3A_1695 : i32
    %dma_start3A_1697 = arith.constant 16 : i32
    %dma_start3A_1698 = arith.constant 0 : i32
    %dma_start3A_1699 = tpu.memref_slice %arg9[%dma_start3A_1697, %dma_start3A_1698] : memref<32x768xf32, #tpu.memory_space<vmem>> -> memref<8x768xf32, #tpu.memory_space<vmem>>
    %dma_start3A_1700 = arith.constant 0 : i32
    %dma_start3A_1701 = tpu.memref_slice %arg5[%add3A_1696, %dma_start3A_1700] : memref<16384x768xf32, #tpu.memory_space<hbm>> -> memref<8x768xf32, #tpu.memory_space<hbm>>
    %dma_start3A_1702 = arith.constant 0 : i32
    %dma_start3A_1703 = tpu.memref_slice %arg5[%add3A_1696, %dma_start3A_1702] : memref<16384x768xf32, #tpu.memory_space<hbm>> -> memref<8x768xf32, #tpu.memory_space<hbm>>
    %dma_start3A_1704 = arith.constant 16 : i32
    %dma_start3A_1705 = arith.constant 0 : i32
    %dma_start3A_1706 = tpu.memref_slice %arg9[%dma_start3A_1704, %dma_start3A_1705] : memref<32x768xf32, #tpu.memory_space<vmem>> -> memref<8x768xf32, #tpu.memory_space<vmem>>
    tpu.enqueue_dma source(%dma_start3A_1706 : memref<8x768xf32, #tpu.memory_space<vmem>>) target(%dma_start3A_1703 : memref<8x768xf32, #tpu.memory_space<hbm>>) target_semaphore(%arg25 : memref<!tpu.dma_semaphore, #tpu.memory_space<semaphore_mem>>)
    %add3A_1707 = arith.constant 12288 : i32
    %add3A_1708 = arith.addi %add3A_1707, %mul3A_2 : i32
    %add3A_1709 = arith.constant 112 : i32
    %add3A_1710 = arith.addi %add3A_1708, %add3A_1709 : i32
    %dma_start3A_1711 = arith.constant 24 : i32
    %dma_start3A_1712 = arith.constant 0 : i32
    %dma_start3A_1713 = tpu.memref_slice %arg9[%dma_start3A_1711, %dma_start3A_1712] : memref<32x768xf32, #tpu.memory_space<vmem>> -> memref<8x768xf32, #tpu.memory_space<vmem>>
    %dma_start3A_1714 = arith.constant 0 : i32
    %dma_start3A_1715 = tpu.memref_slice %arg5[%add3A_1710, %dma_start3A_1714] : memref<16384x768xf32, #tpu.memory_space<hbm>> -> memref<8x768xf32, #tpu.memory_space<hbm>>
    %dma_start3A_1716 = arith.constant 0 : i32
    %dma_start3A_1717 = tpu.memref_slice %arg5[%add3A_1710, %dma_start3A_1716] : memref<16384x768xf32, #tpu.memory_space<hbm>> -> memref<8x768xf32, #tpu.memory_space<hbm>>
    %dma_start3A_1718 = arith.constant 24 : i32
    %dma_start3A_1719 = arith.constant 0 : i32
    %dma_start3A_1720 = tpu.memref_slice %arg9[%dma_start3A_1718, %dma_start3A_1719] : memref<32x768xf32, #tpu.memory_space<vmem>> -> memref<8x768xf32, #tpu.memory_space<vmem>>
    tpu.enqueue_dma source(%dma_start3A_1720 : memref<8x768xf32, #tpu.memory_space<vmem>>) target(%dma_start3A_1717 : memref<8x768xf32, #tpu.memory_space<hbm>>) target_semaphore(%arg25 : memref<!tpu.dma_semaphore, #tpu.memory_space<semaphore_mem>>)
    %dma_wait3A_1721 = arith.constant 480 : i32
    %dma_wait3A_1722 = tpu.memref_slice %arg6[%dma_wait3A_1721] : memref<512xi32, #tpu.memory_space<vmem>> -> memref<32xi32, #tpu.memory_space<vmem>>
    %dma_wait3A_1723 = arith.constant 0 : i32
    %dma_wait3A_1724 = arith.constant 0 : i32
    %dma_wait3A_1725 = tpu.memref_slice %arg3[%dma_wait3A_1723, %dma_wait3A_1724] : memref<100000x768xf32, #tpu.memory_space<hbm>> -> memref<100000x768xf32, #tpu.memory_space<hbm>>
    tpu.wait_indirect_dma semaphore(%arg18 : memref<!tpu.dma_semaphore, #tpu.memory_space<semaphore_mem>>) src(%dma_wait3A_1725 : memref<100000x768xf32, #tpu.memory_space<hbm>>) dst(%arg10 : memref<32x768xf32, #tpu.memory_space<vmem>>)
    %dma_wait3A_1726 = arith.constant 0 : i32
    %dma_wait3A_1727 = tpu.memref_slice %arg4[%add3A_1503, %dma_wait3A_1726] : memref<4096x768xf32, #tpu.memory_space<hbm>> -> memref<8x768xf32, #tpu.memory_space<hbm>>
    %dma_wait3A_1728 = arith.constant 0 : i32
    %dma_wait3A_1729 = tpu.memref_slice %arg4[%add3A_1503, %dma_wait3A_1728] : memref<4096x768xf32, #tpu.memory_space<hbm>> -> memref<8x768xf32, #tpu.memory_space<hbm>>
    tpu.wait_dma2 semaphore(%arg22 : memref<!tpu.dma_semaphore, #tpu.memory_space<semaphore_mem>>) src(%dma_wait3A_1729 : memref<8x768xf32, #tpu.memory_space<hbm>>) dst(%arg14 : memref<8x768xf32, #tpu.memory_space<vmem>>)
    %scan3A_1730 = arith.constant 0 : i32
    %scan3A_1731 = arith.constant 0 : i32
    %scan3A_1732 = arith.constant 8 : i32
    %scan3A_1733 = arith.addi %scan3A_1731, %scan3A_1732 : i32
    %scan3A_1734 = arith.constant 1 : i32
    scf.for %scan3A_1952 = %scan3A_1731 to %scan3A_1733 step %scan3A_1734  : i32 {
      %parallel_loop3A = arith.constant 0 : i32
      %parallel_loop3A_1953 = arith.constant 48 : i32
      %parallel_loop3A_1954 = arith.constant 1 : i32
      scf.for %parallel_loop3A_1955 = %parallel_loop3A to %parallel_loop3A_1953 step %parallel_loop3A_1954  : i32 {
        %parallel_loop3A_1956 = arith.constant 16 : i32
        %parallel_loop3A_1957 = arith.muli %parallel_loop3A_1955, %parallel_loop3A_1956 : i32
        %parallel_loop3A_1958 = arith.index_cast %scan3A_1952 : i32 to index
        %parallel_loop3A_1959 = arith.index_cast %parallel_loop3A_1957 : i32 to index
        %parallel_loop3A_1960 = tpu.vector_load %arg14[%parallel_loop3A_1958, %parallel_loop3A_1959] {strides = array<i32>} : memref<8x768xf32, #tpu.memory_space<vmem>>, vector<1x16xf32>,
        %parallel_loop3A_1961 = vector.shape_cast %parallel_loop3A_1960 : vector<1x16xf32> to vector<16xf32>
        %parallel_loop3A_1962 = arith.constant 0 : i32
        %parallel_loop3A_1963 = arith.addi %parallel_loop3A_1962, %scan3A_1952 : i32
        %parallel_loop3A_1964 = arith.index_cast %parallel_loop3A_1963 : i32 to index
        %parallel_loop3A_1965 = arith.index_cast %parallel_loop3A_1957 : i32 to index
        %parallel_loop3A_1966 = tpu.vector_load %arg10[%parallel_loop3A_1964, %parallel_loop3A_1965] {strides = array<i32>} : memref<32x768xf32, #tpu.memory_space<vmem>>, vector<1x16xf32>,
        %parallel_loop3A_1967 = vector.shape_cast %parallel_loop3A_1966 : vector<1x16xf32> to vector<16xf32>
        %parallel_loop3A_1968 = vector.shape_cast %parallel_loop3A_1961 : vector<16xf32> to vector<1x16xf32>
        tpu.vector_store %arg10[%parallel_loop3A_1964, %parallel_loop3A_1965], %parallel_loop3A_1968 {add = true, strides = array<i32>} : memref<32x768xf32, #tpu.memory_space<vmem>>, vector<1x16xf32>,
        %parallel_loop3A_1969 = arith.constant 8 : i32
        %parallel_loop3A_1970 = arith.addi %parallel_loop3A_1969, %scan3A_1952 : i32
        %parallel_loop3A_1971 = arith.index_cast %parallel_loop3A_1970 : i32 to index
        %parallel_loop3A_1972 = arith.index_cast %parallel_loop3A_1957 : i32 to index
        %parallel_loop3A_1973 = tpu.vector_load %arg10[%parallel_loop3A_1971, %parallel_loop3A_1972] {strides = array<i32>} : memref<32x768xf32, #tpu.memory_space<vmem>>, vector<1x16xf32>,
        %parallel_loop3A_1974 = vector.shape_cast %parallel_loop3A_1973 : vector<1x16xf32> to vector<16xf32>
        %parallel_loop3A_1975 = vector.shape_cast %parallel_loop3A_1961 : vector<16xf32> to vector<1x16xf32>
        tpu.vector_store %arg10[%parallel_loop3A_1971, %parallel_loop3A_1972], %parallel_loop3A_1975 {add = true, strides = array<i32>} : memref<32x768xf32, #tpu.memory_space<vmem>>, vector<1x16xf32>,
        %parallel_loop3A_1976 = arith.constant 16 : i32
        %parallel_loop3A_1977 = arith.addi %parallel_loop3A_1976, %scan3A_1952 : i32
        %parallel_loop3A_1978 = arith.index_cast %parallel_loop3A_1977 : i32 to index
        %parallel_loop3A_1979 = arith.index_cast %parallel_loop3A_1957 : i32 to index
        %parallel_loop3A_1980 = tpu.vector_load %arg10[%parallel_loop3A_1978, %parallel_loop3A_1979] {strides = array<i32>} : memref<32x768xf32, #tpu.memory_space<vmem>>, vector<1x16xf32>,
        %parallel_loop3A_1981 = vector.shape_cast %parallel_loop3A_1980 : vector<1x16xf32> to vector<16xf32>
        %parallel_loop3A_1982 = vector.shape_cast %parallel_loop3A_1961 : vector<16xf32> to vector<1x16xf32>
        tpu.vector_store %arg10[%parallel_loop3A_1978, %parallel_loop3A_1979], %parallel_loop3A_1982 {add = true, strides = array<i32>} : memref<32x768xf32, #tpu.memory_space<vmem>>, vector<1x16xf32>,
        %parallel_loop3A_1983 = arith.constant 24 : i32
        %parallel_loop3A_1984 = arith.addi %parallel_loop3A_1983, %scan3A_1952 : i32
        %parallel_loop3A_1985 = arith.index_cast %parallel_loop3A_1984 : i32 to index
        %parallel_loop3A_1986 = arith.index_cast %parallel_loop3A_1957 : i32 to index
        %parallel_loop3A_1987 = tpu.vector_load %arg10[%parallel_loop3A_1985, %parallel_loop3A_1986] {strides = array<i32>} : memref<32x768xf32, #tpu.memory_space<vmem>>, vector<1x16xf32>,
        %parallel_loop3A_1988 = vector.shape_cast %parallel_loop3A_1987 : vector<1x16xf32> to vector<16xf32>
        %parallel_loop3A_1989 = vector.shape_cast %parallel_loop3A_1961 : vector<16xf32> to vector<1x16xf32>
        tpu.vector_store %arg10[%parallel_loop3A_1985, %parallel_loop3A_1986], %parallel_loop3A_1989 {add = true, strides = array<i32>} : memref<32x768xf32, #tpu.memory_space<vmem>>, vector<1x16xf32>,
      } {sc.loop_unroll_factor = 2 : i64, sc.parallel_access}
    }
    %scan3A_1735 = arith.constant 8 : i32
    %add3A_1736 = arith.constant 0 : i32
    %add3A_1737 = arith.addi %add3A_1736, %mul3A_2 : i32
    %add3A_1738 = arith.constant 120 : i32
    %add3A_1739 = arith.addi %add3A_1737, %add3A_1738 : i32
    %dma_start3A_1740 = arith.constant 0 : i32
    %dma_start3A_1741 = arith.constant 0 : i32
    %dma_start3A_1742 = tpu.memref_slice %arg10[%dma_start3A_1740, %dma_start3A_1741] : memref<32x768xf32, #tpu.memory_space<vmem>> -> memref<8x768xf32, #tpu.memory_space<vmem>>
    %dma_start3A_1743 = arith.constant 0 : i32
    %dma_start3A_1744 = tpu.memref_slice %arg5[%add3A_1739, %dma_start3A_1743] : memref<16384x768xf32, #tpu.memory_space<hbm>> -> memref<8x768xf32, #tpu.memory_space<hbm>>
    %dma_start3A_1745 = arith.constant 0 : i32
    %dma_start3A_1746 = tpu.memref_slice %arg5[%add3A_1739, %dma_start3A_1745] : memref<16384x768xf32, #tpu.memory_space<hbm>> -> memref<8x768xf32, #tpu.memory_space<hbm>>
    %dma_start3A_1747 = arith.constant 0 : i32
    %dma_start3A_1748 = arith.constant 0 : i32
    %dma_start3A_1749 = tpu.memref_slice %arg10[%dma_start3A_1747, %dma_start3A_1748] : memref<32x768xf32, #tpu.memory_space<vmem>> -> memref<8x768xf32, #tpu.memory_space<vmem>>
    tpu.enqueue_dma source(%dma_start3A_1749 : memref<8x768xf32, #tpu.memory_space<vmem>>) target(%dma_start3A_1746 : memref<8x768xf32, #tpu.memory_space<hbm>>) target_semaphore(%arg26 : memref<!tpu.dma_semaphore, #tpu.memory_space<semaphore_mem>>)
    %add3A_1750 = arith.constant 4096 : i32
    %add3A_1751 = arith.addi %add3A_1750, %mul3A_2 : i32
    %add3A_1752 = arith.constant 120 : i32
    %add3A_1753 = arith.addi %add3A_1751, %add3A_1752 : i32
    %dma_start3A_1754 = arith.constant 8 : i32
    %dma_start3A_1755 = arith.constant 0 : i32
    %dma_start3A_1756 = tpu.memref_slice %arg10[%dma_start3A_1754, %dma_start3A_1755] : memref<32x768xf32, #tpu.memory_space<vmem>> -> memref<8x768xf32, #tpu.memory_space<vmem>>
    %dma_start3A_1757 = arith.constant 0 : i32
    %dma_start3A_1758 = tpu.memref_slice %arg5[%add3A_1753, %dma_start3A_1757] : memref<16384x768xf32, #tpu.memory_space<hbm>> -> memref<8x768xf32, #tpu.memory_space<hbm>>
    %dma_start3A_1759 = arith.constant 0 : i32
    %dma_start3A_1760 = tpu.memref_slice %arg5[%add3A_1753, %dma_start3A_1759] : memref<16384x768xf32, #tpu.memory_space<hbm>> -> memref<8x768xf32, #tpu.memory_space<hbm>>
    %dma_start3A_1761 = arith.constant 8 : i32
    %dma_start3A_1762 = arith.constant 0 : i32
    %dma_start3A_1763 = tpu.memref_slice %arg10[%dma_start3A_1761, %dma_start3A_1762] : memref<32x768xf32, #tpu.memory_space<vmem>> -> memref<8x768xf32, #tpu.memory_space<vmem>>
    tpu.enqueue_dma source(%dma_start3A_1763 : memref<8x768xf32, #tpu.memory_space<vmem>>) target(%dma_start3A_1760 : memref<8x768xf32, #tpu.memory_space<hbm>>) target_semaphore(%arg26 : memref<!tpu.dma_semaphore, #tpu.memory_space<semaphore_mem>>)
    %add3A_1764 = arith.constant 8192 : i32
    %add3A_1765 = arith.addi %add3A_1764, %mul3A_2 : i32
    %add3A_1766 = arith.constant 120 : i32
    %add3A_1767 = arith.addi %add3A_1765, %add3A_1766 : i32
    %dma_start3A_1768 = arith.constant 16 : i32
    %dma_start3A_1769 = arith.constant 0 : i32
    %dma_start3A_1770 = tpu.memref_slice %arg10[%dma_start3A_1768, %dma_start3A_1769] : memref<32x768xf32, #tpu.memory_space<vmem>> -> memref<8x768xf32, #tpu.memory_space<vmem>>
    %dma_start3A_1771 = arith.constant 0 : i32
    %dma_start3A_1772 = tpu.memref_slice %arg5[%add3A_1767, %dma_start3A_1771] : memref<16384x768xf32, #tpu.memory_space<hbm>> -> memref<8x768xf32, #tpu.memory_space<hbm>>
    %dma_start3A_1773 = arith.constant 0 : i32
    %dma_start3A_1774 = tpu.memref_slice %arg5[%add3A_1767, %dma_start3A_1773] : memref<16384x768xf32, #tpu.memory_space<hbm>> -> memref<8x768xf32, #tpu.memory_space<hbm>>
    %dma_start3A_1775 = arith.constant 16 : i32
    %dma_start3A_1776 = arith.constant 0 : i32
    %dma_start3A_1777 = tpu.memref_slice %arg10[%dma_start3A_1775, %dma_start3A_1776] : memref<32x768xf32, #tpu.memory_space<vmem>> -> memref<8x768xf32, #tpu.memory_space<vmem>>
    tpu.enqueue_dma source(%dma_start3A_1777 : memref<8x768xf32, #tpu.memory_space<vmem>>) target(%dma_start3A_1774 : memref<8x768xf32, #tpu.memory_space<hbm>>) target_semaphore(%arg26 : memref<!tpu.dma_semaphore, #tpu.memory_space<semaphore_mem>>)
    %add3A_1778 = arith.constant 12288 : i32
    %add3A_1779 = arith.addi %add3A_1778, %mul3A_2 : i32
    %add3A_1780 = arith.constant 120 : i32
    %add3A_1781 = arith.addi %add3A_1779, %add3A_1780 : i32
    %dma_start3A_1782 = arith.constant 24 : i32
    %dma_start3A_1783 = arith.constant 0 : i32
    %dma_start3A_1784 = tpu.memref_slice %arg10[%dma_start3A_1782, %dma_start3A_1783] : memref<32x768xf32, #tpu.memory_space<vmem>> -> memref<8x768xf32, #tpu.memory_space<vmem>>
    %dma_start3A_1785 = arith.constant 0 : i32
    %dma_start3A_1786 = tpu.memref_slice %arg5[%add3A_1781, %dma_start3A_1785] : memref<16384x768xf32, #tpu.memory_space<hbm>> -> memref<8x768xf32, #tpu.memory_space<hbm>>
    %dma_start3A_1787 = arith.constant 0 : i32
    %dma_start3A_1788 = tpu.memref_slice %arg5[%add3A_1781, %dma_start3A_1787] : memref<16384x768xf32, #tpu.memory_space<hbm>> -> memref<8x768xf32, #tpu.memory_space<hbm>>
    %dma_start3A_1789 = arith.constant 24 : i32
    %dma_start3A_1790 = arith.constant 0 : i32
    %dma_start3A_1791 = tpu.memref_slice %arg10[%dma_start3A_1789, %dma_start3A_1790] : memref<32x768xf32, #tpu.memory_space<vmem>> -> memref<8x768xf32, #tpu.memory_space<vmem>>
    tpu.enqueue_dma source(%dma_start3A_1791 : memref<8x768xf32, #tpu.memory_space<vmem>>) target(%dma_start3A_1788 : memref<8x768xf32, #tpu.memory_space<hbm>>) target_semaphore(%arg26 : memref<!tpu.dma_semaphore, #tpu.memory_space<semaphore_mem>>)
    %dma_wait3A_1792 = arith.constant 0 : i32
    %dma_wait3A_1793 = arith.constant 0 : i32
    %dma_wait3A_1794 = tpu.memref_slice %arg7[%dma_wait3A_1792, %dma_wait3A_1793] : memref<32x768xf32, #tpu.memory_space<vmem>> -> memref<8x768xf32, #tpu.memory_space<vmem>>
    %dma_wait3A_1795 = arith.constant 0 : i32
    %dma_wait3A_1796 = tpu.memref_slice %arg5[%add3A_1526, %dma_wait3A_1795] : memref<16384x768xf32, #tpu.memory_space<hbm>> -> memref<8x768xf32, #tpu.memory_space<hbm>>
    %dma_wait3A_1797 = arith.constant 0 : i32
    %dma_wait3A_1798 = tpu.memref_slice %arg5[%add3A_1526, %dma_wait3A_1797] : memref<16384x768xf32, #tpu.memory_space<hbm>> -> memref<8x768xf32, #tpu.memory_space<hbm>>
    %dma_wait3A_1799 = arith.constant 0 : i32
    %dma_wait3A_1800 = arith.constant 0 : i32
    %dma_wait3A_1801 = tpu.memref_slice %arg7[%dma_wait3A_1799, %dma_wait3A_1800] : memref<32x768xf32, #tpu.memory_space<vmem>> -> memref<8x768xf32, #tpu.memory_space<vmem>>
    tpu.wait_dma2 semaphore(%arg23 : memref<!tpu.dma_semaphore, #tpu.memory_space<semaphore_mem>>) src(%dma_wait3A_1801 : memref<8x768xf32, #tpu.memory_space<vmem>>) dst(%dma_wait3A_1798 : memref<8x768xf32, #tpu.memory_space<hbm>>)
    %dma_wait3A_1802 = arith.constant 8 : i32
    %dma_wait3A_1803 = arith.constant 0 : i32
    %dma_wait3A_1804 = tpu.memref_slice %arg7[%dma_wait3A_1802, %dma_wait3A_1803] : memref<32x768xf32, #tpu.memory_space<vmem>> -> memref<8x768xf32, #tpu.memory_space<vmem>>
    %dma_wait3A_1805 = arith.constant 0 : i32
    %dma_wait3A_1806 = tpu.memref_slice %arg5[%add3A_1540, %dma_wait3A_1805] : memref<16384x768xf32, #tpu.memory_space<hbm>> -> memref<8x768xf32, #tpu.memory_space<hbm>>
    %dma_wait3A_1807 = arith.constant 0 : i32
    %dma_wait3A_1808 = tpu.memref_slice %arg5[%add3A_1540, %dma_wait3A_1807] : memref<16384x768xf32, #tpu.memory_space<hbm>> -> memref<8x768xf32, #tpu.memory_space<hbm>>
    %dma_wait3A_1809 = arith.constant 8 : i32
    %dma_wait3A_1810 = arith.constant 0 : i32
    %dma_wait3A_1811 = tpu.memref_slice %arg7[%dma_wait3A_1809, %dma_wait3A_1810] : memref<32x768xf32, #tpu.memory_space<vmem>> -> memref<8x768xf32, #tpu.memory_space<vmem>>
    tpu.wait_dma2 semaphore(%arg23 : memref<!tpu.dma_semaphore, #tpu.memory_space<semaphore_mem>>) src(%dma_wait3A_1811 : memref<8x768xf32, #tpu.memory_space<vmem>>) dst(%dma_wait3A_1808 : memref<8x768xf32, #tpu.memory_space<hbm>>)
    %dma_wait3A_1812 = arith.constant 16 : i32
    %dma_wait3A_1813 = arith.constant 0 : i32
    %dma_wait3A_1814 = tpu.memref_slice %arg7[%dma_wait3A_1812, %dma_wait3A_1813] : memref<32x768xf32, #tpu.memory_space<vmem>> -> memref<8x768xf32, #tpu.memory_space<vmem>>
    %dma_wait3A_1815 = arith.constant 0 : i32
    %dma_wait3A_1816 = tpu.memref_slice %arg5[%add3A_1554, %dma_wait3A_1815] : memref<16384x768xf32, #tpu.memory_space<hbm>> -> memref<8x768xf32, #tpu.memory_space<hbm>>
    %dma_wait3A_1817 = arith.constant 0 : i32
    %dma_wait3A_1818 = tpu.memref_slice %arg5[%add3A_1554, %dma_wait3A_1817] : memref<16384x768xf32, #tpu.memory_space<hbm>> -> memref<8x768xf32, #tpu.memory_space<hbm>>
    %dma_wait3A_1819 = arith.constant 16 : i32
    %dma_wait3A_1820 = arith.constant 0 : i32
    %dma_wait3A_1821 = tpu.memref_slice %arg7[%dma_wait3A_1819, %dma_wait3A_1820] : memref<32x768xf32, #tpu.memory_space<vmem>> -> memref<8x768xf32, #tpu.memory_space<vmem>>
    tpu.wait_dma2 semaphore(%arg23 : memref<!tpu.dma_semaphore, #tpu.memory_space<semaphore_mem>>) src(%dma_wait3A_1821 : memref<8x768xf32, #tpu.memory_space<vmem>>) dst(%dma_wait3A_1818 : memref<8x768xf32, #tpu.memory_space<hbm>>)
    %dma_wait3A_1822 = arith.constant 24 : i32
    %dma_wait3A_1823 = arith.constant 0 : i32
    %dma_wait3A_1824 = tpu.memref_slice %arg7[%dma_wait3A_1822, %dma_wait3A_1823] : memref<32x768xf32, #tpu.memory_space<vmem>> -> memref<8x768xf32, #tpu.memory_space<vmem>>
    %dma_wait3A_1825 = arith.constant 0 : i32
    %dma_wait3A_1826 = tpu.memref_slice %arg5[%add3A_1568, %dma_wait3A_1825] : memref<16384x768xf32, #tpu.memory_space<hbm>> -> memref<8x768xf32, #tpu.memory_space<hbm>>
    %dma_wait3A_1827 = arith.constant 0 : i32
    %dma_wait3A_1828 = tpu.memref_slice %arg5[%add3A_1568, %dma_wait3A_1827] : memref<16384x768xf32, #tpu.memory_space<hbm>> -> memref<8x768xf32, #tpu.memory_space<hbm>>
    %dma_wait3A_1829 = arith.constant 24 : i32
    %dma_wait3A_1830 = arith.constant 0 : i32
    %dma_wait3A_1831 = tpu.memref_slice %arg7[%dma_wait3A_1829, %dma_wait3A_1830] : memref<32x768xf32, #tpu.memory_space<vmem>> -> memref<8x768xf32, #tpu.memory_space<vmem>>
    tpu.wait_dma2 semaphore(%arg23 : memref<!tpu.dma_semaphore, #tpu.memory_space<semaphore_mem>>) src(%dma_wait3A_1831 : memref<8x768xf32, #tpu.memory_space<vmem>>) dst(%dma_wait3A_1828 : memref<8x768xf32, #tpu.memory_space<hbm>>)
    %dma_wait3A_1832 = arith.constant 0 : i32
    %dma_wait3A_1833 = arith.constant 0 : i32
    %dma_wait3A_1834 = tpu.memref_slice %arg8[%dma_wait3A_1832, %dma_wait3A_1833] : memref<32x768xf32, #tpu.memory_space<vmem>> -> memref<8x768xf32, #tpu.memory_space<vmem>>
    %dma_wait3A_1835 = arith.constant 0 : i32
    %dma_wait3A_1836 = tpu.memref_slice %arg5[%add3A_1597, %dma_wait3A_1835] : memref<16384x768xf32, #tpu.memory_space<hbm>> -> memref<8x768xf32, #tpu.memory_space<hbm>>
    %dma_wait3A_1837 = arith.constant 0 : i32
    %dma_wait3A_1838 = tpu.memref_slice %arg5[%add3A_1597, %dma_wait3A_1837] : memref<16384x768xf32, #tpu.memory_space<hbm>> -> memref<8x768xf32, #tpu.memory_space<hbm>>
    %dma_wait3A_1839 = arith.constant 0 : i32
    %dma_wait3A_1840 = arith.constant 0 : i32
    %dma_wait3A_1841 = tpu.memref_slice %arg8[%dma_wait3A_1839, %dma_wait3A_1840] : memref<32x768xf32, #tpu.memory_space<vmem>> -> memref<8x768xf32, #tpu.memory_space<vmem>>
    tpu.wait_dma2 semaphore(%arg24 : memref<!tpu.dma_semaphore, #tpu.memory_space<semaphore_mem>>) src(%dma_wait3A_1841 : memref<8x768xf32, #tpu.memory_space<vmem>>) dst(%dma_wait3A_1838 : memref<8x768xf32, #tpu.memory_space<hbm>>)
    %dma_wait3A_1842 = arith.constant 8 : i32
    %dma_wait3A_1843 = arith.constant 0 : i32
    %dma_wait3A_1844 = tpu.memref_slice %arg8[%dma_wait3A_1842, %dma_wait3A_1843] : memref<32x768xf32, #tpu.memory_space<vmem>> -> memref<8x768xf32, #tpu.memory_space<vmem>>
    %dma_wait3A_1845 = arith.constant 0 : i32
    %dma_wait3A_1846 = tpu.memref_slice %arg5[%add3A_1611, %dma_wait3A_1845] : memref<16384x768xf32, #tpu.memory_space<hbm>> -> memref<8x768xf32, #tpu.memory_space<hbm>>
    %dma_wait3A_1847 = arith.constant 0 : i32
    %dma_wait3A_1848 = tpu.memref_slice %arg5[%add3A_1611, %dma_wait3A_1847] : memref<16384x768xf32, #tpu.memory_space<hbm>> -> memref<8x768xf32, #tpu.memory_space<hbm>>
    %dma_wait3A_1849 = arith.constant 8 : i32
    %dma_wait3A_1850 = arith.constant 0 : i32
    %dma_wait3A_1851 = tpu.memref_slice %arg8[%dma_wait3A_1849, %dma_wait3A_1850] : memref<32x768xf32, #tpu.memory_space<vmem>> -> memref<8x768xf32, #tpu.memory_space<vmem>>
    tpu.wait_dma2 semaphore(%arg24 : memref<!tpu.dma_semaphore, #tpu.memory_space<semaphore_mem>>) src(%dma_wait3A_1851 : memref<8x768xf32, #tpu.memory_space<vmem>>) dst(%dma_wait3A_1848 : memref<8x768xf32, #tpu.memory_space<hbm>>)
    %dma_wait3A_1852 = arith.constant 16 : i32
    %dma_wait3A_1853 = arith.constant 0 : i32
    %dma_wait3A_1854 = tpu.memref_slice %arg8[%dma_wait3A_1852, %dma_wait3A_1853] : memref<32x768xf32, #tpu.memory_space<vmem>> -> memref<8x768xf32, #tpu.memory_space<vmem>>
    %dma_wait3A_1855 = arith.constant 0 : i32
    %dma_wait3A_1856 = tpu.memref_slice %arg5[%add3A_1625, %dma_wait3A_1855] : memref<16384x768xf32, #tpu.memory_space<hbm>> -> memref<8x768xf32, #tpu.memory_space<hbm>>
    %dma_wait3A_1857 = arith.constant 0 : i32
    %dma_wait3A_1858 = tpu.memref_slice %arg5[%add3A_1625, %dma_wait3A_1857] : memref<16384x768xf32, #tpu.memory_space<hbm>> -> memref<8x768xf32, #tpu.memory_space<hbm>>
    %dma_wait3A_1859 = arith.constant 16 : i32
    %dma_wait3A_1860 = arith.constant 0 : i32
    %dma_wait3A_1861 = tpu.memref_slice %arg8[%dma_wait3A_1859, %dma_wait3A_1860] : memref<32x768xf32, #tpu.memory_space<vmem>> -> memref<8x768xf32, #tpu.memory_space<vmem>>
    tpu.wait_dma2 semaphore(%arg24 : memref<!tpu.dma_semaphore, #tpu.memory_space<semaphore_mem>>) src(%dma_wait3A_1861 : memref<8x768xf32, #tpu.memory_space<vmem>>) dst(%dma_wait3A_1858 : memref<8x768xf32, #tpu.memory_space<hbm>>)
    %dma_wait3A_1862 = arith.constant 24 : i32
    %dma_wait3A_1863 = arith.constant 0 : i32
    %dma_wait3A_1864 = tpu.memref_slice %arg8[%dma_wait3A_1862, %dma_wait3A_1863] : memref<32x768xf32, #tpu.memory_space<vmem>> -> memref<8x768xf32, #tpu.memory_space<vmem>>
    %dma_wait3A_1865 = arith.constant 0 : i32
    %dma_wait3A_1866 = tpu.memref_slice %arg5[%add3A_1639, %dma_wait3A_1865] : memref<16384x768xf32, #tpu.memory_space<hbm>> -> memref<8x768xf32, #tpu.memory_space<hbm>>
    %dma_wait3A_1867 = arith.constant 0 : i32
    %dma_wait3A_1868 = tpu.memref_slice %arg5[%add3A_1639, %dma_wait3A_1867] : memref<16384x768xf32, #tpu.memory_space<hbm>> -> memref<8x768xf32, #tpu.memory_space<hbm>>
    %dma_wait3A_1869 = arith.constant 24 : i32
    %dma_wait3A_1870 = arith.constant 0 : i32
    %dma_wait3A_1871 = tpu.memref_slice %arg8[%dma_wait3A_1869, %dma_wait3A_1870] : memref<32x768xf32, #tpu.memory_space<vmem>> -> memref<8x768xf32, #tpu.memory_space<vmem>>
    tpu.wait_dma2 semaphore(%arg24 : memref<!tpu.dma_semaphore, #tpu.memory_space<semaphore_mem>>) src(%dma_wait3A_1871 : memref<8x768xf32, #tpu.memory_space<vmem>>) dst(%dma_wait3A_1868 : memref<8x768xf32, #tpu.memory_space<hbm>>)
    %dma_wait3A_1872 = arith.constant 0 : i32
    %dma_wait3A_1873 = arith.constant 0 : i32
    %dma_wait3A_1874 = tpu.memref_slice %arg9[%dma_wait3A_1872, %dma_wait3A_1873] : memref<32x768xf32, #tpu.memory_space<vmem>> -> memref<8x768xf32, #tpu.memory_space<vmem>>
    %dma_wait3A_1875 = arith.constant 0 : i32
    %dma_wait3A_1876 = tpu.memref_slice %arg5[%add3A_1668, %dma_wait3A_1875] : memref<16384x768xf32, #tpu.memory_space<hbm>> -> memref<8x768xf32, #tpu.memory_space<hbm>>
    %dma_wait3A_1877 = arith.constant 0 : i32
    %dma_wait3A_1878 = tpu.memref_slice %arg5[%add3A_1668, %dma_wait3A_1877] : memref<16384x768xf32, #tpu.memory_space<hbm>> -> memref<8x768xf32, #tpu.memory_space<hbm>>
    %dma_wait3A_1879 = arith.constant 0 : i32
    %dma_wait3A_1880 = arith.constant 0 : i32
    %dma_wait3A_1881 = tpu.memref_slice %arg9[%dma_wait3A_1879, %dma_wait3A_1880] : memref<32x768xf32, #tpu.memory_space<vmem>> -> memref<8x768xf32, #tpu.memory_space<vmem>>
    tpu.wait_dma2 semaphore(%arg25 : memref<!tpu.dma_semaphore, #tpu.memory_space<semaphore_mem>>) src(%dma_wait3A_1881 : memref<8x768xf32, #tpu.memory_space<vmem>>) dst(%dma_wait3A_1878 : memref<8x768xf32, #tpu.memory_space<hbm>>)
    %dma_wait3A_1882 = arith.constant 8 : i32
    %dma_wait3A_1883 = arith.constant 0 : i32
    %dma_wait3A_1884 = tpu.memref_slice %arg9[%dma_wait3A_1882, %dma_wait3A_1883] : memref<32x768xf32, #tpu.memory_space<vmem>> -> memref<8x768xf32, #tpu.memory_space<vmem>>
    %dma_wait3A_1885 = arith.constant 0 : i32
    %dma_wait3A_1886 = tpu.memref_slice %arg5[%add3A_1682, %dma_wait3A_1885] : memref<16384x768xf32, #tpu.memory_space<hbm>> -> memref<8x768xf32, #tpu.memory_space<hbm>>
    %dma_wait3A_1887 = arith.constant 0 : i32
    %dma_wait3A_1888 = tpu.memref_slice %arg5[%add3A_1682, %dma_wait3A_1887] : memref<16384x768xf32, #tpu.memory_space<hbm>> -> memref<8x768xf32, #tpu.memory_space<hbm>>
    %dma_wait3A_1889 = arith.constant 8 : i32
    %dma_wait3A_1890 = arith.constant 0 : i32
    %dma_wait3A_1891 = tpu.memref_slice %arg9[%dma_wait3A_1889, %dma_wait3A_1890] : memref<32x768xf32, #tpu.memory_space<vmem>> -> memref<8x768xf32, #tpu.memory_space<vmem>>
    tpu.wait_dma2 semaphore(%arg25 : memref<!tpu.dma_semaphore, #tpu.memory_space<semaphore_mem>>) src(%dma_wait3A_1891 : memref<8x768xf32, #tpu.memory_space<vmem>>) dst(%dma_wait3A_1888 : memref<8x768xf32, #tpu.memory_space<hbm>>)
    %dma_wait3A_1892 = arith.constant 16 : i32
    %dma_wait3A_1893 = arith.constant 0 : i32
    %dma_wait3A_1894 = tpu.memref_slice %arg9[%dma_wait3A_1892, %dma_wait3A_1893] : memref<32x768xf32, #tpu.memory_space<vmem>> -> memref<8x768xf32, #tpu.memory_space<vmem>>
    %dma_wait3A_1895 = arith.constant 0 : i32
    %dma_wait3A_1896 = tpu.memref_slice %arg5[%add3A_1696, %dma_wait3A_1895] : memref<16384x768xf32, #tpu.memory_space<hbm>> -> memref<8x768xf32, #tpu.memory_space<hbm>>
    %dma_wait3A_1897 = arith.constant 0 : i32
    %dma_wait3A_1898 = tpu.memref_slice %arg5[%add3A_1696, %dma_wait3A_1897] : memref<16384x768xf32, #tpu.memory_space<hbm>> -> memref<8x768xf32, #tpu.memory_space<hbm>>
    %dma_wait3A_1899 = arith.constant 16 : i32
    %dma_wait3A_1900 = arith.constant 0 : i32
    %dma_wait3A_1901 = tpu.memref_slice %arg9[%dma_wait3A_1899, %dma_wait3A_1900] : memref<32x768xf32, #tpu.memory_space<vmem>> -> memref<8x768xf32, #tpu.memory_space<vmem>>
    tpu.wait_dma2 semaphore(%arg25 : memref<!tpu.dma_semaphore, #tpu.memory_space<semaphore_mem>>) src(%dma_wait3A_1901 : memref<8x768xf32, #tpu.memory_space<vmem>>) dst(%dma_wait3A_1898 : memref<8x768xf32, #tpu.memory_space<hbm>>)
    %dma_wait3A_1902 = arith.constant 24 : i32
    %dma_wait3A_1903 = arith.constant 0 : i32
    %dma_wait3A_1904 = tpu.memref_slice %arg9[%dma_wait3A_1902, %dma_wait3A_1903] : memref<32x768xf32, #tpu.memory_space<vmem>> -> memref<8x768xf32, #tpu.memory_space<vmem>>
    %dma_wait3A_1905 = arith.constant 0 : i32
    %dma_wait3A_1906 = tpu.memref_slice %arg5[%add3A_1710, %dma_wait3A_1905] : memref<16384x768xf32, #tpu.memory_space<hbm>> -> memref<8x768xf32, #tpu.memory_space<hbm>>
    %dma_wait3A_1907 = arith.constant 0 : i32
    %dma_wait3A_1908 = tpu.memref_slice %arg5[%add3A_1710, %dma_wait3A_1907] : memref<16384x768xf32, #tpu.memory_space<hbm>> -> memref<8x768xf32, #tpu.memory_space<hbm>>
    %dma_wait3A_1909 = arith.constant 24 : i32
    %dma_wait3A_1910 = arith.constant 0 : i32
    %dma_wait3A_1911 = tpu.memref_slice %arg9[%dma_wait3A_1909, %dma_wait3A_1910] : memref<32x768xf32, #tpu.memory_space<vmem>> -> memref<8x768xf32, #tpu.memory_space<vmem>>
    tpu.wait_dma2 semaphore(%arg25 : memref<!tpu.dma_semaphore, #tpu.memory_space<semaphore_mem>>) src(%dma_wait3A_1911 : memref<8x768xf32, #tpu.memory_space<vmem>>) dst(%dma_wait3A_1908 : memref<8x768xf32, #tpu.memory_space<hbm>>)
    %dma_wait3A_1912 = arith.constant 0 : i32
    %dma_wait3A_1913 = arith.constant 0 : i32
    %dma_wait3A_1914 = tpu.memref_slice %arg10[%dma_wait3A_1912, %dma_wait3A_1913] : memref<32x768xf32, #tpu.memory_space<vmem>> -> memref<8x768xf32, #tpu.memory_space<vmem>>
    %dma_wait3A_1915 = arith.constant 0 : i32
    %dma_wait3A_1916 = tpu.memref_slice %arg5[%add3A_1739, %dma_wait3A_1915] : memref<16384x768xf32, #tpu.memory_space<hbm>> -> memref<8x768xf32, #tpu.memory_space<hbm>>
    %dma_wait3A_1917 = arith.constant 0 : i32
    %dma_wait3A_1918 = tpu.memref_slice %arg5[%add3A_1739, %dma_wait3A_1917] : memref<16384x768xf32, #tpu.memory_space<hbm>> -> memref<8x768xf32, #tpu.memory_space<hbm>>
    %dma_wait3A_1919 = arith.constant 0 : i32
    %dma_wait3A_1920 = arith.constant 0 : i32
    %dma_wait3A_1921 = tpu.memref_slice %arg10[%dma_wait3A_1919, %dma_wait3A_1920] : memref<32x768xf32, #tpu.memory_space<vmem>> -> memref<8x768xf32, #tpu.memory_space<vmem>>
    tpu.wait_dma2 semaphore(%arg26 : memref<!tpu.dma_semaphore, #tpu.memory_space<semaphore_mem>>) src(%dma_wait3A_1921 : memref<8x768xf32, #tpu.memory_space<vmem>>) dst(%dma_wait3A_1918 : memref<8x768xf32, #tpu.memory_space<hbm>>)
    %dma_wait3A_1922 = arith.constant 8 : i32
    %dma_wait3A_1923 = arith.constant 0 : i32
    %dma_wait3A_1924 = tpu.memref_slice %arg10[%dma_wait3A_1922, %dma_wait3A_1923] : memref<32x768xf32, #tpu.memory_space<vmem>> -> memref<8x768xf32, #tpu.memory_space<vmem>>
    %dma_wait3A_1925 = arith.constant 0 : i32
    %dma_wait3A_1926 = tpu.memref_slice %arg5[%add3A_1753, %dma_wait3A_1925] : memref<16384x768xf32, #tpu.memory_space<hbm>> -> memref<8x768xf32, #tpu.memory_space<hbm>>
    %dma_wait3A_1927 = arith.constant 0 : i32
    %dma_wait3A_1928 = tpu.memref_slice %arg5[%add3A_1753, %dma_wait3A_1927] : memref<16384x768xf32, #tpu.memory_space<hbm>> -> memref<8x768xf32, #tpu.memory_space<hbm>>
    %dma_wait3A_1929 = arith.constant 8 : i32
    %dma_wait3A_1930 = arith.constant 0 : i32
    %dma_wait3A_1931 = tpu.memref_slice %arg10[%dma_wait3A_1929, %dma_wait3A_1930] : memref<32x768xf32, #tpu.memory_space<vmem>> -> memref<8x768xf32, #tpu.memory_space<vmem>>
    tpu.wait_dma2 semaphore(%arg26 : memref<!tpu.dma_semaphore, #tpu.memory_space<semaphore_mem>>) src(%dma_wait3A_1931 : memref<8x768xf32, #tpu.memory_space<vmem>>) dst(%dma_wait3A_1928 : memref<8x768xf32, #tpu.memory_space<hbm>>)
    %dma_wait3A_1932 = arith.constant 16 : i32
    %dma_wait3A_1933 = arith.constant 0 : i32
    %dma_wait3A_1934 = tpu.memref_slice %arg10[%dma_wait3A_1932, %dma_wait3A_1933] : memref<32x768xf32, #tpu.memory_space<vmem>> -> memref<8x768xf32, #tpu.memory_space<vmem>>
    %dma_wait3A_1935 = arith.constant 0 : i32
    %dma_wait3A_1936 = tpu.memref_slice %arg5[%add3A_1767, %dma_wait3A_1935] : memref<16384x768xf32, #tpu.memory_space<hbm>> -> memref<8x768xf32, #tpu.memory_space<hbm>>
    %dma_wait3A_1937 = arith.constant 0 : i32
    %dma_wait3A_1938 = tpu.memref_slice %arg5[%add3A_1767, %dma_wait3A_1937] : memref<16384x768xf32, #tpu.memory_space<hbm>> -> memref<8x768xf32, #tpu.memory_space<hbm>>
    %dma_wait3A_1939 = arith.constant 16 : i32
    %dma_wait3A_1940 = arith.constant 0 : i32
    %dma_wait3A_1941 = tpu.memref_slice %arg10[%dma_wait3A_1939, %dma_wait3A_1940] : memref<32x768xf32, #tpu.memory_space<vmem>> -> memref<8x768xf32, #tpu.memory_space<vmem>>
    tpu.wait_dma2 semaphore(%arg26 : memref<!tpu.dma_semaphore, #tpu.memory_space<semaphore_mem>>) src(%dma_wait3A_1941 : memref<8x768xf32, #tpu.memory_space<vmem>>) dst(%dma_wait3A_1938 : memref<8x768xf32, #tpu.memory_space<hbm>>)
    %dma_wait3A_1942 = arith.constant 24 : i32
    %dma_wait3A_1943 = arith.constant 0 : i32
    %dma_wait3A_1944 = tpu.memref_slice %arg10[%dma_wait3A_1942, %dma_wait3A_1943] : memref<32x768xf32, #tpu.memory_space<vmem>> -> memref<8x768xf32, #tpu.memory_space<vmem>>
    %dma_wait3A_1945 = arith.constant 0 : i32
    %dma_wait3A_1946 = tpu.memref_slice %arg5[%add3A_1781, %dma_wait3A_1945] : memref<16384x768xf32, #tpu.memory_space<hbm>> -> memref<8x768xf32, #tpu.memory_space<hbm>>
    %dma_wait3A_1947 = arith.constant 0 : i32
    %dma_wait3A_1948 = tpu.memref_slice %arg5[%add3A_1781, %dma_wait3A_1947] : memref<16384x768xf32, #tpu.memory_space<hbm>> -> memref<8x768xf32, #tpu.memory_space<hbm>>
    %dma_wait3A_1949 = arith.constant 24 : i32
    %dma_wait3A_1950 = arith.constant 0 : i32
    %dma_wait3A_1951 = tpu.memref_slice %arg10[%dma_wait3A_1949, %dma_wait3A_1950] : memref<32x768xf32, #tpu.memory_space<vmem>> -> memref<8x768xf32, #tpu.memory_space<vmem>>
    tpu.wait_dma2 semaphore(%arg26 : memref<!tpu.dma_semaphore, #tpu.memory_space<semaphore_mem>>) src(%dma_wait3A_1951 : memref<8x768xf32, #tpu.memory_space<vmem>>) dst(%dma_wait3A_1948 : memref<8x768xf32, #tpu.memory_space<hbm>>)
    return
  }
}

</mosaic_0001>

<sc_bundles>
// kernel: kernel.3.cloned.1.call-start
scs
__scs_entry_jumppad:
0x0: {  	(pc) =	sbr.rel $0x88, $3  }
0x1: {  	(tag) =	ssettag $0x0;
	lr =	simm.s32 $0x1  }
0x2: {  	[smem:$0x3F9E] =	sst lr;
	_ =	strace $0xD0000000  }
0x3: {  	_ = 	snop  }
0x4: {  	_ = 	snop  }
0x5: {  	_ = 	snop  }
0x6: {  	_ = 	snop  }
0x7: {  	_ = 	snop  }
__scs_overlays_trampoline_lowered:
0x8: {  	[smem:$0x3FAD] =	sst s0  }
0x9: {  	[smem:$0x3FAE] =	sst s1  }
0xa: {  	[smem:$0x3FAF] =	sst s2  }
0xb: {  	[smem:$0x3FB0] =	sst s3  }
0xc: {  	[smem:$0x3FB1] =	sst s4  }
0xd: {  	[smem:$0x3FB2] =	sst s5  }
0xe: {  	[smem:$0x3FB3] =	sst s6  }
0xf: {  	[smem:$0x3FB4] =	sst s7  }
0x10: {  	[smem:$0x3FB5] =	sst s8  }
0x11: {  	[smem:$0x3FB6] =	sst s9;
	s0 =	simm.s32 @!p0 $0x0  }
0x12: {  	s1 =	sld [smem:$0x3F9C];
	s0 =	simm.s32 @p0 $0x1  }
0x13: {  	[smem:$0x3FB7] =	sst s0;
	s0 =	simm.s32 @!p1 $0x0  }
0x14: {  	s2 =	sld [smem:$0x3F9B];
	s0 =	simm.s32 @p1 $0x1  }
0x15: {  	[smem:$0x3FB8] =	sst s0;
	s0 =	simm.s32 @!p2 $0x0  }
0x16: {  	s3 =	sld [smem:$0x3FDB];
	s0 =	simm.s32 @p2 $0x1  }
0x17: {  	s4 =	simm.s32 $0x1BF5;
	[smem:$0x3FBA] =	sst s0  }
0x18: {  	s0 =	sld [smem:$0x3F9D];
	_ =	swait.ge [sflag:s4], $0x0  }
0x19: {  	s7 =	sld [smem:$0x3F9E]  }
0x1a: {  	s8 =	sadd.s32 $0xFFFFE003, lr  }
0x1b: {  	s9 =	sadd.s32 $0xFFFFFEF7, lr;
	s5 =	simm.s32 $0xFFFFFFFF;
	p2 =	slt.u32 s8, $0xFFFFF086  }
0x1c: {  	p1 =	slt.u32 s9, $0xF7A;
	s5 =	simm.s32 @!p2 $0x0  }
0x1d: {  	s5 =	simm.s32 @p1 $0x1;
	p0 =	seq.s32 s7, s2  }
0x1e: {  	s7 =	smul.u32 @!p0 $0xF7A, s2;
	p2 =	seq.s32 @!p0 s5, $0x0  }
0x1f: {  	s9 =	smul.u32 $0xF7A, s1;
	s8 =	simm.s32 @!p0 $0x1BF5;
	p2 =	por !p2, p0  }
0x20: {  	[sflag:s8] =	ssyncset.s32 @!p0 $0xFFFFF086;
	s6 =	sadd.s32 @!p0 s3, s7;
	s7 =	simm.s32 @!p0 $0x108  }
0x21: {  	s3 =	sadd.s32 s3, s9;
	s6 =	sadd.s32 @!p0 $0x88, s6;
	s7 =	simm.s32 @p2 $0x1082  }
0x22: {  	[simem:s7], [sflag:s8] =	dma.local @!p0 [hbm:s6], $0xF7A  }
0x23: {  	s9 =	sor.u32 $0xD0000000, s2;
	s6 =	simm.s32 $0x108;
	_ =	swait.ge @!p0 [sflag:s8], $0x0  }
0x24: {  	s3 =	sadd.s32 $0x88, s3;
	s6 =	simm.s32 @!p1 $0x1082;
	[sflag:s4] =	ssyncset.s32 $0xFFFFF086  }
0x25: {  	[simem:s6], [sflag:s4] =	dma.local [hbm:s3], $0xF7A  }
0x26: {  	[smem:$0x3F9E] =	sst s1;
	(tag) =	ssettag s2;
	_ =	strace s9  }
0x27: {  	s1 =	sld [smem:$0x3FAE]  }
0x28: {  	s2 =	sld [smem:$0x3FAF]  }
0x29: {  	s4 =	sld [smem:$0x3FB1]  }
0x2a: {  	p0 =	seq.s32 s5, $0x0;
	s5 =	sld [smem:$0x3FB2]  }
0x2b: {  	s6 =	sld [smem:$0x3FB3]  }
0x2c: {  	s7 =	sld [smem:$0x3FB4]  }
0x2d: {  	s3 =	simm.s32 $0x108;
	s8 =	sld [smem:$0x3FB5]  }
0x2e: {  	s3 =	simm.s32 @!p0 $0x1082;
	s9 =	sld [smem:$0x3FB6]  }
0x2f: {  	lr =	sadd.s32 s0, s3;
	s0 =	sld [smem:$0x3FAD]  }
0x30: {  	s3 =	sld [smem:$0x3FB0]  }
0x31: {  	[smem:$0x3FB9] =	sst s10  }
0x32: {  	s10 =	sld [smem:$0x3FB7];
	_ =	sdelay $0x3  }
0x33: {  	p0 =	seq.s32 s10, $0x1;
	s10 =	sld [smem:$0x3FB9];
	_ =	sdelay $0x3  }
0x34: {  	[smem:$0x3FB9] =	sst s10  }
0x35: {  	s10 =	sld [smem:$0x3FB8];
	_ =	sdelay $0x3  }
0x36: {  	p1 =	seq.s32 s10, $0x1;
	s10 =	sld [smem:$0x3FB9];
	_ =	sdelay $0x3  }
0x37: {  	[smem:$0x3FB9] =	sst s10  }
0x38: {  	s10 =	sld [smem:$0x3FBA]  }
0x39: {  	_ = 	snop;
	(pc) =	sbr.ind lr, $3  }
0x3a: {  	_ = 	snop  }
0x3b: {  	_ = 	snop  }
0x3c: {  	p2 =	seq.s32 s10, $0x1;
	s10 =	sld [smem:$0x3FB9]  }
0x3d: {  	_ =	shalt  }
0x3e: {  	_ =	shalt  }
0x3f: {  	_ =	shalt  }
0x40: {  	_ =	shalt  }
0x41: {  	_ =	shalt  }
0x42: {  	_ =	shalt  }
0x43: {  	_ =	shalt  }
0x44: {  	_ =	shalt  }
0x45: {  	_ =	shalt  }
0x46: {  	_ =	shalt  }
0x47: {  	_ =	shalt  }
0x48: {  	_ =	shalt  }
0x49: {  	_ =	shalt  }
0x4a: {  	_ =	shalt  }
0x4b: {  	_ =	shalt  }
0x4c: {  	_ =	shalt  }
0x4d: {  	_ =	shalt  }
0x4e: {  	_ =	shalt  }
0x4f: {  	_ =	shalt  }
0x50: {  	_ =	shalt  }
0x51: {  	_ =	shalt  }
0x52: {  	_ =	shalt  }
0x53: {  	_ =	shalt  }
0x54: {  	_ =	shalt  }
0x55: {  	_ =	shalt  }
0x56: {  	_ =	shalt  }
0x57: {  	_ =	shalt  }
0x58: {  	_ =	shalt  }
0x59: {  	_ =	shalt  }
0x5a: {  	_ =	shalt  }
0x5b: {  	_ =	shalt  }
0x5c: {  	_ =	shalt  }
0x5d: {  	_ =	shalt  }
0x5e: {  	_ =	shalt  }
0x5f: {  	_ =	shalt  }
0x60: {  	_ =	shalt  }
0x61: {  	_ =	shalt  }
0x62: {  	_ =	shalt  }
0x63: {  	_ =	shalt  }
0x64: {  	_ =	shalt  }
0x65: {  	_ =	shalt  }
0x66: {  	_ =	shalt  }
0x67: {  	_ =	shalt  }
0x68: {  	_ =	shalt  }
0x69: {  	_ =	shalt  }
0x6a: {  	_ =	shalt  }
0x6b: {  	_ =	shalt  }
0x6c: {  	_ =	shalt  }
0x6d: {  	_ =	shalt  }
0x6e: {  	_ =	shalt  }
0x6f: {  	_ =	shalt  }
0x70: {  	_ =	shalt  }
0x71: {  	_ =	shalt  }
0x72: {  	_ =	shalt  }
0x73: {  	_ =	shalt  }
0x74: {  	_ =	shalt  }
0x75: {  	_ =	shalt  }
0x76: {  	_ =	shalt  }
0x77: {  	_ =	shalt  }
0x78: {  	_ =	shalt  }
0x79: {  	_ =	shalt  }
0x7a: {  	_ =	shalt  }
0x7b: {  	_ =	shalt  }
0x7c: {  	_ =	shalt  }
0x7d: {  	_ =	shalt  }
0x7e: {  	_ =	shalt  }
0x7f: {  	_ =	shalt  }
0x80: {  	_ =	shalt  }
0x81: {  	_ =	shalt  }
0x82: {  	_ =	shalt  }
0x83: {  	_ =	shalt  }
0x84: {  	_ =	shalt  }
0x85: {  	_ =	shalt  }
0x86: {  	_ =	shalt  }
0x87: {  	_ =	shalt  }
.Lfunc_end0:
.L_simem_size_0:
called_computation_lowered:
.L_overlay_start_0:
0x88: {  	s2 =	sld [smem:$0x3FD9]  }
0x89: {  	s3 =	sld [smem:$0x3FFE];
	_ =	sdelay $0x1  }
0x8a: {  	s1 =	srdreg.scid  }
0x8b: {  	s0 =	sand.u32 $0x1, s1  }
0x8c: {  	s17 =	sshll.u32 s0, $0xA;
	s2 =	sadd.s32 s3, s2  }
0x8d: {  	s2 =	sadd.s32 s2, s17  }
0x8e: {  	[smem:$0x3FC5] =	sst s2  }
0x8f: {  	_ = 	snop  }
0x90: {  	s2 =	sld [smem:$0x3FC8]  }
0x91: {  	s18 =	sld [smem:$0x3FC7]  }
0x92: {  	s4 =	sld [smem:$0x3FD0];
	(tm) =	ssettm $0x1  }
0x93: {  	s5 =	sld [smem:$0x3FFB];
	_ =	sdelay $0x3  }
0x94: {  	_ =	strace s5  }
0x95: {  	s5 =	sld [smem:$0x3FFC];
	_ =	sdelay $0x3  }
0x96: {  	_ =	strace s5  }
0x97: {  	s5 =	sld [smem:$0x3FFD];
	_ =	sdelay $0x3  }
0x98: {  	_ =	strace s5  }
0x99: {  	_ =	strace $0x8FFFFFFF  }
0x9a: {  	s19 =	sld [smem:$0x3FDB];
	_ =	sdelay $0x1  }
0x9b: {  	s6 =	simm.s32 $_scs_section_size  }
0x9c: {  	s7 =	simm.s32 $_size__tile_overlayer_lowered;
	s8 =	simm.s32 $_tile_overlayer_lowered  }
0x9d: {  	s22 =	simm.s32 $0x1BFF;
	s21 =	sshll.u32 s8, $0x1;
	s5 =	sadd.s32 s6, s19  }
0x9e: {  	s9 =	simm.s32 $0x0;
	s20 =	sshll.u32 s7, $0x1;
	s7 =	sadd.s32 s21, s5  }
0x9f: {  	[timem:s9], [sflag:s22] =	dma.local [hbm:s7], s20  }
0xa0: {  	_ =	swait.ge [sflag:s22], s20  }
0xa1: {  	s6 =	ssub.s32 $0x0, s20;
	[sflag:s22] =	ssyncset.done $0x0  }
0xa2: {  	[sflag:s22] =	ssyncadd.s32 s6;
	_ =	sdelay $0x1  }
0xa3: {  	s23 =	simm.s32 $0x1B8B  }
0xa4: {  	_ =	swait.ge [sflag:s23], $0x1  }
0xa5: {  	[sflag:s23] =	ssyncset.done $0x0  }
0xa6: {  	s25 =	simm.s32 $0x1B8E;
	s24 =	sld [smem:$0x3FFE];
	[sflag:s23] =	ssyncadd.s32 $0xFFFFFFFF  }
0xa7: {  	s26 =	simm.s32 $execute0_lowered;
	[smem:$0x3FD2] =	sst s25  }
0xa8: {  	s7 =	sshll.u32 s26, $0x1;
	_ =	strace $0x80000046;
	[dreg:$0x1] =	wrdreg $0xFFFFFFFF  }
0xa9: {  	s28 =	simm.s32 $_size_execute0_lowered;
	s5 =	sadd.s32 s5, s7;
	[dreg:$0x0] =	wrdreg $0x0  }
0xaa: {  	s7 =	sshll.u32 s28, $0x1;
	[dreg:$0x2] =	wrdreg s5  }
0xab: {  	[dreg:$0x3] =	wrdreg s7  }
0xac: {  	[dreg:$0x4] =	wrdreg $0xC0  }
0xad: {  	_ =	task [dreg:s9], $0x5FFFF  }
0xae: {  	[dreg:$0x1] =	wrdreg $0xFFFFFFFF  }
0xaf: {  	[dreg:$0x0] =	wrdreg $0x60  }
0xb0: {  	[dreg:$0x2] =	wrdreg s24  }
0xb1: {  	[dreg:$0x3] =	wrdreg s2  }
0xb2: {  	[dreg:$0x4] =	wrdreg s18  }
0xb3: {  	[dreg:$0x5] =	wrdreg s4  }
0xb4: {  	[dreg:$0x6] =	wrdreg $0x9  }
0xb5: {  	_ =	task.clear_ibuf [dreg:s9], $0x7FFFF;
	_ =	strace $0x90000046  }
0xb6: {  	s29 =	simm.s32 $0x9;
	_ =	strace $0x80000048  }
0xb7: {  	_ =	swait.ge [sflag:s29], $0x1  }
0xb8: {  	[sflag:s29] =	ssyncadd.s32 $0xFFFFFFFF  }
0xb9: {  	_ =	strace $0x90000048  }
0xba: {  	_ =	sfence  }
0xbb: {  	s30 =	sld [smem:$0x0];
	_ =	sdelay $0x2  }
0xbc: {  	s31 =	sshll.u32 s1, $0xD;
	s1 =	sshrl.u32 s1, $0x2  }
0xbd: {  	s3 =	sand.u32 $0x4000, s31;
	s1 =	sadd.s32 s1, s30  }
0xbe: {  	s0 =	sor.u32 s3, s0;
	s1 =	sshll.u32 s1, $0x11  }
0xbf: {  	s0 =	sor.u32 s1, s0  }
0xc0: {  	s0 =	sadd.s32 $0x8F2B, s0  }
0xc1: {  	[sflag:s0] =	ssyncadd.remote.s32 $0x1  }
0xc2: {  	_ =	sfence.sel $0xFFFF  }
0xc3: {  	[dreg:$0x0] =	wrdreg $0xFFFFFFFF;
	(pc) =	sbr.abs _section_cstart, $3  }
0xc4: {  	[dreg:$0x1] =	wrdreg $0xFFFFFFFF  }
0xc5: {  	_ =	task.clear_ibuf [dreg:s9], $0x2FFFF;
	_ =	strace $0x9FFFFFFF  }
0xc6: {  	(tm) =	ssettm $0x7FFFFFFF  }
0xc7: {  	_ =	shalt  }
tec
execute0_lowered:
.L_overlay_start_1:
0x0: {  	(tag) =	ssettag $0x1  }
0x1: {  	s2 =	rddreg [dreg:$0x0]  }
0x2: {  	s0 =	srdreg.scid;
	s3 =	rddreg [dreg:$0x2]  }
0x3: {  	s7 =	stileid.u32;
	s28 =	rddreg [dreg:$0x1];
	s4 =	sand.u32 $0x1, s0  }
0x4: {  	s1 =	sshll.u32 s7, $0x1;
	s0 =	rddreg [dreg:$0x3];
	s7 =	sshll.u32 s7, $0x7  }
0x5: {  	s5 =	sor.u32 s4, s1;
	s1 =	simm.s32 $0x0;
	s4 =	ssub.s32 $0x2, s4  }
0x6: {  	s6 =	sshll.u32 s5, $0x4;
	s16 =	smul.u32 $0x3000, s5;
	[smem:$0x7FF] =	sst s1  }
0x7: {  	s8 =	sshrl.u32 s4, $0x1;
	s5 =	smul.u32 $0x18000, s5;
	s6 =	sor.u32 s7, s6  }
0x8: {  	s6 =	sand.u32 $0x670, s6;
	s17 =	sor.u32 $0x300, s16;
	s18 =	sadd.s32 s3, s16  }
0x9: {  	s20 =	sor.u32 $0x600, s16;
	[dreg:$0x5] =	wrdreg s18;
	s19 =	sadd.s32 s3, s17  }
0xa: {  	s21 =	sor.u32 $0x900, s16;
	s9 =	sadd.s32 s3, s20;
	[dreg:$0x6] =	wrdreg s19  }
0xb: {  	s22 =	sor.u32 $0xC00, s16;
	s10 =	sadd.s32 s3, s21;
	[dreg:$0x7] =	wrdreg s9  }
0xc: {  	s7 =	sor.u32 $0xF00, s16;
	s12 =	sadd.s32 s3, s22;
	[dreg:$0x8] =	wrdreg s10  }
0xd: {  	s2 =	sadd.s32 s6, s2;
	s6 =	sadd.s32 s0, s17;
	[dreg:$0xa] =	wrdreg s12  }
0xe: {  	s4 =	ssub.s32 s4, s8;
	s23 =	sadd.s32 s3, s7;
	[dreg:$0xb] =	wrdreg s6  }
0xf: {  	s5 =	sshrl.u32 s5, $0x3;
	s8 =	sadd.s32 s0, s20;
	[dreg:$0xc] =	wrdreg s23  }
0x10: {  	s24 =	sadd.s32 $0x1200, s5;
	s7 =	sadd.s32 s0, s7;
	[dreg:$0xd] =	wrdreg s8  }
0x11: {  	s25 =	sadd.s32 s3, s24;
	[dreg:$0x13] =	wrdreg s7  }
0x12: {  	s26 =	sadd.s32 $0x1500, s5;
	s9 =	sadd.s32 s0, s21;
	[dreg:$0xe] =	wrdreg s25  }
0x13: {  	s29 =	sadd.s32 s3, s26;
	[dreg:$0xf] =	wrdreg s9  }
0x14: {  	s30 =	sadd.s32 $0x1800, s5;
	s10 =	sadd.s32 s0, s22;
	[dreg:$0x10] =	wrdreg s29  }
0x15: {  	s31 =	sadd.s32 s3, s30;
	[dreg:$0x11] =	wrdreg s10  }
0x16: {  	s6 =	sadd.s32 s0, s24;
	[dreg:$0x12] =	wrdreg s31  }
0x17: {  	s11 =	sadd.s32 s0, s16;
	s13 =	sadd.s32 s0, s26;
	[dreg:$0x14] =	wrdreg s6  }
0x18: {  	s16 =	sadd.s32 $0x1E00, s5;
	s14 =	sadd.s32 s0, s30;
	[dreg:$0x15] =	wrdreg s13  }
0x19: {  	s18 =	sadd.s32 $0x2100, s5;
	s17 =	sadd.s32 s3, s16;
	[dreg:$0x16] =	wrdreg s14  }
0x1a: {  	s19 =	sadd.s32 s3, s18;
	[dreg:$0x19] =	wrdreg s17  }
0x1b: {  	s12 =	sadd.s32 $0x1B00, s5;
	s20 =	sadd.s32 s0, s18;
	[dreg:$0x1b] =	wrdreg s19  }
0x1c: {  	s15 =	sadd.s32 s3, s12;
	[dreg:$0x1c] =	wrdreg s20  }
0x1d: {  	s7 =	sadd.s32 s0, s12;
	[dreg:$0x17] =	wrdreg s15  }
0x1e: {  	s21 =	sadd.s32 $0x2400, s5;
	s6 =	sadd.s32 s0, s16;
	[dreg:$0x18] =	wrdreg s7  }
0x1f: {  	s22 =	sadd.s32 $0x2700, s5;
	s24 =	sadd.s32 s3, s21;
	[dreg:$0x1a] =	wrdreg s6  }
0x20: {  	s23 =	sadd.s32 $0x2A00, s5;
	s25 =	sadd.s32 s3, s22;
	[dreg:$0x1d] =	wrdreg s24  }
0x21: {  	s5 =	sadd.s32 $0x2D00, s5;
	s26 =	sadd.s32 s3, s23;
	[dreg:$0x1e] =	wrdreg s25  }
0x22: {  	s3 =	sadd.s32 s3, s5;
	[dreg:$0x1f] =	wrdreg s26  }
0x23: {  	s29 =	sadd.s32 s0, s21;
	[smem:$0x7C7] =	sst s3  }
0x24: {  	s30 =	sadd.s32 s0, s22;
	[smem:$0x7C8] =	sst s29  }
0x25: {  	s31 =	sadd.s32 s0, s23;
	[smem:$0x7C9] =	sst s30  }
0x26: {  	s0 =	sadd.s32 s0, s5;
	[smem:$0x7CA] =	sst s31  }
0x27: {  	s2 =	sadd.s32 $0x400, s2;
	[smem:$0x7CB] =	sst s0  }
0x28: {  	s3 =	smax.u32 s4, $0x1;
	_ =	strace $0x80000047;
	[smem:$0x7CC] =	sst s2  }
0x29: {  	s4 =	sadd.s32 $0x60000, s11;
	[smem:$0x7CD] =	sst s3  }
0x2a: {  	s5 =	sadd.s32 $0xC0000, s11;
	[smem:$0x7CE] =	sst s4  }
0x2b: {  	s6 =	sadd.s32 $0x120000, s11;
	[smem:$0x7CF] =	sst s5  }
0x2c: {  	s7 =	sadd.s32 $0x60300, s11;
	[smem:$0x7D0] =	sst s6  }
0x2d: {  	s10 =	sadd.s32 $0xC0300, s11;
	[smem:$0x7D1] =	sst s7  }
0x2e: {  	s12 =	sadd.s32 $0x120300, s11;
	[smem:$0x7D2] =	sst s10  }
0x2f: {  	s13 =	sadd.s32 $0x60600, s11;
	[smem:$0x7D3] =	sst s12  }
0x30: {  	s14 =	sadd.s32 $0xC0600, s11;
	[smem:$0x7D4] =	sst s13  }
0x31: {  	s15 =	sadd.s32 $0x120600, s11;
	[smem:$0x7D5] =	sst s14  }
0x32: {  	s16 =	sadd.s32 $0x60900, s11;
	[smem:$0x7D6] =	sst s15  }
0x33: {  	s17 =	sadd.s32 $0xC0900, s11;
	[smem:$0x7D7] =	sst s16  }
0x34: {  	s18 =	sadd.s32 $0x120900, s11;
	[smem:$0x7D8] =	sst s17  }
0x35: {  	s19 =	sadd.s32 $0x60C00, s11;
	[smem:$0x7D9] =	sst s18  }
0x36: {  	s20 =	sadd.s32 $0xC0C00, s11;
	[smem:$0x7DA] =	sst s19  }
0x37: {  	s21 =	sadd.s32 $0x120C00, s11;
	[smem:$0x7DB] =	sst s20  }
0x38: {  	s22 =	sadd.s32 $0x60F00, s11;
	[smem:$0x7DC] =	sst s21  }
0x39: {  	s23 =	sadd.s32 $0xC0F00, s11;
	[smem:$0x7DD] =	sst s22  }
0x3a: {  	s24 =	sadd.s32 $0x120F00, s11;
	[smem:$0x7DE] =	sst s23  }
0x3b: {  	s25 =	sadd.s32 $0x61200, s11;
	[smem:$0x7DF] =	sst s24  }
0x3c: {  	s26 =	sadd.s32 $0xC1200, s11;
	[smem:$0x7E0] =	sst s25  }
0x3d: {  	s29 =	sadd.s32 $0x121200, s11;
	[smem:$0x7E1] =	sst s26  }
0x3e: {  	s30 =	sadd.s32 $0x61500, s11;
	[smem:$0x7E2] =	sst s29  }
0x3f: {  	s31 =	sadd.s32 $0xC1500, s11;
	[smem:$0x7E3] =	sst s30  }
0x40: {  	[smem:$0x7E4] =	sst s31  }
0x41: {  	s2 =	sadd.s32 $0x121500, s11;
	[dreg:$0x9] =	wrdreg s11  }
0x42: {  	s3 =	sadd.s32 $0x61800, s11;
	[smem:$0x7E5] =	sst s2  }
0x43: {  	s4 =	sadd.s32 $0xC1800, s11;
	[smem:$0x7E6] =	sst s3  }
0x44: {  	s5 =	sadd.s32 $0x121800, s11;
	[smem:$0x7E7] =	sst s4  }
0x45: {  	s6 =	sadd.s32 $0x61B00, s11;
	[smem:$0x7E8] =	sst s5  }
0x46: {  	s7 =	sadd.s32 $0xC1B00, s11;
	[smem:$0x7E9] =	sst s6  }
0x47: {  	s10 =	sadd.s32 $0x121B00, s11;
	[smem:$0x7EA] =	sst s7  }
0x48: {  	s12 =	sadd.s32 $0x61E00, s11;
	[smem:$0x7EB] =	sst s10  }
0x49: {  	s13 =	sadd.s32 $0xC1E00, s11;
	[smem:$0x7EC] =	sst s12  }
0x4a: {  	s14 =	sadd.s32 $0x121E00, s11;
	[smem:$0x7ED] =	sst s13  }
0x4b: {  	s15 =	sadd.s32 $0x62100, s11;
	[smem:$0x7EE] =	sst s14  }
0x4c: {  	s16 =	sadd.s32 $0xC2100, s11;
	[smem:$0x7EF] =	sst s15  }
0x4d: {  	s17 =	sadd.s32 $0x122100, s11;
	[smem:$0x7F0] =	sst s16  }
0x4e: {  	s18 =	sadd.s32 $0x62400, s11;
	[smem:$0x7F1] =	sst s17  }
0x4f: {  	s19 =	sadd.s32 $0xC2400, s11;
	[smem:$0x7F2] =	sst s18  }
0x50: {  	s20 =	sadd.s32 $0x122400, s11;
	[smem:$0x7F3] =	sst s19  }
0x51: {  	s21 =	sadd.s32 $0x62700, s11;
	[smem:$0x7F4] =	sst s20  }
0x52: {  	s22 =	sadd.s32 $0xC2700, s11;
	[smem:$0x7F5] =	sst s21  }
0x53: {  	s23 =	sadd.s32 $0x122700, s11;
	[smem:$0x7F6] =	sst s22  }
0x54: {  	s24 =	sadd.s32 $0x62A00, s11;
	[smem:$0x7F7] =	sst s23  }
0x55: {  	s25 =	sadd.s32 $0xC2A00, s11;
	[smem:$0x7F8] =	sst s24  }
0x56: {  	s8 =	sadd.s32 $0x100, s28;
	s26 =	sadd.s32 $0x122A00, s11;
	[smem:$0x7F9] =	sst s25  }
0x57: {  	s9 =	sadd.s32 $0x200, s28;
	s29 =	sadd.s32 $0x62D00, s11;
	[smem:$0x7FA] =	sst s26  }
0x58: {  	s0 =	simm.s32 $0x9;
	s30 =	sadd.s32 $0xC2D00, s11;
	[smem:$0x7FB] =	sst s29  }
0x59: {  	s31 =	sadd.s32 $0x122D00, s11;
	s11 =	simm.s32 $0x13A00;
	[smem:$0x7FC] =	sst s30  }
0x5a: {  	[smem:$0x7FD] =	sst s31;
	s24 =	simm.s32 $0xC200;
	s6 =	simm.s32 $0xDA00  }
0x5b: {  	v2 =	vlaneseq.u32;
	s19 =	simm.s32 $0xF200;
	s10 =	simm.s32 $0x10A00;
	s7 =	simm.s32 $0x12200  }
0x5c: {  	vm0 =	vmmov $0xffff;
	v1 =	vshrl.u32 v2, $0x3;
	s12 =	simm.s32 $0x15200;
	s13 =	simm.s32 $0x16A00;
	s14 =	simm.s32 $0xA  }
0x5d: {  	v0 =	vand.u32 $0x7, v2;
	v2 =	vor.u32 $0x8, v2;
	v1 =	vmul.u32 $0x8, v1;
	s22 =	simm.s32 $0xB;
	s4 =	simm.s32 $0xC;
	s3 =	simm.s32 $0x0  }
.LBB2_1:
0x5e: {  	s2 =	sld [smem:$0x7CC]  }
0x5f: {  	[smem:$0x7C6] =	sst s3  }
0x60: {  	s23 =	simm.s32 $0x80;
	s5 =	simm.s32 $0x400;
	s25 =	simm.s32 $0xD  }
0x61: {  	[tilespmem:s1], [sflag:$0xD] =	stream.strided.gather [hbm4b:s2+s23], $0x200, s5, s23, $0x38;
	[tilespmem:$0x1E200] =	vst v63  }
0x62: {  	_ =	swait.ge [sflag:s25], $0x200  }
0x63: {  	[sflag:s25] =	ssyncset.done $0x0  }
0x64: {  	[sflag:s25] =	ssyncadd.s32 $0xFFFFFE00  }
0x65: {  	v3 =	vld [tilespmem:$0x0];
	_ =	sdelay $0x4  }
0x66: {  	v4 =	vshrl.u32 v3, $0x3  }
0x67: {  	v4 =	vmul.u32 $0x30, v4  }
0x68: {  	v3 =	vand.u32 $0x7, v3  }
0x69: {  	v3 =	vor.u32 v3, v4  }
0x6a: {  	v4 =	vperm.xlane v3, v0;
	_ =	sdelay $0x1  }
0x6b: {  	v4 =	vadd.s32 v1, v4;
	_ =	sdelay $0x3  }
0x6c: {  	s26 =	simm.s32 $0x200;
	v3 =	vperm.xlane v3, v2  }
0x6d: {  	[tilespmem:s26], [sflag:$0x1] =	stream.indirect_vreg.gather [hbm4b:s28+s1], $0x80, v4, vm0, $0xb8;
	[tilespmem:$0x1E200] =	vst v63  }
0x6e: {  	s29 =	simm.s32 $0xA00;
	v3 =	vadd.s32 v1, v3  }
0x6f: {  	[tilespmem:s29], [sflag:$0x1] =	stream.indirect_vreg.gather [hbm4b:s8+s1], $0x80, v4, vm0, $0xb8;
	[tilespmem:$0x1E200] =	vst v63  }
0x70: {  	s30 =	simm.s32 $0x1200  }
0x71: {  	[tilespmem:s30], [sflag:$0x1] =	stream.indirect_vreg.gather [hbm4b:s9+s1], $0x80, v4, vm0, $0xb8;
	[tilespmem:$0x1E200] =	vst v63  }
0x72: {  	s31 =	simm.s32 $0x1A00  }
0x73: {  	[tilespmem:s31], [sflag:$0x1] =	stream.indirect_vreg.gather [hbm4b:s28+s1], $0x80, v3, vm0, $0xb8;
	[tilespmem:$0x1E200] =	vst v63  }
0x74: {  	s3 =	simm.s32 $0x2200  }
0x75: {  	[tilespmem:s3], [sflag:$0x1] =	stream.indirect_vreg.gather [hbm4b:s8+s1], $0x80, v3, vm0, $0xb8;
	[tilespmem:$0x1E200] =	vst v63  }
0x76: {  	s5 =	simm.s32 $0x2A00  }
0x77: {  	[tilespmem:s5], [sflag:$0x1] =	stream.indirect_vreg.gather [hbm4b:s9+s1], $0x80, v3, vm0, $0xb8;
	[tilespmem:$0x1E200] =	vst v63  }
0x78: {  	v3 =	vld [tilespmem:$0x10];
	_ =	sdelay $0x4  }
0x79: {  	v57 =	vshrl.u32 v3, $0x3  }
0x7a: {  	v4 =	vmul.u32 $0x30, v57  }
0x7b: {  	v3 =	vand.u32 $0x7, v3  }
0x7c: {  	v3 =	vor.u32 v3, v4  }
0x7d: {  	v4 =	vperm.xlane v3, v0;
	_ =	sdelay $0x1  }
0x7e: {  	v4 =	vadd.s32 v1, v4;
	_ =	sdelay $0x3  }
0x7f: {  	s15 =	simm.s32 $0x3200;
	v3 =	vperm.xlane v3, v2  }
0x80: {  	[tilespmem:s15], [sflag:$0x1] =	stream.indirect_vreg.gather [hbm4b:s28+s1], $0x80, v4, vm0, $0xb8;
	[tilespmem:$0x1E200] =	vst v63  }
0x81: {  	s16 =	simm.s32 $0x3A00;
	v3 =	vadd.s32 v1, v3  }
0x82: {  	[tilespmem:s16], [sflag:$0x1] =	stream.indirect_vreg.gather [hbm4b:s8+s1], $0x80, v4, vm0, $0xb8;
	[tilespmem:$0x1E200] =	vst v63  }
0x83: {  	s17 =	simm.s32 $0x4200  }
0x84: {  	[tilespmem:s17], [sflag:$0x1] =	stream.indirect_vreg.gather [hbm4b:s9+s1], $0x80, v4, vm0, $0xb8;
	[tilespmem:$0x1E200] =	vst v63  }
0x85: {  	s18 =	simm.s32 $0x4A00  }
0x86: {  	[tilespmem:s18], [sflag:$0x1] =	stream.indirect_vreg.gather [hbm4b:s28+s1], $0x80, v3, vm0, $0xb8;
	[tilespmem:$0x1E200] =	vst v63  }
0x87: {  	s20 =	simm.s32 $0x5200  }
0x88: {  	[tilespmem:s20], [sflag:$0x1] =	stream.indirect_vreg.gather [hbm4b:s8+s1], $0x80, v3, vm0, $0xb8;
	[tilespmem:$0x1E200] =	vst v63  }
0x89: {  	s21 =	simm.s32 $0x5A00  }
0x8a: {  	[tilespmem:s21], [sflag:$0x1] =	stream.indirect_vreg.gather [hbm4b:s9+s1], $0x80, v3, vm0, $0xb8;
	[tilespmem:$0x1E200] =	vst v63  }
0x8b: {  	s23 =	rddreg [dreg:$0x5];
	s25 =	simm.s32 $0x18200  }
0x8c: {  	[tilespmem:s25], [sflag:$0x5] =	stream.linear.gather [hbm4b:s23+s1], $0x1800, $0x38;
	[tilespmem:$0x1E200] =	vst v63  }
0x8d: {  	v3 =	vld [tilespmem:$0x20];
	_ =	sdelay $0x4  }
0x8e: {  	v58 =	vshrl.u32 v3, $0x3  }
0x8f: {  	v4 =	vmul.u32 $0x30, v58  }
0x90: {  	v3 =	vand.u32 $0x7, v3  }
0x91: {  	v3 =	vor.u32 v3, v4  }
0x92: {  	v4 =	vperm.xlane v3, v0;
	_ =	sdelay $0x1  }
0x93: {  	v4 =	vadd.s32 v1, v4;
	_ =	sdelay $0x3  }
0x94: {  	s26 =	simm.s32 $0x6200;
	v3 =	vperm.xlane v3, v2  }
0x95: {  	[tilespmem:s26], [sflag:$0x2] =	stream.indirect_vreg.gather [hbm4b:s28+s1], $0x80, v4, vm0, $0xb8;
	[tilespmem:$0x1E200] =	vst v63  }
0x96: {  	s29 =	simm.s32 $0x6A00;
	v3 =	vadd.s32 v1, v3  }
0x97: {  	[tilespmem:s29], [sflag:$0x2] =	stream.indirect_vreg.gather [hbm4b:s8+s1], $0x80, v4, vm0, $0xb8;
	[tilespmem:$0x1E200] =	vst v63  }
0x98: {  	s30 =	simm.s32 $0x7200  }
0x99: {  	[tilespmem:s30], [sflag:$0x2] =	stream.indirect_vreg.gather [hbm4b:s9+s1], $0x80, v4, vm0, $0xb8;
	[tilespmem:$0x1E200] =	vst v63  }
0x9a: {  	s31 =	simm.s32 $0x7A00  }
0x9b: {  	[tilespmem:s31], [sflag:$0x2] =	stream.indirect_vreg.gather [hbm4b:s28+s1], $0x80, v3, vm0, $0xb8;
	[tilespmem:$0x1E200] =	vst v63  }
0x9c: {  	s3 =	simm.s32 $0x8200  }
0x9d: {  	[tilespmem:s3], [sflag:$0x2] =	stream.indirect_vreg.gather [hbm4b:s8+s1], $0x80, v3, vm0, $0xb8;
	[tilespmem:$0x1E200] =	vst v63  }
0x9e: {  	s5 =	simm.s32 $0x8A00  }
0x9f: {  	[tilespmem:s5], [sflag:$0x2] =	stream.indirect_vreg.gather [hbm4b:s9+s1], $0x80, v3, vm0, $0xb8;
	[tilespmem:$0x1E200] =	vst v63  }
0xa0: {  	v3 =	vld [tilespmem:$0x30];
	_ =	sdelay $0x4  }
0xa1: {  	v59 =	vshrl.u32 v3, $0x3  }
0xa2: {  	v4 =	vmul.u32 $0x30, v59  }
0xa3: {  	v3 =	vand.u32 $0x7, v3  }
0xa4: {  	v3 =	vor.u32 v3, v4  }
0xa5: {  	v4 =	vperm.xlane v3, v0;
	_ =	sdelay $0x1  }
0xa6: {  	v4 =	vadd.s32 v1, v4;
	_ =	sdelay $0x3  }
0xa7: {  	s15 =	simm.s32 $0x9200;
	v3 =	vperm.xlane v3, v2  }
0xa8: {  	[tilespmem:s15], [sflag:$0x2] =	stream.indirect_vreg.gather [hbm4b:s28+s1], $0x80, v4, vm0, $0xb8;
	[tilespmem:$0x1E200] =	vst v63  }
0xa9: {  	s16 =	simm.s32 $0x9A00;
	v3 =	vadd.s32 v1, v3  }
0xaa: {  	[tilespmem:s16], [sflag:$0x2] =	stream.indirect_vreg.gather [hbm4b:s8+s1], $0x80, v4, vm0, $0xb8;
	[tilespmem:$0x1E200] =	vst v63  }
0xab: {  	s17 =	simm.s32 $0xA200  }
0xac: {  	[tilespmem:s17], [sflag:$0x2] =	stream.indirect_vreg.gather [hbm4b:s9+s1], $0x80, v4, vm0, $0xb8;
	[tilespmem:$0x1E200] =	vst v63  }
0xad: {  	s18 =	simm.s32 $0xAA00  }
0xae: {  	[tilespmem:s18], [sflag:$0x2] =	stream.indirect_vreg.gather [hbm4b:s28+s1], $0x80, v3, vm0, $0xb8;
	[tilespmem:$0x1E200] =	vst v63  }
0xaf: {  	s20 =	simm.s32 $0xB200  }
0xb0: {  	[tilespmem:s20], [sflag:$0x2] =	stream.indirect_vreg.gather [hbm4b:s8+s1], $0x80, v3, vm0, $0xb8;
	[tilespmem:$0x1E200] =	vst v63  }
0xb1: {  	s21 =	simm.s32 $0xBA00  }
0xb2: {  	[tilespmem:s21], [sflag:$0x2] =	stream.indirect_vreg.gather [hbm4b:s9+s1], $0x80, v3, vm0, $0xb8;
	[tilespmem:$0x1E200] =	vst v63  }
0xb3: {  	s23 =	rddreg [dreg:$0x6];
	s25 =	simm.s32 $0x19A00  }
0xb4: {  	[tilespmem:s25], [sflag:$0x6] =	stream.linear.gather [hbm4b:s23+s1], $0x1800, $0x38;
	[tilespmem:$0x1E200] =	vst v63  }
0xb5: {  	v3 =	vld [tilespmem:$0x40];
	_ =	sdelay $0x4  }
0xb6: {  	v60 =	vshrl.u32 v3, $0x3  }
0xb7: {  	v4 =	vmul.u32 $0x30, v60  }
0xb8: {  	v3 =	vand.u32 $0x7, v3  }
0xb9: {  	v3 =	vor.u32 v3, v4  }
0xba: {  	v4 =	vperm.xlane v3, v0;
	_ =	sdelay $0x1  }
0xbb: {  	v4 =	vadd.s32 v1, v4;
	_ =	sdelay $0x3  }
0xbc: {  	v3 =	vperm.xlane v3, v2  }
0xbd: {  	[tilespmem:s24], [sflag:$0x3] =	stream.indirect_vreg.gather [hbm4b:s28+s1], $0x80, v4, vm0, $0xb8;
	[tilespmem:$0x1E200] =	vst v63  }
0xbe: {  	s26 =	simm.s32 $0xCA00;
	v3 =	vadd.s32 v1, v3  }
0xbf: {  	[tilespmem:s26], [sflag:$0x3] =	stream.indirect_vreg.gather [hbm4b:s8+s1], $0x80, v4, vm0, $0xb8;
	[tilespmem:$0x1E200] =	vst v63  }
0xc0: {  	s29 =	simm.s32 $0xD200  }
0xc1: {  	[tilespmem:s29], [sflag:$0x3] =	stream.indirect_vreg.gather [hbm4b:s9+s1], $0x80, v4, vm0, $0xb8;
	[tilespmem:$0x1E200] =	vst v63  }
0xc2: {  	_ = 	snop  }
0xc3: {  	[tilespmem:s6], [sflag:$0x3] =	stream.indirect_vreg.gather [hbm4b:s28+s1], $0x80, v3, vm0, $0xb8;
	[tilespmem:$0x1E200] =	vst v63  }
0xc4: {  	s30 =	simm.s32 $0xE200  }
0xc5: {  	[tilespmem:s30], [sflag:$0x3] =	stream.indirect_vreg.gather [hbm4b:s8+s1], $0x80, v3, vm0, $0xb8;
	[tilespmem:$0x1E200] =	vst v63  }
0xc6: {  	s31 =	simm.s32 $0xEA00  }
0xc7: {  	[tilespmem:s31], [sflag:$0x3] =	stream.indirect_vreg.gather [hbm4b:s9+s1], $0x80, v3, vm0, $0xb8;
	[tilespmem:$0x1E200] =	vst v63  }
0xc8: {  	v3 =	vld [tilespmem:$0x50];
	_ =	sdelay $0x4  }
0xc9: {  	v61 =	vshrl.u32 v3, $0x3  }
0xca: {  	v4 =	vmul.u32 $0x30, v61  }
0xcb: {  	v3 =	vand.u32 $0x7, v3  }
0xcc: {  	v3 =	vor.u32 v3, v4  }
0xcd: {  	v4 =	vperm.xlane v3, v0;
	_ =	sdelay $0x1  }
0xce: {  	v4 =	vadd.s32 v1, v4;
	_ =	sdelay $0x3  }
0xcf: {  	v3 =	vperm.xlane v3, v2  }
0xd0: {  	[tilespmem:s19], [sflag:$0x3] =	stream.indirect_vreg.gather [hbm4b:s28+s1], $0x80, v4, vm0, $0xb8;
	[tilespmem:$0x1E200] =	vst v63  }
0xd1: {  	s3 =	simm.s32 $0xFA00;
	v3 =	vadd.s32 v1, v3  }
0xd2: {  	[tilespmem:s3], [sflag:$0x3] =	stream.indirect_vreg.gather [hbm4b:s8+s1], $0x80, v4, vm0, $0xb8;
	[tilespmem:$0x1E200] =	vst v63  }
0xd3: {  	s5 =	simm.s32 $0x10200  }
0xd4: {  	[tilespmem:s5], [sflag:$0x3] =	stream.indirect_vreg.gather [hbm4b:s9+s1], $0x80, v4, vm0, $0xb8;
	[tilespmem:$0x1E200] =	vst v63  }
0xd5: {  	_ = 	snop  }
0xd6: {  	[tilespmem:s10], [sflag:$0x3] =	stream.indirect_vreg.gather [hbm4b:s28+s1], $0x80, v3, vm0, $0xb8;
	[tilespmem:$0x1E200] =	vst v63  }
0xd7: {  	s6 =	simm.s32 $0x11200  }
0xd8: {  	[tilespmem:s6], [sflag:$0x3] =	stream.indirect_vreg.gather [hbm4b:s8+s1], $0x80, v3, vm0, $0xb8;
	[tilespmem:$0x1E200] =	vst v63  }
0xd9: {  	s10 =	simm.s32 $0x11A00  }
0xda: {  	[tilespmem:s10], [sflag:$0x3] =	stream.indirect_vreg.gather [hbm4b:s9+s1], $0x80, v3, vm0, $0xb8;
	[tilespmem:$0x1E200] =	vst v63  }
0xdb: {  	s15 =	rddreg [dreg:$0x7];
	s16 =	simm.s32 $0x1B200  }
0xdc: {  	[tilespmem:s16], [sflag:$0x7] =	stream.linear.gather [hbm4b:s15+s1], $0x1800, $0x38;
	[tilespmem:$0x1E200] =	vst v63  }
0xdd: {  	v3 =	vld [tilespmem:$0x60];
	_ =	sdelay $0x4  }
0xde: {  	v62 =	vshrl.u32 v3, $0x3  }
0xdf: {  	v4 =	vmul.u32 $0x30, v62  }
0xe0: {  	v3 =	vand.u32 $0x7, v3  }
0xe1: {  	v3 =	vor.u32 v3, v4  }
0xe2: {  	v4 =	vperm.xlane v3, v0;
	_ =	sdelay $0x1  }
0xe3: {  	v4 =	vadd.s32 v1, v4;
	_ =	sdelay $0x3  }
0xe4: {  	v3 =	vperm.xlane v3, v2  }
0xe5: {  	[tilespmem:s7], [sflag:$0x4] =	stream.indirect_vreg.gather [hbm4b:s28+s1], $0x80, v4, vm0, $0xb8;
	[tilespmem:$0x1E200] =	vst v63  }
0xe6: {  	s17 =	simm.s32 $0x12A00;
	v3 =	vadd.s32 v1, v3  }
0xe7: {  	[tilespmem:s17], [sflag:$0x4] =	stream.indirect_vreg.gather [hbm4b:s8+s1], $0x80, v4, vm0, $0xb8;
	[tilespmem:$0x1E200] =	vst v63  }
0xe8: {  	s18 =	simm.s32 $0x13200  }
0xe9: {  	[tilespmem:s18], [sflag:$0x4] =	stream.indirect_vreg.gather [hbm4b:s9+s1], $0x80, v4, vm0, $0xb8;
	[tilespmem:$0x1E200] =	vst v63  }
0xea: {  	_ = 	snop  }
0xeb: {  	[tilespmem:s11], [sflag:$0x4] =	stream.indirect_vreg.gather [hbm4b:s28+s1], $0x80, v3, vm0, $0xb8;
	[tilespmem:$0x1E200] =	vst v63  }
0xec: {  	s19 =	simm.s32 $0x14200  }
0xed: {  	[tilespmem:s19], [sflag:$0x4] =	stream.indirect_vreg.gather [hbm4b:s8+s1], $0x80, v3, vm0, $0xb8;
	[tilespmem:$0x1E200] =	vst v63  }
0xee: {  	s20 =	simm.s32 $0x14A00  }
0xef: {  	[tilespmem:s20], [sflag:$0x4] =	stream.indirect_vreg.gather [hbm4b:s9+s1], $0x80, v3, vm0, $0xb8;
	[tilespmem:$0x1E200] =	vst v63  }
0xf0: {  	v3 =	vld [tilespmem:$0x70];
	_ =	sdelay $0x4  }
0xf1: {  	v63 =	vshrl.u32 v3, $0x3  }
0xf2: {  	v4 =	vmul.u32 $0x30, v63  }
0xf3: {  	v3 =	vand.u32 $0x7, v3  }
0xf4: {  	v3 =	vor.u32 v3, v4  }
0xf5: {  	v4 =	vperm.xlane v3, v0;
	_ =	sdelay $0x1  }
0xf6: {  	v4 =	vadd.s32 v1, v4;
	_ =	sdelay $0x3  }
0xf7: {  	v3 =	vperm.xlane v3, v2  }
0xf8: {  	[tilespmem:s12], [sflag:$0x4] =	stream.indirect_vreg.gather [hbm4b:s28+s1], $0x80, v4, vm0, $0xb8;
	[tilespmem:$0x1E200] =	vst v63  }
0xf9: {  	s21 =	simm.s32 $0x15A00;
	v3 =	vadd.s32 v1, v3  }
0xfa: {  	[tilespmem:s21], [sflag:$0x4] =	stream.indirect_vreg.gather [hbm4b:s8+s1], $0x80, v4, vm0, $0xb8;
	[tilespmem:$0x1E200] =	vst v63  }
0xfb: {  	s23 =	simm.s32 $0x16200  }
0xfc: {  	[tilespmem:s23], [sflag:$0x4] =	stream.indirect_vreg.gather [hbm4b:s9+s1], $0x80, v4, vm0, $0xb8;
	[tilespmem:$0x1E200] =	vst v63  }
0xfd: {  	_ = 	snop  }
0xfe: {  	[tilespmem:s13], [sflag:$0x4] =	stream.indirect_vreg.gather [hbm4b:s28+s1], $0x80, v3, vm0, $0xb8;
	[tilespmem:$0x1E200] =	vst v63  }
0xff: {  	s24 =	simm.s32 $0x17200  }
0x100: {  	[tilespmem:s24], [sflag:$0x4] =	stream.indirect_vreg.gather [hbm4b:s8+s1], $0x80, v3, vm0, $0xb8;
	[tilespmem:$0x1E200] =	vst v63  }
0x101: {  	s25 =	simm.s32 $0x17A00  }
0x102: {  	[tilespmem:s25], [sflag:$0x4] =	stream.indirect_vreg.gather [hbm4b:s9+s1], $0x80, v3, vm0, $0xb8;
	[tilespmem:$0x1E200] =	vst v63  }
0x103: {  	s26 =	rddreg [dreg:$0x8];
	s29 =	simm.s32 $0x1CA00;
	s30 =	simm.s32 $0x1  }
0x104: {  	[tilespmem:s29], [sflag:$0x8] =	stream.linear.gather [hbm4b:s26+s1], $0x1800, $0x38;
	[tilespmem:$0x1E200] =	vst v63  }
0x105: {  	_ =	swait.ge [sflag:s30], $0x6000  }
0x106: {  	[sflag:s30] =	ssyncset.done $0x0  }
0x107: {  	s31 =	simm.s32 $0x5;
	[sflag:s30] =	ssyncadd.s32 $0xFFFFA000  }
0x108: {  	_ =	swait.ge [sflag:s31], $0x1800  }
0x109: {  	s10 =	simm.s32 $0x12200;
	s19 =	simm.s32 $0x13A00;
	[sflag:s31] =	ssyncset.done $0x0  }
0x10a: {  	s13 =	simm.s32 $0x0;
	s24 =	simm.s32 $0x15200;
	[sflag:s31] =	ssyncadd.s32 $0xFFFFE800  }
.LBB2_2:
0x10b: {  	s2 =	simm.s32 $0x0  }
0x10c: {  	s20 =	sshll.u32 s13, $0x7;
	s16 =	sand.u32 $0x60, s2;
	s11 =	sand.u32 $0x1C00, s2  }
0x10d: {  	s2 =	sor.u32 s20, s11;
	s23 =	sor.u32 $0x10, s16  }
0x10e: {  	s21 =	sor.u32 s23, s2  }
0x10f: {  	v3 =	vld [tilespmem:s21+$0x18200];
	_ =	sdelay $0x2  }
0x110: {  	s17 =	simm.s32 $0x0;
	s31 =	sadd.s32 $0x1A00, s20;
	s26 =	sor.u32 s16, s2  }
0x111: {  	s29 =	simm.s32 $0x20;
	s5 =	sadd.s32 $0x3200, s20;
	s18 =	sadd.s32 s11, s31;
	v4 =	vld [tilespmem:s26+$0x18200]  }
0x112: {  	s12 =	sadd.s32 $0x4A00, s20;
	s2 =	sadd.s32 s11, s5;
	s25 =	sadd.s32 s23, s18;
	[tilespmem:s21+$0x200] =	vst.add.f32.msk $0xffff, v3  }
0x113: {  	s11 =	sadd.s32 s11, s12;
	s21 =	simm.s32 $0x100;
	[tilespmem:s25+$0x0] =	vst.add.f32.msk $0xffff, v3;
	s25 =	sadd.s32 s23, s2  }
.LBB2_3:
0x114: {  	s30 =	sand.u32 $0x60, s29;
	s3 =	sand.u32 $0x1C00, s21;
	[tilespmem:s25+$0x0] =	vst.add.f32.msk $0xffff, v3;
	s25 =	sadd.s32 s23, s11  }
0x115: {  	s18 =	sadd.s32 s16, s18;
	s7 =	sor.u32 s20, s3;
	s23 =	sor.u32 $0x10, s30;
	[tilespmem:s25+$0x0] =	vst.add.f32.msk $0xffff, v3  }
0x116: {  	s2 =	sadd.s32 s16, s2;
	s25 =	sor.u32 s23, s7;
	[tilespmem:s26+$0x200] =	vst.add.f32.msk $0xffff, v4;
	s26 =	sor.u32 s30, s7  }
0x117: {  	s17 =	sadd.s32 $0x2, s17;
	s7 =	sadd.s32 s16, s11;
	s16 =	smov.u32 s30;
	v3 =	vld [tilespmem:s25+$0x18200]  }
0x118: {  	p0 =	slt.u32 s17, $0x2E;
	v5 =	vld [tilespmem:s26+$0x18200]  }
.Ltmp0:
0x119: {  	[tilespmem:s18+$0x0] =	vst.add.f32.msk $0xffff, v4;
	(pc) =	sbr.rel @p0 .LBB2_3-.Ltmp0, $4  }
0x11a: {  	[tilespmem:s2+$0x0] =	vst.add.f32.msk $0xffff, v4  }
0x11b: {  	s18 =	sadd.s32 s3, s31;
	[tilespmem:s7+$0x0] =	vst.add.f32.msk $0xffff, v4  }
0x11c: {  	s21 =	sadd.s32 $0x100, s21;
	s2 =	sadd.s32 s3, s5;
	s7 =	sadd.s32 s23, s18;
	[tilespmem:s25+$0x200] =	vst.add.f32.msk $0xffff, v3  }
0x11d: {  	s29 =	sadd.s32 $0x20, s29;
	s11 =	sadd.s32 s3, s12;
	s25 =	sadd.s32 s23, s2;
	[tilespmem:s7+$0x0] =	vst.add.f32.msk $0xffff, v3;
	v4 =	vmov v5  }
0x11e: {  	s13 =	sadd.s32 $0x1, s13  }
0x11f: {  	[tilespmem:s25+$0x0] =	vst.add.f32.msk $0xffff, v3;
	p0 =	sne.s32 s13, $0x8  }
.Ltmp1:
0x120: {  	s3 =	sadd.s32 s23, s11;
	[tilespmem:s26+$0x200] =	vst.add.f32.msk $0xffff, v4;
	(pc) =	sbr.rel @p0 .LBB2_2-.Ltmp1, $4  }
0x121: {  	s30 =	sadd.s32 s16, s18;
	[tilespmem:s3+$0x0] =	vst.add.f32.msk $0xffff, v3  }
0x122: {  	s2 =	sadd.s32 s16, s2;
	[tilespmem:s30+$0x0] =	vst.add.f32.msk $0xffff, v4  }
0x123: {  	s31 =	sadd.s32 s16, s11;
	[tilespmem:s2+$0x0] =	vst.add.f32.msk $0xffff, v4  }
0x124: {  	[tilespmem:s31+$0x0] =	vst.add.f32.msk $0xffff, v4  }
0x125: {  	s2 =	rddreg [dreg:$0x9]  }
0x126: {  	s13 =	simm.s32 $0x0;
	s3 =	simm.s32 $0x200;
	s7 =	sld [smem:$0x7CE]  }
0x127: {  	[hbm4b:s2+s13] =	stream.linear.scatter [tilespmem:s3], [sflag:$0x9], $0x1800, $0x38;
	[tilespmem:$0x1E200] =	vst v63  }
0x128: {  	s5 =	simm.s32 $0x1A00;
	s11 =	sld [smem:$0x7CF]  }
0x129: {  	[hbm4b:s7+s13] =	stream.linear.scatter [tilespmem:s5], [sflag:$0x9], $0x1800, $0x38;
	[tilespmem:$0x1E200] =	vst v63  }
0x12a: {  	s6 =	simm.s32 $0x3200;
	s12 =	sld [smem:$0x7D0]  }
0x12b: {  	[hbm4b:s11+s13] =	stream.linear.scatter [tilespmem:s6], [sflag:$0x9], $0x1800, $0x38;
	[tilespmem:$0x1E200] =	vst v63  }
0x12c: {  	s7 =	simm.s32 $0x4A00  }
0x12d: {  	[hbm4b:s12+s13] =	stream.linear.scatter [tilespmem:s7], [sflag:$0x9], $0x1800, $0x38;
	[tilespmem:$0x1E200] =	vst v63  }
0x12e: {  	_ =	swait.ge [sflag:s0], $0x1800  }
0x12f: {  	[sflag:s0] =	ssyncset.done $0x0  }
0x130: {  	[sflag:s0] =	ssyncadd.s32 $0xFFFFE800  }
0x131: {  	_ =	swait.ge [sflag:s0], $0x1800  }
0x132: {  	[sflag:s0] =	ssyncset.done $0x0  }
0x133: {  	[sflag:s0] =	ssyncadd.s32 $0xFFFFE800  }
0x134: {  	_ =	swait.ge [sflag:s0], $0x1800  }
0x135: {  	[sflag:s0] =	ssyncset.done $0x0  }
0x136: {  	[sflag:s0] =	ssyncadd.s32 $0xFFFFE800  }
0x137: {  	_ =	swait.ge [sflag:s0], $0x1800  }
0x138: {  	[sflag:s0] =	ssyncset.done $0x0  }
0x139: {  	[sflag:s0] =	ssyncadd.s32 $0xFFFFE800  }
0x13a: {  	v3 =	vld [tilespmem:$0x80];
	_ =	sdelay $0x4  }
0x13b: {  	v4 =	vshrl.u32 v3, $0x3  }
0x13c: {  	v4 =	vmul.u32 $0x30, v4  }
0x13d: {  	v3 =	vand.u32 $0x7, v3  }
0x13e: {  	v3 =	vor.u32 v3, v4  }
0x13f: {  	v4 =	vperm.xlane v3, v0;
	_ =	sdelay $0x1  }
0x140: {  	v4 =	vadd.s32 v1, v4;
	_ =	sdelay $0x3  }
0x141: {  	v3 =	vperm.xlane v3, v2  }
0x142: {  	[tilespmem:s3], [sflag:$0x1] =	stream.indirect_vreg.gather [hbm4b:s28+s13], $0x80, v4, vm0, $0xb8;
	[tilespmem:$0x1E200] =	vst v63  }
0x143: {  	s15 =	simm.s32 $0xA00;
	v3 =	vadd.s32 v1, v3  }
0x144: {  	[tilespmem:s15], [sflag:$0x1] =	stream.indirect_vreg.gather [hbm4b:s8+s13], $0x80, v4, vm0, $0xb8;
	[tilespmem:$0x1E200] =	vst v63  }
0x145: {  	s16 =	simm.s32 $0x1200  }
0x146: {  	[tilespmem:s16], [sflag:$0x1] =	stream.indirect_vreg.gather [hbm4b:s9+s13], $0x80, v4, vm0, $0xb8;
	[tilespmem:$0x1E200] =	vst v63  }
0x147: {  	_ = 	snop  }
0x148: {  	[tilespmem:s5], [sflag:$0x1] =	stream.indirect_vreg.gather [hbm4b:s28+s13], $0x80, v3, vm0, $0xb8;
	[tilespmem:$0x1E200] =	vst v63  }
0x149: {  	s17 =	simm.s32 $0x2200  }
0x14a: {  	[tilespmem:s17], [sflag:$0x1] =	stream.indirect_vreg.gather [hbm4b:s8+s13], $0x80, v3, vm0, $0xb8;
	[tilespmem:$0x1E200] =	vst v63  }
0x14b: {  	s18 =	simm.s32 $0x2A00  }
0x14c: {  	[tilespmem:s18], [sflag:$0x1] =	stream.indirect_vreg.gather [hbm4b:s9+s13], $0x80, v3, vm0, $0xb8;
	[tilespmem:$0x1E200] =	vst v63  }
0x14d: {  	v3 =	vld [tilespmem:$0x90];
	_ =	sdelay $0x4  }
0x14e: {  	v63 =	vshrl.u32 v3, $0x3  }
0x14f: {  	v4 =	vmul.u32 $0x30, v63  }
0x150: {  	v3 =	vand.u32 $0x7, v3  }
0x151: {  	v3 =	vor.u32 v3, v4  }
0x152: {  	v4 =	vperm.xlane v3, v0;
	_ =	sdelay $0x1  }
0x153: {  	v4 =	vadd.s32 v1, v4;
	_ =	sdelay $0x3  }
0x154: {  	v3 =	vperm.xlane v3, v2  }
0x155: {  	[tilespmem:s6], [sflag:$0x1] =	stream.indirect_vreg.gather [hbm4b:s28+s13], $0x80, v4, vm0, $0xb8;
	[tilespmem:$0x1E200] =	vst v63  }
0x156: {  	s20 =	simm.s32 $0x3A00;
	v3 =	vadd.s32 v1, v3  }
0x157: {  	[tilespmem:s20], [sflag:$0x1] =	stream.indirect_vreg.gather [hbm4b:s8+s13], $0x80, v4, vm0, $0xb8;
	[tilespmem:$0x1E200] =	vst v63  }
0x158: {  	s21 =	simm.s32 $0x4200  }
0x159: {  	[tilespmem:s21], [sflag:$0x1] =	stream.indirect_vreg.gather [hbm4b:s9+s13], $0x80, v4, vm0, $0xb8;
	[tilespmem:$0x1E200] =	vst v63  }
0x15a: {  	_ = 	snop  }
0x15b: {  	[tilespmem:s7], [sflag:$0x1] =	stream.indirect_vreg.gather [hbm4b:s28+s13], $0x80, v3, vm0, $0xb8;
	[tilespmem:$0x1E200] =	vst v63  }
0x15c: {  	s23 =	simm.s32 $0x5200  }
0x15d: {  	[tilespmem:s23], [sflag:$0x1] =	stream.indirect_vreg.gather [hbm4b:s8+s13], $0x80, v3, vm0, $0xb8;
	[tilespmem:$0x1E200] =	vst v63  }
0x15e: {  	s25 =	simm.s32 $0x5A00  }
0x15f: {  	[tilespmem:s25], [sflag:$0x1] =	stream.indirect_vreg.gather [hbm4b:s9+s13], $0x80, v3, vm0, $0xb8;
	[tilespmem:$0x1E200] =	vst v63  }
0x160: {  	s29 =	simm.s32 $0x18200;
	s30 =	simm.s32 $0x2;
	s26 =	rddreg [dreg:$0xa]  }
0x161: {  	[tilespmem:s29], [sflag:$0x5] =	stream.linear.gather [hbm4b:s26+s13], $0x1800, $0x38;
	[tilespmem:$0x1E200] =	vst v63  }
0x162: {  	_ =	swait.ge [sflag:s30], $0x6000  }
0x163: {  	[sflag:s30] =	ssyncset.done $0x0  }
0x164: {  	s31 =	simm.s32 $0x6;
	[sflag:s30] =	ssyncadd.s32 $0xFFFFA000  }
0x165: {  	_ =	swait.ge [sflag:s31], $0x1800  }
0x166: {  	[sflag:s31] =	ssyncset.done $0x0  }
0x167: {  	s16 =	simm.s32 $0x0;
	[sflag:s31] =	ssyncadd.s32 $0xFFFFE800  }
.LBB2_6:
0x168: {  	s23 =	sshll.u32 s16, $0x7;
	s20 =	sand.u32 $0x60, s13;
	s2 =	sand.u32 $0x1C00, s13  }
0x169: {  	s3 =	sor.u32 s23, s2;
	s26 =	sor.u32 $0x10, s20  }
0x16a: {  	s7 =	sor.u32 s26, s3  }
0x16b: {  	v3 =	vld [tilespmem:s7+$0x19A00];
	_ =	sdelay $0x2  }
0x16c: {  	s21 =	simm.s32 $0x0;
	s5 =	sadd.s32 $0x7A00, s23;
	s31 =	sor.u32 s20, s3  }
0x16d: {  	s29 =	simm.s32 $0x100;
	s12 =	sadd.s32 $0x9200, s23;
	s25 =	sadd.s32 s2, s5;
	v4 =	vld [tilespmem:s31+$0x19A00]  }
0x16e: {  	s17 =	sadd.s32 $0xAA00, s23;
	s11 =	sadd.s32 s2, s12;
	s15 =	sadd.s32 s26, s25;
	[tilespmem:s7+$0x6200] =	vst.add.f32.msk $0xffff, v3  }
0x16f: {  	s18 =	sadd.s32 s2, s17;
	s2 =	simm.s32 $0x20;
	s30 =	sadd.s32 s26, s11;
	[tilespmem:s15+$0x0] =	vst.add.f32.msk $0xffff, v3  }
.LBB2_7:
0x170: {  	s3 =	sand.u32 $0x60, s2;
	s7 =	sand.u32 $0x1C00, s29;
	[tilespmem:s30+$0x0] =	vst.add.f32.msk $0xffff, v3;
	s30 =	sadd.s32 s26, s18  }
0x171: {  	s25 =	sadd.s32 s20, s25;
	s15 =	sor.u32 s23, s7;
	s26 =	sor.u32 $0x10, s3;
	[tilespmem:s30+$0x0] =	vst.add.f32.msk $0xffff, v3  }
0x172: {  	s11 =	sadd.s32 s20, s11;
	s30 =	sor.u32 s26, s15;
	[tilespmem:s31+$0x6200] =	vst.add.f32.msk $0xffff, v4;
	s31 =	sor.u32 s3, s15  }
0x173: {  	s21 =	sadd.s32 $0x2, s21;
	s15 =	sadd.s32 s20, s18;
	s20 =	smov.u32 s3;
	v3 =	vld [tilespmem:s30+$0x19A00]  }
0x174: {  	p0 =	slt.u32 s21, $0x2E;
	v5 =	vld [tilespmem:s31+$0x19A00]  }
.Ltmp2:
0x175: {  	[tilespmem:s25+$0x0] =	vst.add.f32.msk $0xffff, v4;
	(pc) =	sbr.rel @p0 .LBB2_7-.Ltmp2, $4  }
0x176: {  	[tilespmem:s11+$0x0] =	vst.add.f32.msk $0xffff, v4  }
0x177: {  	s25 =	sadd.s32 s7, s5;
	[tilespmem:s15+$0x0] =	vst.add.f32.msk $0xffff, v4  }
0x178: {  	s29 =	sadd.s32 $0x100, s29;
	s11 =	sadd.s32 s7, s12;
	s3 =	sadd.s32 s26, s25;
	[tilespmem:s30+$0x6200] =	vst.add.f32.msk $0xffff, v3  }
0x179: {  	s2 =	sadd.s32 $0x20, s2;
	s18 =	sadd.s32 s7, s17;
	s30 =	sadd.s32 s26, s11;
	[tilespmem:s3+$0x0] =	vst.add.f32.msk $0xffff, v3;
	v4 =	vmov v5  }
0x17a: {  	s16 =	sadd.s32 $0x1, s16  }
0x17b: {  	[tilespmem:s30+$0x0] =	vst.add.f32.msk $0xffff, v3;
	p0 =	sne.s32 s16, $0x8  }
.Ltmp3:
0x17c: {  	s2 =	sadd.s32 s26, s18;
	[tilespmem:s31+$0x6200] =	vst.add.f32.msk $0xffff, v4;
	(pc) =	sbr.rel @p0 .LBB2_6-.Ltmp3, $4  }
0x17d: {  	s30 =	sadd.s32 s20, s25;
	[tilespmem:s2+$0x0] =	vst.add.f32.msk $0xffff, v3  }
0x17e: {  	s3 =	sadd.s32 s20, s11;
	[tilespmem:s30+$0x0] =	vst.add.f32.msk $0xffff, v4  }
0x17f: {  	s31 =	sadd.s32 s20, s18;
	[tilespmem:s3+$0x0] =	vst.add.f32.msk $0xffff, v4  }
0x180: {  	[tilespmem:s31+$0x0] =	vst.add.f32.msk $0xffff, v4  }
0x181: {  	s2 =	rddreg [dreg:$0xb]  }
0x182: {  	s13 =	simm.s32 $0x0;
	s3 =	simm.s32 $0x6200;
	s7 =	sld [smem:$0x7D1]  }
0x183: {  	[hbm4b:s2+s13] =	stream.linear.scatter [tilespmem:s3], [sflag:$0xA], $0x1800, $0x38;
	[tilespmem:$0x1E200] =	vst v63  }
0x184: {  	s5 =	simm.s32 $0x7A00;
	s11 =	sld [smem:$0x7D2]  }
0x185: {  	[hbm4b:s7+s13] =	stream.linear.scatter [tilespmem:s5], [sflag:$0xA], $0x1800, $0x38;
	[tilespmem:$0x1E200] =	vst v63  }
0x186: {  	s6 =	simm.s32 $0x9200;
	s12 =	sld [smem:$0x7D3]  }
0x187: {  	[hbm4b:s11+s13] =	stream.linear.scatter [tilespmem:s6], [sflag:$0xA], $0x1800, $0x38;
	[tilespmem:$0x1E200] =	vst v63  }
0x188: {  	s7 =	simm.s32 $0xAA00  }
0x189: {  	[hbm4b:s12+s13] =	stream.linear.scatter [tilespmem:s7], [sflag:$0xA], $0x1800, $0x38;
	[tilespmem:$0x1E200] =	vst v63  }
0x18a: {  	_ =	swait.ge [sflag:s14], $0x1800  }
0x18b: {  	[sflag:s14] =	ssyncset.done $0x0  }
0x18c: {  	[sflag:s14] =	ssyncadd.s32 $0xFFFFE800  }
0x18d: {  	_ =	swait.ge [sflag:s14], $0x1800  }
0x18e: {  	[sflag:s14] =	ssyncset.done $0x0  }
0x18f: {  	[sflag:s14] =	ssyncadd.s32 $0xFFFFE800  }
0x190: {  	_ =	swait.ge [sflag:s14], $0x1800  }
0x191: {  	[sflag:s14] =	ssyncset.done $0x0  }
0x192: {  	[sflag:s14] =	ssyncadd.s32 $0xFFFFE800  }
0x193: {  	_ =	swait.ge [sflag:s14], $0x1800  }
0x194: {  	[sflag:s14] =	ssyncset.done $0x0  }
0x195: {  	[sflag:s14] =	ssyncadd.s32 $0xFFFFE800  }
0x196: {  	v3 =	vld [tilespmem:$0xA0];
	_ =	sdelay $0x4  }
0x197: {  	v4 =	vshrl.u32 v3, $0x3  }
0x198: {  	v4 =	vmul.u32 $0x30, v4  }
0x199: {  	v3 =	vand.u32 $0x7, v3  }
0x19a: {  	v3 =	vor.u32 v3, v4  }
0x19b: {  	v4 =	vperm.xlane v3, v0;
	_ =	sdelay $0x1  }
0x19c: {  	v4 =	vadd.s32 v1, v4;
	_ =	sdelay $0x3  }
0x19d: {  	v3 =	vperm.xlane v3, v2  }
0x19e: {  	[tilespmem:s3], [sflag:$0x2] =	stream.indirect_vreg.gather [hbm4b:s28+s13], $0x80, v4, vm0, $0xb8;
	[tilespmem:$0x1E200] =	vst v63  }
0x19f: {  	s15 =	simm.s32 $0x6A00;
	v3 =	vadd.s32 v1, v3  }
0x1a0: {  	[tilespmem:s15], [sflag:$0x2] =	stream.indirect_vreg.gather [hbm4b:s8+s13], $0x80, v4, vm0, $0xb8;
	[tilespmem:$0x1E200] =	vst v63  }
0x1a1: {  	s16 =	simm.s32 $0x7200  }
0x1a2: {  	[tilespmem:s16], [sflag:$0x2] =	stream.indirect_vreg.gather [hbm4b:s9+s13], $0x80, v4, vm0, $0xb8;
	[tilespmem:$0x1E200] =	vst v63  }
0x1a3: {  	_ = 	snop  }
0x1a4: {  	[tilespmem:s5], [sflag:$0x2] =	stream.indirect_vreg.gather [hbm4b:s28+s13], $0x80, v3, vm0, $0xb8;
	[tilespmem:$0x1E200] =	vst v63  }
0x1a5: {  	s17 =	simm.s32 $0x8200  }
0x1a6: {  	[tilespmem:s17], [sflag:$0x2] =	stream.indirect_vreg.gather [hbm4b:s8+s13], $0x80, v3, vm0, $0xb8;
	[tilespmem:$0x1E200] =	vst v63  }
0x1a7: {  	s18 =	simm.s32 $0x8A00  }
0x1a8: {  	[tilespmem:s18], [sflag:$0x2] =	stream.indirect_vreg.gather [hbm4b:s9+s13], $0x80, v3, vm0, $0xb8;
	[tilespmem:$0x1E200] =	vst v63  }
0x1a9: {  	v3 =	vld [tilespmem:$0xB0];
	_ =	sdelay $0x4  }
0x1aa: {  	v63 =	vshrl.u32 v3, $0x3  }
0x1ab: {  	v4 =	vmul.u32 $0x30, v63  }
0x1ac: {  	v3 =	vand.u32 $0x7, v3  }
0x1ad: {  	v3 =	vor.u32 v3, v4  }
0x1ae: {  	v4 =	vperm.xlane v3, v0;
	_ =	sdelay $0x1  }
0x1af: {  	v4 =	vadd.s32 v1, v4;
	_ =	sdelay $0x3  }
0x1b0: {  	v3 =	vperm.xlane v3, v2  }
0x1b1: {  	[tilespmem:s6], [sflag:$0x2] =	stream.indirect_vreg.gather [hbm4b:s28+s13], $0x80, v4, vm0, $0xb8;
	[tilespmem:$0x1E200] =	vst v63  }
0x1b2: {  	s20 =	simm.s32 $0x9A00;
	v3 =	vadd.s32 v1, v3  }
0x1b3: {  	[tilespmem:s20], [sflag:$0x2] =	stream.indirect_vreg.gather [hbm4b:s8+s13], $0x80, v4, vm0, $0xb8;
	[tilespmem:$0x1E200] =	vst v63  }
0x1b4: {  	s21 =	simm.s32 $0xA200  }
0x1b5: {  	[tilespmem:s21], [sflag:$0x2] =	stream.indirect_vreg.gather [hbm4b:s9+s13], $0x80, v4, vm0, $0xb8;
	[tilespmem:$0x1E200] =	vst v63  }
0x1b6: {  	_ = 	snop  }
0x1b7: {  	[tilespmem:s7], [sflag:$0x2] =	stream.indirect_vreg.gather [hbm4b:s28+s13], $0x80, v3, vm0, $0xb8;
	[tilespmem:$0x1E200] =	vst v63  }
0x1b8: {  	s23 =	simm.s32 $0xB200  }
0x1b9: {  	[tilespmem:s23], [sflag:$0x2] =	stream.indirect_vreg.gather [hbm4b:s8+s13], $0x80, v3, vm0, $0xb8;
	[tilespmem:$0x1E200] =	vst v63  }
0x1ba: {  	s25 =	simm.s32 $0xBA00  }
0x1bb: {  	[tilespmem:s25], [sflag:$0x2] =	stream.indirect_vreg.gather [hbm4b:s9+s13], $0x80, v3, vm0, $0xb8;
	[tilespmem:$0x1E200] =	vst v63  }
0x1bc: {  	s29 =	simm.s32 $0x19A00;
	s30 =	simm.s32 $0x3;
	s26 =	rddreg [dreg:$0xc]  }
0x1bd: {  	[tilespmem:s29], [sflag:$0x6] =	stream.linear.gather [hbm4b:s26+s13], $0x1800, $0x38;
	[tilespmem:$0x1E200] =	vst v63  }
0x1be: {  	_ =	swait.ge [sflag:s30], $0x6000  }
0x1bf: {  	[sflag:s30] =	ssyncset.done $0x0  }
0x1c0: {  	s31 =	simm.s32 $0x7;
	[sflag:s30] =	ssyncadd.s32 $0xFFFFA000  }
0x1c1: {  	_ =	swait.ge [sflag:s31], $0x1800  }
0x1c2: {  	[sflag:s31] =	ssyncset.done $0x0  }
0x1c3: {  	s16 =	simm.s32 $0x0;
	[sflag:s31] =	ssyncadd.s32 $0xFFFFE800  }
.LBB2_10:
0x1c4: {  	s23 =	sshll.u32 s16, $0x7;
	s20 =	sand.u32 $0x60, s13;
	s2 =	sand.u32 $0x1C00, s13  }
0x1c5: {  	s3 =	sor.u32 s23, s2;
	s26 =	sor.u32 $0x10, s20  }
0x1c6: {  	s7 =	sor.u32 s26, s3  }
0x1c7: {  	v3 =	vld [tilespmem:s7+$0x1B200];
	_ =	sdelay $0x2  }
0x1c8: {  	s21 =	simm.s32 $0x0;
	s5 =	sadd.s32 $0xDA00, s23;
	s31 =	sor.u32 s20, s3  }
0x1c9: {  	s29 =	simm.s32 $0x100;
	s12 =	sadd.s32 $0xF200, s23;
	s25 =	sadd.s32 s2, s5;
	v4 =	vld [tilespmem:s31+$0x1B200]  }
0x1ca: {  	s17 =	sadd.s32 $0x10A00, s23;
	s11 =	sadd.s32 s2, s12;
	s15 =	sadd.s32 s26, s25;
	[tilespmem:s7+$0xC200] =	vst.add.f32.msk $0xffff, v3  }
0x1cb: {  	s18 =	sadd.s32 s2, s17;
	s2 =	simm.s32 $0x20;
	s30 =	sadd.s32 s26, s11;
	[tilespmem:s15+$0x0] =	vst.add.f32.msk $0xffff, v3  }
.LBB2_11:
0x1cc: {  	s3 =	sand.u32 $0x60, s2;
	s7 =	sand.u32 $0x1C00, s29;
	[tilespmem:s30+$0x0] =	vst.add.f32.msk $0xffff, v3;
	s15 =	sadd.s32 s26, s18  }
0x1cd: {  	s25 =	sadd.s32 s20, s25;
	s30 =	sor.u32 s23, s7;
	s26 =	sor.u32 $0x10, s3;
	[tilespmem:s15+$0x0] =	vst.add.f32.msk $0xffff, v3  }
0x1ce: {  	s11 =	sadd.s32 s20, s11;
	s15 =	sor.u32 s26, s30;
	[tilespmem:s31+$0xC200] =	vst.add.f32.msk $0xffff, v4;
	s31 =	sor.u32 s3, s30  }
0x1cf: {  	s21 =	sadd.s32 $0x2, s21;
	s18 =	sadd.s32 s20, s18;
	s20 =	smov.u32 s3;
	v3 =	vld [tilespmem:s15+$0x1B200]  }
0x1d0: {  	p0 =	slt.u32 s21, $0x2E;
	v5 =	vld [tilespmem:s31+$0x1B200]  }
.Ltmp4:
0x1d1: {  	[tilespmem:s25+$0x0] =	vst.add.f32.msk $0xffff, v4;
	(pc) =	sbr.rel @p0 .LBB2_11-.Ltmp4, $4  }
0x1d2: {  	[tilespmem:s11+$0x0] =	vst.add.f32.msk $0xffff, v4  }
0x1d3: {  	s25 =	sadd.s32 s7, s5;
	[tilespmem:s18+$0x0] =	vst.add.f32.msk $0xffff, v4  }
0x1d4: {  	s29 =	sadd.s32 $0x100, s29;
	s11 =	sadd.s32 s7, s12;
	s3 =	sadd.s32 s26, s25;
	[tilespmem:s15+$0xC200] =	vst.add.f32.msk $0xffff, v3  }
0x1d5: {  	s2 =	sadd.s32 $0x20, s2;
	s18 =	sadd.s32 s7, s17;
	s30 =	sadd.s32 s26, s11;
	[tilespmem:s3+$0x0] =	vst.add.f32.msk $0xffff, v3;
	v4 =	vmov v5  }
0x1d6: {  	s16 =	sadd.s32 $0x1, s16  }
0x1d7: {  	[tilespmem:s30+$0x0] =	vst.add.f32.msk $0xffff, v3;
	p0 =	sne.s32 s16, $0x8  }
.Ltmp5:
0x1d8: {  	s2 =	sadd.s32 s26, s18;
	[tilespmem:s31+$0xC200] =	vst.add.f32.msk $0xffff, v4;
	(pc) =	sbr.rel @p0 .LBB2_10-.Ltmp5, $4  }
0x1d9: {  	s30 =	sadd.s32 s20, s25;
	[tilespmem:s2+$0x0] =	vst.add.f32.msk $0xffff, v3  }
0x1da: {  	s3 =	sadd.s32 s20, s11;
	[tilespmem:s30+$0x0] =	vst.add.f32.msk $0xffff, v4  }
0x1db: {  	s31 =	sadd.s32 s20, s18;
	[tilespmem:s3+$0x0] =	vst.add.f32.msk $0xffff, v4  }
0x1dc: {  	[tilespmem:s31+$0x0] =	vst.add.f32.msk $0xffff, v4  }
0x1dd: {  	s2 =	rddreg [dreg:$0xd]  }
0x1de: {  	s13 =	simm.s32 $0x0;
	s3 =	simm.s32 $0xC200;
	s7 =	sld [smem:$0x7D4]  }
0x1df: {  	[hbm4b:s2+s13] =	stream.linear.scatter [tilespmem:s3], [sflag:$0xB], $0x1800, $0x38;
	[tilespmem:$0x1E200] =	vst v63  }
0x1e0: {  	s5 =	simm.s32 $0xDA00;
	s11 =	sld [smem:$0x7D5]  }
0x1e1: {  	[hbm4b:s7+s13] =	stream.linear.scatter [tilespmem:s5], [sflag:$0xB], $0x1800, $0x38;
	[tilespmem:$0x1E200] =	vst v63  }
0x1e2: {  	s6 =	simm.s32 $0xF200;
	s12 =	sld [smem:$0x7D6]  }
0x1e3: {  	[hbm4b:s11+s13] =	stream.linear.scatter [tilespmem:s6], [sflag:$0xB], $0x1800, $0x38;
	[tilespmem:$0x1E200] =	vst v63  }
0x1e4: {  	s7 =	simm.s32 $0x10A00  }
0x1e5: {  	[hbm4b:s12+s13] =	stream.linear.scatter [tilespmem:s7], [sflag:$0xB], $0x1800, $0x38;
	[tilespmem:$0x1E200] =	vst v63  }
0x1e6: {  	_ =	swait.ge [sflag:s22], $0x1800  }
0x1e7: {  	[sflag:s22] =	ssyncset.done $0x0  }
0x1e8: {  	[sflag:s22] =	ssyncadd.s32 $0xFFFFE800  }
0x1e9: {  	_ =	swait.ge [sflag:s22], $0x1800  }
0x1ea: {  	[sflag:s22] =	ssyncset.done $0x0  }
0x1eb: {  	[sflag:s22] =	ssyncadd.s32 $0xFFFFE800  }
0x1ec: {  	_ =	swait.ge [sflag:s22], $0x1800  }
0x1ed: {  	[sflag:s22] =	ssyncset.done $0x0  }
0x1ee: {  	[sflag:s22] =	ssyncadd.s32 $0xFFFFE800  }
0x1ef: {  	_ =	swait.ge [sflag:s22], $0x1800  }
0x1f0: {  	[sflag:s22] =	ssyncset.done $0x0  }
0x1f1: {  	[sflag:s22] =	ssyncadd.s32 $0xFFFFE800  }
0x1f2: {  	v3 =	vld [tilespmem:$0xC0];
	_ =	sdelay $0x4  }
0x1f3: {  	v4 =	vshrl.u32 v3, $0x3  }
0x1f4: {  	v4 =	vmul.u32 $0x30, v4  }
0x1f5: {  	v3 =	vand.u32 $0x7, v3  }
0x1f6: {  	v3 =	vor.u32 v3, v4  }
0x1f7: {  	v4 =	vperm.xlane v3, v0;
	_ =	sdelay $0x1  }
0x1f8: {  	v4 =	vadd.s32 v1, v4;
	_ =	sdelay $0x3  }
0x1f9: {  	v3 =	vperm.xlane v3, v2  }
0x1fa: {  	[tilespmem:s3], [sflag:$0x3] =	stream.indirect_vreg.gather [hbm4b:s28+s13], $0x80, v4, vm0, $0xb8;
	[tilespmem:$0x1E200] =	vst v63  }
0x1fb: {  	s15 =	simm.s32 $0xCA00;
	v3 =	vadd.s32 v1, v3  }
0x1fc: {  	[tilespmem:s15], [sflag:$0x3] =	stream.indirect_vreg.gather [hbm4b:s8+s13], $0x80, v4, vm0, $0xb8;
	[tilespmem:$0x1E200] =	vst v63  }
0x1fd: {  	s16 =	simm.s32 $0xD200  }
0x1fe: {  	[tilespmem:s16], [sflag:$0x3] =	stream.indirect_vreg.gather [hbm4b:s9+s13], $0x80, v4, vm0, $0xb8;
	[tilespmem:$0x1E200] =	vst v63  }
0x1ff: {  	_ = 	snop  }
0x200: {  	[tilespmem:s5], [sflag:$0x3] =	stream.indirect_vreg.gather [hbm4b:s28+s13], $0x80, v3, vm0, $0xb8;
	[tilespmem:$0x1E200] =	vst v63  }
0x201: {  	s17 =	simm.s32 $0xE200  }
0x202: {  	[tilespmem:s17], [sflag:$0x3] =	stream.indirect_vreg.gather [hbm4b:s8+s13], $0x80, v3, vm0, $0xb8;
	[tilespmem:$0x1E200] =	vst v63  }
0x203: {  	s18 =	simm.s32 $0xEA00  }
0x204: {  	[tilespmem:s18], [sflag:$0x3] =	stream.indirect_vreg.gather [hbm4b:s9+s13], $0x80, v3, vm0, $0xb8;
	[tilespmem:$0x1E200] =	vst v63  }
0x205: {  	v3 =	vld [tilespmem:$0xD0];
	_ =	sdelay $0x4  }
0x206: {  	v63 =	vshrl.u32 v3, $0x3  }
0x207: {  	v4 =	vmul.u32 $0x30, v63  }
0x208: {  	v3 =	vand.u32 $0x7, v3  }
0x209: {  	v3 =	vor.u32 v3, v4  }
0x20a: {  	v4 =	vperm.xlane v3, v0;
	_ =	sdelay $0x1  }
0x20b: {  	v4 =	vadd.s32 v1, v4;
	_ =	sdelay $0x3  }
0x20c: {  	v3 =	vperm.xlane v3, v2  }
0x20d: {  	[tilespmem:s6], [sflag:$0x3] =	stream.indirect_vreg.gather [hbm4b:s28+s13], $0x80, v4, vm0, $0xb8;
	[tilespmem:$0x1E200] =	vst v63  }
0x20e: {  	s20 =	simm.s32 $0xFA00;
	v3 =	vadd.s32 v1, v3  }
0x20f: {  	[tilespmem:s20], [sflag:$0x3] =	stream.indirect_vreg.gather [hbm4b:s8+s13], $0x80, v4, vm0, $0xb8;
	[tilespmem:$0x1E200] =	vst v63  }
0x210: {  	s21 =	simm.s32 $0x10200  }
0x211: {  	[tilespmem:s21], [sflag:$0x3] =	stream.indirect_vreg.gather [hbm4b:s9+s13], $0x80, v4, vm0, $0xb8;
	[tilespmem:$0x1E200] =	vst v63  }
0x212: {  	_ = 	snop  }
0x213: {  	[tilespmem:s7], [sflag:$0x3] =	stream.indirect_vreg.gather [hbm4b:s28+s13], $0x80, v3, vm0, $0xb8;
	[tilespmem:$0x1E200] =	vst v63  }
0x214: {  	s23 =	simm.s32 $0x11200  }
0x215: {  	[tilespmem:s23], [sflag:$0x3] =	stream.indirect_vreg.gather [hbm4b:s8+s13], $0x80, v3, vm0, $0xb8;
	[tilespmem:$0x1E200] =	vst v63  }
0x216: {  	s25 =	simm.s32 $0x11A00  }
0x217: {  	[tilespmem:s25], [sflag:$0x3] =	stream.indirect_vreg.gather [hbm4b:s9+s13], $0x80, v3, vm0, $0xb8;
	[tilespmem:$0x1E200] =	vst v63  }
0x218: {  	s29 =	simm.s32 $0x1B200;
	s30 =	simm.s32 $0x4;
	s26 =	rddreg [dreg:$0xe]  }
0x219: {  	[tilespmem:s29], [sflag:$0x7] =	stream.linear.gather [hbm4b:s26+s13], $0x1800, $0x38;
	[tilespmem:$0x1E200] =	vst v63  }
0x21a: {  	_ =	swait.ge [sflag:s30], $0x6000  }
0x21b: {  	[sflag:s30] =	ssyncset.done $0x0  }
0x21c: {  	s31 =	simm.s32 $0x8;
	[sflag:s30] =	ssyncadd.s32 $0xFFFFA000  }
0x21d: {  	_ =	swait.ge [sflag:s31], $0x1800  }
0x21e: {  	[sflag:s31] =	ssyncset.done $0x0  }
0x21f: {  	s16 =	simm.s32 $0x0;
	[sflag:s31] =	ssyncadd.s32 $0xFFFFE800  }
.LBB2_14:
0x220: {  	s23 =	sshll.u32 s16, $0x7;
	s20 =	sand.u32 $0x60, s13;
	s2 =	sand.u32 $0x1C00, s13  }
0x221: {  	s3 =	sor.u32 s23, s2;
	s26 =	sor.u32 $0x10, s20  }
0x222: {  	s7 =	sor.u32 s26, s3  }
0x223: {  	v3 =	vld [tilespmem:s7+$0x1CA00];
	_ =	sdelay $0x2  }
0x224: {  	s21 =	simm.s32 $0x0;
	s5 =	sadd.s32 $0x13A00, s23;
	s31 =	sor.u32 s20, s3  }
0x225: {  	s29 =	simm.s32 $0x100;
	s12 =	sadd.s32 $0x15200, s23;
	s25 =	sadd.s32 s2, s5;
	v4 =	vld [tilespmem:s31+$0x1CA00]  }
0x226: {  	s17 =	sadd.s32 $0x16A00, s23;
	s11 =	sadd.s32 s2, s12;
	s15 =	sadd.s32 s26, s25;
	[tilespmem:s7+$0x12200] =	vst.add.f32.msk $0xffff, v3  }
0x227: {  	s18 =	sadd.s32 s2, s17;
	s2 =	simm.s32 $0x20;
	s30 =	sadd.s32 s26, s11;
	[tilespmem:s15+$0x0] =	vst.add.f32.msk $0xffff, v3  }
.LBB2_15:
0x228: {  	s3 =	sand.u32 $0x60, s2;
	s7 =	sand.u32 $0x1C00, s29;
	[tilespmem:s30+$0x0] =	vst.add.f32.msk $0xffff, v3;
	s15 =	sadd.s32 s26, s18  }
0x229: {  	s25 =	sadd.s32 s20, s25;
	s30 =	sor.u32 s23, s7;
	s26 =	sor.u32 $0x10, s3;
	[tilespmem:s15+$0x0] =	vst.add.f32.msk $0xffff, v3  }
0x22a: {  	s11 =	sadd.s32 s20, s11;
	s15 =	sor.u32 s26, s30;
	[tilespmem:s31+$0x12200] =	vst.add.f32.msk $0xffff, v4;
	s31 =	sor.u32 s3, s30  }
0x22b: {  	s21 =	sadd.s32 $0x2, s21;
	s18 =	sadd.s32 s20, s18;
	s20 =	smov.u32 s3;
	v3 =	vld [tilespmem:s15+$0x1CA00]  }
0x22c: {  	p0 =	slt.u32 s21, $0x2E;
	v5 =	vld [tilespmem:s31+$0x1CA00]  }
.Ltmp6:
0x22d: {  	[tilespmem:s25+$0x0] =	vst.add.f32.msk $0xffff, v4;
	(pc) =	sbr.rel @p0 .LBB2_15-.Ltmp6, $4  }
0x22e: {  	[tilespmem:s11+$0x0] =	vst.add.f32.msk $0xffff, v4  }
0x22f: {  	s25 =	sadd.s32 s7, s5;
	[tilespmem:s18+$0x0] =	vst.add.f32.msk $0xffff, v4  }
0x230: {  	s29 =	sadd.s32 $0x100, s29;
	s11 =	sadd.s32 s7, s12;
	s3 =	sadd.s32 s26, s25;
	[tilespmem:s15+$0x12200] =	vst.add.f32.msk $0xffff, v3  }
0x231: {  	s2 =	sadd.s32 $0x20, s2;
	s18 =	sadd.s32 s7, s17;
	s30 =	sadd.s32 s26, s11;
	[tilespmem:s3+$0x0] =	vst.add.f32.msk $0xffff, v3;
	v4 =	vmov v5  }
0x232: {  	s16 =	sadd.s32 $0x1, s16  }
0x233: {  	[tilespmem:s30+$0x0] =	vst.add.f32.msk $0xffff, v3;
	p0 =	sne.s32 s16, $0x8  }
.Ltmp7:
0x234: {  	s2 =	sadd.s32 s26, s18;
	[tilespmem:s31+$0x12200] =	vst.add.f32.msk $0xffff, v4;
	(pc) =	sbr.rel @p0 .LBB2_14-.Ltmp7, $4  }
0x235: {  	s30 =	sadd.s32 s20, s25;
	[tilespmem:s2+$0x0] =	vst.add.f32.msk $0xffff, v3  }
0x236: {  	s3 =	sadd.s32 s20, s11;
	[tilespmem:s30+$0x0] =	vst.add.f32.msk $0xffff, v4  }
0x237: {  	s31 =	sadd.s32 s20, s18;
	[tilespmem:s3+$0x0] =	vst.add.f32.msk $0xffff, v4  }
0x238: {  	[tilespmem:s31+$0x0] =	vst.add.f32.msk $0xffff, v4  }
0x239: {  	s2 =	rddreg [dreg:$0xf]  }
0x23a: {  	s13 =	simm.s32 $0x0;
	s7 =	sld [smem:$0x7D7]  }
0x23b: {  	[hbm4b:s2+s13] =	stream.linear.scatter [tilespmem:s10], [sflag:$0xC], $0x1800, $0x38;
	[tilespmem:$0x1E200] =	vst v63  }
0x23c: {  	s11 =	sld [smem:$0x7D8]  }
0x23d: {  	[hbm4b:s7+s13] =	stream.linear.scatter [tilespmem:s19], [sflag:$0xC], $0x1800, $0x38;
	[tilespmem:$0x1E200] =	vst v63  }
0x23e: {  	s12 =	sld [smem:$0x7D9]  }
0x23f: {  	[hbm4b:s11+s13] =	stream.linear.scatter [tilespmem:s24], [sflag:$0xC], $0x1800, $0x38;
	[tilespmem:$0x1E200] =	vst v63  }
0x240: {  	s3 =	simm.s32 $0x16A00  }
0x241: {  	[hbm4b:s12+s13] =	stream.linear.scatter [tilespmem:s3], [sflag:$0xC], $0x1800, $0x38;
	[tilespmem:$0x1E200] =	vst v63  }
0x242: {  	_ =	swait.ge [sflag:s4], $0x1800  }
0x243: {  	[sflag:s4] =	ssyncset.done $0x0  }
0x244: {  	[sflag:s4] =	ssyncadd.s32 $0xFFFFE800  }
0x245: {  	_ =	swait.ge [sflag:s4], $0x1800  }
0x246: {  	[sflag:s4] =	ssyncset.done $0x0  }
0x247: {  	[sflag:s4] =	ssyncadd.s32 $0xFFFFE800  }
0x248: {  	_ =	swait.ge [sflag:s4], $0x1800  }
0x249: {  	[sflag:s4] =	ssyncset.done $0x0  }
0x24a: {  	[sflag:s4] =	ssyncadd.s32 $0xFFFFE800  }
0x24b: {  	_ =	swait.ge [sflag:s4], $0x1800  }
0x24c: {  	[sflag:s4] =	ssyncset.done $0x0  }
0x24d: {  	[sflag:s4] =	ssyncadd.s32 $0xFFFFE800  }
0x24e: {  	v3 =	vld [tilespmem:$0xE0];
	_ =	sdelay $0x4  }
0x24f: {  	v4 =	vshrl.u32 v3, $0x3  }
0x250: {  	v4 =	vmul.u32 $0x30, v4  }
0x251: {  	v3 =	vand.u32 $0x7, v3  }
0x252: {  	v3 =	vor.u32 v3, v4  }
0x253: {  	v4 =	vperm.xlane v3, v0;
	_ =	sdelay $0x1  }
0x254: {  	v4 =	vadd.s32 v1, v4;
	_ =	sdelay $0x3  }
0x255: {  	v3 =	vperm.xlane v3, v2  }
0x256: {  	[tilespmem:s10], [sflag:$0x4] =	stream.indirect_vreg.gather [hbm4b:s28+s13], $0x80, v4, vm0, $0xb8;
	[tilespmem:$0x1E200] =	vst v63  }
0x257: {  	s15 =	simm.s32 $0x12A00;
	v3 =	vadd.s32 v1, v3  }
0x258: {  	[tilespmem:s15], [sflag:$0x4] =	stream.indirect_vreg.gather [hbm4b:s8+s13], $0x80, v4, vm0, $0xb8;
	[tilespmem:$0x1E200] =	vst v63  }
0x259: {  	s16 =	simm.s32 $0x13200  }
0x25a: {  	[tilespmem:s16], [sflag:$0x4] =	stream.indirect_vreg.gather [hbm4b:s9+s13], $0x80, v4, vm0, $0xb8;
	[tilespmem:$0x1E200] =	vst v63  }
0x25b: {  	_ = 	snop  }
0x25c: {  	[tilespmem:s19], [sflag:$0x4] =	stream.indirect_vreg.gather [hbm4b:s28+s13], $0x80, v3, vm0, $0xb8;
	[tilespmem:$0x1E200] =	vst v63  }
0x25d: {  	s17 =	simm.s32 $0x14200  }
0x25e: {  	[tilespmem:s17], [sflag:$0x4] =	stream.indirect_vreg.gather [hbm4b:s8+s13], $0x80, v3, vm0, $0xb8;
	[tilespmem:$0x1E200] =	vst v63  }
0x25f: {  	s18 =	simm.s32 $0x14A00  }
0x260: {  	[tilespmem:s18], [sflag:$0x4] =	stream.indirect_vreg.gather [hbm4b:s9+s13], $0x80, v3, vm0, $0xb8;
	[tilespmem:$0x1E200] =	vst v63  }
0x261: {  	v3 =	vld [tilespmem:$0xF0];
	_ =	sdelay $0x4  }
0x262: {  	v63 =	vshrl.u32 v3, $0x3  }
0x263: {  	v4 =	vmul.u32 $0x30, v63  }
0x264: {  	v3 =	vand.u32 $0x7, v3  }
0x265: {  	v3 =	vor.u32 v3, v4  }
0x266: {  	v4 =	vperm.xlane v3, v0;
	_ =	sdelay $0x1  }
0x267: {  	v4 =	vadd.s32 v1, v4;
	_ =	sdelay $0x3  }
0x268: {  	v3 =	vperm.xlane v3, v2  }
0x269: {  	[tilespmem:s24], [sflag:$0x4] =	stream.indirect_vreg.gather [hbm4b:s28+s13], $0x80, v4, vm0, $0xb8;
	[tilespmem:$0x1E200] =	vst v63  }
0x26a: {  	s20 =	simm.s32 $0x15A00;
	v3 =	vadd.s32 v1, v3  }
0x26b: {  	[tilespmem:s20], [sflag:$0x4] =	stream.indirect_vreg.gather [hbm4b:s8+s13], $0x80, v4, vm0, $0xb8;
	[tilespmem:$0x1E200] =	vst v63  }
0x26c: {  	s21 =	simm.s32 $0x16200  }
0x26d: {  	[tilespmem:s21], [sflag:$0x4] =	stream.indirect_vreg.gather [hbm4b:s9+s13], $0x80, v4, vm0, $0xb8;
	[tilespmem:$0x1E200] =	vst v63  }
0x26e: {  	_ = 	snop  }
0x26f: {  	[tilespmem:s3], [sflag:$0x4] =	stream.indirect_vreg.gather [hbm4b:s28+s13], $0x80, v3, vm0, $0xb8;
	[tilespmem:$0x1E200] =	vst v63  }
0x270: {  	s23 =	simm.s32 $0x17200  }
0x271: {  	[tilespmem:s23], [sflag:$0x4] =	stream.indirect_vreg.gather [hbm4b:s8+s13], $0x80, v3, vm0, $0xb8;
	[tilespmem:$0x1E200] =	vst v63  }
0x272: {  	s25 =	simm.s32 $0x17A00  }
0x273: {  	[tilespmem:s25], [sflag:$0x4] =	stream.indirect_vreg.gather [hbm4b:s9+s13], $0x80, v3, vm0, $0xb8;
	[tilespmem:$0x1E200] =	vst v63  }
0x274: {  	s29 =	simm.s32 $0x1CA00;
	s30 =	simm.s32 $0x1;
	s26 =	rddreg [dreg:$0x10]  }
0x275: {  	[tilespmem:s29], [sflag:$0x8] =	stream.linear.gather [hbm4b:s26+s13], $0x1800, $0x38;
	[tilespmem:$0x1E200] =	vst v63  }
0x276: {  	_ =	swait.ge [sflag:s30], $0x6000  }
0x277: {  	[sflag:s30] =	ssyncset.done $0x0  }
0x278: {  	s31 =	simm.s32 $0x5;
	[sflag:s30] =	ssyncadd.s32 $0xFFFFA000  }
0x279: {  	_ =	swait.ge [sflag:s31], $0x1800  }
0x27a: {  	[sflag:s31] =	ssyncset.done $0x0  }
0x27b: {  	s16 =	simm.s32 $0x0;
	[sflag:s31] =	ssyncadd.s32 $0xFFFFE800  }
.LBB2_18:
0x27c: {  	s23 =	sshll.u32 s16, $0x7;
	s20 =	sand.u32 $0x60, s13;
	s2 =	sand.u32 $0x1C00, s13  }
0x27d: {  	s3 =	sor.u32 s23, s2;
	s26 =	sor.u32 $0x10, s20  }
0x27e: {  	s7 =	sor.u32 s26, s3  }
0x27f: {  	v3 =	vld [tilespmem:s7+$0x18200];
	_ =	sdelay $0x2  }
0x280: {  	s21 =	simm.s32 $0x0;
	s5 =	sadd.s32 $0x1A00, s23;
	s31 =	sor.u32 s20, s3  }
0x281: {  	s29 =	simm.s32 $0x100;
	s12 =	sadd.s32 $0x3200, s23;
	s25 =	sadd.s32 s2, s5;
	v4 =	vld [tilespmem:s31+$0x18200]  }
0x282: {  	s17 =	sadd.s32 $0x4A00, s23;
	s11 =	sadd.s32 s2, s12;
	s15 =	sadd.s32 s26, s25;
	[tilespmem:s7+$0x200] =	vst.add.f32.msk $0xffff, v3  }
0x283: {  	s18 =	sadd.s32 s2, s17;
	s2 =	simm.s32 $0x20;
	s30 =	sadd.s32 s26, s11;
	[tilespmem:s15+$0x0] =	vst.add.f32.msk $0xffff, v3  }
.LBB2_19:
0x284: {  	s3 =	sand.u32 $0x60, s2;
	s7 =	sand.u32 $0x1C00, s29;
	[tilespmem:s30+$0x0] =	vst.add.f32.msk $0xffff, v3;
	s15 =	sadd.s32 s26, s18  }
0x285: {  	s25 =	sadd.s32 s20, s25;
	s30 =	sor.u32 s23, s7;
	s26 =	sor.u32 $0x10, s3;
	[tilespmem:s15+$0x0] =	vst.add.f32.msk $0xffff, v3  }
0x286: {  	s11 =	sadd.s32 s20, s11;
	s15 =	sor.u32 s26, s30;
	[tilespmem:s31+$0x200] =	vst.add.f32.msk $0xffff, v4;
	s31 =	sor.u32 s3, s30  }
0x287: {  	s21 =	sadd.s32 $0x2, s21;
	s18 =	sadd.s32 s20, s18;
	s20 =	smov.u32 s3;
	v3 =	vld [tilespmem:s15+$0x18200]  }
0x288: {  	p0 =	slt.u32 s21, $0x2E;
	v5 =	vld [tilespmem:s31+$0x18200]  }
.Ltmp8:
0x289: {  	[tilespmem:s25+$0x0] =	vst.add.f32.msk $0xffff, v4;
	(pc) =	sbr.rel @p0 .LBB2_19-.Ltmp8, $4  }
0x28a: {  	[tilespmem:s11+$0x0] =	vst.add.f32.msk $0xffff, v4  }
0x28b: {  	s25 =	sadd.s32 s7, s5;
	[tilespmem:s18+$0x0] =	vst.add.f32.msk $0xffff, v4  }
0x28c: {  	s29 =	sadd.s32 $0x100, s29;
	s11 =	sadd.s32 s7, s12;
	s3 =	sadd.s32 s26, s25;
	[tilespmem:s15+$0x200] =	vst.add.f32.msk $0xffff, v3  }
0x28d: {  	s2 =	sadd.s32 $0x20, s2;
	s18 =	sadd.s32 s7, s17;
	s30 =	sadd.s32 s26, s11;
	[tilespmem:s3+$0x0] =	vst.add.f32.msk $0xffff, v3;
	v4 =	vmov v5  }
0x28e: {  	s16 =	sadd.s32 $0x1, s16  }
0x28f: {  	[tilespmem:s30+$0x0] =	vst.add.f32.msk $0xffff, v3;
	p0 =	sne.s32 s16, $0x8  }
.Ltmp9:
0x290: {  	s2 =	sadd.s32 s26, s18;
	[tilespmem:s31+$0x200] =	vst.add.f32.msk $0xffff, v4;
	(pc) =	sbr.rel @p0 .LBB2_18-.Ltmp9, $4  }
0x291: {  	s30 =	sadd.s32 s20, s25;
	[tilespmem:s2+$0x0] =	vst.add.f32.msk $0xffff, v3  }
0x292: {  	s3 =	sadd.s32 s20, s11;
	[tilespmem:s30+$0x0] =	vst.add.f32.msk $0xffff, v4  }
0x293: {  	s31 =	sadd.s32 s20, s18;
	[tilespmem:s3+$0x0] =	vst.add.f32.msk $0xffff, v4  }
0x294: {  	[tilespmem:s31+$0x0] =	vst.add.f32.msk $0xffff, v4  }
0x295: {  	s2 =	rddreg [dreg:$0x11]  }
0x296: {  	s13 =	simm.s32 $0x0;
	s3 =	simm.s32 $0x200;
	s7 =	sld [smem:$0x7DA]  }
0x297: {  	[hbm4b:s2+s13] =	stream.linear.scatter [tilespmem:s3], [sflag:$0x9], $0x1800, $0x38;
	[tilespmem:$0x1E200] =	vst v63  }
0x298: {  	s5 =	simm.s32 $0x1A00;
	s11 =	sld [smem:$0x7DB]  }
0x299: {  	[hbm4b:s7+s13] =	stream.linear.scatter [tilespmem:s5], [sflag:$0x9], $0x1800, $0x38;
	[tilespmem:$0x1E200] =	vst v63  }
0x29a: {  	s6 =	simm.s32 $0x3200;
	s12 =	sld [smem:$0x7DC]  }
0x29b: {  	[hbm4b:s11+s13] =	stream.linear.scatter [tilespmem:s6], [sflag:$0x9], $0x1800, $0x38;
	[tilespmem:$0x1E200] =	vst v63  }
0x29c: {  	s7 =	simm.s32 $0x4A00  }
0x29d: {  	[hbm4b:s12+s13] =	stream.linear.scatter [tilespmem:s7], [sflag:$0x9], $0x1800, $0x38;
	[tilespmem:$0x1E200] =	vst v63  }
0x29e: {  	_ =	swait.ge [sflag:s0], $0x1800  }
0x29f: {  	[sflag:s0] =	ssyncset.done $0x0  }
0x2a0: {  	[sflag:s0] =	ssyncadd.s32 $0xFFFFE800  }
0x2a1: {  	_ =	swait.ge [sflag:s0], $0x1800  }
0x2a2: {  	[sflag:s0] =	ssyncset.done $0x0  }
0x2a3: {  	[sflag:s0] =	ssyncadd.s32 $0xFFFFE800  }
0x2a4: {  	_ =	swait.ge [sflag:s0], $0x1800  }
0x2a5: {  	[sflag:s0] =	ssyncset.done $0x0  }
0x2a6: {  	[sflag:s0] =	ssyncadd.s32 $0xFFFFE800  }
0x2a7: {  	_ =	swait.ge [sflag:s0], $0x1800  }
0x2a8: {  	[sflag:s0] =	ssyncset.done $0x0  }
0x2a9: {  	[sflag:s0] =	ssyncadd.s32 $0xFFFFE800  }
0x2aa: {  	v3 =	vld [tilespmem:$0x100];
	_ =	sdelay $0x4  }
0x2ab: {  	v4 =	vshrl.u32 v3, $0x3  }
0x2ac: {  	v4 =	vmul.u32 $0x30, v4  }
0x2ad: {  	v3 =	vand.u32 $0x7, v3  }
0x2ae: {  	v3 =	vor.u32 v3, v4  }
0x2af: {  	v4 =	vperm.xlane v3, v0;
	_ =	sdelay $0x1  }
0x2b0: {  	v4 =	vadd.s32 v1, v4;
	_ =	sdelay $0x3  }
0x2b1: {  	v3 =	vperm.xlane v3, v2  }
0x2b2: {  	[tilespmem:s3], [sflag:$0x1] =	stream.indirect_vreg.gather [hbm4b:s28+s13], $0x80, v4, vm0, $0xb8;
	[tilespmem:$0x1E200] =	vst v63  }
0x2b3: {  	s15 =	simm.s32 $0xA00;
	v3 =	vadd.s32 v1, v3  }
0x2b4: {  	[tilespmem:s15], [sflag:$0x1] =	stream.indirect_vreg.gather [hbm4b:s8+s13], $0x80, v4, vm0, $0xb8;
	[tilespmem:$0x1E200] =	vst v63  }
0x2b5: {  	s16 =	simm.s32 $0x1200  }
0x2b6: {  	[tilespmem:s16], [sflag:$0x1] =	stream.indirect_vreg.gather [hbm4b:s9+s13], $0x80, v4, vm0, $0xb8;
	[tilespmem:$0x1E200] =	vst v63  }
0x2b7: {  	_ = 	snop  }
0x2b8: {  	[tilespmem:s5], [sflag:$0x1] =	stream.indirect_vreg.gather [hbm4b:s28+s13], $0x80, v3, vm0, $0xb8;
	[tilespmem:$0x1E200] =	vst v63  }
0x2b9: {  	s17 =	simm.s32 $0x2200  }
0x2ba: {  	[tilespmem:s17], [sflag:$0x1] =	stream.indirect_vreg.gather [hbm4b:s8+s13], $0x80, v3, vm0, $0xb8;
	[tilespmem:$0x1E200] =	vst v63  }
0x2bb: {  	s18 =	simm.s32 $0x2A00  }
0x2bc: {  	[tilespmem:s18], [sflag:$0x1] =	stream.indirect_vreg.gather [hbm4b:s9+s13], $0x80, v3, vm0, $0xb8;
	[tilespmem:$0x1E200] =	vst v63  }
0x2bd: {  	v3 =	vld [tilespmem:$0x110];
	_ =	sdelay $0x4  }
0x2be: {  	v63 =	vshrl.u32 v3, $0x3  }
0x2bf: {  	v4 =	vmul.u32 $0x30, v63  }
0x2c0: {  	v3 =	vand.u32 $0x7, v3  }
0x2c1: {  	v3 =	vor.u32 v3, v4  }
0x2c2: {  	v4 =	vperm.xlane v3, v0;
	_ =	sdelay $0x1  }
0x2c3: {  	v4 =	vadd.s32 v1, v4;
	_ =	sdelay $0x3  }
0x2c4: {  	v3 =	vperm.xlane v3, v2  }
0x2c5: {  	[tilespmem:s6], [sflag:$0x1] =	stream.indirect_vreg.gather [hbm4b:s28+s13], $0x80, v4, vm0, $0xb8;
	[tilespmem:$0x1E200] =	vst v63  }
0x2c6: {  	s20 =	simm.s32 $0x3A00;
	v3 =	vadd.s32 v1, v3  }
0x2c7: {  	[tilespmem:s20], [sflag:$0x1] =	stream.indirect_vreg.gather [hbm4b:s8+s13], $0x80, v4, vm0, $0xb8;
	[tilespmem:$0x1E200] =	vst v63  }
0x2c8: {  	s21 =	simm.s32 $0x4200  }
0x2c9: {  	[tilespmem:s21], [sflag:$0x1] =	stream.indirect_vreg.gather [hbm4b:s9+s13], $0x80, v4, vm0, $0xb8;
	[tilespmem:$0x1E200] =	vst v63  }
0x2ca: {  	_ = 	snop  }
0x2cb: {  	[tilespmem:s7], [sflag:$0x1] =	stream.indirect_vreg.gather [hbm4b:s28+s13], $0x80, v3, vm0, $0xb8;
	[tilespmem:$0x1E200] =	vst v63  }
0x2cc: {  	s23 =	simm.s32 $0x5200  }
0x2cd: {  	[tilespmem:s23], [sflag:$0x1] =	stream.indirect_vreg.gather [hbm4b:s8+s13], $0x80, v3, vm0, $0xb8;
	[tilespmem:$0x1E200] =	vst v63  }
0x2ce: {  	s25 =	simm.s32 $0x5A00  }
0x2cf: {  	[tilespmem:s25], [sflag:$0x1] =	stream.indirect_vreg.gather [hbm4b:s9+s13], $0x80, v3, vm0, $0xb8;
	[tilespmem:$0x1E200] =	vst v63  }
0x2d0: {  	s29 =	simm.s32 $0x18200;
	s30 =	simm.s32 $0x2;
	s26 =	rddreg [dreg:$0x12]  }
0x2d1: {  	[tilespmem:s29], [sflag:$0x5] =	stream.linear.gather [hbm4b:s26+s13], $0x1800, $0x38;
	[tilespmem:$0x1E200] =	vst v63  }
0x2d2: {  	_ =	swait.ge [sflag:s30], $0x6000  }
0x2d3: {  	[sflag:s30] =	ssyncset.done $0x0  }
0x2d4: {  	s31 =	simm.s32 $0x6;
	[sflag:s30] =	ssyncadd.s32 $0xFFFFA000  }
0x2d5: {  	_ =	swait.ge [sflag:s31], $0x1800  }
0x2d6: {  	[sflag:s31] =	ssyncset.done $0x0  }
0x2d7: {  	s16 =	simm.s32 $0x0;
	[sflag:s31] =	ssyncadd.s32 $0xFFFFE800  }
.LBB2_22:
0x2d8: {  	s23 =	sshll.u32 s16, $0x7;
	s20 =	sand.u32 $0x60, s13;
	s2 =	sand.u32 $0x1C00, s13  }
0x2d9: {  	s3 =	sor.u32 s23, s2;
	s26 =	sor.u32 $0x10, s20  }
0x2da: {  	s7 =	sor.u32 s26, s3  }
0x2db: {  	v3 =	vld [tilespmem:s7+$0x19A00];
	_ =	sdelay $0x2  }
0x2dc: {  	s21 =	simm.s32 $0x0;
	s5 =	sadd.s32 $0x7A00, s23;
	s31 =	sor.u32 s20, s3  }
0x2dd: {  	s29 =	simm.s32 $0x100;
	s12 =	sadd.s32 $0x9200, s23;
	s25 =	sadd.s32 s2, s5;
	v4 =	vld [tilespmem:s31+$0x19A00]  }
0x2de: {  	s17 =	sadd.s32 $0xAA00, s23;
	s11 =	sadd.s32 s2, s12;
	s15 =	sadd.s32 s26, s25;
	[tilespmem:s7+$0x6200] =	vst.add.f32.msk $0xffff, v3  }
0x2df: {  	s18 =	sadd.s32 s2, s17;
	s2 =	simm.s32 $0x20;
	s30 =	sadd.s32 s26, s11;
	[tilespmem:s15+$0x0] =	vst.add.f32.msk $0xffff, v3  }
.LBB2_23:
0x2e0: {  	s3 =	sand.u32 $0x60, s2;
	s7 =	sand.u32 $0x1C00, s29;
	[tilespmem:s30+$0x0] =	vst.add.f32.msk $0xffff, v3;
	s15 =	sadd.s32 s26, s18  }
0x2e1: {  	s25 =	sadd.s32 s20, s25;
	s30 =	sor.u32 s23, s7;
	s26 =	sor.u32 $0x10, s3;
	[tilespmem:s15+$0x0] =	vst.add.f32.msk $0xffff, v3  }
0x2e2: {  	s11 =	sadd.s32 s20, s11;
	s15 =	sor.u32 s26, s30;
	[tilespmem:s31+$0x6200] =	vst.add.f32.msk $0xffff, v4;
	s31 =	sor.u32 s3, s30  }
0x2e3: {  	s21 =	sadd.s32 $0x2, s21;
	s18 =	sadd.s32 s20, s18;
	s20 =	smov.u32 s3;
	v3 =	vld [tilespmem:s15+$0x19A00]  }
0x2e4: {  	p0 =	slt.u32 s21, $0x2E;
	v5 =	vld [tilespmem:s31+$0x19A00]  }
.Ltmp10:
0x2e5: {  	[tilespmem:s25+$0x0] =	vst.add.f32.msk $0xffff, v4;
	(pc) =	sbr.rel @p0 .LBB2_23-.Ltmp10, $4  }
0x2e6: {  	[tilespmem:s11+$0x0] =	vst.add.f32.msk $0xffff, v4  }
0x2e7: {  	s25 =	sadd.s32 s7, s5;
	[tilespmem:s18+$0x0] =	vst.add.f32.msk $0xffff, v4  }
0x2e8: {  	s29 =	sadd.s32 $0x100, s29;
	s11 =	sadd.s32 s7, s12;
	s3 =	sadd.s32 s26, s25;
	[tilespmem:s15+$0x6200] =	vst.add.f32.msk $0xffff, v3  }
0x2e9: {  	s2 =	sadd.s32 $0x20, s2;
	s18 =	sadd.s32 s7, s17;
	s30 =	sadd.s32 s26, s11;
	[tilespmem:s3+$0x0] =	vst.add.f32.msk $0xffff, v3;
	v4 =	vmov v5  }
0x2ea: {  	s16 =	sadd.s32 $0x1, s16  }
0x2eb: {  	[tilespmem:s30+$0x0] =	vst.add.f32.msk $0xffff, v3;
	p0 =	sne.s32 s16, $0x8  }
.Ltmp11:
0x2ec: {  	s2 =	sadd.s32 s26, s18;
	[tilespmem:s31+$0x6200] =	vst.add.f32.msk $0xffff, v4;
	(pc) =	sbr.rel @p0 .LBB2_22-.Ltmp11, $4  }
0x2ed: {  	s30 =	sadd.s32 s20, s25;
	[tilespmem:s2+$0x0] =	vst.add.f32.msk $0xffff, v3  }
0x2ee: {  	s3 =	sadd.s32 s20, s11;
	[tilespmem:s30+$0x0] =	vst.add.f32.msk $0xffff, v4  }
0x2ef: {  	s31 =	sadd.s32 s20, s18;
	[tilespmem:s3+$0x0] =	vst.add.f32.msk $0xffff, v4  }
0x2f0: {  	[tilespmem:s31+$0x0] =	vst.add.f32.msk $0xffff, v4  }
0x2f1: {  	s2 =	rddreg [dreg:$0x13]  }
0x2f2: {  	s13 =	simm.s32 $0x0;
	s3 =	simm.s32 $0x6200;
	s7 =	sld [smem:$0x7DD]  }
0x2f3: {  	[hbm4b:s2+s13] =	stream.linear.scatter [tilespmem:s3], [sflag:$0xA], $0x1800, $0x38;
	[tilespmem:$0x1E200] =	vst v63  }
0x2f4: {  	s5 =	simm.s32 $0x7A00;
	s11 =	sld [smem:$0x7DE]  }
0x2f5: {  	[hbm4b:s7+s13] =	stream.linear.scatter [tilespmem:s5], [sflag:$0xA], $0x1800, $0x38;
	[tilespmem:$0x1E200] =	vst v63  }
0x2f6: {  	s6 =	simm.s32 $0x9200;
	s12 =	sld [smem:$0x7DF]  }
0x2f7: {  	[hbm4b:s11+s13] =	stream.linear.scatter [tilespmem:s6], [sflag:$0xA], $0x1800, $0x38;
	[tilespmem:$0x1E200] =	vst v63  }
0x2f8: {  	s7 =	simm.s32 $0xAA00  }
0x2f9: {  	[hbm4b:s12+s13] =	stream.linear.scatter [tilespmem:s7], [sflag:$0xA], $0x1800, $0x38;
	[tilespmem:$0x1E200] =	vst v63  }
0x2fa: {  	_ =	swait.ge [sflag:s14], $0x1800  }
0x2fb: {  	[sflag:s14] =	ssyncset.done $0x0  }
0x2fc: {  	[sflag:s14] =	ssyncadd.s32 $0xFFFFE800  }
0x2fd: {  	_ =	swait.ge [sflag:s14], $0x1800  }
0x2fe: {  	[sflag:s14] =	ssyncset.done $0x0  }
0x2ff: {  	[sflag:s14] =	ssyncadd.s32 $0xFFFFE800  }
0x300: {  	_ =	swait.ge [sflag:s14], $0x1800  }
0x301: {  	[sflag:s14] =	ssyncset.done $0x0  }
0x302: {  	[sflag:s14] =	ssyncadd.s32 $0xFFFFE800  }
0x303: {  	_ =	swait.ge [sflag:s14], $0x1800  }
0x304: {  	[sflag:s14] =	ssyncset.done $0x0  }
0x305: {  	[sflag:s14] =	ssyncadd.s32 $0xFFFFE800  }
0x306: {  	v3 =	vld [tilespmem:$0x120];
	_ =	sdelay $0x4  }
0x307: {  	v4 =	vshrl.u32 v3, $0x3  }
0x308: {  	v4 =	vmul.u32 $0x30, v4  }
0x309: {  	v3 =	vand.u32 $0x7, v3  }
0x30a: {  	v3 =	vor.u32 v3, v4  }
0x30b: {  	v4 =	vperm.xlane v3, v0;
	_ =	sdelay $0x1  }
0x30c: {  	v4 =	vadd.s32 v1, v4;
	_ =	sdelay $0x3  }
0x30d: {  	v3 =	vperm.xlane v3, v2  }
0x30e: {  	[tilespmem:s3], [sflag:$0x2] =	stream.indirect_vreg.gather [hbm4b:s28+s13], $0x80, v4, vm0, $0xb8;
	[tilespmem:$0x1E200] =	vst v63  }
0x30f: {  	s15 =	simm.s32 $0x6A00;
	v3 =	vadd.s32 v1, v3  }
0x310: {  	[tilespmem:s15], [sflag:$0x2] =	stream.indirect_vreg.gather [hbm4b:s8+s13], $0x80, v4, vm0, $0xb8;
	[tilespmem:$0x1E200] =	vst v63  }
0x311: {  	s16 =	simm.s32 $0x7200  }
0x312: {  	[tilespmem:s16], [sflag:$0x2] =	stream.indirect_vreg.gather [hbm4b:s9+s13], $0x80, v4, vm0, $0xb8;
	[tilespmem:$0x1E200] =	vst v63  }
0x313: {  	_ = 	snop  }
0x314: {  	[tilespmem:s5], [sflag:$0x2] =	stream.indirect_vreg.gather [hbm4b:s28+s13], $0x80, v3, vm0, $0xb8;
	[tilespmem:$0x1E200] =	vst v63  }
0x315: {  	s17 =	simm.s32 $0x8200  }
0x316: {  	[tilespmem:s17], [sflag:$0x2] =	stream.indirect_vreg.gather [hbm4b:s8+s13], $0x80, v3, vm0, $0xb8;
	[tilespmem:$0x1E200] =	vst v63  }
0x317: {  	s18 =	simm.s32 $0x8A00  }
0x318: {  	[tilespmem:s18], [sflag:$0x2] =	stream.indirect_vreg.gather [hbm4b:s9+s13], $0x80, v3, vm0, $0xb8;
	[tilespmem:$0x1E200] =	vst v63  }
0x319: {  	v3 =	vld [tilespmem:$0x130];
	_ =	sdelay $0x4  }
0x31a: {  	v63 =	vshrl.u32 v3, $0x3  }
0x31b: {  	v4 =	vmul.u32 $0x30, v63  }
0x31c: {  	v3 =	vand.u32 $0x7, v3  }
0x31d: {  	v3 =	vor.u32 v3, v4  }
0x31e: {  	v4 =	vperm.xlane v3, v0;
	_ =	sdelay $0x1  }
0x31f: {  	v4 =	vadd.s32 v1, v4;
	_ =	sdelay $0x3  }
0x320: {  	v3 =	vperm.xlane v3, v2  }
0x321: {  	[tilespmem:s6], [sflag:$0x2] =	stream.indirect_vreg.gather [hbm4b:s28+s13], $0x80, v4, vm0, $0xb8;
	[tilespmem:$0x1E200] =	vst v63  }
0x322: {  	s20 =	simm.s32 $0x9A00;
	v3 =	vadd.s32 v1, v3  }
0x323: {  	[tilespmem:s20], [sflag:$0x2] =	stream.indirect_vreg.gather [hbm4b:s8+s13], $0x80, v4, vm0, $0xb8;
	[tilespmem:$0x1E200] =	vst v63  }
0x324: {  	s21 =	simm.s32 $0xA200  }
0x325: {  	[tilespmem:s21], [sflag:$0x2] =	stream.indirect_vreg.gather [hbm4b:s9+s13], $0x80, v4, vm0, $0xb8;
	[tilespmem:$0x1E200] =	vst v63  }
0x326: {  	_ = 	snop  }
0x327: {  	[tilespmem:s7], [sflag:$0x2] =	stream.indirect_vreg.gather [hbm4b:s28+s13], $0x80, v3, vm0, $0xb8;
	[tilespmem:$0x1E200] =	vst v63  }
0x328: {  	s23 =	simm.s32 $0xB200  }
0x329: {  	[tilespmem:s23], [sflag:$0x2] =	stream.indirect_vreg.gather [hbm4b:s8+s13], $0x80, v3, vm0, $0xb8;
	[tilespmem:$0x1E200] =	vst v63  }
0x32a: {  	s25 =	simm.s32 $0xBA00  }
0x32b: {  	[tilespmem:s25], [sflag:$0x2] =	stream.indirect_vreg.gather [hbm4b:s9+s13], $0x80, v3, vm0, $0xb8;
	[tilespmem:$0x1E200] =	vst v63  }
0x32c: {  	s29 =	simm.s32 $0x19A00;
	s30 =	simm.s32 $0x3;
	s26 =	rddreg [dreg:$0x17]  }
0x32d: {  	[tilespmem:s29], [sflag:$0x6] =	stream.linear.gather [hbm4b:s26+s13], $0x1800, $0x38;
	[tilespmem:$0x1E200] =	vst v63  }
0x32e: {  	_ =	swait.ge [sflag:s30], $0x6000  }
0x32f: {  	[sflag:s30] =	ssyncset.done $0x0  }
0x330: {  	s31 =	simm.s32 $0x7;
	[sflag:s30] =	ssyncadd.s32 $0xFFFFA000  }
0x331: {  	_ =	swait.ge [sflag:s31], $0x1800  }
0x332: {  	[sflag:s31] =	ssyncset.done $0x0  }
0x333: {  	s16 =	simm.s32 $0x0;
	[sflag:s31] =	ssyncadd.s32 $0xFFFFE800  }
.LBB2_26:
0x334: {  	s23 =	sshll.u32 s16, $0x7;
	s20 =	sand.u32 $0x60, s13;
	s2 =	sand.u32 $0x1C00, s13  }
0x335: {  	s3 =	sor.u32 s23, s2;
	s26 =	sor.u32 $0x10, s20  }
0x336: {  	s7 =	sor.u32 s26, s3  }
0x337: {  	v3 =	vld [tilespmem:s7+$0x1B200];
	_ =	sdelay $0x2  }
0x338: {  	s21 =	simm.s32 $0x0;
	s5 =	sadd.s32 $0xDA00, s23;
	s31 =	sor.u32 s20, s3  }
0x339: {  	s29 =	simm.s32 $0x100;
	s12 =	sadd.s32 $0xF200, s23;
	s25 =	sadd.s32 s2, s5;
	v4 =	vld [tilespmem:s31+$0x1B200]  }
0x33a: {  	s17 =	sadd.s32 $0x10A00, s23;
	s11 =	sadd.s32 s2, s12;
	s15 =	sadd.s32 s26, s25;
	[tilespmem:s7+$0xC200] =	vst.add.f32.msk $0xffff, v3  }
0x33b: {  	s18 =	sadd.s32 s2, s17;
	s2 =	simm.s32 $0x20;
	s30 =	sadd.s32 s26, s11;
	[tilespmem:s15+$0x0] =	vst.add.f32.msk $0xffff, v3  }
.LBB2_27:
0x33c: {  	s3 =	sand.u32 $0x60, s2;
	s7 =	sand.u32 $0x1C00, s29;
	[tilespmem:s30+$0x0] =	vst.add.f32.msk $0xffff, v3;
	s15 =	sadd.s32 s26, s18  }
0x33d: {  	s25 =	sadd.s32 s20, s25;
	s30 =	sor.u32 s23, s7;
	s26 =	sor.u32 $0x10, s3;
	[tilespmem:s15+$0x0] =	vst.add.f32.msk $0xffff, v3  }
0x33e: {  	s11 =	sadd.s32 s20, s11;
	s15 =	sor.u32 s26, s30;
	[tilespmem:s31+$0xC200] =	vst.add.f32.msk $0xffff, v4;
	s31 =	sor.u32 s3, s30  }
0x33f: {  	s21 =	sadd.s32 $0x2, s21;
	s18 =	sadd.s32 s20, s18;
	s20 =	smov.u32 s3;
	v3 =	vld [tilespmem:s15+$0x1B200]  }
0x340: {  	p0 =	slt.u32 s21, $0x2E;
	v5 =	vld [tilespmem:s31+$0x1B200]  }
.Ltmp12:
0x341: {  	[tilespmem:s25+$0x0] =	vst.add.f32.msk $0xffff, v4;
	(pc) =	sbr.rel @p0 .LBB2_27-.Ltmp12, $4  }
0x342: {  	[tilespmem:s11+$0x0] =	vst.add.f32.msk $0xffff, v4  }
0x343: {  	s25 =	sadd.s32 s7, s5;
	[tilespmem:s18+$0x0] =	vst.add.f32.msk $0xffff, v4  }
0x344: {  	s29 =	sadd.s32 $0x100, s29;
	s11 =	sadd.s32 s7, s12;
	s3 =	sadd.s32 s26, s25;
	[tilespmem:s15+$0xC200] =	vst.add.f32.msk $0xffff, v3  }
0x345: {  	s2 =	sadd.s32 $0x20, s2;
	s18 =	sadd.s32 s7, s17;
	s30 =	sadd.s32 s26, s11;
	[tilespmem:s3+$0x0] =	vst.add.f32.msk $0xffff, v3;
	v4 =	vmov v5  }
0x346: {  	s16 =	sadd.s32 $0x1, s16  }
0x347: {  	[tilespmem:s30+$0x0] =	vst.add.f32.msk $0xffff, v3;
	p0 =	sne.s32 s16, $0x8  }
.Ltmp13:
0x348: {  	s2 =	sadd.s32 s26, s18;
	[tilespmem:s31+$0xC200] =	vst.add.f32.msk $0xffff, v4;
	(pc) =	sbr.rel @p0 .LBB2_26-.Ltmp13, $4  }
0x349: {  	s30 =	sadd.s32 s20, s25;
	[tilespmem:s2+$0x0] =	vst.add.f32.msk $0xffff, v3  }
0x34a: {  	s3 =	sadd.s32 s20, s11;
	[tilespmem:s30+$0x0] =	vst.add.f32.msk $0xffff, v4  }
0x34b: {  	s31 =	sadd.s32 s20, s18;
	[tilespmem:s3+$0x0] =	vst.add.f32.msk $0xffff, v4  }
0x34c: {  	[tilespmem:s31+$0x0] =	vst.add.f32.msk $0xffff, v4  }
0x34d: {  	s2 =	rddreg [dreg:$0x14]  }
0x34e: {  	s13 =	simm.s32 $0x0;
	s3 =	simm.s32 $0xC200;
	s7 =	sld [smem:$0x7E0]  }
0x34f: {  	[hbm4b:s2+s13] =	stream.linear.scatter [tilespmem:s3], [sflag:$0xB], $0x1800, $0x38;
	[tilespmem:$0x1E200] =	vst v63  }
0x350: {  	s5 =	simm.s32 $0xDA00;
	s11 =	sld [smem:$0x7E1]  }
0x351: {  	[hbm4b:s7+s13] =	stream.linear.scatter [tilespmem:s5], [sflag:$0xB], $0x1800, $0x38;
	[tilespmem:$0x1E200] =	vst v63  }
0x352: {  	s6 =	simm.s32 $0xF200;
	s12 =	sld [smem:$0x7E2]  }
0x353: {  	[hbm4b:s11+s13] =	stream.linear.scatter [tilespmem:s6], [sflag:$0xB], $0x1800, $0x38;
	[tilespmem:$0x1E200] =	vst v63  }
0x354: {  	s7 =	simm.s32 $0x10A00  }
0x355: {  	[hbm4b:s12+s13] =	stream.linear.scatter [tilespmem:s7], [sflag:$0xB], $0x1800, $0x38;
	[tilespmem:$0x1E200] =	vst v63  }
0x356: {  	_ =	swait.ge [sflag:s22], $0x1800  }
0x357: {  	[sflag:s22] =	ssyncset.done $0x0  }
0x358: {  	[sflag:s22] =	ssyncadd.s32 $0xFFFFE800  }
0x359: {  	_ =	swait.ge [sflag:s22], $0x1800  }
0x35a: {  	[sflag:s22] =	ssyncset.done $0x0  }
0x35b: {  	[sflag:s22] =	ssyncadd.s32 $0xFFFFE800  }
0x35c: {  	_ =	swait.ge [sflag:s22], $0x1800  }
0x35d: {  	[sflag:s22] =	ssyncset.done $0x0  }
0x35e: {  	[sflag:s22] =	ssyncadd.s32 $0xFFFFE800  }
0x35f: {  	_ =	swait.ge [sflag:s22], $0x1800  }
0x360: {  	[sflag:s22] =	ssyncset.done $0x0  }
0x361: {  	[sflag:s22] =	ssyncadd.s32 $0xFFFFE800  }
0x362: {  	v3 =	vld [tilespmem:$0x140];
	_ =	sdelay $0x4  }
0x363: {  	v4 =	vshrl.u32 v3, $0x3  }
0x364: {  	v4 =	vmul.u32 $0x30, v4  }
0x365: {  	v3 =	vand.u32 $0x7, v3  }
0x366: {  	v3 =	vor.u32 v3, v4  }
0x367: {  	v4 =	vperm.xlane v3, v0;
	_ =	sdelay $0x1  }
0x368: {  	v4 =	vadd.s32 v1, v4;
	_ =	sdelay $0x3  }
0x369: {  	v3 =	vperm.xlane v3, v2  }
0x36a: {  	[tilespmem:s3], [sflag:$0x3] =	stream.indirect_vreg.gather [hbm4b:s28+s13], $0x80, v4, vm0, $0xb8;
	[tilespmem:$0x1E200] =	vst v63  }
0x36b: {  	s15 =	simm.s32 $0xCA00;
	v3 =	vadd.s32 v1, v3  }
0x36c: {  	[tilespmem:s15], [sflag:$0x3] =	stream.indirect_vreg.gather [hbm4b:s8+s13], $0x80, v4, vm0, $0xb8;
	[tilespmem:$0x1E200] =	vst v63  }
0x36d: {  	s16 =	simm.s32 $0xD200  }
0x36e: {  	[tilespmem:s16], [sflag:$0x3] =	stream.indirect_vreg.gather [hbm4b:s9+s13], $0x80, v4, vm0, $0xb8;
	[tilespmem:$0x1E200] =	vst v63  }
0x36f: {  	_ = 	snop  }
0x370: {  	[tilespmem:s5], [sflag:$0x3] =	stream.indirect_vreg.gather [hbm4b:s28+s13], $0x80, v3, vm0, $0xb8;
	[tilespmem:$0x1E200] =	vst v63  }
0x371: {  	s17 =	simm.s32 $0xE200  }
0x372: {  	[tilespmem:s17], [sflag:$0x3] =	stream.indirect_vreg.gather [hbm4b:s8+s13], $0x80, v3, vm0, $0xb8;
	[tilespmem:$0x1E200] =	vst v63  }
0x373: {  	s18 =	simm.s32 $0xEA00  }
0x374: {  	[tilespmem:s18], [sflag:$0x3] =	stream.indirect_vreg.gather [hbm4b:s9+s13], $0x80, v3, vm0, $0xb8;
	[tilespmem:$0x1E200] =	vst v63  }
0x375: {  	v3 =	vld [tilespmem:$0x150];
	_ =	sdelay $0x4  }
0x376: {  	v63 =	vshrl.u32 v3, $0x3  }
0x377: {  	v4 =	vmul.u32 $0x30, v63  }
0x378: {  	v3 =	vand.u32 $0x7, v3  }
0x379: {  	v3 =	vor.u32 v3, v4  }
0x37a: {  	v4 =	vperm.xlane v3, v0;
	_ =	sdelay $0x1  }
0x37b: {  	v4 =	vadd.s32 v1, v4;
	_ =	sdelay $0x3  }
0x37c: {  	v3 =	vperm.xlane v3, v2  }
0x37d: {  	[tilespmem:s6], [sflag:$0x3] =	stream.indirect_vreg.gather [hbm4b:s28+s13], $0x80, v4, vm0, $0xb8;
	[tilespmem:$0x1E200] =	vst v63  }
0x37e: {  	s20 =	simm.s32 $0xFA00;
	v3 =	vadd.s32 v1, v3  }
0x37f: {  	[tilespmem:s20], [sflag:$0x3] =	stream.indirect_vreg.gather [hbm4b:s8+s13], $0x80, v4, vm0, $0xb8;
	[tilespmem:$0x1E200] =	vst v63  }
0x380: {  	s21 =	simm.s32 $0x10200  }
0x381: {  	[tilespmem:s21], [sflag:$0x3] =	stream.indirect_vreg.gather [hbm4b:s9+s13], $0x80, v4, vm0, $0xb8;
	[tilespmem:$0x1E200] =	vst v63  }
0x382: {  	_ = 	snop  }
0x383: {  	[tilespmem:s7], [sflag:$0x3] =	stream.indirect_vreg.gather [hbm4b:s28+s13], $0x80, v3, vm0, $0xb8;
	[tilespmem:$0x1E200] =	vst v63  }
0x384: {  	s23 =	simm.s32 $0x11200  }
0x385: {  	[tilespmem:s23], [sflag:$0x3] =	stream.indirect_vreg.gather [hbm4b:s8+s13], $0x80, v3, vm0, $0xb8;
	[tilespmem:$0x1E200] =	vst v63  }
0x386: {  	s25 =	simm.s32 $0x11A00  }
0x387: {  	[tilespmem:s25], [sflag:$0x3] =	stream.indirect_vreg.gather [hbm4b:s9+s13], $0x80, v3, vm0, $0xb8;
	[tilespmem:$0x1E200] =	vst v63  }
0x388: {  	s29 =	simm.s32 $0x1B200;
	s30 =	simm.s32 $0x4;
	s26 =	rddreg [dreg:$0x19]  }
0x389: {  	[tilespmem:s29], [sflag:$0x7] =	stream.linear.gather [hbm4b:s26+s13], $0x1800, $0x38;
	[tilespmem:$0x1E200] =	vst v63  }
0x38a: {  	_ =	swait.ge [sflag:s30], $0x6000  }
0x38b: {  	[sflag:s30] =	ssyncset.done $0x0  }
0x38c: {  	s31 =	simm.s32 $0x8;
	[sflag:s30] =	ssyncadd.s32 $0xFFFFA000  }
0x38d: {  	_ =	swait.ge [sflag:s31], $0x1800  }
0x38e: {  	[sflag:s31] =	ssyncset.done $0x0  }
0x38f: {  	s16 =	simm.s32 $0x0;
	[sflag:s31] =	ssyncadd.s32 $0xFFFFE800  }
.LBB2_30:
0x390: {  	s23 =	sshll.u32 s16, $0x7;
	s20 =	sand.u32 $0x60, s13;
	s2 =	sand.u32 $0x1C00, s13  }
0x391: {  	s3 =	sor.u32 s23, s2;
	s26 =	sor.u32 $0x10, s20  }
0x392: {  	s7 =	sor.u32 s26, s3  }
0x393: {  	v3 =	vld [tilespmem:s7+$0x1CA00];
	_ =	sdelay $0x2  }
0x394: {  	s21 =	simm.s32 $0x0;
	s5 =	sadd.s32 $0x13A00, s23;
	s31 =	sor.u32 s20, s3  }
0x395: {  	s29 =	simm.s32 $0x100;
	s12 =	sadd.s32 $0x15200, s23;
	s25 =	sadd.s32 s2, s5;
	v4 =	vld [tilespmem:s31+$0x1CA00]  }
0x396: {  	s17 =	sadd.s32 $0x16A00, s23;
	s11 =	sadd.s32 s2, s12;
	s15 =	sadd.s32 s26, s25;
	[tilespmem:s7+$0x12200] =	vst.add.f32.msk $0xffff, v3  }
0x397: {  	s18 =	sadd.s32 s2, s17;
	s2 =	simm.s32 $0x20;
	s30 =	sadd.s32 s26, s11;
	[tilespmem:s15+$0x0] =	vst.add.f32.msk $0xffff, v3  }
.LBB2_31:
0x398: {  	s3 =	sand.u32 $0x60, s2;
	s7 =	sand.u32 $0x1C00, s29;
	[tilespmem:s30+$0x0] =	vst.add.f32.msk $0xffff, v3;
	s15 =	sadd.s32 s26, s18  }
0x399: {  	s25 =	sadd.s32 s20, s25;
	s30 =	sor.u32 s23, s7;
	s26 =	sor.u32 $0x10, s3;
	[tilespmem:s15+$0x0] =	vst.add.f32.msk $0xffff, v3  }
0x39a: {  	s11 =	sadd.s32 s20, s11;
	s15 =	sor.u32 s26, s30;
	[tilespmem:s31+$0x12200] =	vst.add.f32.msk $0xffff, v4;
	s31 =	sor.u32 s3, s30  }
0x39b: {  	s21 =	sadd.s32 $0x2, s21;
	s18 =	sadd.s32 s20, s18;
	s20 =	smov.u32 s3;
	v3 =	vld [tilespmem:s15+$0x1CA00]  }
0x39c: {  	p0 =	slt.u32 s21, $0x2E;
	v5 =	vld [tilespmem:s31+$0x1CA00]  }
.Ltmp14:
0x39d: {  	[tilespmem:s25+$0x0] =	vst.add.f32.msk $0xffff, v4;
	(pc) =	sbr.rel @p0 .LBB2_31-.Ltmp14, $4  }
0x39e: {  	[tilespmem:s11+$0x0] =	vst.add.f32.msk $0xffff, v4  }
0x39f: {  	s25 =	sadd.s32 s7, s5;
	[tilespmem:s18+$0x0] =	vst.add.f32.msk $0xffff, v4  }
0x3a0: {  	s29 =	sadd.s32 $0x100, s29;
	s11 =	sadd.s32 s7, s12;
	s3 =	sadd.s32 s26, s25;
	[tilespmem:s15+$0x12200] =	vst.add.f32.msk $0xffff, v3  }
0x3a1: {  	s2 =	sadd.s32 $0x20, s2;
	s18 =	sadd.s32 s7, s17;
	s30 =	sadd.s32 s26, s11;
	[tilespmem:s3+$0x0] =	vst.add.f32.msk $0xffff, v3;
	v4 =	vmov v5  }
0x3a2: {  	s16 =	sadd.s32 $0x1, s16  }
0x3a3: {  	[tilespmem:s30+$0x0] =	vst.add.f32.msk $0xffff, v3;
	p0 =	sne.s32 s16, $0x8  }
.Ltmp15:
0x3a4: {  	s2 =	sadd.s32 s26, s18;
	[tilespmem:s31+$0x12200] =	vst.add.f32.msk $0xffff, v4;
	(pc) =	sbr.rel @p0 .LBB2_30-.Ltmp15, $4  }
0x3a5: {  	s30 =	sadd.s32 s20, s25;
	[tilespmem:s2+$0x0] =	vst.add.f32.msk $0xffff, v3  }
0x3a6: {  	s3 =	sadd.s32 s20, s11;
	[tilespmem:s30+$0x0] =	vst.add.f32.msk $0xffff, v4  }
0x3a7: {  	s31 =	sadd.s32 s20, s18;
	[tilespmem:s3+$0x0] =	vst.add.f32.msk $0xffff, v4  }
0x3a8: {  	[tilespmem:s31+$0x0] =	vst.add.f32.msk $0xffff, v4  }
0x3a9: {  	s2 =	rddreg [dreg:$0x15]  }
0x3aa: {  	s13 =	simm.s32 $0x0;
	s12 =	sld [smem:$0x7E3]  }
0x3ab: {  	[hbm4b:s2+s13] =	stream.linear.scatter [tilespmem:s10], [sflag:$0xC], $0x1800, $0x38;
	[tilespmem:$0x1E200] =	vst v63  }
0x3ac: {  	s15 =	sld [smem:$0x7E4]  }
0x3ad: {  	[hbm4b:s12+s13] =	stream.linear.scatter [tilespmem:s19], [sflag:$0xC], $0x1800, $0x38;
	[tilespmem:$0x1E200] =	vst v63  }
0x3ae: {  	s16 =	sld [smem:$0x7E5]  }
0x3af: {  	[hbm4b:s15+s13] =	stream.linear.scatter [tilespmem:s24], [sflag:$0xC], $0x1800, $0x38;
	[tilespmem:$0x1E200] =	vst v63  }
0x3b0: {  	s3 =	simm.s32 $0x16A00  }
0x3b1: {  	[hbm4b:s16+s13] =	stream.linear.scatter [tilespmem:s3], [sflag:$0xC], $0x1800, $0x38;
	[tilespmem:$0x1E200] =	vst v63  }
0x3b2: {  	_ =	swait.ge [sflag:s4], $0x1800  }
0x3b3: {  	[sflag:s4] =	ssyncset.done $0x0  }
0x3b4: {  	[sflag:s4] =	ssyncadd.s32 $0xFFFFE800  }
0x3b5: {  	_ =	swait.ge [sflag:s4], $0x1800  }
0x3b6: {  	[sflag:s4] =	ssyncset.done $0x0  }
0x3b7: {  	[sflag:s4] =	ssyncadd.s32 $0xFFFFE800  }
0x3b8: {  	_ =	swait.ge [sflag:s4], $0x1800  }
0x3b9: {  	[sflag:s4] =	ssyncset.done $0x0  }
0x3ba: {  	[sflag:s4] =	ssyncadd.s32 $0xFFFFE800  }
0x3bb: {  	_ =	swait.ge [sflag:s4], $0x1800  }
0x3bc: {  	[sflag:s4] =	ssyncset.done $0x0  }
0x3bd: {  	[sflag:s4] =	ssyncadd.s32 $0xFFFFE800  }
0x3be: {  	v3 =	vld [tilespmem:$0x160];
	_ =	sdelay $0x4  }
0x3bf: {  	v4 =	vshrl.u32 v3, $0x3  }
0x3c0: {  	v4 =	vmul.u32 $0x30, v4  }
0x3c1: {  	v3 =	vand.u32 $0x7, v3  }
0x3c2: {  	v3 =	vor.u32 v3, v4  }
0x3c3: {  	v4 =	vperm.xlane v3, v0;
	_ =	sdelay $0x1  }
0x3c4: {  	v4 =	vadd.s32 v1, v4;
	_ =	sdelay $0x3  }
0x3c5: {  	v3 =	vperm.xlane v3, v2  }
0x3c6: {  	[tilespmem:s10], [sflag:$0x4] =	stream.indirect_vreg.gather [hbm4b:s28+s13], $0x80, v4, vm0, $0xb8;
	[tilespmem:$0x1E200] =	vst v63  }
0x3c7: {  	s17 =	simm.s32 $0x12A00;
	v3 =	vadd.s32 v1, v3  }
0x3c8: {  	[tilespmem:s17], [sflag:$0x4] =	stream.indirect_vreg.gather [hbm4b:s8+s13], $0x80, v4, vm0, $0xb8;
	[tilespmem:$0x1E200] =	vst v63  }
0x3c9: {  	s18 =	simm.s32 $0x13200  }
0x3ca: {  	[tilespmem:s18], [sflag:$0x4] =	stream.indirect_vreg.gather [hbm4b:s9+s13], $0x80, v4, vm0, $0xb8;
	[tilespmem:$0x1E200] =	vst v63  }
0x3cb: {  	_ = 	snop  }
0x3cc: {  	[tilespmem:s19], [sflag:$0x4] =	stream.indirect_vreg.gather [hbm4b:s28+s13], $0x80, v3, vm0, $0xb8;
	[tilespmem:$0x1E200] =	vst v63  }
0x3cd: {  	s19 =	simm.s32 $0x14200  }
0x3ce: {  	[tilespmem:s19], [sflag:$0x4] =	stream.indirect_vreg.gather [hbm4b:s8+s13], $0x80, v3, vm0, $0xb8;
	[tilespmem:$0x1E200] =	vst v63  }
0x3cf: {  	s20 =	simm.s32 $0x14A00  }
0x3d0: {  	[tilespmem:s20], [sflag:$0x4] =	stream.indirect_vreg.gather [hbm4b:s9+s13], $0x80, v3, vm0, $0xb8;
	[tilespmem:$0x1E200] =	vst v63  }
0x3d1: {  	v3 =	vld [tilespmem:$0x170];
	_ =	sdelay $0x4  }
0x3d2: {  	v63 =	vshrl.u32 v3, $0x3  }
0x3d3: {  	v4 =	vmul.u32 $0x30, v63  }
0x3d4: {  	v3 =	vand.u32 $0x7, v3  }
0x3d5: {  	v3 =	vor.u32 v3, v4  }
0x3d6: {  	v4 =	vperm.xlane v3, v0;
	_ =	sdelay $0x1  }
0x3d7: {  	v4 =	vadd.s32 v1, v4;
	_ =	sdelay $0x3  }
0x3d8: {  	v3 =	vperm.xlane v3, v2  }
0x3d9: {  	[tilespmem:s24], [sflag:$0x4] =	stream.indirect_vreg.gather [hbm4b:s28+s13], $0x80, v4, vm0, $0xb8;
	[tilespmem:$0x1E200] =	vst v63  }
0x3da: {  	s21 =	simm.s32 $0x15A00;
	v3 =	vadd.s32 v1, v3  }
0x3db: {  	[tilespmem:s21], [sflag:$0x4] =	stream.indirect_vreg.gather [hbm4b:s8+s13], $0x80, v4, vm0, $0xb8;
	[tilespmem:$0x1E200] =	vst v63  }
0x3dc: {  	s23 =	simm.s32 $0x16200  }
0x3dd: {  	[tilespmem:s23], [sflag:$0x4] =	stream.indirect_vreg.gather [hbm4b:s9+s13], $0x80, v4, vm0, $0xb8;
	[tilespmem:$0x1E200] =	vst v63  }
0x3de: {  	_ = 	snop  }
0x3df: {  	[tilespmem:s3], [sflag:$0x4] =	stream.indirect_vreg.gather [hbm4b:s28+s13], $0x80, v3, vm0, $0xb8;
	[tilespmem:$0x1E200] =	vst v63  }
0x3e0: {  	s24 =	simm.s32 $0x17200  }
0x3e1: {  	[tilespmem:s24], [sflag:$0x4] =	stream.indirect_vreg.gather [hbm4b:s8+s13], $0x80, v3, vm0, $0xb8;
	[tilespmem:$0x1E200] =	vst v63  }
0x3e2: {  	s25 =	simm.s32 $0x17A00  }
0x3e3: {  	[tilespmem:s25], [sflag:$0x4] =	stream.indirect_vreg.gather [hbm4b:s9+s13], $0x80, v3, vm0, $0xb8;
	[tilespmem:$0x1E200] =	vst v63  }
0x3e4: {  	s29 =	simm.s32 $0x1CA00;
	s30 =	simm.s32 $0x1;
	s26 =	rddreg [dreg:$0x1b]  }
0x3e5: {  	[tilespmem:s29], [sflag:$0x8] =	stream.linear.gather [hbm4b:s26+s13], $0x1800, $0x38;
	[tilespmem:$0x1E200] =	vst v63  }
0x3e6: {  	_ =	swait.ge [sflag:s30], $0x6000  }
0x3e7: {  	[sflag:s30] =	ssyncset.done $0x0  }
0x3e8: {  	s31 =	simm.s32 $0x5;
	[sflag:s30] =	ssyncadd.s32 $0xFFFFA000  }
0x3e9: {  	_ =	swait.ge [sflag:s31], $0x1800  }
0x3ea: {  	[sflag:s31] =	ssyncset.done $0x0  }
0x3eb: {  	s16 =	simm.s32 $0x0;
	[sflag:s31] =	ssyncadd.s32 $0xFFFFE800  }
.LBB2_34:
0x3ec: {  	s23 =	sshll.u32 s16, $0x7;
	s20 =	sand.u32 $0x60, s13;
	s2 =	sand.u32 $0x1C00, s13  }
0x3ed: {  	s3 =	sor.u32 s23, s2;
	s26 =	sor.u32 $0x10, s20  }
0x3ee: {  	s7 =	sor.u32 s26, s3  }
0x3ef: {  	v3 =	vld [tilespmem:s7+$0x18200];
	_ =	sdelay $0x2  }
0x3f0: {  	s21 =	simm.s32 $0x0;
	s5 =	sadd.s32 $0x1A00, s23;
	s31 =	sor.u32 s20, s3  }
0x3f1: {  	s29 =	simm.s32 $0x100;
	s12 =	sadd.s32 $0x3200, s23;
	s25 =	sadd.s32 s2, s5;
	v4 =	vld [tilespmem:s31+$0x18200]  }
0x3f2: {  	s17 =	sadd.s32 $0x4A00, s23;
	s11 =	sadd.s32 s2, s12;
	s24 =	sadd.s32 s26, s25;
	[tilespmem:s7+$0x200] =	vst.add.f32.msk $0xffff, v3  }
0x3f3: {  	s18 =	sadd.s32 s2, s17;
	s2 =	simm.s32 $0x20;
	s30 =	sadd.s32 s26, s11;
	[tilespmem:s24+$0x0] =	vst.add.f32.msk $0xffff, v3  }
.LBB2_35:
0x3f4: {  	s3 =	sand.u32 $0x60, s2;
	s7 =	sand.u32 $0x1C00, s29;
	[tilespmem:s30+$0x0] =	vst.add.f32.msk $0xffff, v3;
	s15 =	sadd.s32 s26, s18  }
0x3f5: {  	s25 =	sadd.s32 s20, s25;
	s30 =	sor.u32 s23, s7;
	s26 =	sor.u32 $0x10, s3;
	[tilespmem:s15+$0x0] =	vst.add.f32.msk $0xffff, v3  }
0x3f6: {  	s11 =	sadd.s32 s20, s11;
	s15 =	sor.u32 s26, s30;
	[tilespmem:s31+$0x200] =	vst.add.f32.msk $0xffff, v4;
	s31 =	sor.u32 s3, s30  }
0x3f7: {  	s21 =	sadd.s32 $0x2, s21;
	s18 =	sadd.s32 s20, s18;
	s20 =	smov.u32 s3;
	v3 =	vld [tilespmem:s15+$0x18200]  }
0x3f8: {  	p0 =	slt.u32 s21, $0x2E;
	v5 =	vld [tilespmem:s31+$0x18200]  }
.Ltmp16:
0x3f9: {  	[tilespmem:s25+$0x0] =	vst.add.f32.msk $0xffff, v4;
	(pc) =	sbr.rel @p0 .LBB2_35-.Ltmp16, $4  }
0x3fa: {  	[tilespmem:s11+$0x0] =	vst.add.f32.msk $0xffff, v4  }
0x3fb: {  	s25 =	sadd.s32 s7, s5;
	[tilespmem:s18+$0x0] =	vst.add.f32.msk $0xffff, v4  }
0x3fc: {  	s29 =	sadd.s32 $0x100, s29;
	s11 =	sadd.s32 s7, s12;
	s3 =	sadd.s32 s26, s25;
	[tilespmem:s15+$0x200] =	vst.add.f32.msk $0xffff, v3  }
0x3fd: {  	s2 =	sadd.s32 $0x20, s2;
	s18 =	sadd.s32 s7, s17;
	s30 =	sadd.s32 s26, s11;
	[tilespmem:s3+$0x0] =	vst.add.f32.msk $0xffff, v3;
	v4 =	vmov v5  }
0x3fe: {  	s16 =	sadd.s32 $0x1, s16  }
0x3ff: {  	[tilespmem:s30+$0x0] =	vst.add.f32.msk $0xffff, v3;
	p0 =	sne.s32 s16, $0x8  }
.Ltmp17:
0x400: {  	s2 =	sadd.s32 s26, s18;
	[tilespmem:s31+$0x200] =	vst.add.f32.msk $0xffff, v4;
	(pc) =	sbr.rel @p0 .LBB2_34-.Ltmp17, $4  }
0x401: {  	s30 =	sadd.s32 s20, s25;
	[tilespmem:s2+$0x0] =	vst.add.f32.msk $0xffff, v3  }
0x402: {  	s3 =	sadd.s32 s20, s11;
	[tilespmem:s30+$0x0] =	vst.add.f32.msk $0xffff, v4  }
0x403: {  	s31 =	sadd.s32 s20, s18;
	[tilespmem:s3+$0x0] =	vst.add.f32.msk $0xffff, v4  }
0x404: {  	[tilespmem:s31+$0x0] =	vst.add.f32.msk $0xffff, v4  }
0x405: {  	s2 =	rddreg [dreg:$0x16]  }
0x406: {  	s13 =	simm.s32 $0x0;
	s3 =	simm.s32 $0x200;
	s12 =	sld [smem:$0x7E6]  }
0x407: {  	[hbm4b:s2+s13] =	stream.linear.scatter [tilespmem:s3], [sflag:$0x9], $0x1800, $0x38;
	[tilespmem:$0x1E200] =	vst v63  }
0x408: {  	s5 =	simm.s32 $0x1A00;
	s15 =	sld [smem:$0x7E7]  }
0x409: {  	[hbm4b:s12+s13] =	stream.linear.scatter [tilespmem:s5], [sflag:$0x9], $0x1800, $0x38;
	[tilespmem:$0x1E200] =	vst v63  }
0x40a: {  	s7 =	simm.s32 $0x3200;
	s16 =	sld [smem:$0x7E8]  }
0x40b: {  	[hbm4b:s15+s13] =	stream.linear.scatter [tilespmem:s7], [sflag:$0x9], $0x1800, $0x38;
	[tilespmem:$0x1E200] =	vst v63  }
0x40c: {  	s11 =	simm.s32 $0x4A00  }
0x40d: {  	[hbm4b:s16+s13] =	stream.linear.scatter [tilespmem:s11], [sflag:$0x9], $0x1800, $0x38;
	[tilespmem:$0x1E200] =	vst v63  }
0x40e: {  	_ =	swait.ge [sflag:s0], $0x1800  }
0x40f: {  	[sflag:s0] =	ssyncset.done $0x0  }
0x410: {  	[sflag:s0] =	ssyncadd.s32 $0xFFFFE800  }
0x411: {  	_ =	swait.ge [sflag:s0], $0x1800  }
0x412: {  	[sflag:s0] =	ssyncset.done $0x0  }
0x413: {  	[sflag:s0] =	ssyncadd.s32 $0xFFFFE800  }
0x414: {  	_ =	swait.ge [sflag:s0], $0x1800  }
0x415: {  	[sflag:s0] =	ssyncset.done $0x0  }
0x416: {  	[sflag:s0] =	ssyncadd.s32 $0xFFFFE800  }
0x417: {  	_ =	swait.ge [sflag:s0], $0x1800  }
0x418: {  	[sflag:s0] =	ssyncset.done $0x0  }
0x419: {  	[sflag:s0] =	ssyncadd.s32 $0xFFFFE800  }
0x41a: {  	v3 =	vld [tilespmem:$0x180];
	_ =	sdelay $0x4  }
0x41b: {  	v4 =	vshrl.u32 v3, $0x3  }
0x41c: {  	v4 =	vmul.u32 $0x30, v4  }
0x41d: {  	v3 =	vand.u32 $0x7, v3  }
0x41e: {  	v3 =	vor.u32 v3, v4  }
0x41f: {  	v4 =	vperm.xlane v3, v0;
	_ =	sdelay $0x1  }
0x420: {  	v4 =	vadd.s32 v1, v4;
	_ =	sdelay $0x3  }
0x421: {  	v3 =	vperm.xlane v3, v2  }
0x422: {  	[tilespmem:s3], [sflag:$0x1] =	stream.indirect_vreg.gather [hbm4b:s28+s13], $0x80, v4, vm0, $0xb8;
	[tilespmem:$0x1E200] =	vst v63  }
0x423: {  	s17 =	simm.s32 $0xA00;
	v3 =	vadd.s32 v1, v3  }
0x424: {  	[tilespmem:s17], [sflag:$0x1] =	stream.indirect_vreg.gather [hbm4b:s8+s13], $0x80, v4, vm0, $0xb8;
	[tilespmem:$0x1E200] =	vst v63  }
0x425: {  	s18 =	simm.s32 $0x1200  }
0x426: {  	[tilespmem:s18], [sflag:$0x1] =	stream.indirect_vreg.gather [hbm4b:s9+s13], $0x80, v4, vm0, $0xb8;
	[tilespmem:$0x1E200] =	vst v63  }
0x427: {  	_ = 	snop  }
0x428: {  	[tilespmem:s5], [sflag:$0x1] =	stream.indirect_vreg.gather [hbm4b:s28+s13], $0x80, v3, vm0, $0xb8;
	[tilespmem:$0x1E200] =	vst v63  }
0x429: {  	s19 =	simm.s32 $0x2200  }
0x42a: {  	[tilespmem:s19], [sflag:$0x1] =	stream.indirect_vreg.gather [hbm4b:s8+s13], $0x80, v3, vm0, $0xb8;
	[tilespmem:$0x1E200] =	vst v63  }
0x42b: {  	s20 =	simm.s32 $0x2A00  }
0x42c: {  	[tilespmem:s20], [sflag:$0x1] =	stream.indirect_vreg.gather [hbm4b:s9+s13], $0x80, v3, vm0, $0xb8;
	[tilespmem:$0x1E200] =	vst v63  }
0x42d: {  	v3 =	vld [tilespmem:$0x190];
	_ =	sdelay $0x4  }
0x42e: {  	v63 =	vshrl.u32 v3, $0x3  }
0x42f: {  	v4 =	vmul.u32 $0x30, v63  }
0x430: {  	v3 =	vand.u32 $0x7, v3  }
0x431: {  	v3 =	vor.u32 v3, v4  }
0x432: {  	v4 =	vperm.xlane v3, v0;
	_ =	sdelay $0x1  }
0x433: {  	v4 =	vadd.s32 v1, v4;
	_ =	sdelay $0x3  }
0x434: {  	v3 =	vperm.xlane v3, v2  }
0x435: {  	[tilespmem:s7], [sflag:$0x1] =	stream.indirect_vreg.gather [hbm4b:s28+s13], $0x80, v4, vm0, $0xb8;
	[tilespmem:$0x1E200] =	vst v63  }
0x436: {  	s21 =	simm.s32 $0x3A00;
	v3 =	vadd.s32 v1, v3  }
0x437: {  	[tilespmem:s21], [sflag:$0x1] =	stream.indirect_vreg.gather [hbm4b:s8+s13], $0x80, v4, vm0, $0xb8;
	[tilespmem:$0x1E200] =	vst v63  }
0x438: {  	s23 =	simm.s32 $0x4200  }
0x439: {  	[tilespmem:s23], [sflag:$0x1] =	stream.indirect_vreg.gather [hbm4b:s9+s13], $0x80, v4, vm0, $0xb8;
	[tilespmem:$0x1E200] =	vst v63  }
0x43a: {  	_ = 	snop  }
0x43b: {  	[tilespmem:s11], [sflag:$0x1] =	stream.indirect_vreg.gather [hbm4b:s28+s13], $0x80, v3, vm0, $0xb8;
	[tilespmem:$0x1E200] =	vst v63  }
0x43c: {  	s24 =	simm.s32 $0x5200  }
0x43d: {  	[tilespmem:s24], [sflag:$0x1] =	stream.indirect_vreg.gather [hbm4b:s8+s13], $0x80, v3, vm0, $0xb8;
	[tilespmem:$0x1E200] =	vst v63  }
0x43e: {  	s25 =	simm.s32 $0x5A00  }
0x43f: {  	[tilespmem:s25], [sflag:$0x1] =	stream.indirect_vreg.gather [hbm4b:s9+s13], $0x80, v3, vm0, $0xb8;
	[tilespmem:$0x1E200] =	vst v63  }
0x440: {  	s29 =	simm.s32 $0x18200;
	s30 =	simm.s32 $0x2;
	s26 =	rddreg [dreg:$0x1d]  }
0x441: {  	[tilespmem:s29], [sflag:$0x5] =	stream.linear.gather [hbm4b:s26+s13], $0x1800, $0x38;
	[tilespmem:$0x1E200] =	vst v63  }
0x442: {  	_ =	swait.ge [sflag:s30], $0x6000  }
0x443: {  	[sflag:s30] =	ssyncset.done $0x0  }
0x444: {  	s31 =	simm.s32 $0x6;
	[sflag:s30] =	ssyncadd.s32 $0xFFFFA000  }
0x445: {  	_ =	swait.ge [sflag:s31], $0x1800  }
0x446: {  	[sflag:s31] =	ssyncset.done $0x0  }
0x447: {  	s16 =	simm.s32 $0x0;
	[sflag:s31] =	ssyncadd.s32 $0xFFFFE800  }
.LBB2_38:
0x448: {  	s23 =	sshll.u32 s16, $0x7;
	s20 =	sand.u32 $0x60, s13;
	s2 =	sand.u32 $0x1C00, s13  }
0x449: {  	s3 =	sor.u32 s23, s2;
	s26 =	sor.u32 $0x10, s20  }
0x44a: {  	s7 =	sor.u32 s26, s3  }
0x44b: {  	v3 =	vld [tilespmem:s7+$0x19A00];
	_ =	sdelay $0x2  }
0x44c: {  	s21 =	simm.s32 $0x0;
	s5 =	sadd.s32 $0x7A00, s23;
	s31 =	sor.u32 s20, s3  }
0x44d: {  	s29 =	simm.s32 $0x100;
	s12 =	sadd.s32 $0x9200, s23;
	s25 =	sadd.s32 s2, s5;
	v4 =	vld [tilespmem:s31+$0x19A00]  }
0x44e: {  	s17 =	sadd.s32 $0xAA00, s23;
	s11 =	sadd.s32 s2, s12;
	s24 =	sadd.s32 s26, s25;
	[tilespmem:s7+$0x6200] =	vst.add.f32.msk $0xffff, v3  }
0x44f: {  	s18 =	sadd.s32 s2, s17;
	s2 =	simm.s32 $0x20;
	s30 =	sadd.s32 s26, s11;
	[tilespmem:s24+$0x0] =	vst.add.f32.msk $0xffff, v3  }
.LBB2_39:
0x450: {  	s3 =	sand.u32 $0x60, s2;
	s7 =	sand.u32 $0x1C00, s29;
	[tilespmem:s30+$0x0] =	vst.add.f32.msk $0xffff, v3;
	s15 =	sadd.s32 s26, s18  }
0x451: {  	s25 =	sadd.s32 s20, s25;
	s30 =	sor.u32 s23, s7;
	s26 =	sor.u32 $0x10, s3;
	[tilespmem:s15+$0x0] =	vst.add.f32.msk $0xffff, v3  }
0x452: {  	s11 =	sadd.s32 s20, s11;
	s15 =	sor.u32 s26, s30;
	[tilespmem:s31+$0x6200] =	vst.add.f32.msk $0xffff, v4;
	s31 =	sor.u32 s3, s30  }
0x453: {  	s21 =	sadd.s32 $0x2, s21;
	s18 =	sadd.s32 s20, s18;
	s20 =	smov.u32 s3;
	v3 =	vld [tilespmem:s15+$0x19A00]  }
0x454: {  	p0 =	slt.u32 s21, $0x2E;
	v5 =	vld [tilespmem:s31+$0x19A00]  }
.Ltmp18:
0x455: {  	[tilespmem:s25+$0x0] =	vst.add.f32.msk $0xffff, v4;
	(pc) =	sbr.rel @p0 .LBB2_39-.Ltmp18, $4  }
0x456: {  	[tilespmem:s11+$0x0] =	vst.add.f32.msk $0xffff, v4  }
0x457: {  	s25 =	sadd.s32 s7, s5;
	[tilespmem:s18+$0x0] =	vst.add.f32.msk $0xffff, v4  }
0x458: {  	s29 =	sadd.s32 $0x100, s29;
	s11 =	sadd.s32 s7, s12;
	s3 =	sadd.s32 s26, s25;
	[tilespmem:s15+$0x6200] =	vst.add.f32.msk $0xffff, v3  }
0x459: {  	s2 =	sadd.s32 $0x20, s2;
	s18 =	sadd.s32 s7, s17;
	s30 =	sadd.s32 s26, s11;
	[tilespmem:s3+$0x0] =	vst.add.f32.msk $0xffff, v3;
	v4 =	vmov v5  }
0x45a: {  	s16 =	sadd.s32 $0x1, s16  }
0x45b: {  	[tilespmem:s30+$0x0] =	vst.add.f32.msk $0xffff, v3;
	p0 =	sne.s32 s16, $0x8  }
.Ltmp19:
0x45c: {  	s2 =	sadd.s32 s26, s18;
	[tilespmem:s31+$0x6200] =	vst.add.f32.msk $0xffff, v4;
	(pc) =	sbr.rel @p0 .LBB2_38-.Ltmp19, $4  }
0x45d: {  	s30 =	sadd.s32 s20, s25;
	[tilespmem:s2+$0x0] =	vst.add.f32.msk $0xffff, v3  }
0x45e: {  	s3 =	sadd.s32 s20, s11;
	[tilespmem:s30+$0x0] =	vst.add.f32.msk $0xffff, v4  }
0x45f: {  	s31 =	sadd.s32 s20, s18;
	[tilespmem:s3+$0x0] =	vst.add.f32.msk $0xffff, v4  }
0x460: {  	[tilespmem:s31+$0x0] =	vst.add.f32.msk $0xffff, v4  }
0x461: {  	s2 =	rddreg [dreg:$0x18]  }
0x462: {  	s13 =	simm.s32 $0x0;
	s3 =	simm.s32 $0x6200;
	s12 =	sld [smem:$0x7E9]  }
0x463: {  	[hbm4b:s2+s13] =	stream.linear.scatter [tilespmem:s3], [sflag:$0xA], $0x1800, $0x38;
	[tilespmem:$0x1E200] =	vst v63  }
0x464: {  	s5 =	simm.s32 $0x7A00;
	s15 =	sld [smem:$0x7EA]  }
0x465: {  	[hbm4b:s12+s13] =	stream.linear.scatter [tilespmem:s5], [sflag:$0xA], $0x1800, $0x38;
	[tilespmem:$0x1E200] =	vst v63  }
0x466: {  	s7 =	simm.s32 $0x9200;
	s16 =	sld [smem:$0x7EB]  }
0x467: {  	[hbm4b:s15+s13] =	stream.linear.scatter [tilespmem:s7], [sflag:$0xA], $0x1800, $0x38;
	[tilespmem:$0x1E200] =	vst v63  }
0x468: {  	s11 =	simm.s32 $0xAA00  }
0x469: {  	[hbm4b:s16+s13] =	stream.linear.scatter [tilespmem:s11], [sflag:$0xA], $0x1800, $0x38;
	[tilespmem:$0x1E200] =	vst v63  }
0x46a: {  	_ =	swait.ge [sflag:s14], $0x1800  }
0x46b: {  	[sflag:s14] =	ssyncset.done $0x0  }
0x46c: {  	[sflag:s14] =	ssyncadd.s32 $0xFFFFE800  }
0x46d: {  	_ =	swait.ge [sflag:s14], $0x1800  }
0x46e: {  	[sflag:s14] =	ssyncset.done $0x0  }
0x46f: {  	[sflag:s14] =	ssyncadd.s32 $0xFFFFE800  }
0x470: {  	_ =	swait.ge [sflag:s14], $0x1800  }
0x471: {  	[sflag:s14] =	ssyncset.done $0x0  }
0x472: {  	[sflag:s14] =	ssyncadd.s32 $0xFFFFE800  }
0x473: {  	_ =	swait.ge [sflag:s14], $0x1800  }
0x474: {  	[sflag:s14] =	ssyncset.done $0x0  }
0x475: {  	[sflag:s14] =	ssyncadd.s32 $0xFFFFE800  }
0x476: {  	v3 =	vld [tilespmem:$0x1A0];
	_ =	sdelay $0x4  }
0x477: {  	v4 =	vshrl.u32 v3, $0x3  }
0x478: {  	v4 =	vmul.u32 $0x30, v4  }
0x479: {  	v3 =	vand.u32 $0x7, v3  }
0x47a: {  	v3 =	vor.u32 v3, v4  }
0x47b: {  	v4 =	vperm.xlane v3, v0;
	_ =	sdelay $0x1  }
0x47c: {  	v4 =	vadd.s32 v1, v4;
	_ =	sdelay $0x3  }
0x47d: {  	v3 =	vperm.xlane v3, v2  }
0x47e: {  	[tilespmem:s3], [sflag:$0x2] =	stream.indirect_vreg.gather [hbm4b:s28+s13], $0x80, v4, vm0, $0xb8;
	[tilespmem:$0x1E200] =	vst v63  }
0x47f: {  	s17 =	simm.s32 $0x6A00;
	v3 =	vadd.s32 v1, v3  }
0x480: {  	[tilespmem:s17], [sflag:$0x2] =	stream.indirect_vreg.gather [hbm4b:s8+s13], $0x80, v4, vm0, $0xb8;
	[tilespmem:$0x1E200] =	vst v63  }
0x481: {  	s18 =	simm.s32 $0x7200  }
0x482: {  	[tilespmem:s18], [sflag:$0x2] =	stream.indirect_vreg.gather [hbm4b:s9+s13], $0x80, v4, vm0, $0xb8;
	[tilespmem:$0x1E200] =	vst v63  }
0x483: {  	_ = 	snop  }
0x484: {  	[tilespmem:s5], [sflag:$0x2] =	stream.indirect_vreg.gather [hbm4b:s28+s13], $0x80, v3, vm0, $0xb8;
	[tilespmem:$0x1E200] =	vst v63  }
0x485: {  	s19 =	simm.s32 $0x8200  }
0x486: {  	[tilespmem:s19], [sflag:$0x2] =	stream.indirect_vreg.gather [hbm4b:s8+s13], $0x80, v3, vm0, $0xb8;
	[tilespmem:$0x1E200] =	vst v63  }
0x487: {  	s20 =	simm.s32 $0x8A00  }
0x488: {  	[tilespmem:s20], [sflag:$0x2] =	stream.indirect_vreg.gather [hbm4b:s9+s13], $0x80, v3, vm0, $0xb8;
	[tilespmem:$0x1E200] =	vst v63  }
0x489: {  	v3 =	vld [tilespmem:$0x1B0];
	_ =	sdelay $0x4  }
0x48a: {  	v63 =	vshrl.u32 v3, $0x3  }
0x48b: {  	v4 =	vmul.u32 $0x30, v63  }
0x48c: {  	v3 =	vand.u32 $0x7, v3  }
0x48d: {  	v3 =	vor.u32 v3, v4  }
0x48e: {  	v4 =	vperm.xlane v3, v0;
	_ =	sdelay $0x1  }
0x48f: {  	v4 =	vadd.s32 v1, v4;
	_ =	sdelay $0x3  }
0x490: {  	v3 =	vperm.xlane v3, v2  }
0x491: {  	[tilespmem:s7], [sflag:$0x2] =	stream.indirect_vreg.gather [hbm4b:s28+s13], $0x80, v4, vm0, $0xb8;
	[tilespmem:$0x1E200] =	vst v63  }
0x492: {  	s21 =	simm.s32 $0x9A00;
	v3 =	vadd.s32 v1, v3  }
0x493: {  	[tilespmem:s21], [sflag:$0x2] =	stream.indirect_vreg.gather [hbm4b:s8+s13], $0x80, v4, vm0, $0xb8;
	[tilespmem:$0x1E200] =	vst v63  }
0x494: {  	s23 =	simm.s32 $0xA200  }
0x495: {  	[tilespmem:s23], [sflag:$0x2] =	stream.indirect_vreg.gather [hbm4b:s9+s13], $0x80, v4, vm0, $0xb8;
	[tilespmem:$0x1E200] =	vst v63  }
0x496: {  	_ = 	snop  }
0x497: {  	[tilespmem:s11], [sflag:$0x2] =	stream.indirect_vreg.gather [hbm4b:s28+s13], $0x80, v3, vm0, $0xb8;
	[tilespmem:$0x1E200] =	vst v63  }
0x498: {  	s24 =	simm.s32 $0xB200  }
0x499: {  	[tilespmem:s24], [sflag:$0x2] =	stream.indirect_vreg.gather [hbm4b:s8+s13], $0x80, v3, vm0, $0xb8;
	[tilespmem:$0x1E200] =	vst v63  }
0x49a: {  	s25 =	simm.s32 $0xBA00  }
0x49b: {  	[tilespmem:s25], [sflag:$0x2] =	stream.indirect_vreg.gather [hbm4b:s9+s13], $0x80, v3, vm0, $0xb8;
	[tilespmem:$0x1E200] =	vst v63  }
0x49c: {  	s29 =	simm.s32 $0x19A00;
	s30 =	simm.s32 $0x3;
	s26 =	rddreg [dreg:$0x1e]  }
0x49d: {  	[tilespmem:s29], [sflag:$0x6] =	stream.linear.gather [hbm4b:s26+s13], $0x1800, $0x38;
	[tilespmem:$0x1E200] =	vst v63  }
0x49e: {  	_ =	swait.ge [sflag:s30], $0x6000  }
0x49f: {  	[sflag:s30] =	ssyncset.done $0x0  }
0x4a0: {  	s31 =	simm.s32 $0x7;
	[sflag:s30] =	ssyncadd.s32 $0xFFFFA000  }
0x4a1: {  	_ =	swait.ge [sflag:s31], $0x1800  }
0x4a2: {  	[sflag:s31] =	ssyncset.done $0x0  }
0x4a3: {  	s16 =	simm.s32 $0x0;
	[sflag:s31] =	ssyncadd.s32 $0xFFFFE800  }
.LBB2_42:
0x4a4: {  	s23 =	sshll.u32 s16, $0x7;
	s20 =	sand.u32 $0x60, s13;
	s2 =	sand.u32 $0x1C00, s13  }
0x4a5: {  	s3 =	sor.u32 s23, s2;
	s26 =	sor.u32 $0x10, s20  }
0x4a6: {  	s7 =	sor.u32 s26, s3  }
0x4a7: {  	v3 =	vld [tilespmem:s7+$0x1B200];
	_ =	sdelay $0x2  }
0x4a8: {  	s21 =	simm.s32 $0x0;
	s5 =	sadd.s32 $0xDA00, s23;
	s31 =	sor.u32 s20, s3  }
0x4a9: {  	s29 =	simm.s32 $0x100;
	s12 =	sadd.s32 $0xF200, s23;
	s25 =	sadd.s32 s2, s5;
	v4 =	vld [tilespmem:s31+$0x1B200]  }
0x4aa: {  	s17 =	sadd.s32 $0x10A00, s23;
	s11 =	sadd.s32 s2, s12;
	s24 =	sadd.s32 s26, s25;
	[tilespmem:s7+$0xC200] =	vst.add.f32.msk $0xffff, v3  }
0x4ab: {  	s18 =	sadd.s32 s2, s17;
	s2 =	simm.s32 $0x20;
	s30 =	sadd.s32 s26, s11;
	[tilespmem:s24+$0x0] =	vst.add.f32.msk $0xffff, v3  }
.LBB2_43:
0x4ac: {  	s3 =	sand.u32 $0x60, s2;
	s7 =	sand.u32 $0x1C00, s29;
	[tilespmem:s30+$0x0] =	vst.add.f32.msk $0xffff, v3;
	s15 =	sadd.s32 s26, s18  }
0x4ad: {  	s25 =	sadd.s32 s20, s25;
	s30 =	sor.u32 s23, s7;
	s26 =	sor.u32 $0x10, s3;
	[tilespmem:s15+$0x0] =	vst.add.f32.msk $0xffff, v3  }
0x4ae: {  	s11 =	sadd.s32 s20, s11;
	s15 =	sor.u32 s26, s30;
	[tilespmem:s31+$0xC200] =	vst.add.f32.msk $0xffff, v4;
	s31 =	sor.u32 s3, s30  }
0x4af: {  	s21 =	sadd.s32 $0x2, s21;
	s18 =	sadd.s32 s20, s18;
	s20 =	smov.u32 s3;
	v3 =	vld [tilespmem:s15+$0x1B200]  }
0x4b0: {  	p0 =	slt.u32 s21, $0x2E;
	v5 =	vld [tilespmem:s31+$0x1B200]  }
.Ltmp20:
0x4b1: {  	[tilespmem:s25+$0x0] =	vst.add.f32.msk $0xffff, v4;
	(pc) =	sbr.rel @p0 .LBB2_43-.Ltmp20, $4  }
0x4b2: {  	[tilespmem:s11+$0x0] =	vst.add.f32.msk $0xffff, v4  }
0x4b3: {  	s25 =	sadd.s32 s7, s5;
	[tilespmem:s18+$0x0] =	vst.add.f32.msk $0xffff, v4  }
0x4b4: {  	s29 =	sadd.s32 $0x100, s29;
	s11 =	sadd.s32 s7, s12;
	s3 =	sadd.s32 s26, s25;
	[tilespmem:s15+$0xC200] =	vst.add.f32.msk $0xffff, v3  }
0x4b5: {  	s2 =	sadd.s32 $0x20, s2;
	s18 =	sadd.s32 s7, s17;
	s30 =	sadd.s32 s26, s11;
	[tilespmem:s3+$0x0] =	vst.add.f32.msk $0xffff, v3;
	v4 =	vmov v5  }
0x4b6: {  	s16 =	sadd.s32 $0x1, s16  }
0x4b7: {  	[tilespmem:s30+$0x0] =	vst.add.f32.msk $0xffff, v3;
	p0 =	sne.s32 s16, $0x8  }
.Ltmp21:
0x4b8: {  	s2 =	sadd.s32 s26, s18;
	[tilespmem:s31+$0xC200] =	vst.add.f32.msk $0xffff, v4;
	(pc) =	sbr.rel @p0 .LBB2_42-.Ltmp21, $4  }
0x4b9: {  	s30 =	sadd.s32 s20, s25;
	[tilespmem:s2+$0x0] =	vst.add.f32.msk $0xffff, v3  }
0x4ba: {  	s3 =	sadd.s32 s20, s11;
	[tilespmem:s30+$0x0] =	vst.add.f32.msk $0xffff, v4  }
0x4bb: {  	s31 =	sadd.s32 s20, s18;
	[tilespmem:s3+$0x0] =	vst.add.f32.msk $0xffff, v4  }
0x4bc: {  	[tilespmem:s31+$0x0] =	vst.add.f32.msk $0xffff, v4  }
0x4bd: {  	s2 =	rddreg [dreg:$0x1a]  }
0x4be: {  	s13 =	simm.s32 $0x0;
	s3 =	simm.s32 $0xC200;
	s11 =	sld [smem:$0x7EC]  }
0x4bf: {  	[hbm4b:s2+s13] =	stream.linear.scatter [tilespmem:s3], [sflag:$0xB], $0x1800, $0x38;
	[tilespmem:$0x1E200] =	vst v63  }
0x4c0: {  	s5 =	simm.s32 $0xDA00;
	s12 =	sld [smem:$0x7ED]  }
0x4c1: {  	[hbm4b:s11+s13] =	stream.linear.scatter [tilespmem:s5], [sflag:$0xB], $0x1800, $0x38;
	[tilespmem:$0x1E200] =	vst v63  }
0x4c2: {  	s7 =	simm.s32 $0xF200;
	s15 =	sld [smem:$0x7EE]  }
0x4c3: {  	[hbm4b:s12+s13] =	stream.linear.scatter [tilespmem:s7], [sflag:$0xB], $0x1800, $0x38;
	[tilespmem:$0x1E200] =	vst v63  }
0x4c4: {  	s11 =	simm.s32 $0x10A00  }
0x4c5: {  	[hbm4b:s15+s13] =	stream.linear.scatter [tilespmem:s11], [sflag:$0xB], $0x1800, $0x38;
	[tilespmem:$0x1E200] =	vst v63  }
0x4c6: {  	_ =	swait.ge [sflag:s22], $0x1800  }
0x4c7: {  	[sflag:s22] =	ssyncset.done $0x0  }
0x4c8: {  	[sflag:s22] =	ssyncadd.s32 $0xFFFFE800  }
0x4c9: {  	_ =	swait.ge [sflag:s22], $0x1800  }
0x4ca: {  	[sflag:s22] =	ssyncset.done $0x0  }
0x4cb: {  	[sflag:s22] =	ssyncadd.s32 $0xFFFFE800  }
0x4cc: {  	_ =	swait.ge [sflag:s22], $0x1800  }
0x4cd: {  	[sflag:s22] =	ssyncset.done $0x0  }
0x4ce: {  	[sflag:s22] =	ssyncadd.s32 $0xFFFFE800  }
0x4cf: {  	_ =	swait.ge [sflag:s22], $0x1800  }
0x4d0: {  	[sflag:s22] =	ssyncset.done $0x0  }
0x4d1: {  	[sflag:s22] =	ssyncadd.s32 $0xFFFFE800  }
0x4d2: {  	v3 =	vld [tilespmem:$0x1C0];
	_ =	sdelay $0x4  }
0x4d3: {  	v4 =	vshrl.u32 v3, $0x3  }
0x4d4: {  	v4 =	vmul.u32 $0x30, v4  }
0x4d5: {  	v3 =	vand.u32 $0x7, v3  }
0x4d6: {  	v3 =	vor.u32 v3, v4  }
0x4d7: {  	v4 =	vperm.xlane v3, v0;
	_ =	sdelay $0x1  }
0x4d8: {  	v4 =	vadd.s32 v1, v4;
	_ =	sdelay $0x3  }
0x4d9: {  	v3 =	vperm.xlane v3, v2  }
0x4da: {  	[tilespmem:s3], [sflag:$0x3] =	stream.indirect_vreg.gather [hbm4b:s28+s13], $0x80, v4, vm0, $0xb8;
	[tilespmem:$0x1E200] =	vst v63  }
0x4db: {  	s16 =	simm.s32 $0xCA00;
	v3 =	vadd.s32 v1, v3  }
0x4dc: {  	[tilespmem:s16], [sflag:$0x3] =	stream.indirect_vreg.gather [hbm4b:s8+s13], $0x80, v4, vm0, $0xb8;
	[tilespmem:$0x1E200] =	vst v63  }
0x4dd: {  	s17 =	simm.s32 $0xD200  }
0x4de: {  	[tilespmem:s17], [sflag:$0x3] =	stream.indirect_vreg.gather [hbm4b:s9+s13], $0x80, v4, vm0, $0xb8;
	[tilespmem:$0x1E200] =	vst v63  }
0x4df: {  	_ = 	snop  }
0x4e0: {  	[tilespmem:s5], [sflag:$0x3] =	stream.indirect_vreg.gather [hbm4b:s28+s13], $0x80, v3, vm0, $0xb8;
	[tilespmem:$0x1E200] =	vst v63  }
0x4e1: {  	s18 =	simm.s32 $0xE200  }
0x4e2: {  	[tilespmem:s18], [sflag:$0x3] =	stream.indirect_vreg.gather [hbm4b:s8+s13], $0x80, v3, vm0, $0xb8;
	[tilespmem:$0x1E200] =	vst v63  }
0x4e3: {  	s19 =	simm.s32 $0xEA00  }
0x4e4: {  	[tilespmem:s19], [sflag:$0x3] =	stream.indirect_vreg.gather [hbm4b:s9+s13], $0x80, v3, vm0, $0xb8;
	[tilespmem:$0x1E200] =	vst v63  }
0x4e5: {  	v3 =	vld [tilespmem:$0x1D0];
	_ =	sdelay $0x4  }
0x4e6: {  	v63 =	vshrl.u32 v3, $0x3  }
0x4e7: {  	v4 =	vmul.u32 $0x30, v63  }
0x4e8: {  	v3 =	vand.u32 $0x7, v3  }
0x4e9: {  	v3 =	vor.u32 v3, v4  }
0x4ea: {  	v4 =	vperm.xlane v3, v0;
	_ =	sdelay $0x1  }
0x4eb: {  	v4 =	vadd.s32 v1, v4;
	_ =	sdelay $0x3  }
0x4ec: {  	v3 =	vperm.xlane v3, v2  }
0x4ed: {  	[tilespmem:s7], [sflag:$0x3] =	stream.indirect_vreg.gather [hbm4b:s28+s13], $0x80, v4, vm0, $0xb8;
	[tilespmem:$0x1E200] =	vst v63  }
0x4ee: {  	s20 =	simm.s32 $0xFA00;
	v3 =	vadd.s32 v1, v3  }
0x4ef: {  	[tilespmem:s20], [sflag:$0x3] =	stream.indirect_vreg.gather [hbm4b:s8+s13], $0x80, v4, vm0, $0xb8;
	[tilespmem:$0x1E200] =	vst v63  }
0x4f0: {  	s21 =	simm.s32 $0x10200  }
0x4f1: {  	[tilespmem:s21], [sflag:$0x3] =	stream.indirect_vreg.gather [hbm4b:s9+s13], $0x80, v4, vm0, $0xb8;
	[tilespmem:$0x1E200] =	vst v63  }
0x4f2: {  	_ = 	snop  }
0x4f3: {  	[tilespmem:s11], [sflag:$0x3] =	stream.indirect_vreg.gather [hbm4b:s28+s13], $0x80, v3, vm0, $0xb8;
	[tilespmem:$0x1E200] =	vst v63  }
0x4f4: {  	s23 =	simm.s32 $0x11200  }
0x4f5: {  	[tilespmem:s23], [sflag:$0x3] =	stream.indirect_vreg.gather [hbm4b:s8+s13], $0x80, v3, vm0, $0xb8;
	[tilespmem:$0x1E200] =	vst v63  }
0x4f6: {  	s25 =	simm.s32 $0x11A00  }
0x4f7: {  	[tilespmem:s25], [sflag:$0x3] =	stream.indirect_vreg.gather [hbm4b:s9+s13], $0x80, v3, vm0, $0xb8;
	[tilespmem:$0x1E200] =	vst v63  }
0x4f8: {  	s29 =	simm.s32 $0x1B200;
	s30 =	simm.s32 $0x4;
	s26 =	rddreg [dreg:$0x1f]  }
0x4f9: {  	[tilespmem:s29], [sflag:$0x7] =	stream.linear.gather [hbm4b:s26+s13], $0x1800, $0x38;
	[tilespmem:$0x1E200] =	vst v63  }
0x4fa: {  	_ =	swait.ge [sflag:s30], $0x6000  }
0x4fb: {  	[sflag:s30] =	ssyncset.done $0x0  }
0x4fc: {  	s31 =	simm.s32 $0x8;
	[sflag:s30] =	ssyncadd.s32 $0xFFFFA000  }
0x4fd: {  	s24 =	simm.s32 $0xC200;
	_ =	swait.ge [sflag:s31], $0x1800  }
0x4fe: {  	s6 =	simm.s32 $0xDA00;
	s10 =	simm.s32 $0x10A00;
	[sflag:s31] =	ssyncset.done $0x0  }
0x4ff: {  	s16 =	simm.s32 $0x0;
	s19 =	simm.s32 $0xF200;
	[sflag:s31] =	ssyncadd.s32 $0xFFFFE800  }
.LBB2_46:
0x500: {  	s23 =	sshll.u32 s16, $0x7;
	s20 =	sand.u32 $0x60, s13;
	s2 =	sand.u32 $0x1C00, s13  }
0x501: {  	s3 =	sor.u32 s23, s2;
	s26 =	sor.u32 $0x10, s20  }
0x502: {  	s7 =	sor.u32 s26, s3  }
0x503: {  	v3 =	vld [tilespmem:s7+$0x1CA00];
	_ =	sdelay $0x2  }
0x504: {  	s21 =	simm.s32 $0x0;
	s5 =	sadd.s32 $0x13A00, s23;
	s31 =	sor.u32 s20, s3  }
0x505: {  	s29 =	simm.s32 $0x100;
	s12 =	sadd.s32 $0x15200, s23;
	s25 =	sadd.s32 s2, s5;
	v4 =	vld [tilespmem:s31+$0x1CA00]  }
0x506: {  	s17 =	sadd.s32 $0x16A00, s23;
	s11 =	sadd.s32 s2, s12;
	s15 =	sadd.s32 s26, s25;
	[tilespmem:s7+$0x12200] =	vst.add.f32.msk $0xffff, v3  }
0x507: {  	s18 =	sadd.s32 s2, s17;
	s2 =	simm.s32 $0x20;
	s30 =	sadd.s32 s26, s11;
	[tilespmem:s15+$0x0] =	vst.add.f32.msk $0xffff, v3  }
.LBB2_47:
0x508: {  	s3 =	sand.u32 $0x60, s2;
	s7 =	sand.u32 $0x1C00, s29;
	[tilespmem:s30+$0x0] =	vst.add.f32.msk $0xffff, v3;
	s15 =	sadd.s32 s26, s18  }
0x509: {  	s25 =	sadd.s32 s20, s25;
	s30 =	sor.u32 s23, s7;
	s26 =	sor.u32 $0x10, s3;
	[tilespmem:s15+$0x0] =	vst.add.f32.msk $0xffff, v3  }
0x50a: {  	s11 =	sadd.s32 s20, s11;
	s15 =	sor.u32 s26, s30;
	[tilespmem:s31+$0x12200] =	vst.add.f32.msk $0xffff, v4;
	s31 =	sor.u32 s3, s30  }
0x50b: {  	s21 =	sadd.s32 $0x2, s21;
	s18 =	sadd.s32 s20, s18;
	s20 =	smov.u32 s3;
	v3 =	vld [tilespmem:s15+$0x1CA00]  }
0x50c: {  	p0 =	slt.u32 s21, $0x2E;
	v5 =	vld [tilespmem:s31+$0x1CA00]  }
.Ltmp22:
0x50d: {  	[tilespmem:s25+$0x0] =	vst.add.f32.msk $0xffff, v4;
	(pc) =	sbr.rel @p0 .LBB2_47-.Ltmp22, $4  }
0x50e: {  	[tilespmem:s11+$0x0] =	vst.add.f32.msk $0xffff, v4  }
0x50f: {  	s25 =	sadd.s32 s7, s5;
	[tilespmem:s18+$0x0] =	vst.add.f32.msk $0xffff, v4  }
0x510: {  	s29 =	sadd.s32 $0x100, s29;
	s11 =	sadd.s32 s7, s12;
	s3 =	sadd.s32 s26, s25;
	[tilespmem:s15+$0x12200] =	vst.add.f32.msk $0xffff, v3  }
0x511: {  	s2 =	sadd.s32 $0x20, s2;
	s18 =	sadd.s32 s7, s17;
	s30 =	sadd.s32 s26, s11;
	[tilespmem:s3+$0x0] =	vst.add.f32.msk $0xffff, v3;
	v4 =	vmov v5  }
0x512: {  	s16 =	sadd.s32 $0x1, s16  }
0x513: {  	[tilespmem:s30+$0x0] =	vst.add.f32.msk $0xffff, v3;
	p0 =	sne.s32 s16, $0x8  }
.Ltmp23:
0x514: {  	s2 =	sadd.s32 s26, s18;
	[tilespmem:s31+$0x12200] =	vst.add.f32.msk $0xffff, v4;
	(pc) =	sbr.rel @p0 .LBB2_46-.Ltmp23, $4  }
0x515: {  	s30 =	sadd.s32 s20, s25;
	[tilespmem:s2+$0x0] =	vst.add.f32.msk $0xffff, v3  }
0x516: {  	s3 =	sadd.s32 s20, s11;
	[tilespmem:s30+$0x0] =	vst.add.f32.msk $0xffff, v4  }
0x517: {  	s31 =	sadd.s32 s20, s18;
	[tilespmem:s3+$0x0] =	vst.add.f32.msk $0xffff, v4  }
0x518: {  	[tilespmem:s31+$0x0] =	vst.add.f32.msk $0xffff, v4  }
0x519: {  	s2 =	rddreg [dreg:$0x1c]  }
0x51a: {  	s13 =	simm.s32 $0x0;
	s3 =	simm.s32 $0x12200;
	s7 =	sld [smem:$0x7EF]  }
0x51b: {  	[hbm4b:s2+s13] =	stream.linear.scatter [tilespmem:s3], [sflag:$0xC], $0x1800, $0x38;
	[tilespmem:$0x1E200] =	vst v63  }
0x51c: {  	s5 =	simm.s32 $0x13A00;
	s11 =	sld [smem:$0x7F0]  }
0x51d: {  	[hbm4b:s7+s13] =	stream.linear.scatter [tilespmem:s5], [sflag:$0xC], $0x1800, $0x38;
	[tilespmem:$0x1E200] =	vst v63  }
0x51e: {  	s12 =	sld [smem:$0x7F1];
	s7 =	simm.s32 $0x15200  }
0x51f: {  	[hbm4b:s11+s13] =	stream.linear.scatter [tilespmem:s7], [sflag:$0xC], $0x1800, $0x38;
	[tilespmem:$0x1E200] =	vst v63  }
0x520: {  	s11 =	simm.s32 $0x16A00  }
0x521: {  	[hbm4b:s12+s13] =	stream.linear.scatter [tilespmem:s11], [sflag:$0xC], $0x1800, $0x38;
	[tilespmem:$0x1E200] =	vst v63  }
0x522: {  	_ =	swait.ge [sflag:s4], $0x1800  }
0x523: {  	[sflag:s4] =	ssyncset.done $0x0  }
0x524: {  	[sflag:s4] =	ssyncadd.s32 $0xFFFFE800  }
0x525: {  	_ =	swait.ge [sflag:s4], $0x1800  }
0x526: {  	[sflag:s4] =	ssyncset.done $0x0  }
0x527: {  	[sflag:s4] =	ssyncadd.s32 $0xFFFFE800  }
0x528: {  	_ =	swait.ge [sflag:s4], $0x1800  }
0x529: {  	[sflag:s4] =	ssyncset.done $0x0  }
0x52a: {  	[sflag:s4] =	ssyncadd.s32 $0xFFFFE800  }
0x52b: {  	_ =	swait.ge [sflag:s4], $0x1800  }
0x52c: {  	[sflag:s4] =	ssyncset.done $0x0  }
0x52d: {  	[sflag:s4] =	ssyncadd.s32 $0xFFFFE800  }
0x52e: {  	v3 =	vld [tilespmem:$0x1E0];
	_ =	sdelay $0x4  }
0x52f: {  	v4 =	vshrl.u32 v3, $0x3  }
0x530: {  	v4 =	vmul.u32 $0x30, v4  }
0x531: {  	v3 =	vand.u32 $0x7, v3  }
0x532: {  	v3 =	vor.u32 v3, v4  }
0x533: {  	v4 =	vperm.xlane v3, v0;
	_ =	sdelay $0x1  }
0x534: {  	v4 =	vadd.s32 v1, v4;
	_ =	sdelay $0x3  }
0x535: {  	v3 =	vperm.xlane v3, v2  }
0x536: {  	[tilespmem:s3], [sflag:$0x4] =	stream.indirect_vreg.gather [hbm4b:s28+s13], $0x80, v4, vm0, $0xb8;
	[tilespmem:$0x1E200] =	vst v63  }
0x537: {  	s15 =	simm.s32 $0x12A00;
	v3 =	vadd.s32 v1, v3  }
0x538: {  	[tilespmem:s15], [sflag:$0x4] =	stream.indirect_vreg.gather [hbm4b:s8+s13], $0x80, v4, vm0, $0xb8;
	[tilespmem:$0x1E200] =	vst v63  }
0x539: {  	s16 =	simm.s32 $0x13200  }
0x53a: {  	[tilespmem:s16], [sflag:$0x4] =	stream.indirect_vreg.gather [hbm4b:s9+s13], $0x80, v4, vm0, $0xb8;
	[tilespmem:$0x1E200] =	vst v63  }
0x53b: {  	_ = 	snop  }
0x53c: {  	[tilespmem:s5], [sflag:$0x4] =	stream.indirect_vreg.gather [hbm4b:s28+s13], $0x80, v3, vm0, $0xb8;
	[tilespmem:$0x1E200] =	vst v63  }
0x53d: {  	s17 =	simm.s32 $0x14200  }
0x53e: {  	[tilespmem:s17], [sflag:$0x4] =	stream.indirect_vreg.gather [hbm4b:s8+s13], $0x80, v3, vm0, $0xb8;
	[tilespmem:$0x1E200] =	vst v63  }
0x53f: {  	s18 =	simm.s32 $0x14A00  }
0x540: {  	[tilespmem:s18], [sflag:$0x4] =	stream.indirect_vreg.gather [hbm4b:s9+s13], $0x80, v3, vm0, $0xb8;
	[tilespmem:$0x1E200] =	vst v63  }
0x541: {  	v3 =	vld [tilespmem:$0x1F0];
	_ =	sdelay $0x4  }
0x542: {  	v63 =	vshrl.u32 v3, $0x3  }
0x543: {  	v4 =	vmul.u32 $0x30, v63  }
0x544: {  	v3 =	vand.u32 $0x7, v3  }
0x545: {  	v3 =	vor.u32 v3, v4  }
0x546: {  	v4 =	vperm.xlane v3, v0;
	_ =	sdelay $0x1  }
0x547: {  	v4 =	vadd.s32 v1, v4;
	_ =	sdelay $0x3  }
0x548: {  	v3 =	vperm.xlane v3, v2  }
0x549: {  	[tilespmem:s7], [sflag:$0x4] =	stream.indirect_vreg.gather [hbm4b:s28+s13], $0x80, v4, vm0, $0xb8;
	[tilespmem:$0x1E200] =	vst v63  }
0x54a: {  	s20 =	simm.s32 $0x15A00;
	v3 =	vadd.s32 v1, v3  }
0x54b: {  	[tilespmem:s20], [sflag:$0x4] =	stream.indirect_vreg.gather [hbm4b:s8+s13], $0x80, v4, vm0, $0xb8;
	[tilespmem:$0x1E200] =	vst v63  }
0x54c: {  	s21 =	simm.s32 $0x16200  }
0x54d: {  	[tilespmem:s21], [sflag:$0x4] =	stream.indirect_vreg.gather [hbm4b:s9+s13], $0x80, v4, vm0, $0xb8;
	[tilespmem:$0x1E200] =	vst v63  }
0x54e: {  	_ = 	snop  }
0x54f: {  	[tilespmem:s11], [sflag:$0x4] =	stream.indirect_vreg.gather [hbm4b:s28+s13], $0x80, v3, vm0, $0xb8;
	[tilespmem:$0x1E200] =	vst v63  }
0x550: {  	s23 =	simm.s32 $0x17200  }
0x551: {  	[tilespmem:s23], [sflag:$0x4] =	stream.indirect_vreg.gather [hbm4b:s8+s13], $0x80, v3, vm0, $0xb8;
	[tilespmem:$0x1E200] =	vst v63  }
0x552: {  	s25 =	simm.s32 $0x17A00;
	s26 =	sld [smem:$0x7C7]  }
0x553: {  	[tilespmem:s25], [sflag:$0x4] =	stream.indirect_vreg.gather [hbm4b:s9+s13], $0x80, v3, vm0, $0xb8;
	[tilespmem:$0x1E200] =	vst v63  }
0x554: {  	s29 =	simm.s32 $0x1CA00;
	s30 =	simm.s32 $0x1  }
0x555: {  	[tilespmem:s29], [sflag:$0x8] =	stream.linear.gather [hbm4b:s26+s13], $0x1800, $0x38;
	[tilespmem:$0x1E200] =	vst v63  }
0x556: {  	_ =	swait.ge [sflag:s30], $0x6000  }
0x557: {  	[sflag:s30] =	ssyncset.done $0x0  }
0x558: {  	s31 =	simm.s32 $0x5;
	[sflag:s30] =	ssyncadd.s32 $0xFFFFA000  }
0x559: {  	_ =	swait.ge [sflag:s31], $0x1800  }
0x55a: {  	[sflag:s31] =	ssyncset.done $0x0  }
0x55b: {  	s16 =	simm.s32 $0x0;
	[sflag:s31] =	ssyncadd.s32 $0xFFFFE800  }
.LBB2_50:
0x55c: {  	s23 =	sshll.u32 s16, $0x7;
	s20 =	sand.u32 $0x60, s13;
	s2 =	sand.u32 $0x1C00, s13  }
0x55d: {  	s3 =	sor.u32 s23, s2;
	s26 =	sor.u32 $0x10, s20  }
0x55e: {  	s7 =	sor.u32 s26, s3  }
0x55f: {  	v3 =	vld [tilespmem:s7+$0x18200];
	_ =	sdelay $0x2  }
0x560: {  	s21 =	simm.s32 $0x0;
	s5 =	sadd.s32 $0x1A00, s23;
	s31 =	sor.u32 s20, s3  }
0x561: {  	s29 =	simm.s32 $0x100;
	s12 =	sadd.s32 $0x3200, s23;
	s25 =	sadd.s32 s2, s5;
	v4 =	vld [tilespmem:s31+$0x18200]  }
0x562: {  	s17 =	sadd.s32 $0x4A00, s23;
	s11 =	sadd.s32 s2, s12;
	s15 =	sadd.s32 s26, s25;
	[tilespmem:s7+$0x200] =	vst.add.f32.msk $0xffff, v3  }
0x563: {  	s18 =	sadd.s32 s2, s17;
	s2 =	simm.s32 $0x20;
	s30 =	sadd.s32 s26, s11;
	[tilespmem:s15+$0x0] =	vst.add.f32.msk $0xffff, v3  }
.LBB2_51:
0x564: {  	s3 =	sand.u32 $0x60, s2;
	s7 =	sand.u32 $0x1C00, s29;
	[tilespmem:s30+$0x0] =	vst.add.f32.msk $0xffff, v3;
	s15 =	sadd.s32 s26, s18  }
0x565: {  	s25 =	sadd.s32 s20, s25;
	s30 =	sor.u32 s23, s7;
	s26 =	sor.u32 $0x10, s3;
	[tilespmem:s15+$0x0] =	vst.add.f32.msk $0xffff, v3  }
0x566: {  	s11 =	sadd.s32 s20, s11;
	s15 =	sor.u32 s26, s30;
	[tilespmem:s31+$0x200] =	vst.add.f32.msk $0xffff, v4;
	s31 =	sor.u32 s3, s30  }
0x567: {  	s21 =	sadd.s32 $0x2, s21;
	s18 =	sadd.s32 s20, s18;
	s20 =	smov.u32 s3;
	v3 =	vld [tilespmem:s15+$0x18200]  }
0x568: {  	p0 =	slt.u32 s21, $0x2E;
	v5 =	vld [tilespmem:s31+$0x18200]  }
.Ltmp24:
0x569: {  	[tilespmem:s25+$0x0] =	vst.add.f32.msk $0xffff, v4;
	(pc) =	sbr.rel @p0 .LBB2_51-.Ltmp24, $4  }
0x56a: {  	[tilespmem:s11+$0x0] =	vst.add.f32.msk $0xffff, v4  }
0x56b: {  	s25 =	sadd.s32 s7, s5;
	[tilespmem:s18+$0x0] =	vst.add.f32.msk $0xffff, v4  }
0x56c: {  	s29 =	sadd.s32 $0x100, s29;
	s11 =	sadd.s32 s7, s12;
	s3 =	sadd.s32 s26, s25;
	[tilespmem:s15+$0x200] =	vst.add.f32.msk $0xffff, v3  }
0x56d: {  	s2 =	sadd.s32 $0x20, s2;
	s18 =	sadd.s32 s7, s17;
	s30 =	sadd.s32 s26, s11;
	[tilespmem:s3+$0x0] =	vst.add.f32.msk $0xffff, v3;
	v4 =	vmov v5  }
0x56e: {  	s16 =	sadd.s32 $0x1, s16  }
0x56f: {  	[tilespmem:s30+$0x0] =	vst.add.f32.msk $0xffff, v3;
	p0 =	sne.s32 s16, $0x8  }
.Ltmp25:
0x570: {  	s2 =	sadd.s32 s26, s18;
	[tilespmem:s31+$0x200] =	vst.add.f32.msk $0xffff, v4;
	(pc) =	sbr.rel @p0 .LBB2_50-.Ltmp25, $4  }
0x571: {  	s30 =	sadd.s32 s20, s25;
	[tilespmem:s2+$0x0] =	vst.add.f32.msk $0xffff, v3  }
0x572: {  	s3 =	sadd.s32 s20, s11;
	[tilespmem:s30+$0x0] =	vst.add.f32.msk $0xffff, v4  }
0x573: {  	s31 =	sadd.s32 s20, s18;
	[tilespmem:s3+$0x0] =	vst.add.f32.msk $0xffff, v4  }
0x574: {  	[tilespmem:s31+$0x0] =	vst.add.f32.msk $0xffff, v4  }
0x575: {  	s2 =	sld [smem:$0x7C8];
	_ =	sdelay $0x1  }
0x576: {  	s13 =	simm.s32 $0x0;
	s3 =	simm.s32 $0x200;
	s20 =	sld [smem:$0x7F2]  }
0x577: {  	[hbm4b:s2+s13] =	stream.linear.scatter [tilespmem:s3], [sflag:$0x9], $0x1800, $0x38;
	[tilespmem:$0x1E200] =	vst v63  }
0x578: {  	s21 =	simm.s32 $0x1A00;
	s23 =	sld [smem:$0x7F3]  }
0x579: {  	[hbm4b:s20+s13] =	stream.linear.scatter [tilespmem:s21], [sflag:$0x9], $0x1800, $0x38;
	[tilespmem:$0x1E200] =	vst v63  }
0x57a: {  	s25 =	simm.s32 $0x3200;
	s26 =	sld [smem:$0x7F4]  }
0x57b: {  	[hbm4b:s23+s13] =	stream.linear.scatter [tilespmem:s25], [sflag:$0x9], $0x1800, $0x38;
	[tilespmem:$0x1E200] =	vst v63  }
0x57c: {  	s29 =	simm.s32 $0x4A00;
	s30 =	simm.s32 $0x2  }
0x57d: {  	[hbm4b:s26+s13] =	stream.linear.scatter [tilespmem:s29], [sflag:$0x9], $0x1800, $0x38;
	[tilespmem:$0x1E200] =	vst v63  }
0x57e: {  	_ =	swait.ge [sflag:s30], $0x6000  }
0x57f: {  	[sflag:s30] =	ssyncset.done $0x0  }
0x580: {  	s31 =	simm.s32 $0x6;
	[sflag:s30] =	ssyncadd.s32 $0xFFFFA000  }
0x581: {  	_ =	swait.ge [sflag:s31], $0x1800  }
0x582: {  	[sflag:s31] =	ssyncset.done $0x0  }
0x583: {  	s16 =	simm.s32 $0x0;
	[sflag:s31] =	ssyncadd.s32 $0xFFFFE800  }
.LBB2_54:
0x584: {  	s23 =	sshll.u32 s16, $0x7;
	s20 =	sand.u32 $0x60, s13;
	s2 =	sand.u32 $0x1C00, s13  }
0x585: {  	s3 =	sor.u32 s23, s2;
	s26 =	sor.u32 $0x10, s20  }
0x586: {  	s7 =	sor.u32 s26, s3  }
0x587: {  	v3 =	vld [tilespmem:s7+$0x19A00];
	_ =	sdelay $0x2  }
0x588: {  	s21 =	simm.s32 $0x0;
	s5 =	sadd.s32 $0x7A00, s23;
	s31 =	sor.u32 s20, s3  }
0x589: {  	s29 =	simm.s32 $0x100;
	s12 =	sadd.s32 $0x9200, s23;
	s25 =	sadd.s32 s2, s5;
	v4 =	vld [tilespmem:s31+$0x19A00]  }
0x58a: {  	s17 =	sadd.s32 $0xAA00, s23;
	s11 =	sadd.s32 s2, s12;
	s15 =	sadd.s32 s26, s25;
	[tilespmem:s7+$0x6200] =	vst.add.f32.msk $0xffff, v3  }
0x58b: {  	s18 =	sadd.s32 s2, s17;
	s2 =	simm.s32 $0x20;
	s30 =	sadd.s32 s26, s11;
	[tilespmem:s15+$0x0] =	vst.add.f32.msk $0xffff, v3  }
.LBB2_55:
0x58c: {  	s3 =	sand.u32 $0x60, s2;
	s7 =	sand.u32 $0x1C00, s29;
	[tilespmem:s30+$0x0] =	vst.add.f32.msk $0xffff, v3;
	s15 =	sadd.s32 s26, s18  }
0x58d: {  	s25 =	sadd.s32 s20, s25;
	s30 =	sor.u32 s23, s7;
	s26 =	sor.u32 $0x10, s3;
	[tilespmem:s15+$0x0] =	vst.add.f32.msk $0xffff, v3  }
0x58e: {  	s11 =	sadd.s32 s20, s11;
	s15 =	sor.u32 s26, s30;
	[tilespmem:s31+$0x6200] =	vst.add.f32.msk $0xffff, v4;
	s31 =	sor.u32 s3, s30  }
0x58f: {  	s21 =	sadd.s32 $0x2, s21;
	s18 =	sadd.s32 s20, s18;
	s20 =	smov.u32 s3;
	v3 =	vld [tilespmem:s15+$0x19A00]  }
0x590: {  	p0 =	slt.u32 s21, $0x2E;
	v5 =	vld [tilespmem:s31+$0x19A00]  }
.Ltmp26:
0x591: {  	[tilespmem:s25+$0x0] =	vst.add.f32.msk $0xffff, v4;
	(pc) =	sbr.rel @p0 .LBB2_55-.Ltmp26, $4  }
0x592: {  	[tilespmem:s11+$0x0] =	vst.add.f32.msk $0xffff, v4  }
0x593: {  	s25 =	sadd.s32 s7, s5;
	[tilespmem:s18+$0x0] =	vst.add.f32.msk $0xffff, v4  }
0x594: {  	s29 =	sadd.s32 $0x100, s29;
	s11 =	sadd.s32 s7, s12;
	s3 =	sadd.s32 s26, s25;
	[tilespmem:s15+$0x6200] =	vst.add.f32.msk $0xffff, v3  }
0x595: {  	s2 =	sadd.s32 $0x20, s2;
	s18 =	sadd.s32 s7, s17;
	s30 =	sadd.s32 s26, s11;
	[tilespmem:s3+$0x0] =	vst.add.f32.msk $0xffff, v3;
	v4 =	vmov v5  }
0x596: {  	s16 =	sadd.s32 $0x1, s16  }
0x597: {  	[tilespmem:s30+$0x0] =	vst.add.f32.msk $0xffff, v3;
	p0 =	sne.s32 s16, $0x8  }
.Ltmp27:
0x598: {  	s2 =	sadd.s32 s26, s18;
	[tilespmem:s31+$0x6200] =	vst.add.f32.msk $0xffff, v4;
	(pc) =	sbr.rel @p0 .LBB2_54-.Ltmp27, $4  }
0x599: {  	s30 =	sadd.s32 s20, s25;
	[tilespmem:s2+$0x0] =	vst.add.f32.msk $0xffff, v3  }
0x59a: {  	s3 =	sadd.s32 s20, s11;
	[tilespmem:s30+$0x0] =	vst.add.f32.msk $0xffff, v4  }
0x59b: {  	s31 =	sadd.s32 s20, s18;
	[tilespmem:s3+$0x0] =	vst.add.f32.msk $0xffff, v4  }
0x59c: {  	[tilespmem:s31+$0x0] =	vst.add.f32.msk $0xffff, v4  }
0x59d: {  	s2 =	sld [smem:$0x7C9];
	_ =	sdelay $0x1  }
0x59e: {  	s13 =	simm.s32 $0x0;
	s3 =	simm.s32 $0x6200;
	s20 =	sld [smem:$0x7F5]  }
0x59f: {  	[hbm4b:s2+s13] =	stream.linear.scatter [tilespmem:s3], [sflag:$0xA], $0x1800, $0x38;
	[tilespmem:$0x1E200] =	vst v63  }
0x5a0: {  	s21 =	simm.s32 $0x7A00;
	s23 =	sld [smem:$0x7F6]  }
0x5a1: {  	[hbm4b:s20+s13] =	stream.linear.scatter [tilespmem:s21], [sflag:$0xA], $0x1800, $0x38;
	[tilespmem:$0x1E200] =	vst v63  }
0x5a2: {  	s25 =	simm.s32 $0x9200;
	s26 =	sld [smem:$0x7F7]  }
0x5a3: {  	[hbm4b:s23+s13] =	stream.linear.scatter [tilespmem:s25], [sflag:$0xA], $0x1800, $0x38;
	[tilespmem:$0x1E200] =	vst v63  }
0x5a4: {  	s29 =	simm.s32 $0xAA00;
	s30 =	simm.s32 $0x3  }
0x5a5: {  	[hbm4b:s26+s13] =	stream.linear.scatter [tilespmem:s29], [sflag:$0xA], $0x1800, $0x38;
	[tilespmem:$0x1E200] =	vst v63  }
0x5a6: {  	_ =	swait.ge [sflag:s30], $0x6000  }
0x5a7: {  	[sflag:s30] =	ssyncset.done $0x0  }
0x5a8: {  	s31 =	simm.s32 $0x7;
	[sflag:s30] =	ssyncadd.s32 $0xFFFFA000  }
0x5a9: {  	_ =	swait.ge [sflag:s31], $0x1800  }
0x5aa: {  	[sflag:s31] =	ssyncset.done $0x0  }
0x5ab: {  	s16 =	simm.s32 $0x0;
	[sflag:s31] =	ssyncadd.s32 $0xFFFFE800  }
.LBB2_58:
0x5ac: {  	s23 =	sshll.u32 s16, $0x7;
	s20 =	sand.u32 $0x60, s13;
	s2 =	sand.u32 $0x1C00, s13  }
0x5ad: {  	s3 =	sor.u32 s23, s2;
	s26 =	sor.u32 $0x10, s20  }
0x5ae: {  	s7 =	sor.u32 s26, s3  }
0x5af: {  	v3 =	vld [tilespmem:s7+$0x1B200];
	_ =	sdelay $0x2  }
0x5b0: {  	s21 =	simm.s32 $0x0;
	s5 =	sadd.s32 $0xDA00, s23;
	s31 =	sor.u32 s20, s3  }
0x5b1: {  	s29 =	simm.s32 $0x100;
	s12 =	sadd.s32 $0xF200, s23;
	s25 =	sadd.s32 s2, s5;
	v4 =	vld [tilespmem:s31+$0x1B200]  }
0x5b2: {  	s17 =	sadd.s32 $0x10A00, s23;
	s11 =	sadd.s32 s2, s12;
	s15 =	sadd.s32 s26, s25;
	[tilespmem:s7+$0xC200] =	vst.add.f32.msk $0xffff, v3  }
0x5b3: {  	s18 =	sadd.s32 s2, s17;
	s2 =	simm.s32 $0x20;
	s30 =	sadd.s32 s26, s11;
	[tilespmem:s15+$0x0] =	vst.add.f32.msk $0xffff, v3  }
.LBB2_59:
0x5b4: {  	s3 =	sand.u32 $0x60, s2;
	s7 =	sand.u32 $0x1C00, s29;
	[tilespmem:s30+$0x0] =	vst.add.f32.msk $0xffff, v3;
	s15 =	sadd.s32 s26, s18  }
0x5b5: {  	s25 =	sadd.s32 s20, s25;
	s30 =	sor.u32 s23, s7;
	s26 =	sor.u32 $0x10, s3;
	[tilespmem:s15+$0x0] =	vst.add.f32.msk $0xffff, v3  }
0x5b6: {  	s11 =	sadd.s32 s20, s11;
	s15 =	sor.u32 s26, s30;
	[tilespmem:s31+$0xC200] =	vst.add.f32.msk $0xffff, v4;
	s31 =	sor.u32 s3, s30  }
0x5b7: {  	s21 =	sadd.s32 $0x2, s21;
	s18 =	sadd.s32 s20, s18;
	s20 =	smov.u32 s3;
	v3 =	vld [tilespmem:s15+$0x1B200]  }
0x5b8: {  	p0 =	slt.u32 s21, $0x2E;
	v5 =	vld [tilespmem:s31+$0x1B200]  }
.Ltmp28:
0x5b9: {  	[tilespmem:s25+$0x0] =	vst.add.f32.msk $0xffff, v4;
	(pc) =	sbr.rel @p0 .LBB2_59-.Ltmp28, $4  }
0x5ba: {  	[tilespmem:s11+$0x0] =	vst.add.f32.msk $0xffff, v4  }
0x5bb: {  	s25 =	sadd.s32 s7, s5;
	[tilespmem:s18+$0x0] =	vst.add.f32.msk $0xffff, v4  }
0x5bc: {  	s29 =	sadd.s32 $0x100, s29;
	s11 =	sadd.s32 s7, s12;
	s3 =	sadd.s32 s26, s25;
	[tilespmem:s15+$0xC200] =	vst.add.f32.msk $0xffff, v3  }
0x5bd: {  	s2 =	sadd.s32 $0x20, s2;
	s18 =	sadd.s32 s7, s17;
	s30 =	sadd.s32 s26, s11;
	[tilespmem:s3+$0x0] =	vst.add.f32.msk $0xffff, v3;
	v4 =	vmov v5  }
0x5be: {  	s16 =	sadd.s32 $0x1, s16  }
0x5bf: {  	[tilespmem:s30+$0x0] =	vst.add.f32.msk $0xffff, v3;
	p0 =	sne.s32 s16, $0x8  }
.Ltmp29:
0x5c0: {  	s2 =	sadd.s32 s26, s18;
	[tilespmem:s31+$0xC200] =	vst.add.f32.msk $0xffff, v4;
	(pc) =	sbr.rel @p0 .LBB2_58-.Ltmp29, $4  }
0x5c1: {  	s30 =	sadd.s32 s20, s25;
	[tilespmem:s2+$0x0] =	vst.add.f32.msk $0xffff, v3  }
0x5c2: {  	s3 =	sadd.s32 s20, s11;
	[tilespmem:s30+$0x0] =	vst.add.f32.msk $0xffff, v4  }
0x5c3: {  	s31 =	sadd.s32 s20, s18;
	[tilespmem:s3+$0x0] =	vst.add.f32.msk $0xffff, v4  }
0x5c4: {  	[tilespmem:s31+$0x0] =	vst.add.f32.msk $0xffff, v4  }
0x5c5: {  	s2 =	sld [smem:$0x7CA];
	_ =	sdelay $0x1  }
0x5c6: {  	s13 =	simm.s32 $0x0;
	s25 =	sld [smem:$0x7F8]  }
0x5c7: {  	[hbm4b:s2+s13] =	stream.linear.scatter [tilespmem:s24], [sflag:$0xB], $0x1800, $0x38;
	[tilespmem:$0x1E200] =	vst v63  }
0x5c8: {  	s26 =	sld [smem:$0x7F9]  }
0x5c9: {  	[hbm4b:s25+s13] =	stream.linear.scatter [tilespmem:s6], [sflag:$0xB], $0x1800, $0x38;
	[tilespmem:$0x1E200] =	vst v63  }
0x5ca: {  	s29 =	sld [smem:$0x7FA]  }
0x5cb: {  	[hbm4b:s26+s13] =	stream.linear.scatter [tilespmem:s19], [sflag:$0xB], $0x1800, $0x38;
	[tilespmem:$0x1E200] =	vst v63  }
0x5cc: {  	s30 =	simm.s32 $0x4  }
0x5cd: {  	[hbm4b:s29+s13] =	stream.linear.scatter [tilespmem:s10], [sflag:$0xB], $0x1800, $0x38;
	[tilespmem:$0x1E200] =	vst v63  }
0x5ce: {  	_ =	swait.ge [sflag:s30], $0x6000  }
0x5cf: {  	[sflag:s30] =	ssyncset.done $0x0  }
0x5d0: {  	s31 =	simm.s32 $0x8;
	[sflag:s30] =	ssyncadd.s32 $0xFFFFA000  }
0x5d1: {  	_ =	swait.ge [sflag:s31], $0x1800  }
0x5d2: {  	[sflag:s31] =	ssyncset.done $0x0  }
0x5d3: {  	s16 =	simm.s32 $0x0;
	[sflag:s31] =	ssyncadd.s32 $0xFFFFE800  }
.LBB2_62:
0x5d4: {  	s23 =	sshll.u32 s16, $0x7;
	s20 =	sand.u32 $0x60, s13;
	s2 =	sand.u32 $0x1C00, s13  }
0x5d5: {  	s3 =	sor.u32 s23, s2;
	s26 =	sor.u32 $0x10, s20  }
0x5d6: {  	s7 =	sor.u32 s26, s3  }
0x5d7: {  	v3 =	vld [tilespmem:s7+$0x1CA00];
	_ =	sdelay $0x2  }
0x5d8: {  	s21 =	simm.s32 $0x0;
	s5 =	sadd.s32 $0x13A00, s23;
	s31 =	sor.u32 s20, s3  }
0x5d9: {  	s29 =	simm.s32 $0x100;
	s12 =	sadd.s32 $0x15200, s23;
	s25 =	sadd.s32 s2, s5;
	v4 =	vld [tilespmem:s31+$0x1CA00]  }
0x5da: {  	s17 =	sadd.s32 $0x16A00, s23;
	s11 =	sadd.s32 s2, s12;
	s15 =	sadd.s32 s26, s25;
	[tilespmem:s7+$0x12200] =	vst.add.f32.msk $0xffff, v3  }
0x5db: {  	s18 =	sadd.s32 s2, s17;
	s2 =	simm.s32 $0x20;
	s30 =	sadd.s32 s26, s11;
	[tilespmem:s15+$0x0] =	vst.add.f32.msk $0xffff, v3  }
.LBB2_63:
0x5dc: {  	s3 =	sand.u32 $0x60, s2;
	s7 =	sand.u32 $0x1C00, s29;
	[tilespmem:s30+$0x0] =	vst.add.f32.msk $0xffff, v3;
	s15 =	sadd.s32 s26, s18  }
0x5dd: {  	s25 =	sadd.s32 s20, s25;
	s30 =	sor.u32 s23, s7;
	s26 =	sor.u32 $0x10, s3;
	[tilespmem:s15+$0x0] =	vst.add.f32.msk $0xffff, v3  }
0x5de: {  	s11 =	sadd.s32 s20, s11;
	s15 =	sor.u32 s26, s30;
	[tilespmem:s31+$0x12200] =	vst.add.f32.msk $0xffff, v4;
	s31 =	sor.u32 s3, s30  }
0x5df: {  	s21 =	sadd.s32 $0x2, s21;
	s18 =	sadd.s32 s20, s18;
	s20 =	smov.u32 s3;
	v3 =	vld [tilespmem:s15+$0x1CA00]  }
0x5e0: {  	p0 =	slt.u32 s21, $0x2E;
	v5 =	vld [tilespmem:s31+$0x1CA00]  }
.Ltmp30:
0x5e1: {  	[tilespmem:s25+$0x0] =	vst.add.f32.msk $0xffff, v4;
	(pc) =	sbr.rel @p0 .LBB2_63-.Ltmp30, $4  }
0x5e2: {  	[tilespmem:s11+$0x0] =	vst.add.f32.msk $0xffff, v4  }
0x5e3: {  	s25 =	sadd.s32 s7, s5;
	[tilespmem:s18+$0x0] =	vst.add.f32.msk $0xffff, v4  }
0x5e4: {  	s29 =	sadd.s32 $0x100, s29;
	s11 =	sadd.s32 s7, s12;
	s3 =	sadd.s32 s26, s25;
	[tilespmem:s15+$0x12200] =	vst.add.f32.msk $0xffff, v3  }
0x5e5: {  	s2 =	sadd.s32 $0x20, s2;
	s18 =	sadd.s32 s7, s17;
	s30 =	sadd.s32 s26, s11;
	[tilespmem:s3+$0x0] =	vst.add.f32.msk $0xffff, v3;
	v4 =	vmov v5  }
0x5e6: {  	s16 =	sadd.s32 $0x1, s16  }
0x5e7: {  	[tilespmem:s30+$0x0] =	vst.add.f32.msk $0xffff, v3;
	p0 =	sne.s32 s16, $0x8  }
.Ltmp31:
0x5e8: {  	s2 =	sadd.s32 s26, s18;
	[tilespmem:s31+$0x12200] =	vst.add.f32.msk $0xffff, v4;
	(pc) =	sbr.rel @p0 .LBB2_62-.Ltmp31, $4  }
0x5e9: {  	s30 =	sadd.s32 s20, s25;
	[tilespmem:s2+$0x0] =	vst.add.f32.msk $0xffff, v3  }
0x5ea: {  	s3 =	sadd.s32 s20, s11;
	[tilespmem:s30+$0x0] =	vst.add.f32.msk $0xffff, v4  }
0x5eb: {  	s31 =	sadd.s32 s20, s18;
	[tilespmem:s3+$0x0] =	vst.add.f32.msk $0xffff, v4  }
0x5ec: {  	[tilespmem:s31+$0x0] =	vst.add.f32.msk $0xffff, v4  }
0x5ed: {  	s2 =	sld [smem:$0x7CB];
	_ =	sdelay $0x1  }
0x5ee: {  	s7 =	simm.s32 $0x12200;
	s26 =	sld [smem:$0x7FB]  }
0x5ef: {  	[hbm4b:s2+s1] =	stream.linear.scatter [tilespmem:s7], [sflag:$0xC], $0x1800, $0x38;
	[tilespmem:$0x1E200] =	vst v63  }
0x5f0: {  	s11 =	simm.s32 $0x13A00;
	s29 =	sld [smem:$0x7FC]  }
0x5f1: {  	[hbm4b:s26+s1] =	stream.linear.scatter [tilespmem:s11], [sflag:$0xC], $0x1800, $0x38;
	[tilespmem:$0x1E200] =	vst v63  }
0x5f2: {  	s12 =	simm.s32 $0x15200;
	s30 =	sld [smem:$0x7FD]  }
0x5f3: {  	[hbm4b:s29+s1] =	stream.linear.scatter [tilespmem:s12], [sflag:$0xC], $0x1800, $0x38;
	[tilespmem:$0x1E200] =	vst v63  }
0x5f4: {  	s13 =	simm.s32 $0x16A00  }
0x5f5: {  	[hbm4b:s30+s1] =	stream.linear.scatter [tilespmem:s13], [sflag:$0xC], $0x1800, $0x38;
	[tilespmem:$0x1E200] =	vst v63  }
0x5f6: {  	_ =	swait.ge [sflag:s0], $0x1800  }
0x5f7: {  	[sflag:s0] =	ssyncset.done $0x0  }
0x5f8: {  	[sflag:s0] =	ssyncadd.s32 $0xFFFFE800  }
0x5f9: {  	_ =	swait.ge [sflag:s0], $0x1800  }
0x5fa: {  	[sflag:s0] =	ssyncset.done $0x0  }
0x5fb: {  	[sflag:s0] =	ssyncadd.s32 $0xFFFFE800  }
0x5fc: {  	_ =	swait.ge [sflag:s0], $0x1800  }
0x5fd: {  	[sflag:s0] =	ssyncset.done $0x0  }
0x5fe: {  	[sflag:s0] =	ssyncadd.s32 $0xFFFFE800  }
0x5ff: {  	_ =	swait.ge [sflag:s0], $0x1800  }
0x600: {  	[sflag:s0] =	ssyncset.done $0x0  }
0x601: {  	[sflag:s0] =	ssyncadd.s32 $0xFFFFE800  }
0x602: {  	_ =	swait.ge [sflag:s14], $0x1800  }
0x603: {  	[sflag:s14] =	ssyncset.done $0x0  }
0x604: {  	[sflag:s14] =	ssyncadd.s32 $0xFFFFE800  }
0x605: {  	_ =	swait.ge [sflag:s14], $0x1800  }
0x606: {  	[sflag:s14] =	ssyncset.done $0x0  }
0x607: {  	[sflag:s14] =	ssyncadd.s32 $0xFFFFE800  }
0x608: {  	_ =	swait.ge [sflag:s14], $0x1800  }
0x609: {  	[sflag:s14] =	ssyncset.done $0x0  }
0x60a: {  	[sflag:s14] =	ssyncadd.s32 $0xFFFFE800  }
0x60b: {  	_ =	swait.ge [sflag:s14], $0x1800  }
0x60c: {  	[sflag:s14] =	ssyncset.done $0x0  }
0x60d: {  	[sflag:s14] =	ssyncadd.s32 $0xFFFFE800  }
0x60e: {  	_ =	swait.ge [sflag:s22], $0x1800  }
0x60f: {  	[sflag:s22] =	ssyncset.done $0x0  }
0x610: {  	[sflag:s22] =	ssyncadd.s32 $0xFFFFE800  }
0x611: {  	_ =	swait.ge [sflag:s22], $0x1800  }
0x612: {  	[sflag:s22] =	ssyncset.done $0x0  }
0x613: {  	[sflag:s22] =	ssyncadd.s32 $0xFFFFE800  }
0x614: {  	_ =	swait.ge [sflag:s22], $0x1800  }
0x615: {  	[sflag:s22] =	ssyncset.done $0x0  }
0x616: {  	[sflag:s22] =	ssyncadd.s32 $0xFFFFE800  }
0x617: {  	_ =	swait.ge [sflag:s22], $0x1800  }
0x618: {  	[sflag:s22] =	ssyncset.done $0x0  }
0x619: {  	[sflag:s22] =	ssyncadd.s32 $0xFFFFE800  }
0x61a: {  	_ =	swait.ge [sflag:s4], $0x1800  }
0x61b: {  	[sflag:s4] =	ssyncset.done $0x0  }
0x61c: {  	[sflag:s4] =	ssyncadd.s32 $0xFFFFE800  }
0x61d: {  	_ =	swait.ge [sflag:s4], $0x1800  }
0x61e: {  	[sflag:s4] =	ssyncset.done $0x0  }
0x61f: {  	[sflag:s4] =	ssyncadd.s32 $0xFFFFE800  }
0x620: {  	_ =	swait.ge [sflag:s4], $0x1800  }
0x621: {  	[sflag:s4] =	ssyncset.done $0x0  }
0x622: {  	[sflag:s4] =	ssyncadd.s32 $0xFFFFE800  }
0x623: {  	_ =	swait.ge [sflag:s4], $0x1800  }
0x624: {  	s3 =	sld [smem:$0x7C6]  }
0x625: {  	s31 =	sld [smem:$0x7CD];
	_ =	sdelay $0x1  }
0x626: {  	s3 =	sadd.s32 $0x1, s3  }
0x627: {  	p0 =	sne.s32 s3, s31  }
.Ltmp32:
0x628: {  	_ = 	snop;
	(pc) =	sbr.rel @p0 .LBB2_1-.Ltmp32, $3  }
0x629: {  	_ =	sdelay $0x1  }
0x62a: {  	[sflag:s4] =	ssyncset.done $0x0  }
0x62b: {  	[sflag:s4] =	ssyncadd.s32 $0xFFFFE800  }
0x62c: {  	_ =	sfence.sel $0x180000  }
0x62d: {  	[bflag:$0x0] =	sbarrier.arrive $0xFFFF  }
0x62e: {  	_ =	strace $0x90000047  }
0x62f: {  	s0 =	stileid.u32;
	[bflag:$0x2] =	sbarrier.arrive $0xFFFF  }
0x630: {  	p0 =	sne.s32 s0, $0x0;
	s0 =	rddreg [dreg:$0x4]  }
0x631: {  	s0 =	sadd.s32 @!p0 $0x100000, s0  }
0x632: {  	[sflag:s0] =	ssyncadd.tile.s32 @!p0 $0x1;
	_ =	shalt  }
.Lfunc_end2:
_tile_overlayer_lowered:
.L_overlay_start_2:
0x633: {  	(tag) =	ssettag $0x2  }
0x634: {  	s0 =	rddreg [dreg:$0x0];
	s2 =	stileid.u32  }
0x635: {  	s1 =	rddreg [dreg:$0x1];
	p0 =	sne.s32 s2, $0x0  }
0x636: {  	s3 =	rddreg [dreg:$0x2];
	[bflag:$0x3] =	sbarrier.arrive $0xFFFF;
	s2 =	simm.s32 @!p0 $0x1C0D  }
0x637: {  	[timem:s3], [sflag:s2] =	dma.local @!p0 [hbm:s0], s1  }
0x638: {  	s0 =	simm.s32 @!p0 $0xD  }
0x639: {  	_ =	swait.ge @!p0 [sflag:s0], s1  }
0x63a: {  	s1 =	ssub.s32 @!p0 $0x0, s1;
	[sflag:s0] =	ssyncset.done @!p0 $0x0  }
0x63b: {  	[sflag:s0] =	ssyncadd.s32 @!p0 s1  }
0x63c: {  	[bflag:$0x3] =	sbarrier.arrive $0xFFFF  }
0x63d: {  	_ =	shalt  }

</sc_bundles>
